<compile_context>
chip_gen: v7x
topology: tpu7x:2x2x1
jax: 0.10.2.dev20260603
libtpu: 0.0.44.dev20260713+nightly
codegen_flags: <defaults>
</compile_context>

<pallas_src>
import functools

import jax
import jax.numpy as jnp
from jax import lax
from jax.experimental import pallas as pl
from jax.experimental.pallas import tpu as pltpu
from jax.experimental.pallas import tpu_sc as plsc

_N = 10000
_E = 320000
_D = 128
_C = 128
_G = 2
_NSUB = 16
_NCHUNKS = _E // _C
_GPT = _NCHUNKS // _G // _NSUB
_NTAIL = _NCHUNKS - _NSUB * _GPT * _G
_RPT = (_N // _NSUB) & ~7
_TAIL = _N - _NSUB * _RPT
_GC = _G * _C


def _sc_body(v_x, v_ui, v_di, v_ua, v_da,
             e_x, e_ui, e_di, e_ua, e_da,
             t_x, t_ui, t_di, t_ua, t_da,
             zeros_hbm,
             o_v, o_e, o_t,
             acc, idxb, big, attrb,
             sem_is, sem_g, sem_a, sem_s1, sem_s2):
    cid = lax.axis_index("c")
    sid = lax.axis_index("s")
    row0 = sid * _RPT

    def run_dir(x_hbm, idx_hbm, attr_hbm):
        def body(p, carry):
            e0 = (sid + _NSUB * p) * _GC
            a0 = pltpu.async_copy(attr_hbm.at[pl.ds(e0, _C)], attrb, sem_a)
            ci = pltpu.async_copy(idx_hbm.at[:, pl.ds(e0, _GC)],
                                  idxb, sem_is)
            ci.wait()
            gs = [pltpu.async_copy(x_hbm.at[idxb.at[0, pl.ds(b * _C, _C)]],
                                   big.at[pl.ds(b * _C, _C)], sem_g)
                  for b in range(_G)]
            gs[0].wait()
            s10 = pltpu.async_copy(big.at[pl.ds(0, _C)],
                                   acc.at[idxb.at[1, pl.ds(0, _C)]],
                                   sem_s1, add=True)
            a0.wait()
            s20 = pltpu.async_copy(attrb, acc.at[idxb.at[1, pl.ds(0, _C)]],
                                   sem_s2, add=True)
            gs[1].wait()
            s11 = pltpu.async_copy(big.at[pl.ds(_C, _C)],
                                   acc.at[idxb.at[1, pl.ds(_C, _C)]],
                                   sem_s1, add=True)
            s10.wait()
            a1 = pltpu.async_copy(attr_hbm.at[pl.ds(e0 + _C, _C)],
                                  big.at[pl.ds(0, _C)], sem_a)
            a1.wait()
            s21 = pltpu.async_copy(big.at[pl.ds(0, _C)],
                                   acc.at[idxb.at[1, pl.ds(_C, _C)]],
                                   sem_s2, add=True)
            s11.wait()
            s20.wait()
            s21.wait()
            return carry

        lax.fori_loop(0, _GPT, body, 0)

        @pl.when(sid < _NTAIL)
        def _():
            e0 = (_NSUB * _GPT * _G + sid) * _C
            pltpu.sync_copy(idx_hbm.at[:, pl.ds(e0, _C)],
                            idxb.at[:, pl.ds(0, _C)])
            pltpu.async_copy(x_hbm.at[idxb.at[0, pl.ds(0, _C)]],
                             big.at[pl.ds(0, _C)], sem_g).wait()
            pltpu.sync_copy(big.at[pl.ds(0, _C)],
                            acc.at[idxb.at[1, pl.ds(0, _C)]], add=True)
            pltpu.sync_copy(attr_hbm.at[pl.ds(e0, _C)], attrb)
            pltpu.sync_copy(attrb,
                            acc.at[idxb.at[1, pl.ds(0, _C)]], add=True)

    def level(x_hbm, ui, di, ua, da, out_hbm):
        pltpu.sync_copy(zeros_hbm.at[pl.ds(row0, _RPT)],
                        acc.at[pl.ds(row0, _RPT)])

        @pl.when(sid == _NSUB - 1)
        def _():
            pltpu.sync_copy(zeros_hbm.at[pl.ds(_NSUB * _RPT, _TAIL)],
                            acc.at[pl.ds(_NSUB * _RPT, _TAIL)])

        plsc.subcore_barrier()

        @pl.when(cid == 0)
        def _():
            run_dir(x_hbm, ui, ua)

        @pl.when(cid == 1)
        def _():
            run_dir(x_hbm, di, da)

        plsc.subcore_barrier()
        pltpu.sync_copy(acc.at[pl.ds(row0, _RPT)],
                        out_hbm.at[cid, pl.ds(row0, _RPT)])

        @pl.when(sid == _NSUB - 1)
        def _():
            pltpu.sync_copy(acc.at[pl.ds(_NSUB * _RPT, _TAIL)],
                            out_hbm.at[cid, pl.ds(_NSUB * _RPT, _TAIL)])

        plsc.subcore_barrier()

    level(v_x, v_ui, v_di, v_ua, v_da, o_v)
    level(e_x, e_ui, e_di, e_ua, e_da, o_e)
    level(t_x, t_ui, t_di, t_ua, t_da, o_t)


_sc_mp = functools.partial(
    pl.kernel,
    out_type=[jax.ShapeDtypeStruct((2, _N, _D), jnp.float32)] * 3,
    mesh=plsc.VectorSubcoreMesh(core_axis_name="c", subcore_axis_name="s"),
    scratch_types=[
        pltpu.VMEM_SHARED((_N, _D), jnp.float32),
        pltpu.VMEM((2, _GC), jnp.int32),
        pltpu.VMEM((_GC, _D), jnp.float32),
        pltpu.VMEM((_C, _D), jnp.float32),
    ] + [pltpu.SemaphoreType.DMA] * 5,
)(_sc_body)


def _combine_body(pv, pe, pt, ov, oe, ot):
    ov[...] = pv[0] + pv[1]
    oe[...] = pe[0] + pe[1]
    ot[...] = pt[0] + pt[1]


def _combine(pv, pe, pt):
    b = 1000
    return pl.pallas_call(
        _combine_body,
        grid=(_N // b,),
        in_specs=[pl.BlockSpec((2, b, _D), lambda i: (0, i, 0))] * 3,
        out_specs=[pl.BlockSpec((b, _D), lambda i: (i, 0))] * 3,
        out_shape=[jax.ShapeDtypeStruct((_N, _D), jnp.float32)] * 3,
    )(pv, pe, pt)


def kernel(v_x, v_up_index, v_down_index, v_up_attr, v_down_attr,
           e_x, e_up_index, e_down_index, e_up_attr, e_down_attr,
           t_x, t_up_index, t_down_index, t_up_attr, t_down_attr):
    zeros = jnp.zeros((_N, _D), jnp.float32)
    pv, pe, pt = _sc_mp(
        v_x, v_up_index, v_down_index, v_up_attr, v_down_attr,
        e_x, e_up_index, e_down_index, e_up_attr, e_down_attr,
        t_x, t_up_index, t_down_index, t_up_attr, t_down_attr,
        zeros)
    return _combine(pv, pe, pt)

# --- scband reference (transcript-rebuilt; emitter-appended) ---
"""Pipeline reference for scband-dummy-simplicial-message-passing-30176440222418 (READ-ONLY COPY).

The authoritative reference and input builder live on the scoring server;
editing this copy changes nothing except your own understanding.
"""

import jax, jax.numpy as jnp
import numpy as np

N = 10000
E = 320000
D = 128

def setup_inputs(seed: int = 0) -> dict:
    key = jax.random.key(seed)
    ks = jax.random.split(key, 15)
    inp = {}
    for li, lv in enumerate(["v", "e", "t"]):
        b = li * 5
        inp[lv + "_x"] = jax.random.normal(ks[b], (N, D), dtype=jnp.float32)
        inp[lv + "_up_index"] = jax.random.randint(ks[b + 1], (2, E), 0, N, dtype=jnp.int32)
        inp[lv + "_down_index"] = jax.random.randint(ks[b + 2], (2, E), 0, N, dtype=jnp.int32)
        inp[lv + "_up_attr"] = jax.random.normal(ks[b + 3], (E, D), dtype=jnp.float32)
        inp[lv + "_down_attr"] = jax.random.normal(ks[b + 4], (E, D), dtype=jnp.float32)
    return inp

def _chain_mp(x, up_index, down_index, up_attr, down_attr):
    # DummyChainMessagePassing: message_up = up_x_j + up_attr, message_down = down_x_j + down_attr,
    # sum-aggregated onto the target cell (PyG convention: index[0]=src j, index[1]=dst i),
    # parameter-free update: up_out + down_out.
    n = x.shape[0]
    up_msg = jnp.take(x, up_index[0], axis=0) + up_attr
    up_out = jax.ops.segment_sum(up_msg, up_index[1], num_segments=n)
    down_msg = jnp.take(x, down_index[0], axis=0) + down_attr
    down_out = jax.ops.segment_sum(down_msg, down_index[1], num_segments=n)
    return up_out + down_out

def reference(v_x, v_up_index, v_down_index, v_up_attr, v_down_attr,
              e_x, e_up_index, e_down_index, e_up_attr, e_down_attr,
              t_x, t_up_index, t_down_index, t_up_attr, t_down_attr):
    x_out = _chain_mp(v_x, v_up_index, v_down_index, v_up_attr, v_down_attr)
    e_out = _chain_mp(e_x, e_up_index, e_down_index, e_up_attr, e_down_attr)
    t_out = _chain_mp(t_x, t_up_index, t_down_index, t_up_attr, t_down_attr)
    return (x_out, e_out, t_out)

if __name__ == "__main__":
    import jax
    _d = setup_inputs()
    print(jax.jit(kernel)(*tuple(_d.values())))

</pallas_src>

<mosaic_0001>
#map = affine_map<(d0, d1) -> (0, 0)>
#map1 = affine_map<(d0, d1) -> (0, 0, 0)>
module attributes {stable_mosaic.version = 14 : i64} {
  func.func @_sc_body(%arg0: i32, %arg1: i32, %arg2: memref<10000x128xf32, #tpu.memory_space<hbm>>, %arg3: memref<2x320000xi32, #tpu.memory_space<hbm>>, %arg4: memref<2x320000xi32, #tpu.memory_space<hbm>>, %arg5: memref<320000x128xf32, #tpu.memory_space<hbm>>, %arg6: memref<320000x128xf32, #tpu.memory_space<hbm>>, %arg7: memref<10000x128xf32, #tpu.memory_space<hbm>>, %arg8: memref<2x320000xi32, #tpu.memory_space<hbm>>, %arg9: memref<2x320000xi32, #tpu.memory_space<hbm>>, %arg10: memref<320000x128xf32, #tpu.memory_space<hbm>>, %arg11: memref<320000x128xf32, #tpu.memory_space<hbm>>, %arg12: memref<10000x128xf32, #tpu.memory_space<hbm>>, %arg13: memref<2x320000xi32, #tpu.memory_space<hbm>>, %arg14: memref<2x320000xi32, #tpu.memory_space<hbm>>, %arg15: memref<320000x128xf32, #tpu.memory_space<hbm>>, %arg16: memref<320000x128xf32, #tpu.memory_space<hbm>>, %arg17: memref<10000x128xf32, #tpu.memory_space<hbm>>, %arg18: memref<2x10000x128xf32, #tpu.memory_space<hbm>>, %arg19: memref<2x10000x128xf32, #tpu.memory_space<hbm>>, %arg20: memref<2x10000x128xf32, #tpu.memory_space<hbm>>, %arg21: memref<10000x128xf32, #tpu.memory_space<vmem_shared>>, %arg22: memref<2x256xi32, #tpu.memory_space<vmem>>, %arg23: memref<256x128xf32, #tpu.memory_space<vmem>>, %arg24: memref<128x128xf32, #tpu.memory_space<vmem>>, %arg25: memref<!tpu.dma_semaphore, #tpu.memory_space<semaphore_mem>>, %arg26: memref<!tpu.dma_semaphore, #tpu.memory_space<semaphore_mem>>, %arg27: memref<!tpu.dma_semaphore, #tpu.memory_space<semaphore_mem>>, %arg28: memref<!tpu.dma_semaphore, #tpu.memory_space<semaphore_mem>>, %arg29: memref<!tpu.dma_semaphore, #tpu.memory_space<semaphore_mem>>) attributes {dimension_semantics = [#tpu.dimension_semantics<core_parallel>, #tpu.dimension_semantics<subcore_parallel>], iteration_bounds = array<i64: 2, 16>, scalar_prefetch = 0 : i64, scratch_operands = 9 : i64, tpu.core_type = #tpu.core_type<sc_vector_subcore>, window_params = [{transform_indices = #map}, {transform_indices = #map}, {transform_indices = #map}, {transform_indices = #map}, {transform_indices = #map}, {transform_indices = #map}, {transform_indices = #map}, {transform_indices = #map}, {transform_indices = #map}, {transform_indices = #map}, {transform_indices = #map}, {transform_indices = #map}, {transform_indices = #map}, {transform_indices = #map}, {transform_indices = #map}, {transform_indices = #map}, {transform_indices = #map1}, {transform_indices = #map1}, {transform_indices = #map1}]} {
    %mul3A = arith.constant 624 : i32
    %mul3A_0 = arith.muli %arg1, %mul3A : i32
    "tpu.region"() ({
      %run_scoped3A = tpu.sem_alloc : memref<!tpu.dma_semaphore, #tpu.memory_space<semaphore_mem>>
      %dma_start3A = arith.constant 0 : i32
      %dma_start3A_66 = tpu.memref_slice %arg21[%mul3A_0, %dma_start3A] : memref<10000x128xf32, #tpu.memory_space<vmem_shared>> -> memref<624x128xf32, #tpu.memory_space<vmem_shared>>
      %dma_start3A_67 = arith.constant 0 : i32
      %dma_start3A_68 = tpu.memref_slice %arg17[%mul3A_0, %dma_start3A_67] : memref<10000x128xf32, #tpu.memory_space<hbm>> -> memref<624x128xf32, #tpu.memory_space<hbm>>
      tpu.enqueue_dma source(%dma_start3A_68 : memref<624x128xf32, #tpu.memory_space<hbm>>) target(%dma_start3A_66 : memref<624x128xf32, #tpu.memory_space<vmem_shared>>) target_semaphore(%run_scoped3A : memref<!tpu.dma_semaphore, #tpu.memory_space<semaphore_mem>>)
      %dma_wait3A = arith.constant 0 : i32
      %dma_wait3A_69 = tpu.memref_slice %arg21[%mul3A_0, %dma_wait3A] : memref<10000x128xf32, #tpu.memory_space<vmem_shared>> -> memref<624x128xf32, #tpu.memory_space<vmem_shared>>
      %dma_wait3A_70 = arith.constant 0 : i32
      %dma_wait3A_71 = tpu.memref_slice %arg17[%mul3A_0, %dma_wait3A_70] : memref<10000x128xf32, #tpu.memory_space<hbm>> -> memref<624x128xf32, #tpu.memory_space<hbm>>
      tpu.wait_dma2 semaphore(%run_scoped3A : memref<!tpu.dma_semaphore, #tpu.memory_space<semaphore_mem>>) src(%dma_wait3A_71 : memref<624x128xf32, #tpu.memory_space<hbm>>) dst(%dma_wait3A_69 : memref<624x128xf32, #tpu.memory_space<vmem_shared>>)
      tpu.yield
    }) : () -> ()
    %eq3A = arith.constant 15 : i32
    %eq3A_1 = arith.cmpi eq, %arg1, %eq3A : i32
    %convert_element_type3A = arith.extui %eq3A_1 : i1 to i32
    %cond3A = arith.constant 0 : i32
    %cond3A_2 = arith.cmpi ne, %convert_element_type3A, %cond3A : i32
    scf.if %cond3A_2 {
      "tpu.region"() ({
        %run_scoped3A = tpu.sem_alloc : memref<!tpu.dma_semaphore, #tpu.memory_space<semaphore_mem>>
        %dma_start3A = arith.constant 9984 : i32
        %dma_start3A_66 = arith.constant 0 : i32
        %dma_start3A_67 = tpu.memref_slice %arg21[%dma_start3A, %dma_start3A_66] : memref<10000x128xf32, #tpu.memory_space<vmem_shared>> -> memref<16x128xf32, #tpu.memory_space<vmem_shared>>
        %dma_start3A_68 = arith.constant 9984 : i32
        %dma_start3A_69 = arith.constant 0 : i32
        %dma_start3A_70 = tpu.memref_slice %arg17[%dma_start3A_68, %dma_start3A_69] : memref<10000x128xf32, #tpu.memory_space<hbm>> -> memref<16x128xf32, #tpu.memory_space<hbm>>
        tpu.enqueue_dma source(%dma_start3A_70 : memref<16x128xf32, #tpu.memory_space<hbm>>) target(%dma_start3A_67 : memref<16x128xf32, #tpu.memory_space<vmem_shared>>) target_semaphore(%run_scoped3A : memref<!tpu.dma_semaphore, #tpu.memory_space<semaphore_mem>>)
        %dma_wait3A = arith.constant 9984 : i32
        %dma_wait3A_71 = arith.constant 0 : i32
        %dma_wait3A_72 = tpu.memref_slice %arg21[%dma_wait3A, %dma_wait3A_71] : memref<10000x128xf32, #tpu.memory_space<vmem_shared>> -> memref<16x128xf32, #tpu.memory_space<vmem_shared>>
        %dma_wait3A_73 = arith.constant 9984 : i32
        %dma_wait3A_74 = arith.constant 0 : i32
        %dma_wait3A_75 = tpu.memref_slice %arg17[%dma_wait3A_73, %dma_wait3A_74] : memref<10000x128xf32, #tpu.memory_space<hbm>> -> memref<16x128xf32, #tpu.memory_space<hbm>>
        tpu.wait_dma2 semaphore(%run_scoped3A : memref<!tpu.dma_semaphore, #tpu.memory_space<semaphore_mem>>) src(%dma_wait3A_75 : memref<16x128xf32, #tpu.memory_space<hbm>>) dst(%dma_wait3A_72 : memref<16x128xf32, #tpu.memory_space<vmem_shared>>)
        tpu.yield
      }) : () -> ()
    } else {
    }
    %barrier3A = arith.constant 0 : index
    tpu.barrier barrier_id(%barrier3A)
    %eq3A_3 = arith.constant 0 : i32
    %eq3A_4 = arith.cmpi eq, %arg0, %eq3A_3 : i32
    %convert_element_type3A_5 = arith.extui %eq3A_4 : i1 to i32
    %cond3A_6 = arith.constant 0 : i32
    %cond3A_7 = arith.cmpi ne, %convert_element_type3A_5, %cond3A_6 : i32
    scf.if %cond3A_7 {
      %scan3A = arith.constant 0 : i32
      %scan3A_66 = arith.constant 0 : i32
      %scan3A_67 = arith.constant 78 : i32
      %scan3A_68 = arith.addi %scan3A_66, %scan3A_67 : i32
      %scan3A_69 = arith.constant 1 : i32
      scf.for %scan3A_75 = %scan3A_66 to %scan3A_68 step %scan3A_69  : i32 {
        %mul3A_76 = arith.constant 16 : i32
        %mul3A_77 = arith.muli %mul3A_76, %scan3A_75 : i32
        %add3A = arith.addi %arg1, %mul3A_77 : i32
        %mul3A_78 = arith.constant 256 : i32
        %mul3A_79 = arith.muli %add3A, %mul3A_78 : i32
        %dma_start3A = arith.constant 0 : i32
        %dma_start3A_80 = tpu.memref_slice %arg5[%mul3A_79, %dma_start3A] : memref<320000x128xf32, #tpu.memory_space<hbm>> -> memref<128x128xf32, #tpu.memory_space<hbm>>
        %dma_start3A_81 = arith.constant 0 : i32
        %dma_start3A_82 = tpu.memref_slice %arg5[%mul3A_79, %dma_start3A_81] : memref<320000x128xf32, #tpu.memory_space<hbm>> -> memref<128x128xf32, #tpu.memory_space<hbm>>
        tpu.enqueue_dma source(%dma_start3A_82 : memref<128x128xf32, #tpu.memory_space<hbm>>) target(%arg24 : memref<128x128xf32, #tpu.memory_space<vmem>>) target_semaphore(%arg27 : memref<!tpu.dma_semaphore, #tpu.memory_space<semaphore_mem>>)
        %dma_start3A_83 = arith.constant 0 : i32
        %dma_start3A_84 = tpu.memref_slice %arg3[%dma_start3A_83, %mul3A_79] : memref<2x320000xi32, #tpu.memory_space<hbm>> -> memref<2x256xi32, #tpu.memory_space<hbm>>
        %dma_start3A_85 = arith.constant 0 : i32
        %dma_start3A_86 = tpu.memref_slice %arg3[%dma_start3A_85, %mul3A_79] : memref<2x320000xi32, #tpu.memory_space<hbm>> -> memref<2x256xi32, #tpu.memory_space<hbm>>
        tpu.enqueue_dma source(%dma_start3A_86 : memref<2x256xi32, #tpu.memory_space<hbm>>) target(%arg22 : memref<2x256xi32, #tpu.memory_space<vmem>>) target_semaphore(%arg25 : memref<!tpu.dma_semaphore, #tpu.memory_space<semaphore_mem>>)
        %dma_wait3A = arith.constant 0 : i32
        %dma_wait3A_87 = tpu.memref_slice %arg3[%dma_wait3A, %mul3A_79] : memref<2x320000xi32, #tpu.memory_space<hbm>> -> memref<2x256xi32, #tpu.memory_space<hbm>>
        %dma_wait3A_88 = arith.constant 0 : i32
        %dma_wait3A_89 = tpu.memref_slice %arg3[%dma_wait3A_88, %mul3A_79] : memref<2x320000xi32, #tpu.memory_space<hbm>> -> memref<2x256xi32, #tpu.memory_space<hbm>>
        tpu.wait_dma2 semaphore(%arg25 : memref<!tpu.dma_semaphore, #tpu.memory_space<semaphore_mem>>) src(%dma_wait3A_89 : memref<2x256xi32, #tpu.memory_space<hbm>>) dst(%arg22 : memref<2x256xi32, #tpu.memory_space<vmem>>)
        %dma_start3A_90 = arith.constant 0 : i32
        %dma_start3A_91 = arith.constant 0 : i32
        %dma_start3A_92 = arith.constant 0 : i32
        %dma_start3A_93 = tpu.memref_slice %arg23[%dma_start3A_91, %dma_start3A_92] : memref<256x128xf32, #tpu.memory_space<vmem>> -> memref<128x128xf32, #tpu.memory_space<vmem>>
        %dma_start3A_94 = arith.constant 0 : i32
        %dma_start3A_95 = tpu.memref_slice %arg22[%dma_start3A_90, %dma_start3A_94] : memref<2x256xi32, #tpu.memory_space<vmem>> -> memref<1x128xi32, #tpu.memory_space<vmem>>
        %dma_start3A_96 = tpu.memref_squeeze %dma_start3A_95 : memref<1x128xi32, #tpu.memory_space<vmem>> -> memref<128xi32, #tpu.memory_space<vmem>>
        %dma_start3A_97 = arith.constant 0 : i32
        %dma_start3A_98 = arith.constant 0 : i32
        %dma_start3A_99 = tpu.memref_slice %arg2[%dma_start3A_97, %dma_start3A_98] : memref<10000x128xf32, #tpu.memory_space<hbm>> -> memref<10000x128xf32, #tpu.memory_space<hbm>>
        tpu.enqueue_indirect_dma source(%dma_start3A_99 : memref<10000x128xf32, #tpu.memory_space<hbm>>) target(%dma_start3A_93 : memref<128x128xf32, #tpu.memory_space<vmem>>) offsets(%dma_start3A_96 : memref<128xi32, #tpu.memory_space<vmem>>) semaphore(%arg26 : memref<!tpu.dma_semaphore, #tpu.memory_space<semaphore_mem>>)
        %dma_start3A_100 = arith.constant 0 : i32
        %dma_start3A_101 = arith.constant 128 : i32
        %dma_start3A_102 = arith.constant 0 : i32
        %dma_start3A_103 = tpu.memref_slice %arg23[%dma_start3A_101, %dma_start3A_102] : memref<256x128xf32, #tpu.memory_space<vmem>> -> memref<128x128xf32, #tpu.memory_space<vmem>>
        %dma_start3A_104 = arith.constant 128 : i32
        %dma_start3A_105 = tpu.memref_slice %arg22[%dma_start3A_100, %dma_start3A_104] : memref<2x256xi32, #tpu.memory_space<vmem>> -> memref<1x128xi32, #tpu.memory_space<vmem>>
        %dma_start3A_106 = tpu.memref_squeeze %dma_start3A_105 : memref<1x128xi32, #tpu.memory_space<vmem>> -> memref<128xi32, #tpu.memory_space<vmem>>
        %dma_start3A_107 = arith.constant 0 : i32
        %dma_start3A_108 = arith.constant 0 : i32
        %dma_start3A_109 = tpu.memref_slice %arg2[%dma_start3A_107, %dma_start3A_108] : memref<10000x128xf32, #tpu.memory_space<hbm>> -> memref<10000x128xf32, #tpu.memory_space<hbm>>
        tpu.enqueue_indirect_dma source(%dma_start3A_109 : memref<10000x128xf32, #tpu.memory_space<hbm>>) target(%dma_start3A_103 : memref<128x128xf32, #tpu.memory_space<vmem>>) offsets(%dma_start3A_106 : memref<128xi32, #tpu.memory_space<vmem>>) semaphore(%arg26 : memref<!tpu.dma_semaphore, #tpu.memory_space<semaphore_mem>>)
        %dma_wait3A_110 = arith.constant 0 : i32
        %dma_wait3A_111 = arith.constant 0 : i32
        %dma_wait3A_112 = arith.constant 0 : i32
        %dma_wait3A_113 = tpu.memref_slice %arg23[%dma_wait3A_111, %dma_wait3A_112] : memref<256x128xf32, #tpu.memory_space<vmem>> -> memref<128x128xf32, #tpu.memory_space<vmem>>
        %dma_wait3A_114 = arith.constant 0 : i32
        %dma_wait3A_115 = tpu.memref_slice %arg22[%dma_wait3A_110, %dma_wait3A_114] : memref<2x256xi32, #tpu.memory_space<vmem>> -> memref<1x128xi32, #tpu.memory_space<vmem>>
        %dma_wait3A_116 = tpu.memref_squeeze %dma_wait3A_115 : memref<1x128xi32, #tpu.memory_space<vmem>> -> memref<128xi32, #tpu.memory_space<vmem>>
        %dma_wait3A_117 = arith.constant 0 : i32
        %dma_wait3A_118 = arith.constant 0 : i32
        %dma_wait3A_119 = tpu.memref_slice %arg2[%dma_wait3A_117, %dma_wait3A_118] : memref<10000x128xf32, #tpu.memory_space<hbm>> -> memref<10000x128xf32, #tpu.memory_space<hbm>>
        tpu.wait_indirect_dma semaphore(%arg26 : memref<!tpu.dma_semaphore, #tpu.memory_space<semaphore_mem>>) src(%dma_wait3A_119 : memref<10000x128xf32, #tpu.memory_space<hbm>>) dst(%dma_wait3A_113 : memref<128x128xf32, #tpu.memory_space<vmem>>)
        %dma_start3A_120 = arith.constant 1 : i32
        %dma_start3A_121 = arith.constant 0 : i32
        %dma_start3A_122 = arith.constant 0 : i32
        %dma_start3A_123 = tpu.memref_slice %arg23[%dma_start3A_121, %dma_start3A_122] : memref<256x128xf32, #tpu.memory_space<vmem>> -> memref<128x128xf32, #tpu.memory_space<vmem>>
        %dma_start3A_124 = arith.constant 0 : i32
        %dma_start3A_125 = tpu.memref_slice %arg22[%dma_start3A_120, %dma_start3A_124] : memref<2x256xi32, #tpu.memory_space<vmem>> -> memref<1x128xi32, #tpu.memory_space<vmem>>
        %dma_start3A_126 = tpu.memref_squeeze %dma_start3A_125 : memref<1x128xi32, #tpu.memory_space<vmem>> -> memref<128xi32, #tpu.memory_space<vmem>>
        %dma_start3A_127 = arith.constant 0 : i32
        %dma_start3A_128 = arith.constant 0 : i32
        %dma_start3A_129 = tpu.memref_slice %arg21[%dma_start3A_127, %dma_start3A_128] : memref<10000x128xf32, #tpu.memory_space<vmem_shared>> -> memref<10000x128xf32, #tpu.memory_space<vmem_shared>>
        tpu.enqueue_indirect_dma source(%dma_start3A_123 : memref<128x128xf32, #tpu.memory_space<vmem>>) target(%dma_start3A_129 : memref<10000x128xf32, #tpu.memory_space<vmem_shared>>) offsets(%dma_start3A_126 : memref<128xi32, #tpu.memory_space<vmem>>) semaphore(%arg28 : memref<!tpu.dma_semaphore, #tpu.memory_space<semaphore_mem>>) {add = true}
        %dma_wait3A_130 = arith.constant 0 : i32
        %dma_wait3A_131 = tpu.memref_slice %arg5[%mul3A_79, %dma_wait3A_130] : memref<320000x128xf32, #tpu.memory_space<hbm>> -> memref<128x128xf32, #tpu.memory_space<hbm>>
        %dma_wait3A_132 = arith.constant 0 : i32
        %dma_wait3A_133 = tpu.memref_slice %arg5[%mul3A_79, %dma_wait3A_132] : memref<320000x128xf32, #tpu.memory_space<hbm>> -> memref<128x128xf32, #tpu.memory_space<hbm>>
        tpu.wait_dma2 semaphore(%arg27 : memref<!tpu.dma_semaphore, #tpu.memory_space<semaphore_mem>>) src(%dma_wait3A_133 : memref<128x128xf32, #tpu.memory_space<hbm>>) dst(%arg24 : memref<128x128xf32, #tpu.memory_space<vmem>>)
        %dma_start3A_134 = arith.constant 1 : i32
        %dma_start3A_135 = arith.constant 0 : i32
        %dma_start3A_136 = tpu.memref_slice %arg22[%dma_start3A_134, %dma_start3A_135] : memref<2x256xi32, #tpu.memory_space<vmem>> -> memref<1x128xi32, #tpu.memory_space<vmem>>
        %dma_start3A_137 = tpu.memref_squeeze %dma_start3A_136 : memref<1x128xi32, #tpu.memory_space<vmem>> -> memref<128xi32, #tpu.memory_space<vmem>>
        %dma_start3A_138 = arith.constant 0 : i32
        %dma_start3A_139 = arith.constant 0 : i32
        %dma_start3A_140 = tpu.memref_slice %arg21[%dma_start3A_138, %dma_start3A_139] : memref<10000x128xf32, #tpu.memory_space<vmem_shared>> -> memref<10000x128xf32, #tpu.memory_space<vmem_shared>>
        tpu.enqueue_indirect_dma source(%arg24 : memref<128x128xf32, #tpu.memory_space<vmem>>) target(%dma_start3A_140 : memref<10000x128xf32, #tpu.memory_space<vmem_shared>>) offsets(%dma_start3A_137 : memref<128xi32, #tpu.memory_space<vmem>>) semaphore(%arg29 : memref<!tpu.dma_semaphore, #tpu.memory_space<semaphore_mem>>) {add = true}
        %dma_wait3A_141 = arith.constant 0 : i32
        %dma_wait3A_142 = arith.constant 128 : i32
        %dma_wait3A_143 = arith.constant 0 : i32
        %dma_wait3A_144 = tpu.memref_slice %arg23[%dma_wait3A_142, %dma_wait3A_143] : memref<256x128xf32, #tpu.memory_space<vmem>> -> memref<128x128xf32, #tpu.memory_space<vmem>>
        %dma_wait3A_145 = arith.constant 128 : i32
        %dma_wait3A_146 = tpu.memref_slice %arg22[%dma_wait3A_141, %dma_wait3A_145] : memref<2x256xi32, #tpu.memory_space<vmem>> -> memref<1x128xi32, #tpu.memory_space<vmem>>
        %dma_wait3A_147 = tpu.memref_squeeze %dma_wait3A_146 : memref<1x128xi32, #tpu.memory_space<vmem>> -> memref<128xi32, #tpu.memory_space<vmem>>
        %dma_wait3A_148 = arith.constant 0 : i32
        %dma_wait3A_149 = arith.constant 0 : i32
        %dma_wait3A_150 = tpu.memref_slice %arg2[%dma_wait3A_148, %dma_wait3A_149] : memref<10000x128xf32, #tpu.memory_space<hbm>> -> memref<10000x128xf32, #tpu.memory_space<hbm>>
        tpu.wait_indirect_dma semaphore(%arg26 : memref<!tpu.dma_semaphore, #tpu.memory_space<semaphore_mem>>) src(%dma_wait3A_150 : memref<10000x128xf32, #tpu.memory_space<hbm>>) dst(%dma_wait3A_144 : memref<128x128xf32, #tpu.memory_space<vmem>>)
        %dma_start3A_151 = arith.constant 1 : i32
        %dma_start3A_152 = arith.constant 128 : i32
        %dma_start3A_153 = arith.constant 0 : i32
        %dma_start3A_154 = tpu.memref_slice %arg23[%dma_start3A_152, %dma_start3A_153] : memref<256x128xf32, #tpu.memory_space<vmem>> -> memref<128x128xf32, #tpu.memory_space<vmem>>
        %dma_start3A_155 = arith.constant 128 : i32
        %dma_start3A_156 = tpu.memref_slice %arg22[%dma_start3A_151, %dma_start3A_155] : memref<2x256xi32, #tpu.memory_space<vmem>> -> memref<1x128xi32, #tpu.memory_space<vmem>>
        %dma_start3A_157 = tpu.memref_squeeze %dma_start3A_156 : memref<1x128xi32, #tpu.memory_space<vmem>> -> memref<128xi32, #tpu.memory_space<vmem>>
        %dma_start3A_158 = arith.constant 0 : i32
        %dma_start3A_159 = arith.constant 0 : i32
        %dma_start3A_160 = tpu.memref_slice %arg21[%dma_start3A_158, %dma_start3A_159] : memref<10000x128xf32, #tpu.memory_space<vmem_shared>> -> memref<10000x128xf32, #tpu.memory_space<vmem_shared>>
        tpu.enqueue_indirect_dma source(%dma_start3A_154 : memref<128x128xf32, #tpu.memory_space<vmem>>) target(%dma_start3A_160 : memref<10000x128xf32, #tpu.memory_space<vmem_shared>>) offsets(%dma_start3A_157 : memref<128xi32, #tpu.memory_space<vmem>>) semaphore(%arg28 : memref<!tpu.dma_semaphore, #tpu.memory_space<semaphore_mem>>) {add = true}
        %dma_wait3A_161 = arith.constant 1 : i32
        %dma_wait3A_162 = arith.constant 0 : i32
        %dma_wait3A_163 = arith.constant 0 : i32
        %dma_wait3A_164 = tpu.memref_slice %arg23[%dma_wait3A_162, %dma_wait3A_163] : memref<256x128xf32, #tpu.memory_space<vmem>> -> memref<128x128xf32, #tpu.memory_space<vmem>>
        %dma_wait3A_165 = arith.constant 0 : i32
        %dma_wait3A_166 = tpu.memref_slice %arg22[%dma_wait3A_161, %dma_wait3A_165] : memref<2x256xi32, #tpu.memory_space<vmem>> -> memref<1x128xi32, #tpu.memory_space<vmem>>
        %dma_wait3A_167 = tpu.memref_squeeze %dma_wait3A_166 : memref<1x128xi32, #tpu.memory_space<vmem>> -> memref<128xi32, #tpu.memory_space<vmem>>
        %dma_wait3A_168 = arith.constant 0 : i32
        %dma_wait3A_169 = arith.constant 0 : i32
        %dma_wait3A_170 = tpu.memref_slice %arg21[%dma_wait3A_168, %dma_wait3A_169] : memref<10000x128xf32, #tpu.memory_space<vmem_shared>> -> memref<10000x128xf32, #tpu.memory_space<vmem_shared>>
        tpu.wait_indirect_dma semaphore(%arg28 : memref<!tpu.dma_semaphore, #tpu.memory_space<semaphore_mem>>) src(%dma_wait3A_164 : memref<128x128xf32, #tpu.memory_space<vmem>>) dst(%dma_wait3A_170 : memref<10000x128xf32, #tpu.memory_space<vmem_shared>>)
        %add3A_171 = arith.constant 128 : i32
        %add3A_172 = arith.addi %mul3A_79, %add3A_171 : i32
        %dma_start3A_173 = arith.constant 0 : i32
        %dma_start3A_174 = arith.constant 0 : i32
        %dma_start3A_175 = tpu.memref_slice %arg23[%dma_start3A_173, %dma_start3A_174] : memref<256x128xf32, #tpu.memory_space<vmem>> -> memref<128x128xf32, #tpu.memory_space<vmem>>
        %dma_start3A_176 = arith.constant 0 : i32
        %dma_start3A_177 = tpu.memref_slice %arg5[%add3A_172, %dma_start3A_176] : memref<320000x128xf32, #tpu.memory_space<hbm>> -> memref<128x128xf32, #tpu.memory_space<hbm>>
        %dma_start3A_178 = arith.constant 0 : i32
        %dma_start3A_179 = arith.constant 0 : i32
        %dma_start3A_180 = tpu.memref_slice %arg23[%dma_start3A_178, %dma_start3A_179] : memref<256x128xf32, #tpu.memory_space<vmem>> -> memref<128x128xf32, #tpu.memory_space<vmem>>
        %dma_start3A_181 = arith.constant 0 : i32
        %dma_start3A_182 = tpu.memref_slice %arg5[%add3A_172, %dma_start3A_181] : memref<320000x128xf32, #tpu.memory_space<hbm>> -> memref<128x128xf32, #tpu.memory_space<hbm>>
        tpu.enqueue_dma source(%dma_start3A_182 : memref<128x128xf32, #tpu.memory_space<hbm>>) target(%dma_start3A_180 : memref<128x128xf32, #tpu.memory_space<vmem>>) target_semaphore(%arg27 : memref<!tpu.dma_semaphore, #tpu.memory_space<semaphore_mem>>)
        %dma_wait3A_183 = arith.constant 0 : i32
        %dma_wait3A_184 = arith.constant 0 : i32
        %dma_wait3A_185 = tpu.memref_slice %arg23[%dma_wait3A_183, %dma_wait3A_184] : memref<256x128xf32, #tpu.memory_space<vmem>> -> memref<128x128xf32, #tpu.memory_space<vmem>>
        %dma_wait3A_186 = arith.constant 0 : i32
        %dma_wait3A_187 = tpu.memref_slice %arg5[%add3A_172, %dma_wait3A_186] : memref<320000x128xf32, #tpu.memory_space<hbm>> -> memref<128x128xf32, #tpu.memory_space<hbm>>
        %dma_wait3A_188 = arith.constant 0 : i32
        %dma_wait3A_189 = arith.constant 0 : i32
        %dma_wait3A_190 = tpu.memref_slice %arg23[%dma_wait3A_188, %dma_wait3A_189] : memref<256x128xf32, #tpu.memory_space<vmem>> -> memref<128x128xf32, #tpu.memory_space<vmem>>
        %dma_wait3A_191 = arith.constant 0 : i32
        %dma_wait3A_192 = tpu.memref_slice %arg5[%add3A_172, %dma_wait3A_191] : memref<320000x128xf32, #tpu.memory_space<hbm>> -> memref<128x128xf32, #tpu.memory_space<hbm>>
        tpu.wait_dma2 semaphore(%arg27 : memref<!tpu.dma_semaphore, #tpu.memory_space<semaphore_mem>>) src(%dma_wait3A_192 : memref<128x128xf32, #tpu.memory_space<hbm>>) dst(%dma_wait3A_190 : memref<128x128xf32, #tpu.memory_space<vmem>>)
        %dma_start3A_193 = arith.constant 1 : i32
        %dma_start3A_194 = arith.constant 0 : i32
        %dma_start3A_195 = arith.constant 0 : i32
        %dma_start3A_196 = tpu.memref_slice %arg23[%dma_start3A_194, %dma_start3A_195] : memref<256x128xf32, #tpu.memory_space<vmem>> -> memref<128x128xf32, #tpu.memory_space<vmem>>
        %dma_start3A_197 = arith.constant 128 : i32
        %dma_start3A_198 = tpu.memref_slice %arg22[%dma_start3A_193, %dma_start3A_197] : memref<2x256xi32, #tpu.memory_space<vmem>> -> memref<1x128xi32, #tpu.memory_space<vmem>>
        %dma_start3A_199 = tpu.memref_squeeze %dma_start3A_198 : memref<1x128xi32, #tpu.memory_space<vmem>> -> memref<128xi32, #tpu.memory_space<vmem>>
        %dma_start3A_200 = arith.constant 0 : i32
        %dma_start3A_201 = arith.constant 0 : i32
        %dma_start3A_202 = tpu.memref_slice %arg21[%dma_start3A_200, %dma_start3A_201] : memref<10000x128xf32, #tpu.memory_space<vmem_shared>> -> memref<10000x128xf32, #tpu.memory_space<vmem_shared>>
        tpu.enqueue_indirect_dma source(%dma_start3A_196 : memref<128x128xf32, #tpu.memory_space<vmem>>) target(%dma_start3A_202 : memref<10000x128xf32, #tpu.memory_space<vmem_shared>>) offsets(%dma_start3A_199 : memref<128xi32, #tpu.memory_space<vmem>>) semaphore(%arg29 : memref<!tpu.dma_semaphore, #tpu.memory_space<semaphore_mem>>) {add = true}
        %dma_wait3A_203 = arith.constant 1 : i32
        %dma_wait3A_204 = arith.constant 128 : i32
        %dma_wait3A_205 = arith.constant 0 : i32
        %dma_wait3A_206 = tpu.memref_slice %arg23[%dma_wait3A_204, %dma_wait3A_205] : memref<256x128xf32, #tpu.memory_space<vmem>> -> memref<128x128xf32, #tpu.memory_space<vmem>>
        %dma_wait3A_207 = arith.constant 128 : i32
        %dma_wait3A_208 = tpu.memref_slice %arg22[%dma_wait3A_203, %dma_wait3A_207] : memref<2x256xi32, #tpu.memory_space<vmem>> -> memref<1x128xi32, #tpu.memory_space<vmem>>
        %dma_wait3A_209 = tpu.memref_squeeze %dma_wait3A_208 : memref<1x128xi32, #tpu.memory_space<vmem>> -> memref<128xi32, #tpu.memory_space<vmem>>
        %dma_wait3A_210 = arith.constant 0 : i32
        %dma_wait3A_211 = arith.constant 0 : i32
        %dma_wait3A_212 = tpu.memref_slice %arg21[%dma_wait3A_210, %dma_wait3A_211] : memref<10000x128xf32, #tpu.memory_space<vmem_shared>> -> memref<10000x128xf32, #tpu.memory_space<vmem_shared>>
        tpu.wait_indirect_dma semaphore(%arg28 : memref<!tpu.dma_semaphore, #tpu.memory_space<semaphore_mem>>) src(%dma_wait3A_206 : memref<128x128xf32, #tpu.memory_space<vmem>>) dst(%dma_wait3A_212 : memref<10000x128xf32, #tpu.memory_space<vmem_shared>>)
        %dma_wait3A_213 = arith.constant 1 : i32
        %dma_wait3A_214 = arith.constant 0 : i32
        %dma_wait3A_215 = tpu.memref_slice %arg22[%dma_wait3A_213, %dma_wait3A_214] : memref<2x256xi32, #tpu.memory_space<vmem>> -> memref<1x128xi32, #tpu.memory_space<vmem>>
        %dma_wait3A_216 = tpu.memref_squeeze %dma_wait3A_215 : memref<1x128xi32, #tpu.memory_space<vmem>> -> memref<128xi32, #tpu.memory_space<vmem>>
        %dma_wait3A_217 = arith.constant 0 : i32
        %dma_wait3A_218 = arith.constant 0 : i32
        %dma_wait3A_219 = tpu.memref_slice %arg21[%dma_wait3A_217, %dma_wait3A_218] : memref<10000x128xf32, #tpu.memory_space<vmem_shared>> -> memref<10000x128xf32, #tpu.memory_space<vmem_shared>>
        tpu.wait_indirect_dma semaphore(%arg29 : memref<!tpu.dma_semaphore, #tpu.memory_space<semaphore_mem>>) src(%arg24 : memref<128x128xf32, #tpu.memory_space<vmem>>) dst(%dma_wait3A_219 : memref<10000x128xf32, #tpu.memory_space<vmem_shared>>)
        %dma_wait3A_220 = arith.constant 1 : i32
        %dma_wait3A_221 = arith.constant 0 : i32
        %dma_wait3A_222 = arith.constant 0 : i32
        %dma_wait3A_223 = tpu.memref_slice %arg23[%dma_wait3A_221, %dma_wait3A_222] : memref<256x128xf32, #tpu.memory_space<vmem>> -> memref<128x128xf32, #tpu.memory_space<vmem>>
        %dma_wait3A_224 = arith.constant 128 : i32
        %dma_wait3A_225 = tpu.memref_slice %arg22[%dma_wait3A_220, %dma_wait3A_224] : memref<2x256xi32, #tpu.memory_space<vmem>> -> memref<1x128xi32, #tpu.memory_space<vmem>>
        %dma_wait3A_226 = tpu.memref_squeeze %dma_wait3A_225 : memref<1x128xi32, #tpu.memory_space<vmem>> -> memref<128xi32, #tpu.memory_space<vmem>>
        %dma_wait3A_227 = arith.constant 0 : i32
        %dma_wait3A_228 = arith.constant 0 : i32
        %dma_wait3A_229 = tpu.memref_slice %arg21[%dma_wait3A_227, %dma_wait3A_228] : memref<10000x128xf32, #tpu.memory_space<vmem_shared>> -> memref<10000x128xf32, #tpu.memory_space<vmem_shared>>
        tpu.wait_indirect_dma semaphore(%arg29 : memref<!tpu.dma_semaphore, #tpu.memory_space<semaphore_mem>>) src(%dma_wait3A_223 : memref<128x128xf32, #tpu.memory_space<vmem>>) dst(%dma_wait3A_229 : memref<10000x128xf32, #tpu.memory_space<vmem_shared>>)
      }
      %scan3A_70 = arith.constant 78 : i32
      %lt3A = arith.constant 4 : i32
      %lt3A_71 = arith.cmpi slt, %arg1, %lt3A : i32
      %convert_element_type3A_72 = arith.extui %lt3A_71 : i1 to i32
      %cond3A_73 = arith.constant 0 : i32
      %cond3A_74 = arith.cmpi ne, %convert_element_type3A_72, %cond3A_73 : i32
      scf.if %cond3A_74 {
        %add3A = arith.constant 2496 : i32
        %add3A_75 = arith.addi %add3A, %arg1 : i32
        %mul3A_76 = arith.constant 128 : i32
        %mul3A_77 = arith.muli %add3A_75, %mul3A_76 : i32
        "tpu.region"() ({
          %run_scoped3A_97 = tpu.sem_alloc : memref<!tpu.dma_semaphore, #tpu.memory_space<semaphore_mem>>
          %dma_start3A_98 = arith.constant 0 : i32
          %dma_start3A_99 = arith.constant 0 : i32
          %dma_start3A_100 = tpu.memref_slice %arg22[%dma_start3A_98, %dma_start3A_99] : memref<2x256xi32, #tpu.memory_space<vmem>> -> memref<2x128xi32, #tpu.memory_space<vmem>>
          %dma_start3A_101 = arith.constant 0 : i32
          %dma_start3A_102 = tpu.memref_slice %arg3[%dma_start3A_101, %mul3A_77] : memref<2x320000xi32, #tpu.memory_space<hbm>> -> memref<2x128xi32, #tpu.memory_space<hbm>>
          %dma_start3A_103 = arith.constant 0 : i32
          %dma_start3A_104 = arith.constant 0 : i32
          %dma_start3A_105 = tpu.memref_slice %arg22[%dma_start3A_103, %dma_start3A_104] : memref<2x256xi32, #tpu.memory_space<vmem>> -> memref<2x128xi32, #tpu.memory_space<vmem>>
          %dma_start3A_106 = arith.constant 0 : i32
          %dma_start3A_107 = tpu.memref_slice %arg3[%dma_start3A_106, %mul3A_77] : memref<2x320000xi32, #tpu.memory_space<hbm>> -> memref<2x128xi32, #tpu.memory_space<hbm>>
          tpu.enqueue_dma source(%dma_start3A_107 : memref<2x128xi32, #tpu.memory_space<hbm>>) target(%dma_start3A_105 : memref<2x128xi32, #tpu.memory_space<vmem>>) target_semaphore(%run_scoped3A_97 : memref<!tpu.dma_semaphore, #tpu.memory_space<semaphore_mem>>)
          %dma_wait3A_108 = arith.constant 0 : i32
          %dma_wait3A_109 = arith.constant 0 : i32
          %dma_wait3A_110 = tpu.memref_slice %arg22[%dma_wait3A_108, %dma_wait3A_109] : memref<2x256xi32, #tpu.memory_space<vmem>> -> memref<2x128xi32, #tpu.memory_space<vmem>>
          %dma_wait3A_111 = arith.constant 0 : i32
          %dma_wait3A_112 = tpu.memref_slice %arg3[%dma_wait3A_111, %mul3A_77] : memref<2x320000xi32, #tpu.memory_space<hbm>> -> memref<2x128xi32, #tpu.memory_space<hbm>>
          %dma_wait3A_113 = arith.constant 0 : i32
          %dma_wait3A_114 = arith.constant 0 : i32
          %dma_wait3A_115 = tpu.memref_slice %arg22[%dma_wait3A_113, %dma_wait3A_114] : memref<2x256xi32, #tpu.memory_space<vmem>> -> memref<2x128xi32, #tpu.memory_space<vmem>>
          %dma_wait3A_116 = arith.constant 0 : i32
          %dma_wait3A_117 = tpu.memref_slice %arg3[%dma_wait3A_116, %mul3A_77] : memref<2x320000xi32, #tpu.memory_space<hbm>> -> memref<2x128xi32, #tpu.memory_space<hbm>>
          tpu.wait_dma2 semaphore(%run_scoped3A_97 : memref<!tpu.dma_semaphore, #tpu.memory_space<semaphore_mem>>) src(%dma_wait3A_117 : memref<2x128xi32, #tpu.memory_space<hbm>>) dst(%dma_wait3A_115 : memref<2x128xi32, #tpu.memory_space<vmem>>)
          tpu.yield
        }) : () -> ()
        %dma_start3A = arith.constant 0 : i32
        %dma_start3A_78 = arith.constant 0 : i32
        %dma_start3A_79 = arith.constant 0 : i32
        %dma_start3A_80 = tpu.memref_slice %arg23[%dma_start3A_78, %dma_start3A_79] : memref<256x128xf32, #tpu.memory_space<vmem>> -> memref<128x128xf32, #tpu.memory_space<vmem>>
        %dma_start3A_81 = arith.constant 0 : i32
        %dma_start3A_82 = tpu.memref_slice %arg22[%dma_start3A, %dma_start3A_81] : memref<2x256xi32, #tpu.memory_space<vmem>> -> memref<1x128xi32, #tpu.memory_space<vmem>>
        %dma_start3A_83 = tpu.memref_squeeze %dma_start3A_82 : memref<1x128xi32, #tpu.memory_space<vmem>> -> memref<128xi32, #tpu.memory_space<vmem>>
        %dma_start3A_84 = arith.constant 0 : i32
        %dma_start3A_85 = arith.constant 0 : i32
        %dma_start3A_86 = tpu.memref_slice %arg2[%dma_start3A_84, %dma_start3A_85] : memref<10000x128xf32, #tpu.memory_space<hbm>> -> memref<10000x128xf32, #tpu.memory_space<hbm>>
        tpu.enqueue_indirect_dma source(%dma_start3A_86 : memref<10000x128xf32, #tpu.memory_space<hbm>>) target(%dma_start3A_80 : memref<128x128xf32, #tpu.memory_space<vmem>>) offsets(%dma_start3A_83 : memref<128xi32, #tpu.memory_space<vmem>>) semaphore(%arg26 : memref<!tpu.dma_semaphore, #tpu.memory_space<semaphore_mem>>)
        %dma_wait3A = arith.constant 0 : i32
        %dma_wait3A_87 = arith.constant 0 : i32
        %dma_wait3A_88 = arith.constant 0 : i32
        %dma_wait3A_89 = tpu.memref_slice %arg23[%dma_wait3A_87, %dma_wait3A_88] : memref<256x128xf32, #tpu.memory_space<vmem>> -> memref<128x128xf32, #tpu.memory_space<vmem>>
        %dma_wait3A_90 = arith.constant 0 : i32
        %dma_wait3A_91 = tpu.memref_slice %arg22[%dma_wait3A, %dma_wait3A_90] : memref<2x256xi32, #tpu.memory_space<vmem>> -> memref<1x128xi32, #tpu.memory_space<vmem>>
        %dma_wait3A_92 = tpu.memref_squeeze %dma_wait3A_91 : memref<1x128xi32, #tpu.memory_space<vmem>> -> memref<128xi32, #tpu.memory_space<vmem>>
        %dma_wait3A_93 = arith.constant 0 : i32
        %dma_wait3A_94 = arith.constant 0 : i32
        %dma_wait3A_95 = tpu.memref_slice %arg2[%dma_wait3A_93, %dma_wait3A_94] : memref<10000x128xf32, #tpu.memory_space<hbm>> -> memref<10000x128xf32, #tpu.memory_space<hbm>>
        tpu.wait_indirect_dma semaphore(%arg26 : memref<!tpu.dma_semaphore, #tpu.memory_space<semaphore_mem>>) src(%dma_wait3A_95 : memref<10000x128xf32, #tpu.memory_space<hbm>>) dst(%dma_wait3A_89 : memref<128x128xf32, #tpu.memory_space<vmem>>)
        %run_scoped3A = arith.constant 1 : i32
        "tpu.region"() ({
          %run_scoped3A_97 = tpu.sem_alloc : memref<!tpu.dma_semaphore, #tpu.memory_space<semaphore_mem>>
          %dma_start3A_98 = arith.constant 0 : i32
          %dma_start3A_99 = arith.constant 0 : i32
          %dma_start3A_100 = tpu.memref_slice %arg23[%dma_start3A_98, %dma_start3A_99] : memref<256x128xf32, #tpu.memory_space<vmem>> -> memref<128x128xf32, #tpu.memory_space<vmem>>
          %dma_start3A_101 = arith.constant 0 : i32
          %dma_start3A_102 = tpu.memref_slice %arg22[%run_scoped3A, %dma_start3A_101] : memref<2x256xi32, #tpu.memory_space<vmem>> -> memref<1x128xi32, #tpu.memory_space<vmem>>
          %dma_start3A_103 = tpu.memref_squeeze %dma_start3A_102 : memref<1x128xi32, #tpu.memory_space<vmem>> -> memref<128xi32, #tpu.memory_space<vmem>>
          %dma_start3A_104 = arith.constant 0 : i32
          %dma_start3A_105 = arith.constant 0 : i32
          %dma_start3A_106 = tpu.memref_slice %arg21[%dma_start3A_104, %dma_start3A_105] : memref<10000x128xf32, #tpu.memory_space<vmem_shared>> -> memref<10000x128xf32, #tpu.memory_space<vmem_shared>>
          tpu.enqueue_indirect_dma source(%dma_start3A_100 : memref<128x128xf32, #tpu.memory_space<vmem>>) target(%dma_start3A_106 : memref<10000x128xf32, #tpu.memory_space<vmem_shared>>) offsets(%dma_start3A_103 : memref<128xi32, #tpu.memory_space<vmem>>) semaphore(%run_scoped3A_97 : memref<!tpu.dma_semaphore, #tpu.memory_space<semaphore_mem>>) {add = true}
          %dma_wait3A_107 = arith.constant 0 : i32
          %dma_wait3A_108 = arith.constant 0 : i32
          %dma_wait3A_109 = tpu.memref_slice %arg23[%dma_wait3A_107, %dma_wait3A_108] : memref<256x128xf32, #tpu.memory_space<vmem>> -> memref<128x128xf32, #tpu.memory_space<vmem>>
          %dma_wait3A_110 = arith.constant 0 : i32
          %dma_wait3A_111 = tpu.memref_slice %arg22[%run_scoped3A, %dma_wait3A_110] : memref<2x256xi32, #tpu.memory_space<vmem>> -> memref<1x128xi32, #tpu.memory_space<vmem>>
          %dma_wait3A_112 = tpu.memref_squeeze %dma_wait3A_111 : memref<1x128xi32, #tpu.memory_space<vmem>> -> memref<128xi32, #tpu.memory_space<vmem>>
          %dma_wait3A_113 = arith.constant 0 : i32
          %dma_wait3A_114 = arith.constant 0 : i32
          %dma_wait3A_115 = tpu.memref_slice %arg21[%dma_wait3A_113, %dma_wait3A_114] : memref<10000x128xf32, #tpu.memory_space<vmem_shared>> -> memref<10000x128xf32, #tpu.memory_space<vmem_shared>>
          tpu.wait_indirect_dma semaphore(%run_scoped3A_97 : memref<!tpu.dma_semaphore, #tpu.memory_space<semaphore_mem>>) src(%dma_wait3A_109 : memref<128x128xf32, #tpu.memory_space<vmem>>) dst(%dma_wait3A_115 : memref<10000x128xf32, #tpu.memory_space<vmem_shared>>)
          tpu.yield
        }) : () -> ()
        "tpu.region"() ({
          %run_scoped3A_97 = tpu.sem_alloc : memref<!tpu.dma_semaphore, #tpu.memory_space<semaphore_mem>>
          %dma_start3A_98 = arith.constant 0 : i32
          %dma_start3A_99 = tpu.memref_slice %arg5[%mul3A_77, %dma_start3A_98] : memref<320000x128xf32, #tpu.memory_space<hbm>> -> memref<128x128xf32, #tpu.memory_space<hbm>>
          %dma_start3A_100 = arith.constant 0 : i32
          %dma_start3A_101 = tpu.memref_slice %arg5[%mul3A_77, %dma_start3A_100] : memref<320000x128xf32, #tpu.memory_space<hbm>> -> memref<128x128xf32, #tpu.memory_space<hbm>>
          tpu.enqueue_dma source(%dma_start3A_101 : memref<128x128xf32, #tpu.memory_space<hbm>>) target(%arg24 : memref<128x128xf32, #tpu.memory_space<vmem>>) target_semaphore(%run_scoped3A_97 : memref<!tpu.dma_semaphore, #tpu.memory_space<semaphore_mem>>)
          %dma_wait3A_102 = arith.constant 0 : i32
          %dma_wait3A_103 = tpu.memref_slice %arg5[%mul3A_77, %dma_wait3A_102] : memref<320000x128xf32, #tpu.memory_space<hbm>> -> memref<128x128xf32, #tpu.memory_space<hbm>>
          %dma_wait3A_104 = arith.constant 0 : i32
          %dma_wait3A_105 = tpu.memref_slice %arg5[%mul3A_77, %dma_wait3A_104] : memref<320000x128xf32, #tpu.memory_space<hbm>> -> memref<128x128xf32, #tpu.memory_space<hbm>>
          tpu.wait_dma2 semaphore(%run_scoped3A_97 : memref<!tpu.dma_semaphore, #tpu.memory_space<semaphore_mem>>) src(%dma_wait3A_105 : memref<128x128xf32, #tpu.memory_space<hbm>>) dst(%arg24 : memref<128x128xf32, #tpu.memory_space<vmem>>)
          tpu.yield
        }) : () -> ()
        %run_scoped3A_96 = arith.constant 1 : i32
        "tpu.region"() ({
          %run_scoped3A_97 = tpu.sem_alloc : memref<!tpu.dma_semaphore, #tpu.memory_space<semaphore_mem>>
          %dma_start3A_98 = arith.constant 0 : i32
          %dma_start3A_99 = tpu.memref_slice %arg22[%run_scoped3A_96, %dma_start3A_98] : memref<2x256xi32, #tpu.memory_space<vmem>> -> memref<1x128xi32, #tpu.memory_space<vmem>>
          %dma_start3A_100 = tpu.memref_squeeze %dma_start3A_99 : memref<1x128xi32, #tpu.memory_space<vmem>> -> memref<128xi32, #tpu.memory_space<vmem>>
          %dma_start3A_101 = arith.constant 0 : i32
          %dma_start3A_102 = arith.constant 0 : i32
          %dma_start3A_103 = tpu.memref_slice %arg21[%dma_start3A_101, %dma_start3A_102] : memref<10000x128xf32, #tpu.memory_space<vmem_shared>> -> memref<10000x128xf32, #tpu.memory_space<vmem_shared>>
          tpu.enqueue_indirect_dma source(%arg24 : memref<128x128xf32, #tpu.memory_space<vmem>>) target(%dma_start3A_103 : memref<10000x128xf32, #tpu.memory_space<vmem_shared>>) offsets(%dma_start3A_100 : memref<128xi32, #tpu.memory_space<vmem>>) semaphore(%run_scoped3A_97 : memref<!tpu.dma_semaphore, #tpu.memory_space<semaphore_mem>>) {add = true}
          %dma_wait3A_104 = arith.constant 0 : i32
          %dma_wait3A_105 = tpu.memref_slice %arg22[%run_scoped3A_96, %dma_wait3A_104] : memref<2x256xi32, #tpu.memory_space<vmem>> -> memref<1x128xi32, #tpu.memory_space<vmem>>
          %dma_wait3A_106 = tpu.memref_squeeze %dma_wait3A_105 : memref<1x128xi32, #tpu.memory_space<vmem>> -> memref<128xi32, #tpu.memory_space<vmem>>
          %dma_wait3A_107 = arith.constant 0 : i32
          %dma_wait3A_108 = arith.constant 0 : i32
          %dma_wait3A_109 = tpu.memref_slice %arg21[%dma_wait3A_107, %dma_wait3A_108] : memref<10000x128xf32, #tpu.memory_space<vmem_shared>> -> memref<10000x128xf32, #tpu.memory_space<vmem_shared>>
          tpu.wait_indirect_dma semaphore(%run_scoped3A_97 : memref<!tpu.dma_semaphore, #tpu.memory_space<semaphore_mem>>) src(%arg24 : memref<128x128xf32, #tpu.memory_space<vmem>>) dst(%dma_wait3A_109 : memref<10000x128xf32, #tpu.memory_space<vmem_shared>>)
          tpu.yield
        }) : () -> ()
      } else {
      }
    } else {
    }
    %eq3A_8 = arith.constant 1 : i32
    %eq3A_9 = arith.cmpi eq, %arg0, %eq3A_8 : i32
    %convert_element_type3A_10 = arith.extui %eq3A_9 : i1 to i32
    %cond3A_11 = arith.constant 0 : i32
    %cond3A_12 = arith.cmpi ne, %convert_element_type3A_10, %cond3A_11 : i32
    scf.if %cond3A_12 {
      %scan3A = arith.constant 0 : i32
      %scan3A_66 = arith.constant 0 : i32
      %scan3A_67 = arith.constant 78 : i32
      %scan3A_68 = arith.addi %scan3A_66, %scan3A_67 : i32
      %scan3A_69 = arith.constant 1 : i32
      scf.for %scan3A_75 = %scan3A_66 to %scan3A_68 step %scan3A_69  : i32 {
        %mul3A_76 = arith.constant 16 : i32
        %mul3A_77 = arith.muli %mul3A_76, %scan3A_75 : i32
        %add3A = arith.addi %arg1, %mul3A_77 : i32
        %mul3A_78 = arith.constant 256 : i32
        %mul3A_79 = arith.muli %add3A, %mul3A_78 : i32
        %dma_start3A = arith.constant 0 : i32
        %dma_start3A_80 = tpu.memref_slice %arg6[%mul3A_79, %dma_start3A] : memref<320000x128xf32, #tpu.memory_space<hbm>> -> memref<128x128xf32, #tpu.memory_space<hbm>>
        %dma_start3A_81 = arith.constant 0 : i32
        %dma_start3A_82 = tpu.memref_slice %arg6[%mul3A_79, %dma_start3A_81] : memref<320000x128xf32, #tpu.memory_space<hbm>> -> memref<128x128xf32, #tpu.memory_space<hbm>>
        tpu.enqueue_dma source(%dma_start3A_82 : memref<128x128xf32, #tpu.memory_space<hbm>>) target(%arg24 : memref<128x128xf32, #tpu.memory_space<vmem>>) target_semaphore(%arg27 : memref<!tpu.dma_semaphore, #tpu.memory_space<semaphore_mem>>)
        %dma_start3A_83 = arith.constant 0 : i32
        %dma_start3A_84 = tpu.memref_slice %arg4[%dma_start3A_83, %mul3A_79] : memref<2x320000xi32, #tpu.memory_space<hbm>> -> memref<2x256xi32, #tpu.memory_space<hbm>>
        %dma_start3A_85 = arith.constant 0 : i32
        %dma_start3A_86 = tpu.memref_slice %arg4[%dma_start3A_85, %mul3A_79] : memref<2x320000xi32, #tpu.memory_space<hbm>> -> memref<2x256xi32, #tpu.memory_space<hbm>>
        tpu.enqueue_dma source(%dma_start3A_86 : memref<2x256xi32, #tpu.memory_space<hbm>>) target(%arg22 : memref<2x256xi32, #tpu.memory_space<vmem>>) target_semaphore(%arg25 : memref<!tpu.dma_semaphore, #tpu.memory_space<semaphore_mem>>)
        %dma_wait3A = arith.constant 0 : i32
        %dma_wait3A_87 = tpu.memref_slice %arg4[%dma_wait3A, %mul3A_79] : memref<2x320000xi32, #tpu.memory_space<hbm>> -> memref<2x256xi32, #tpu.memory_space<hbm>>
        %dma_wait3A_88 = arith.constant 0 : i32
        %dma_wait3A_89 = tpu.memref_slice %arg4[%dma_wait3A_88, %mul3A_79] : memref<2x320000xi32, #tpu.memory_space<hbm>> -> memref<2x256xi32, #tpu.memory_space<hbm>>
        tpu.wait_dma2 semaphore(%arg25 : memref<!tpu.dma_semaphore, #tpu.memory_space<semaphore_mem>>) src(%dma_wait3A_89 : memref<2x256xi32, #tpu.memory_space<hbm>>) dst(%arg22 : memref<2x256xi32, #tpu.memory_space<vmem>>)
        %dma_start3A_90 = arith.constant 0 : i32
        %dma_start3A_91 = arith.constant 0 : i32
        %dma_start3A_92 = arith.constant 0 : i32
        %dma_start3A_93 = tpu.memref_slice %arg23[%dma_start3A_91, %dma_start3A_92] : memref<256x128xf32, #tpu.memory_space<vmem>> -> memref<128x128xf32, #tpu.memory_space<vmem>>
        %dma_start3A_94 = arith.constant 0 : i32
        %dma_start3A_95 = tpu.memref_slice %arg22[%dma_start3A_90, %dma_start3A_94] : memref<2x256xi32, #tpu.memory_space<vmem>> -> memref<1x128xi32, #tpu.memory_space<vmem>>
        %dma_start3A_96 = tpu.memref_squeeze %dma_start3A_95 : memref<1x128xi32, #tpu.memory_space<vmem>> -> memref<128xi32, #tpu.memory_space<vmem>>
        %dma_start3A_97 = arith.constant 0 : i32
        %dma_start3A_98 = arith.constant 0 : i32
        %dma_start3A_99 = tpu.memref_slice %arg2[%dma_start3A_97, %dma_start3A_98] : memref<10000x128xf32, #tpu.memory_space<hbm>> -> memref<10000x128xf32, #tpu.memory_space<hbm>>
        tpu.enqueue_indirect_dma source(%dma_start3A_99 : memref<10000x128xf32, #tpu.memory_space<hbm>>) target(%dma_start3A_93 : memref<128x128xf32, #tpu.memory_space<vmem>>) offsets(%dma_start3A_96 : memref<128xi32, #tpu.memory_space<vmem>>) semaphore(%arg26 : memref<!tpu.dma_semaphore, #tpu.memory_space<semaphore_mem>>)
        %dma_start3A_100 = arith.constant 0 : i32
        %dma_start3A_101 = arith.constant 128 : i32
        %dma_start3A_102 = arith.constant 0 : i32
        %dma_start3A_103 = tpu.memref_slice %arg23[%dma_start3A_101, %dma_start3A_102] : memref<256x128xf32, #tpu.memory_space<vmem>> -> memref<128x128xf32, #tpu.memory_space<vmem>>
        %dma_start3A_104 = arith.constant 128 : i32
        %dma_start3A_105 = tpu.memref_slice %arg22[%dma_start3A_100, %dma_start3A_104] : memref<2x256xi32, #tpu.memory_space<vmem>> -> memref<1x128xi32, #tpu.memory_space<vmem>>
        %dma_start3A_106 = tpu.memref_squeeze %dma_start3A_105 : memref<1x128xi32, #tpu.memory_space<vmem>> -> memref<128xi32, #tpu.memory_space<vmem>>
        %dma_start3A_107 = arith.constant 0 : i32
        %dma_start3A_108 = arith.constant 0 : i32
        %dma_start3A_109 = tpu.memref_slice %arg2[%dma_start3A_107, %dma_start3A_108] : memref<10000x128xf32, #tpu.memory_space<hbm>> -> memref<10000x128xf32, #tpu.memory_space<hbm>>
        tpu.enqueue_indirect_dma source(%dma_start3A_109 : memref<10000x128xf32, #tpu.memory_space<hbm>>) target(%dma_start3A_103 : memref<128x128xf32, #tpu.memory_space<vmem>>) offsets(%dma_start3A_106 : memref<128xi32, #tpu.memory_space<vmem>>) semaphore(%arg26 : memref<!tpu.dma_semaphore, #tpu.memory_space<semaphore_mem>>)
        %dma_wait3A_110 = arith.constant 0 : i32
        %dma_wait3A_111 = arith.constant 0 : i32
        %dma_wait3A_112 = arith.constant 0 : i32
        %dma_wait3A_113 = tpu.memref_slice %arg23[%dma_wait3A_111, %dma_wait3A_112] : memref<256x128xf32, #tpu.memory_space<vmem>> -> memref<128x128xf32, #tpu.memory_space<vmem>>
        %dma_wait3A_114 = arith.constant 0 : i32
        %dma_wait3A_115 = tpu.memref_slice %arg22[%dma_wait3A_110, %dma_wait3A_114] : memref<2x256xi32, #tpu.memory_space<vmem>> -> memref<1x128xi32, #tpu.memory_space<vmem>>
        %dma_wait3A_116 = tpu.memref_squeeze %dma_wait3A_115 : memref<1x128xi32, #tpu.memory_space<vmem>> -> memref<128xi32, #tpu.memory_space<vmem>>
        %dma_wait3A_117 = arith.constant 0 : i32
        %dma_wait3A_118 = arith.constant 0 : i32
        %dma_wait3A_119 = tpu.memref_slice %arg2[%dma_wait3A_117, %dma_wait3A_118] : memref<10000x128xf32, #tpu.memory_space<hbm>> -> memref<10000x128xf32, #tpu.memory_space<hbm>>
        tpu.wait_indirect_dma semaphore(%arg26 : memref<!tpu.dma_semaphore, #tpu.memory_space<semaphore_mem>>) src(%dma_wait3A_119 : memref<10000x128xf32, #tpu.memory_space<hbm>>) dst(%dma_wait3A_113 : memref<128x128xf32, #tpu.memory_space<vmem>>)
        %dma_start3A_120 = arith.constant 1 : i32
        %dma_start3A_121 = arith.constant 0 : i32
        %dma_start3A_122 = arith.constant 0 : i32
        %dma_start3A_123 = tpu.memref_slice %arg23[%dma_start3A_121, %dma_start3A_122] : memref<256x128xf32, #tpu.memory_space<vmem>> -> memref<128x128xf32, #tpu.memory_space<vmem>>
        %dma_start3A_124 = arith.constant 0 : i32
        %dma_start3A_125 = tpu.memref_slice %arg22[%dma_start3A_120, %dma_start3A_124] : memref<2x256xi32, #tpu.memory_space<vmem>> -> memref<1x128xi32, #tpu.memory_space<vmem>>
        %dma_start3A_126 = tpu.memref_squeeze %dma_start3A_125 : memref<1x128xi32, #tpu.memory_space<vmem>> -> memref<128xi32, #tpu.memory_space<vmem>>
        %dma_start3A_127 = arith.constant 0 : i32
        %dma_start3A_128 = arith.constant 0 : i32
        %dma_start3A_129 = tpu.memref_slice %arg21[%dma_start3A_127, %dma_start3A_128] : memref<10000x128xf32, #tpu.memory_space<vmem_shared>> -> memref<10000x128xf32, #tpu.memory_space<vmem_shared>>
        tpu.enqueue_indirect_dma source(%dma_start3A_123 : memref<128x128xf32, #tpu.memory_space<vmem>>) target(%dma_start3A_129 : memref<10000x128xf32, #tpu.memory_space<vmem_shared>>) offsets(%dma_start3A_126 : memref<128xi32, #tpu.memory_space<vmem>>) semaphore(%arg28 : memref<!tpu.dma_semaphore, #tpu.memory_space<semaphore_mem>>) {add = true}
        %dma_wait3A_130 = arith.constant 0 : i32
        %dma_wait3A_131 = tpu.memref_slice %arg6[%mul3A_79, %dma_wait3A_130] : memref<320000x128xf32, #tpu.memory_space<hbm>> -> memref<128x128xf32, #tpu.memory_space<hbm>>
        %dma_wait3A_132 = arith.constant 0 : i32
        %dma_wait3A_133 = tpu.memref_slice %arg6[%mul3A_79, %dma_wait3A_132] : memref<320000x128xf32, #tpu.memory_space<hbm>> -> memref<128x128xf32, #tpu.memory_space<hbm>>
        tpu.wait_dma2 semaphore(%arg27 : memref<!tpu.dma_semaphore, #tpu.memory_space<semaphore_mem>>) src(%dma_wait3A_133 : memref<128x128xf32, #tpu.memory_space<hbm>>) dst(%arg24 : memref<128x128xf32, #tpu.memory_space<vmem>>)
        %dma_start3A_134 = arith.constant 1 : i32
        %dma_start3A_135 = arith.constant 0 : i32
        %dma_start3A_136 = tpu.memref_slice %arg22[%dma_start3A_134, %dma_start3A_135] : memref<2x256xi32, #tpu.memory_space<vmem>> -> memref<1x128xi32, #tpu.memory_space<vmem>>
        %dma_start3A_137 = tpu.memref_squeeze %dma_start3A_136 : memref<1x128xi32, #tpu.memory_space<vmem>> -> memref<128xi32, #tpu.memory_space<vmem>>
        %dma_start3A_138 = arith.constant 0 : i32
        %dma_start3A_139 = arith.constant 0 : i32
        %dma_start3A_140 = tpu.memref_slice %arg21[%dma_start3A_138, %dma_start3A_139] : memref<10000x128xf32, #tpu.memory_space<vmem_shared>> -> memref<10000x128xf32, #tpu.memory_space<vmem_shared>>
        tpu.enqueue_indirect_dma source(%arg24 : memref<128x128xf32, #tpu.memory_space<vmem>>) target(%dma_start3A_140 : memref<10000x128xf32, #tpu.memory_space<vmem_shared>>) offsets(%dma_start3A_137 : memref<128xi32, #tpu.memory_space<vmem>>) semaphore(%arg29 : memref<!tpu.dma_semaphore, #tpu.memory_space<semaphore_mem>>) {add = true}
        %dma_wait3A_141 = arith.constant 0 : i32
        %dma_wait3A_142 = arith.constant 128 : i32
        %dma_wait3A_143 = arith.constant 0 : i32
        %dma_wait3A_144 = tpu.memref_slice %arg23[%dma_wait3A_142, %dma_wait3A_143] : memref<256x128xf32, #tpu.memory_space<vmem>> -> memref<128x128xf32, #tpu.memory_space<vmem>>
        %dma_wait3A_145 = arith.constant 128 : i32
        %dma_wait3A_146 = tpu.memref_slice %arg22[%dma_wait3A_141, %dma_wait3A_145] : memref<2x256xi32, #tpu.memory_space<vmem>> -> memref<1x128xi32, #tpu.memory_space<vmem>>
        %dma_wait3A_147 = tpu.memref_squeeze %dma_wait3A_146 : memref<1x128xi32, #tpu.memory_space<vmem>> -> memref<128xi32, #tpu.memory_space<vmem>>
        %dma_wait3A_148 = arith.constant 0 : i32
        %dma_wait3A_149 = arith.constant 0 : i32
        %dma_wait3A_150 = tpu.memref_slice %arg2[%dma_wait3A_148, %dma_wait3A_149] : memref<10000x128xf32, #tpu.memory_space<hbm>> -> memref<10000x128xf32, #tpu.memory_space<hbm>>
        tpu.wait_indirect_dma semaphore(%arg26 : memref<!tpu.dma_semaphore, #tpu.memory_space<semaphore_mem>>) src(%dma_wait3A_150 : memref<10000x128xf32, #tpu.memory_space<hbm>>) dst(%dma_wait3A_144 : memref<128x128xf32, #tpu.memory_space<vmem>>)
        %dma_start3A_151 = arith.constant 1 : i32
        %dma_start3A_152 = arith.constant 128 : i32
        %dma_start3A_153 = arith.constant 0 : i32
        %dma_start3A_154 = tpu.memref_slice %arg23[%dma_start3A_152, %dma_start3A_153] : memref<256x128xf32, #tpu.memory_space<vmem>> -> memref<128x128xf32, #tpu.memory_space<vmem>>
        %dma_start3A_155 = arith.constant 128 : i32
        %dma_start3A_156 = tpu.memref_slice %arg22[%dma_start3A_151, %dma_start3A_155] : memref<2x256xi32, #tpu.memory_space<vmem>> -> memref<1x128xi32, #tpu.memory_space<vmem>>
        %dma_start3A_157 = tpu.memref_squeeze %dma_start3A_156 : memref<1x128xi32, #tpu.memory_space<vmem>> -> memref<128xi32, #tpu.memory_space<vmem>>
        %dma_start3A_158 = arith.constant 0 : i32
        %dma_start3A_159 = arith.constant 0 : i32
        %dma_start3A_160 = tpu.memref_slice %arg21[%dma_start3A_158, %dma_start3A_159] : memref<10000x128xf32, #tpu.memory_space<vmem_shared>> -> memref<10000x128xf32, #tpu.memory_space<vmem_shared>>
        tpu.enqueue_indirect_dma source(%dma_start3A_154 : memref<128x128xf32, #tpu.memory_space<vmem>>) target(%dma_start3A_160 : memref<10000x128xf32, #tpu.memory_space<vmem_shared>>) offsets(%dma_start3A_157 : memref<128xi32, #tpu.memory_space<vmem>>) semaphore(%arg28 : memref<!tpu.dma_semaphore, #tpu.memory_space<semaphore_mem>>) {add = true}
        %dma_wait3A_161 = arith.constant 1 : i32
        %dma_wait3A_162 = arith.constant 0 : i32
        %dma_wait3A_163 = arith.constant 0 : i32
        %dma_wait3A_164 = tpu.memref_slice %arg23[%dma_wait3A_162, %dma_wait3A_163] : memref<256x128xf32, #tpu.memory_space<vmem>> -> memref<128x128xf32, #tpu.memory_space<vmem>>
        %dma_wait3A_165 = arith.constant 0 : i32
        %dma_wait3A_166 = tpu.memref_slice %arg22[%dma_wait3A_161, %dma_wait3A_165] : memref<2x256xi32, #tpu.memory_space<vmem>> -> memref<1x128xi32, #tpu.memory_space<vmem>>
        %dma_wait3A_167 = tpu.memref_squeeze %dma_wait3A_166 : memref<1x128xi32, #tpu.memory_space<vmem>> -> memref<128xi32, #tpu.memory_space<vmem>>
        %dma_wait3A_168 = arith.constant 0 : i32
        %dma_wait3A_169 = arith.constant 0 : i32
        %dma_wait3A_170 = tpu.memref_slice %arg21[%dma_wait3A_168, %dma_wait3A_169] : memref<10000x128xf32, #tpu.memory_space<vmem_shared>> -> memref<10000x128xf32, #tpu.memory_space<vmem_shared>>
        tpu.wait_indirect_dma semaphore(%arg28 : memref<!tpu.dma_semaphore, #tpu.memory_space<semaphore_mem>>) src(%dma_wait3A_164 : memref<128x128xf32, #tpu.memory_space<vmem>>) dst(%dma_wait3A_170 : memref<10000x128xf32, #tpu.memory_space<vmem_shared>>)
        %add3A_171 = arith.constant 128 : i32
        %add3A_172 = arith.addi %mul3A_79, %add3A_171 : i32
        %dma_start3A_173 = arith.constant 0 : i32
        %dma_start3A_174 = arith.constant 0 : i32
        %dma_start3A_175 = tpu.memref_slice %arg23[%dma_start3A_173, %dma_start3A_174] : memref<256x128xf32, #tpu.memory_space<vmem>> -> memref<128x128xf32, #tpu.memory_space<vmem>>
        %dma_start3A_176 = arith.constant 0 : i32
        %dma_start3A_177 = tpu.memref_slice %arg6[%add3A_172, %dma_start3A_176] : memref<320000x128xf32, #tpu.memory_space<hbm>> -> memref<128x128xf32, #tpu.memory_space<hbm>>
        %dma_start3A_178 = arith.constant 0 : i32
        %dma_start3A_179 = arith.constant 0 : i32
        %dma_start3A_180 = tpu.memref_slice %arg23[%dma_start3A_178, %dma_start3A_179] : memref<256x128xf32, #tpu.memory_space<vmem>> -> memref<128x128xf32, #tpu.memory_space<vmem>>
        %dma_start3A_181 = arith.constant 0 : i32
        %dma_start3A_182 = tpu.memref_slice %arg6[%add3A_172, %dma_start3A_181] : memref<320000x128xf32, #tpu.memory_space<hbm>> -> memref<128x128xf32, #tpu.memory_space<hbm>>
        tpu.enqueue_dma source(%dma_start3A_182 : memref<128x128xf32, #tpu.memory_space<hbm>>) target(%dma_start3A_180 : memref<128x128xf32, #tpu.memory_space<vmem>>) target_semaphore(%arg27 : memref<!tpu.dma_semaphore, #tpu.memory_space<semaphore_mem>>)
        %dma_wait3A_183 = arith.constant 0 : i32
        %dma_wait3A_184 = arith.constant 0 : i32
        %dma_wait3A_185 = tpu.memref_slice %arg23[%dma_wait3A_183, %dma_wait3A_184] : memref<256x128xf32, #tpu.memory_space<vmem>> -> memref<128x128xf32, #tpu.memory_space<vmem>>
        %dma_wait3A_186 = arith.constant 0 : i32
        %dma_wait3A_187 = tpu.memref_slice %arg6[%add3A_172, %dma_wait3A_186] : memref<320000x128xf32, #tpu.memory_space<hbm>> -> memref<128x128xf32, #tpu.memory_space<hbm>>
        %dma_wait3A_188 = arith.constant 0 : i32
        %dma_wait3A_189 = arith.constant 0 : i32
        %dma_wait3A_190 = tpu.memref_slice %arg23[%dma_wait3A_188, %dma_wait3A_189] : memref<256x128xf32, #tpu.memory_space<vmem>> -> memref<128x128xf32, #tpu.memory_space<vmem>>
        %dma_wait3A_191 = arith.constant 0 : i32
        %dma_wait3A_192 = tpu.memref_slice %arg6[%add3A_172, %dma_wait3A_191] : memref<320000x128xf32, #tpu.memory_space<hbm>> -> memref<128x128xf32, #tpu.memory_space<hbm>>
        tpu.wait_dma2 semaphore(%arg27 : memref<!tpu.dma_semaphore, #tpu.memory_space<semaphore_mem>>) src(%dma_wait3A_192 : memref<128x128xf32, #tpu.memory_space<hbm>>) dst(%dma_wait3A_190 : memref<128x128xf32, #tpu.memory_space<vmem>>)
        %dma_start3A_193 = arith.constant 1 : i32
        %dma_start3A_194 = arith.constant 0 : i32
        %dma_start3A_195 = arith.constant 0 : i32
        %dma_start3A_196 = tpu.memref_slice %arg23[%dma_start3A_194, %dma_start3A_195] : memref<256x128xf32, #tpu.memory_space<vmem>> -> memref<128x128xf32, #tpu.memory_space<vmem>>
        %dma_start3A_197 = arith.constant 128 : i32
        %dma_start3A_198 = tpu.memref_slice %arg22[%dma_start3A_193, %dma_start3A_197] : memref<2x256xi32, #tpu.memory_space<vmem>> -> memref<1x128xi32, #tpu.memory_space<vmem>>
        %dma_start3A_199 = tpu.memref_squeeze %dma_start3A_198 : memref<1x128xi32, #tpu.memory_space<vmem>> -> memref<128xi32, #tpu.memory_space<vmem>>
        %dma_start3A_200 = arith.constant 0 : i32
        %dma_start3A_201 = arith.constant 0 : i32
        %dma_start3A_202 = tpu.memref_slice %arg21[%dma_start3A_200, %dma_start3A_201] : memref<10000x128xf32, #tpu.memory_space<vmem_shared>> -> memref<10000x128xf32, #tpu.memory_space<vmem_shared>>
        tpu.enqueue_indirect_dma source(%dma_start3A_196 : memref<128x128xf32, #tpu.memory_space<vmem>>) target(%dma_start3A_202 : memref<10000x128xf32, #tpu.memory_space<vmem_shared>>) offsets(%dma_start3A_199 : memref<128xi32, #tpu.memory_space<vmem>>) semaphore(%arg29 : memref<!tpu.dma_semaphore, #tpu.memory_space<semaphore_mem>>) {add = true}
        %dma_wait3A_203 = arith.constant 1 : i32
        %dma_wait3A_204 = arith.constant 128 : i32
        %dma_wait3A_205 = arith.constant 0 : i32
        %dma_wait3A_206 = tpu.memref_slice %arg23[%dma_wait3A_204, %dma_wait3A_205] : memref<256x128xf32, #tpu.memory_space<vmem>> -> memref<128x128xf32, #tpu.memory_space<vmem>>
        %dma_wait3A_207 = arith.constant 128 : i32
        %dma_wait3A_208 = tpu.memref_slice %arg22[%dma_wait3A_203, %dma_wait3A_207] : memref<2x256xi32, #tpu.memory_space<vmem>> -> memref<1x128xi32, #tpu.memory_space<vmem>>
        %dma_wait3A_209 = tpu.memref_squeeze %dma_wait3A_208 : memref<1x128xi32, #tpu.memory_space<vmem>> -> memref<128xi32, #tpu.memory_space<vmem>>
        %dma_wait3A_210 = arith.constant 0 : i32
        %dma_wait3A_211 = arith.constant 0 : i32
        %dma_wait3A_212 = tpu.memref_slice %arg21[%dma_wait3A_210, %dma_wait3A_211] : memref<10000x128xf32, #tpu.memory_space<vmem_shared>> -> memref<10000x128xf32, #tpu.memory_space<vmem_shared>>
        tpu.wait_indirect_dma semaphore(%arg28 : memref<!tpu.dma_semaphore, #tpu.memory_space<semaphore_mem>>) src(%dma_wait3A_206 : memref<128x128xf32, #tpu.memory_space<vmem>>) dst(%dma_wait3A_212 : memref<10000x128xf32, #tpu.memory_space<vmem_shared>>)
        %dma_wait3A_213 = arith.constant 1 : i32
        %dma_wait3A_214 = arith.constant 0 : i32
        %dma_wait3A_215 = tpu.memref_slice %arg22[%dma_wait3A_213, %dma_wait3A_214] : memref<2x256xi32, #tpu.memory_space<vmem>> -> memref<1x128xi32, #tpu.memory_space<vmem>>
        %dma_wait3A_216 = tpu.memref_squeeze %dma_wait3A_215 : memref<1x128xi32, #tpu.memory_space<vmem>> -> memref<128xi32, #tpu.memory_space<vmem>>
        %dma_wait3A_217 = arith.constant 0 : i32
        %dma_wait3A_218 = arith.constant 0 : i32
        %dma_wait3A_219 = tpu.memref_slice %arg21[%dma_wait3A_217, %dma_wait3A_218] : memref<10000x128xf32, #tpu.memory_space<vmem_shared>> -> memref<10000x128xf32, #tpu.memory_space<vmem_shared>>
        tpu.wait_indirect_dma semaphore(%arg29 : memref<!tpu.dma_semaphore, #tpu.memory_space<semaphore_mem>>) src(%arg24 : memref<128x128xf32, #tpu.memory_space<vmem>>) dst(%dma_wait3A_219 : memref<10000x128xf32, #tpu.memory_space<vmem_shared>>)
        %dma_wait3A_220 = arith.constant 1 : i32
        %dma_wait3A_221 = arith.constant 0 : i32
        %dma_wait3A_222 = arith.constant 0 : i32
        %dma_wait3A_223 = tpu.memref_slice %arg23[%dma_wait3A_221, %dma_wait3A_222] : memref<256x128xf32, #tpu.memory_space<vmem>> -> memref<128x128xf32, #tpu.memory_space<vmem>>
        %dma_wait3A_224 = arith.constant 128 : i32
        %dma_wait3A_225 = tpu.memref_slice %arg22[%dma_wait3A_220, %dma_wait3A_224] : memref<2x256xi32, #tpu.memory_space<vmem>> -> memref<1x128xi32, #tpu.memory_space<vmem>>
        %dma_wait3A_226 = tpu.memref_squeeze %dma_wait3A_225 : memref<1x128xi32, #tpu.memory_space<vmem>> -> memref<128xi32, #tpu.memory_space<vmem>>
        %dma_wait3A_227 = arith.constant 0 : i32
        %dma_wait3A_228 = arith.constant 0 : i32
        %dma_wait3A_229 = tpu.memref_slice %arg21[%dma_wait3A_227, %dma_wait3A_228] : memref<10000x128xf32, #tpu.memory_space<vmem_shared>> -> memref<10000x128xf32, #tpu.memory_space<vmem_shared>>
        tpu.wait_indirect_dma semaphore(%arg29 : memref<!tpu.dma_semaphore, #tpu.memory_space<semaphore_mem>>) src(%dma_wait3A_223 : memref<128x128xf32, #tpu.memory_space<vmem>>) dst(%dma_wait3A_229 : memref<10000x128xf32, #tpu.memory_space<vmem_shared>>)
      }
      %scan3A_70 = arith.constant 78 : i32
      %lt3A = arith.constant 4 : i32
      %lt3A_71 = arith.cmpi slt, %arg1, %lt3A : i32
      %convert_element_type3A_72 = arith.extui %lt3A_71 : i1 to i32
      %cond3A_73 = arith.constant 0 : i32
      %cond3A_74 = arith.cmpi ne, %convert_element_type3A_72, %cond3A_73 : i32
      scf.if %cond3A_74 {
        %add3A = arith.constant 2496 : i32
        %add3A_75 = arith.addi %add3A, %arg1 : i32
        %mul3A_76 = arith.constant 128 : i32
        %mul3A_77 = arith.muli %add3A_75, %mul3A_76 : i32
        "tpu.region"() ({
          %run_scoped3A_97 = tpu.sem_alloc : memref<!tpu.dma_semaphore, #tpu.memory_space<semaphore_mem>>
          %dma_start3A_98 = arith.constant 0 : i32
          %dma_start3A_99 = arith.constant 0 : i32
          %dma_start3A_100 = tpu.memref_slice %arg22[%dma_start3A_98, %dma_start3A_99] : memref<2x256xi32, #tpu.memory_space<vmem>> -> memref<2x128xi32, #tpu.memory_space<vmem>>
          %dma_start3A_101 = arith.constant 0 : i32
          %dma_start3A_102 = tpu.memref_slice %arg4[%dma_start3A_101, %mul3A_77] : memref<2x320000xi32, #tpu.memory_space<hbm>> -> memref<2x128xi32, #tpu.memory_space<hbm>>
          %dma_start3A_103 = arith.constant 0 : i32
          %dma_start3A_104 = arith.constant 0 : i32
          %dma_start3A_105 = tpu.memref_slice %arg22[%dma_start3A_103, %dma_start3A_104] : memref<2x256xi32, #tpu.memory_space<vmem>> -> memref<2x128xi32, #tpu.memory_space<vmem>>
          %dma_start3A_106 = arith.constant 0 : i32
          %dma_start3A_107 = tpu.memref_slice %arg4[%dma_start3A_106, %mul3A_77] : memref<2x320000xi32, #tpu.memory_space<hbm>> -> memref<2x128xi32, #tpu.memory_space<hbm>>
          tpu.enqueue_dma source(%dma_start3A_107 : memref<2x128xi32, #tpu.memory_space<hbm>>) target(%dma_start3A_105 : memref<2x128xi32, #tpu.memory_space<vmem>>) target_semaphore(%run_scoped3A_97 : memref<!tpu.dma_semaphore, #tpu.memory_space<semaphore_mem>>)
          %dma_wait3A_108 = arith.constant 0 : i32
          %dma_wait3A_109 = arith.constant 0 : i32
          %dma_wait3A_110 = tpu.memref_slice %arg22[%dma_wait3A_108, %dma_wait3A_109] : memref<2x256xi32, #tpu.memory_space<vmem>> -> memref<2x128xi32, #tpu.memory_space<vmem>>
          %dma_wait3A_111 = arith.constant 0 : i32
          %dma_wait3A_112 = tpu.memref_slice %arg4[%dma_wait3A_111, %mul3A_77] : memref<2x320000xi32, #tpu.memory_space<hbm>> -> memref<2x128xi32, #tpu.memory_space<hbm>>
          %dma_wait3A_113 = arith.constant 0 : i32
          %dma_wait3A_114 = arith.constant 0 : i32
          %dma_wait3A_115 = tpu.memref_slice %arg22[%dma_wait3A_113, %dma_wait3A_114] : memref<2x256xi32, #tpu.memory_space<vmem>> -> memref<2x128xi32, #tpu.memory_space<vmem>>
          %dma_wait3A_116 = arith.constant 0 : i32
          %dma_wait3A_117 = tpu.memref_slice %arg4[%dma_wait3A_116, %mul3A_77] : memref<2x320000xi32, #tpu.memory_space<hbm>> -> memref<2x128xi32, #tpu.memory_space<hbm>>
          tpu.wait_dma2 semaphore(%run_scoped3A_97 : memref<!tpu.dma_semaphore, #tpu.memory_space<semaphore_mem>>) src(%dma_wait3A_117 : memref<2x128xi32, #tpu.memory_space<hbm>>) dst(%dma_wait3A_115 : memref<2x128xi32, #tpu.memory_space<vmem>>)
          tpu.yield
        }) : () -> ()
        %dma_start3A = arith.constant 0 : i32
        %dma_start3A_78 = arith.constant 0 : i32
        %dma_start3A_79 = arith.constant 0 : i32
        %dma_start3A_80 = tpu.memref_slice %arg23[%dma_start3A_78, %dma_start3A_79] : memref<256x128xf32, #tpu.memory_space<vmem>> -> memref<128x128xf32, #tpu.memory_space<vmem>>
        %dma_start3A_81 = arith.constant 0 : i32
        %dma_start3A_82 = tpu.memref_slice %arg22[%dma_start3A, %dma_start3A_81] : memref<2x256xi32, #tpu.memory_space<vmem>> -> memref<1x128xi32, #tpu.memory_space<vmem>>
        %dma_start3A_83 = tpu.memref_squeeze %dma_start3A_82 : memref<1x128xi32, #tpu.memory_space<vmem>> -> memref<128xi32, #tpu.memory_space<vmem>>
        %dma_start3A_84 = arith.constant 0 : i32
        %dma_start3A_85 = arith.constant 0 : i32
        %dma_start3A_86 = tpu.memref_slice %arg2[%dma_start3A_84, %dma_start3A_85] : memref<10000x128xf32, #tpu.memory_space<hbm>> -> memref<10000x128xf32, #tpu.memory_space<hbm>>
        tpu.enqueue_indirect_dma source(%dma_start3A_86 : memref<10000x128xf32, #tpu.memory_space<hbm>>) target(%dma_start3A_80 : memref<128x128xf32, #tpu.memory_space<vmem>>) offsets(%dma_start3A_83 : memref<128xi32, #tpu.memory_space<vmem>>) semaphore(%arg26 : memref<!tpu.dma_semaphore, #tpu.memory_space<semaphore_mem>>)
        %dma_wait3A = arith.constant 0 : i32
        %dma_wait3A_87 = arith.constant 0 : i32
        %dma_wait3A_88 = arith.constant 0 : i32
        %dma_wait3A_89 = tpu.memref_slice %arg23[%dma_wait3A_87, %dma_wait3A_88] : memref<256x128xf32, #tpu.memory_space<vmem>> -> memref<128x128xf32, #tpu.memory_space<vmem>>
        %dma_wait3A_90 = arith.constant 0 : i32
        %dma_wait3A_91 = tpu.memref_slice %arg22[%dma_wait3A, %dma_wait3A_90] : memref<2x256xi32, #tpu.memory_space<vmem>> -> memref<1x128xi32, #tpu.memory_space<vmem>>
        %dma_wait3A_92 = tpu.memref_squeeze %dma_wait3A_91 : memref<1x128xi32, #tpu.memory_space<vmem>> -> memref<128xi32, #tpu.memory_space<vmem>>
        %dma_wait3A_93 = arith.constant 0 : i32
        %dma_wait3A_94 = arith.constant 0 : i32
        %dma_wait3A_95 = tpu.memref_slice %arg2[%dma_wait3A_93, %dma_wait3A_94] : memref<10000x128xf32, #tpu.memory_space<hbm>> -> memref<10000x128xf32, #tpu.memory_space<hbm>>
        tpu.wait_indirect_dma semaphore(%arg26 : memref<!tpu.dma_semaphore, #tpu.memory_space<semaphore_mem>>) src(%dma_wait3A_95 : memref<10000x128xf32, #tpu.memory_space<hbm>>) dst(%dma_wait3A_89 : memref<128x128xf32, #tpu.memory_space<vmem>>)
        %run_scoped3A = arith.constant 1 : i32
        "tpu.region"() ({
          %run_scoped3A_97 = tpu.sem_alloc : memref<!tpu.dma_semaphore, #tpu.memory_space<semaphore_mem>>
          %dma_start3A_98 = arith.constant 0 : i32
          %dma_start3A_99 = arith.constant 0 : i32
          %dma_start3A_100 = tpu.memref_slice %arg23[%dma_start3A_98, %dma_start3A_99] : memref<256x128xf32, #tpu.memory_space<vmem>> -> memref<128x128xf32, #tpu.memory_space<vmem>>
          %dma_start3A_101 = arith.constant 0 : i32
          %dma_start3A_102 = tpu.memref_slice %arg22[%run_scoped3A, %dma_start3A_101] : memref<2x256xi32, #tpu.memory_space<vmem>> -> memref<1x128xi32, #tpu.memory_space<vmem>>
          %dma_start3A_103 = tpu.memref_squeeze %dma_start3A_102 : memref<1x128xi32, #tpu.memory_space<vmem>> -> memref<128xi32, #tpu.memory_space<vmem>>
          %dma_start3A_104 = arith.constant 0 : i32
          %dma_start3A_105 = arith.constant 0 : i32
          %dma_start3A_106 = tpu.memref_slice %arg21[%dma_start3A_104, %dma_start3A_105] : memref<10000x128xf32, #tpu.memory_space<vmem_shared>> -> memref<10000x128xf32, #tpu.memory_space<vmem_shared>>
          tpu.enqueue_indirect_dma source(%dma_start3A_100 : memref<128x128xf32, #tpu.memory_space<vmem>>) target(%dma_start3A_106 : memref<10000x128xf32, #tpu.memory_space<vmem_shared>>) offsets(%dma_start3A_103 : memref<128xi32, #tpu.memory_space<vmem>>) semaphore(%run_scoped3A_97 : memref<!tpu.dma_semaphore, #tpu.memory_space<semaphore_mem>>) {add = true}
          %dma_wait3A_107 = arith.constant 0 : i32
          %dma_wait3A_108 = arith.constant 0 : i32
          %dma_wait3A_109 = tpu.memref_slice %arg23[%dma_wait3A_107, %dma_wait3A_108] : memref<256x128xf32, #tpu.memory_space<vmem>> -> memref<128x128xf32, #tpu.memory_space<vmem>>
          %dma_wait3A_110 = arith.constant 0 : i32
          %dma_wait3A_111 = tpu.memref_slice %arg22[%run_scoped3A, %dma_wait3A_110] : memref<2x256xi32, #tpu.memory_space<vmem>> -> memref<1x128xi32, #tpu.memory_space<vmem>>
          %dma_wait3A_112 = tpu.memref_squeeze %dma_wait3A_111 : memref<1x128xi32, #tpu.memory_space<vmem>> -> memref<128xi32, #tpu.memory_space<vmem>>
          %dma_wait3A_113 = arith.constant 0 : i32
          %dma_wait3A_114 = arith.constant 0 : i32
          %dma_wait3A_115 = tpu.memref_slice %arg21[%dma_wait3A_113, %dma_wait3A_114] : memref<10000x128xf32, #tpu.memory_space<vmem_shared>> -> memref<10000x128xf32, #tpu.memory_space<vmem_shared>>
          tpu.wait_indirect_dma semaphore(%run_scoped3A_97 : memref<!tpu.dma_semaphore, #tpu.memory_space<semaphore_mem>>) src(%dma_wait3A_109 : memref<128x128xf32, #tpu.memory_space<vmem>>) dst(%dma_wait3A_115 : memref<10000x128xf32, #tpu.memory_space<vmem_shared>>)
          tpu.yield
        }) : () -> ()
        "tpu.region"() ({
          %run_scoped3A_97 = tpu.sem_alloc : memref<!tpu.dma_semaphore, #tpu.memory_space<semaphore_mem>>
          %dma_start3A_98 = arith.constant 0 : i32
          %dma_start3A_99 = tpu.memref_slice %arg6[%mul3A_77, %dma_start3A_98] : memref<320000x128xf32, #tpu.memory_space<hbm>> -> memref<128x128xf32, #tpu.memory_space<hbm>>
          %dma_start3A_100 = arith.constant 0 : i32
          %dma_start3A_101 = tpu.memref_slice %arg6[%mul3A_77, %dma_start3A_100] : memref<320000x128xf32, #tpu.memory_space<hbm>> -> memref<128x128xf32, #tpu.memory_space<hbm>>
          tpu.enqueue_dma source(%dma_start3A_101 : memref<128x128xf32, #tpu.memory_space<hbm>>) target(%arg24 : memref<128x128xf32, #tpu.memory_space<vmem>>) target_semaphore(%run_scoped3A_97 : memref<!tpu.dma_semaphore, #tpu.memory_space<semaphore_mem>>)
          %dma_wait3A_102 = arith.constant 0 : i32
          %dma_wait3A_103 = tpu.memref_slice %arg6[%mul3A_77, %dma_wait3A_102] : memref<320000x128xf32, #tpu.memory_space<hbm>> -> memref<128x128xf32, #tpu.memory_space<hbm>>
          %dma_wait3A_104 = arith.constant 0 : i32
          %dma_wait3A_105 = tpu.memref_slice %arg6[%mul3A_77, %dma_wait3A_104] : memref<320000x128xf32, #tpu.memory_space<hbm>> -> memref<128x128xf32, #tpu.memory_space<hbm>>
          tpu.wait_dma2 semaphore(%run_scoped3A_97 : memref<!tpu.dma_semaphore, #tpu.memory_space<semaphore_mem>>) src(%dma_wait3A_105 : memref<128x128xf32, #tpu.memory_space<hbm>>) dst(%arg24 : memref<128x128xf32, #tpu.memory_space<vmem>>)
          tpu.yield
        }) : () -> ()
        %run_scoped3A_96 = arith.constant 1 : i32
        "tpu.region"() ({
          %run_scoped3A_97 = tpu.sem_alloc : memref<!tpu.dma_semaphore, #tpu.memory_space<semaphore_mem>>
          %dma_start3A_98 = arith.constant 0 : i32
          %dma_start3A_99 = tpu.memref_slice %arg22[%run_scoped3A_96, %dma_start3A_98] : memref<2x256xi32, #tpu.memory_space<vmem>> -> memref<1x128xi32, #tpu.memory_space<vmem>>
          %dma_start3A_100 = tpu.memref_squeeze %dma_start3A_99 : memref<1x128xi32, #tpu.memory_space<vmem>> -> memref<128xi32, #tpu.memory_space<vmem>>
          %dma_start3A_101 = arith.constant 0 : i32
          %dma_start3A_102 = arith.constant 0 : i32
          %dma_start3A_103 = tpu.memref_slice %arg21[%dma_start3A_101, %dma_start3A_102] : memref<10000x128xf32, #tpu.memory_space<vmem_shared>> -> memref<10000x128xf32, #tpu.memory_space<vmem_shared>>
          tpu.enqueue_indirect_dma source(%arg24 : memref<128x128xf32, #tpu.memory_space<vmem>>) target(%dma_start3A_103 : memref<10000x128xf32, #tpu.memory_space<vmem_shared>>) offsets(%dma_start3A_100 : memref<128xi32, #tpu.memory_space<vmem>>) semaphore(%run_scoped3A_97 : memref<!tpu.dma_semaphore, #tpu.memory_space<semaphore_mem>>) {add = true}
          %dma_wait3A_104 = arith.constant 0 : i32
          %dma_wait3A_105 = tpu.memref_slice %arg22[%run_scoped3A_96, %dma_wait3A_104] : memref<2x256xi32, #tpu.memory_space<vmem>> -> memref<1x128xi32, #tpu.memory_space<vmem>>
          %dma_wait3A_106 = tpu.memref_squeeze %dma_wait3A_105 : memref<1x128xi32, #tpu.memory_space<vmem>> -> memref<128xi32, #tpu.memory_space<vmem>>
          %dma_wait3A_107 = arith.constant 0 : i32
          %dma_wait3A_108 = arith.constant 0 : i32
          %dma_wait3A_109 = tpu.memref_slice %arg21[%dma_wait3A_107, %dma_wait3A_108] : memref<10000x128xf32, #tpu.memory_space<vmem_shared>> -> memref<10000x128xf32, #tpu.memory_space<vmem_shared>>
          tpu.wait_indirect_dma semaphore(%run_scoped3A_97 : memref<!tpu.dma_semaphore, #tpu.memory_space<semaphore_mem>>) src(%arg24 : memref<128x128xf32, #tpu.memory_space<vmem>>) dst(%dma_wait3A_109 : memref<10000x128xf32, #tpu.memory_space<vmem_shared>>)
          tpu.yield
        }) : () -> ()
      } else {
      }
    } else {
    }
    %barrier3A_13 = arith.constant 0 : index
    tpu.barrier barrier_id(%barrier3A_13)
    "tpu.region"() ({
      %run_scoped3A = tpu.sem_alloc : memref<!tpu.dma_semaphore, #tpu.memory_space<semaphore_mem>>
      %dma_start3A = arith.constant 0 : i32
      %dma_start3A_66 = tpu.memref_slice %arg18[%arg0, %mul3A_0, %dma_start3A] : memref<2x10000x128xf32, #tpu.memory_space<hbm>> -> memref<1x624x128xf32, #tpu.memory_space<hbm>>
      %dma_start3A_67 = tpu.memref_squeeze %dma_start3A_66 : memref<1x624x128xf32, #tpu.memory_space<hbm>> -> memref<624x128xf32, #tpu.memory_space<hbm>>
      %dma_start3A_68 = arith.constant 0 : i32
      %dma_start3A_69 = tpu.memref_slice %arg21[%mul3A_0, %dma_start3A_68] : memref<10000x128xf32, #tpu.memory_space<vmem_shared>> -> memref<624x128xf32, #tpu.memory_space<vmem_shared>>
      tpu.enqueue_dma source(%dma_start3A_69 : memref<624x128xf32, #tpu.memory_space<vmem_shared>>) target(%dma_start3A_67 : memref<624x128xf32, #tpu.memory_space<hbm>>) target_semaphore(%run_scoped3A : memref<!tpu.dma_semaphore, #tpu.memory_space<semaphore_mem>>)
      %dma_wait3A = arith.constant 0 : i32
      %dma_wait3A_70 = tpu.memref_slice %arg18[%arg0, %mul3A_0, %dma_wait3A] : memref<2x10000x128xf32, #tpu.memory_space<hbm>> -> memref<1x624x128xf32, #tpu.memory_space<hbm>>
      %dma_wait3A_71 = tpu.memref_squeeze %dma_wait3A_70 : memref<1x624x128xf32, #tpu.memory_space<hbm>> -> memref<624x128xf32, #tpu.memory_space<hbm>>
      %dma_wait3A_72 = arith.constant 0 : i32
      %dma_wait3A_73 = tpu.memref_slice %arg21[%mul3A_0, %dma_wait3A_72] : memref<10000x128xf32, #tpu.memory_space<vmem_shared>> -> memref<624x128xf32, #tpu.memory_space<vmem_shared>>
      tpu.wait_dma2 semaphore(%run_scoped3A : memref<!tpu.dma_semaphore, #tpu.memory_space<semaphore_mem>>) src(%dma_wait3A_73 : memref<624x128xf32, #tpu.memory_space<vmem_shared>>) dst(%dma_wait3A_71 : memref<624x128xf32, #tpu.memory_space<hbm>>)
      tpu.yield
    }) : () -> ()
    %eq3A_14 = arith.constant 15 : i32
    %eq3A_15 = arith.cmpi eq, %arg1, %eq3A_14 : i32
    %convert_element_type3A_16 = arith.extui %eq3A_15 : i1 to i32
    %cond3A_17 = arith.constant 0 : i32
    %cond3A_18 = arith.cmpi ne, %convert_element_type3A_16, %cond3A_17 : i32
    scf.if %cond3A_18 {
      "tpu.region"() ({
        %run_scoped3A = tpu.sem_alloc : memref<!tpu.dma_semaphore, #tpu.memory_space<semaphore_mem>>
        %dma_start3A = arith.constant 9984 : i32
        %dma_start3A_66 = arith.constant 0 : i32
        %dma_start3A_67 = tpu.memref_slice %arg18[%arg0, %dma_start3A, %dma_start3A_66] : memref<2x10000x128xf32, #tpu.memory_space<hbm>> -> memref<1x16x128xf32, #tpu.memory_space<hbm>>
        %dma_start3A_68 = tpu.memref_squeeze %dma_start3A_67 : memref<1x16x128xf32, #tpu.memory_space<hbm>> -> memref<16x128xf32, #tpu.memory_space<hbm>>
        %dma_start3A_69 = arith.constant 9984 : i32
        %dma_start3A_70 = arith.constant 0 : i32
        %dma_start3A_71 = tpu.memref_slice %arg21[%dma_start3A_69, %dma_start3A_70] : memref<10000x128xf32, #tpu.memory_space<vmem_shared>> -> memref<16x128xf32, #tpu.memory_space<vmem_shared>>
        tpu.enqueue_dma source(%dma_start3A_71 : memref<16x128xf32, #tpu.memory_space<vmem_shared>>) target(%dma_start3A_68 : memref<16x128xf32, #tpu.memory_space<hbm>>) target_semaphore(%run_scoped3A : memref<!tpu.dma_semaphore, #tpu.memory_space<semaphore_mem>>)
        %dma_wait3A = arith.constant 9984 : i32
        %dma_wait3A_72 = arith.constant 0 : i32
        %dma_wait3A_73 = tpu.memref_slice %arg18[%arg0, %dma_wait3A, %dma_wait3A_72] : memref<2x10000x128xf32, #tpu.memory_space<hbm>> -> memref<1x16x128xf32, #tpu.memory_space<hbm>>
        %dma_wait3A_74 = tpu.memref_squeeze %dma_wait3A_73 : memref<1x16x128xf32, #tpu.memory_space<hbm>> -> memref<16x128xf32, #tpu.memory_space<hbm>>
        %dma_wait3A_75 = arith.constant 9984 : i32
        %dma_wait3A_76 = arith.constant 0 : i32
        %dma_wait3A_77 = tpu.memref_slice %arg21[%dma_wait3A_75, %dma_wait3A_76] : memref<10000x128xf32, #tpu.memory_space<vmem_shared>> -> memref<16x128xf32, #tpu.memory_space<vmem_shared>>
        tpu.wait_dma2 semaphore(%run_scoped3A : memref<!tpu.dma_semaphore, #tpu.memory_space<semaphore_mem>>) src(%dma_wait3A_77 : memref<16x128xf32, #tpu.memory_space<vmem_shared>>) dst(%dma_wait3A_74 : memref<16x128xf32, #tpu.memory_space<hbm>>)
        tpu.yield
      }) : () -> ()
    } else {
    }
    %barrier3A_19 = arith.constant 0 : index
    tpu.barrier barrier_id(%barrier3A_19)
    "tpu.region"() ({
      %run_scoped3A = tpu.sem_alloc : memref<!tpu.dma_semaphore, #tpu.memory_space<semaphore_mem>>
      %dma_start3A = arith.constant 0 : i32
      %dma_start3A_66 = tpu.memref_slice %arg21[%mul3A_0, %dma_start3A] : memref<10000x128xf32, #tpu.memory_space<vmem_shared>> -> memref<624x128xf32, #tpu.memory_space<vmem_shared>>
      %dma_start3A_67 = arith.constant 0 : i32
      %dma_start3A_68 = tpu.memref_slice %arg17[%mul3A_0, %dma_start3A_67] : memref<10000x128xf32, #tpu.memory_space<hbm>> -> memref<624x128xf32, #tpu.memory_space<hbm>>
      tpu.enqueue_dma source(%dma_start3A_68 : memref<624x128xf32, #tpu.memory_space<hbm>>) target(%dma_start3A_66 : memref<624x128xf32, #tpu.memory_space<vmem_shared>>) target_semaphore(%run_scoped3A : memref<!tpu.dma_semaphore, #tpu.memory_space<semaphore_mem>>)
      %dma_wait3A = arith.constant 0 : i32
      %dma_wait3A_69 = tpu.memref_slice %arg21[%mul3A_0, %dma_wait3A] : memref<10000x128xf32, #tpu.memory_space<vmem_shared>> -> memref<624x128xf32, #tpu.memory_space<vmem_shared>>
      %dma_wait3A_70 = arith.constant 0 : i32
      %dma_wait3A_71 = tpu.memref_slice %arg17[%mul3A_0, %dma_wait3A_70] : memref<10000x128xf32, #tpu.memory_space<hbm>> -> memref<624x128xf32, #tpu.memory_space<hbm>>
      tpu.wait_dma2 semaphore(%run_scoped3A : memref<!tpu.dma_semaphore, #tpu.memory_space<semaphore_mem>>) src(%dma_wait3A_71 : memref<624x128xf32, #tpu.memory_space<hbm>>) dst(%dma_wait3A_69 : memref<624x128xf32, #tpu.memory_space<vmem_shared>>)
      tpu.yield
    }) : () -> ()
    %eq3A_20 = arith.constant 15 : i32
    %eq3A_21 = arith.cmpi eq, %arg1, %eq3A_20 : i32
    %convert_element_type3A_22 = arith.extui %eq3A_21 : i1 to i32
    %cond3A_23 = arith.constant 0 : i32
    %cond3A_24 = arith.cmpi ne, %convert_element_type3A_22, %cond3A_23 : i32
    scf.if %cond3A_24 {
      "tpu.region"() ({
        %run_scoped3A = tpu.sem_alloc : memref<!tpu.dma_semaphore, #tpu.memory_space<semaphore_mem>>
        %dma_start3A = arith.constant 9984 : i32
        %dma_start3A_66 = arith.constant 0 : i32
        %dma_start3A_67 = tpu.memref_slice %arg21[%dma_start3A, %dma_start3A_66] : memref<10000x128xf32, #tpu.memory_space<vmem_shared>> -> memref<16x128xf32, #tpu.memory_space<vmem_shared>>
        %dma_start3A_68 = arith.constant 9984 : i32
        %dma_start3A_69 = arith.constant 0 : i32
        %dma_start3A_70 = tpu.memref_slice %arg17[%dma_start3A_68, %dma_start3A_69] : memref<10000x128xf32, #tpu.memory_space<hbm>> -> memref<16x128xf32, #tpu.memory_space<hbm>>
        tpu.enqueue_dma source(%dma_start3A_70 : memref<16x128xf32, #tpu.memory_space<hbm>>) target(%dma_start3A_67 : memref<16x128xf32, #tpu.memory_space<vmem_shared>>) target_semaphore(%run_scoped3A : memref<!tpu.dma_semaphore, #tpu.memory_space<semaphore_mem>>)
        %dma_wait3A = arith.constant 9984 : i32
        %dma_wait3A_71 = arith.constant 0 : i32
        %dma_wait3A_72 = tpu.memref_slice %arg21[%dma_wait3A, %dma_wait3A_71] : memref<10000x128xf32, #tpu.memory_space<vmem_shared>> -> memref<16x128xf32, #tpu.memory_space<vmem_shared>>
        %dma_wait3A_73 = arith.constant 9984 : i32
        %dma_wait3A_74 = arith.constant 0 : i32
        %dma_wait3A_75 = tpu.memref_slice %arg17[%dma_wait3A_73, %dma_wait3A_74] : memref<10000x128xf32, #tpu.memory_space<hbm>> -> memref<16x128xf32, #tpu.memory_space<hbm>>
        tpu.wait_dma2 semaphore(%run_scoped3A : memref<!tpu.dma_semaphore, #tpu.memory_space<semaphore_mem>>) src(%dma_wait3A_75 : memref<16x128xf32, #tpu.memory_space<hbm>>) dst(%dma_wait3A_72 : memref<16x128xf32, #tpu.memory_space<vmem_shared>>)
        tpu.yield
      }) : () -> ()
    } else {
    }
    %barrier3A_25 = arith.constant 0 : index
    tpu.barrier barrier_id(%barrier3A_25)
    %eq3A_26 = arith.constant 0 : i32
    %eq3A_27 = arith.cmpi eq, %arg0, %eq3A_26 : i32
    %convert_element_type3A_28 = arith.extui %eq3A_27 : i1 to i32
    %cond3A_29 = arith.constant 0 : i32
    %cond3A_30 = arith.cmpi ne, %convert_element_type3A_28, %cond3A_29 : i32
    scf.if %cond3A_30 {
      %scan3A = arith.constant 0 : i32
      %scan3A_66 = arith.constant 0 : i32
      %scan3A_67 = arith.constant 78 : i32
      %scan3A_68 = arith.addi %scan3A_66, %scan3A_67 : i32
      %scan3A_69 = arith.constant 1 : i32
      scf.for %scan3A_75 = %scan3A_66 to %scan3A_68 step %scan3A_69  : i32 {
        %mul3A_76 = arith.constant 16 : i32
        %mul3A_77 = arith.muli %mul3A_76, %scan3A_75 : i32
        %add3A = arith.addi %arg1, %mul3A_77 : i32
        %mul3A_78 = arith.constant 256 : i32
        %mul3A_79 = arith.muli %add3A, %mul3A_78 : i32
        %dma_start3A = arith.constant 0 : i32
        %dma_start3A_80 = tpu.memref_slice %arg10[%mul3A_79, %dma_start3A] : memref<320000x128xf32, #tpu.memory_space<hbm>> -> memref<128x128xf32, #tpu.memory_space<hbm>>
        %dma_start3A_81 = arith.constant 0 : i32
        %dma_start3A_82 = tpu.memref_slice %arg10[%mul3A_79, %dma_start3A_81] : memref<320000x128xf32, #tpu.memory_space<hbm>> -> memref<128x128xf32, #tpu.memory_space<hbm>>
        tpu.enqueue_dma source(%dma_start3A_82 : memref<128x128xf32, #tpu.memory_space<hbm>>) target(%arg24 : memref<128x128xf32, #tpu.memory_space<vmem>>) target_semaphore(%arg27 : memref<!tpu.dma_semaphore, #tpu.memory_space<semaphore_mem>>)
        %dma_start3A_83 = arith.constant 0 : i32
        %dma_start3A_84 = tpu.memref_slice %arg8[%dma_start3A_83, %mul3A_79] : memref<2x320000xi32, #tpu.memory_space<hbm>> -> memref<2x256xi32, #tpu.memory_space<hbm>>
        %dma_start3A_85 = arith.constant 0 : i32
        %dma_start3A_86 = tpu.memref_slice %arg8[%dma_start3A_85, %mul3A_79] : memref<2x320000xi32, #tpu.memory_space<hbm>> -> memref<2x256xi32, #tpu.memory_space<hbm>>
        tpu.enqueue_dma source(%dma_start3A_86 : memref<2x256xi32, #tpu.memory_space<hbm>>) target(%arg22 : memref<2x256xi32, #tpu.memory_space<vmem>>) target_semaphore(%arg25 : memref<!tpu.dma_semaphore, #tpu.memory_space<semaphore_mem>>)
        %dma_wait3A = arith.constant 0 : i32
        %dma_wait3A_87 = tpu.memref_slice %arg8[%dma_wait3A, %mul3A_79] : memref<2x320000xi32, #tpu.memory_space<hbm>> -> memref<2x256xi32, #tpu.memory_space<hbm>>
        %dma_wait3A_88 = arith.constant 0 : i32
        %dma_wait3A_89 = tpu.memref_slice %arg8[%dma_wait3A_88, %mul3A_79] : memref<2x320000xi32, #tpu.memory_space<hbm>> -> memref<2x256xi32, #tpu.memory_space<hbm>>
        tpu.wait_dma2 semaphore(%arg25 : memref<!tpu.dma_semaphore, #tpu.memory_space<semaphore_mem>>) src(%dma_wait3A_89 : memref<2x256xi32, #tpu.memory_space<hbm>>) dst(%arg22 : memref<2x256xi32, #tpu.memory_space<vmem>>)
        %dma_start3A_90 = arith.constant 0 : i32
        %dma_start3A_91 = arith.constant 0 : i32
        %dma_start3A_92 = arith.constant 0 : i32
        %dma_start3A_93 = tpu.memref_slice %arg23[%dma_start3A_91, %dma_start3A_92] : memref<256x128xf32, #tpu.memory_space<vmem>> -> memref<128x128xf32, #tpu.memory_space<vmem>>
        %dma_start3A_94 = arith.constant 0 : i32
        %dma_start3A_95 = tpu.memref_slice %arg22[%dma_start3A_90, %dma_start3A_94] : memref<2x256xi32, #tpu.memory_space<vmem>> -> memref<1x128xi32, #tpu.memory_space<vmem>>
        %dma_start3A_96 = tpu.memref_squeeze %dma_start3A_95 : memref<1x128xi32, #tpu.memory_space<vmem>> -> memref<128xi32, #tpu.memory_space<vmem>>
        %dma_start3A_97 = arith.constant 0 : i32
        %dma_start3A_98 = arith.constant 0 : i32
        %dma_start3A_99 = tpu.memref_slice %arg7[%dma_start3A_97, %dma_start3A_98] : memref<10000x128xf32, #tpu.memory_space<hbm>> -> memref<10000x128xf32, #tpu.memory_space<hbm>>
        tpu.enqueue_indirect_dma source(%dma_start3A_99 : memref<10000x128xf32, #tpu.memory_space<hbm>>) target(%dma_start3A_93 : memref<128x128xf32, #tpu.memory_space<vmem>>) offsets(%dma_start3A_96 : memref<128xi32, #tpu.memory_space<vmem>>) semaphore(%arg26 : memref<!tpu.dma_semaphore, #tpu.memory_space<semaphore_mem>>)
        %dma_start3A_100 = arith.constant 0 : i32
        %dma_start3A_101 = arith.constant 128 : i32
        %dma_start3A_102 = arith.constant 0 : i32
        %dma_start3A_103 = tpu.memref_slice %arg23[%dma_start3A_101, %dma_start3A_102] : memref<256x128xf32, #tpu.memory_space<vmem>> -> memref<128x128xf32, #tpu.memory_space<vmem>>
        %dma_start3A_104 = arith.constant 128 : i32
        %dma_start3A_105 = tpu.memref_slice %arg22[%dma_start3A_100, %dma_start3A_104] : memref<2x256xi32, #tpu.memory_space<vmem>> -> memref<1x128xi32, #tpu.memory_space<vmem>>
        %dma_start3A_106 = tpu.memref_squeeze %dma_start3A_105 : memref<1x128xi32, #tpu.memory_space<vmem>> -> memref<128xi32, #tpu.memory_space<vmem>>
        %dma_start3A_107 = arith.constant 0 : i32
        %dma_start3A_108 = arith.constant 0 : i32
        %dma_start3A_109 = tpu.memref_slice %arg7[%dma_start3A_107, %dma_start3A_108] : memref<10000x128xf32, #tpu.memory_space<hbm>> -> memref<10000x128xf32, #tpu.memory_space<hbm>>
        tpu.enqueue_indirect_dma source(%dma_start3A_109 : memref<10000x128xf32, #tpu.memory_space<hbm>>) target(%dma_start3A_103 : memref<128x128xf32, #tpu.memory_space<vmem>>) offsets(%dma_start3A_106 : memref<128xi32, #tpu.memory_space<vmem>>) semaphore(%arg26 : memref<!tpu.dma_semaphore, #tpu.memory_space<semaphore_mem>>)
        %dma_wait3A_110 = arith.constant 0 : i32
        %dma_wait3A_111 = arith.constant 0 : i32
        %dma_wait3A_112 = arith.constant 0 : i32
        %dma_wait3A_113 = tpu.memref_slice %arg23[%dma_wait3A_111, %dma_wait3A_112] : memref<256x128xf32, #tpu.memory_space<vmem>> -> memref<128x128xf32, #tpu.memory_space<vmem>>
        %dma_wait3A_114 = arith.constant 0 : i32
        %dma_wait3A_115 = tpu.memref_slice %arg22[%dma_wait3A_110, %dma_wait3A_114] : memref<2x256xi32, #tpu.memory_space<vmem>> -> memref<1x128xi32, #tpu.memory_space<vmem>>
        %dma_wait3A_116 = tpu.memref_squeeze %dma_wait3A_115 : memref<1x128xi32, #tpu.memory_space<vmem>> -> memref<128xi32, #tpu.memory_space<vmem>>
        %dma_wait3A_117 = arith.constant 0 : i32
        %dma_wait3A_118 = arith.constant 0 : i32
        %dma_wait3A_119 = tpu.memref_slice %arg7[%dma_wait3A_117, %dma_wait3A_118] : memref<10000x128xf32, #tpu.memory_space<hbm>> -> memref<10000x128xf32, #tpu.memory_space<hbm>>
        tpu.wait_indirect_dma semaphore(%arg26 : memref<!tpu.dma_semaphore, #tpu.memory_space<semaphore_mem>>) src(%dma_wait3A_119 : memref<10000x128xf32, #tpu.memory_space<hbm>>) dst(%dma_wait3A_113 : memref<128x128xf32, #tpu.memory_space<vmem>>)
        %dma_start3A_120 = arith.constant 1 : i32
        %dma_start3A_121 = arith.constant 0 : i32
        %dma_start3A_122 = arith.constant 0 : i32
        %dma_start3A_123 = tpu.memref_slice %arg23[%dma_start3A_121, %dma_start3A_122] : memref<256x128xf32, #tpu.memory_space<vmem>> -> memref<128x128xf32, #tpu.memory_space<vmem>>
        %dma_start3A_124 = arith.constant 0 : i32
        %dma_start3A_125 = tpu.memref_slice %arg22[%dma_start3A_120, %dma_start3A_124] : memref<2x256xi32, #tpu.memory_space<vmem>> -> memref<1x128xi32, #tpu.memory_space<vmem>>
        %dma_start3A_126 = tpu.memref_squeeze %dma_start3A_125 : memref<1x128xi32, #tpu.memory_space<vmem>> -> memref<128xi32, #tpu.memory_space<vmem>>
        %dma_start3A_127 = arith.constant 0 : i32
        %dma_start3A_128 = arith.constant 0 : i32
        %dma_start3A_129 = tpu.memref_slice %arg21[%dma_start3A_127, %dma_start3A_128] : memref<10000x128xf32, #tpu.memory_space<vmem_shared>> -> memref<10000x128xf32, #tpu.memory_space<vmem_shared>>
        tpu.enqueue_indirect_dma source(%dma_start3A_123 : memref<128x128xf32, #tpu.memory_space<vmem>>) target(%dma_start3A_129 : memref<10000x128xf32, #tpu.memory_space<vmem_shared>>) offsets(%dma_start3A_126 : memref<128xi32, #tpu.memory_space<vmem>>) semaphore(%arg28 : memref<!tpu.dma_semaphore, #tpu.memory_space<semaphore_mem>>) {add = true}
        %dma_wait3A_130 = arith.constant 0 : i32
        %dma_wait3A_131 = tpu.memref_slice %arg10[%mul3A_79, %dma_wait3A_130] : memref<320000x128xf32, #tpu.memory_space<hbm>> -> memref<128x128xf32, #tpu.memory_space<hbm>>
        %dma_wait3A_132 = arith.constant 0 : i32
        %dma_wait3A_133 = tpu.memref_slice %arg10[%mul3A_79, %dma_wait3A_132] : memref<320000x128xf32, #tpu.memory_space<hbm>> -> memref<128x128xf32, #tpu.memory_space<hbm>>
        tpu.wait_dma2 semaphore(%arg27 : memref<!tpu.dma_semaphore, #tpu.memory_space<semaphore_mem>>) src(%dma_wait3A_133 : memref<128x128xf32, #tpu.memory_space<hbm>>) dst(%arg24 : memref<128x128xf32, #tpu.memory_space<vmem>>)
        %dma_start3A_134 = arith.constant 1 : i32
        %dma_start3A_135 = arith.constant 0 : i32
        %dma_start3A_136 = tpu.memref_slice %arg22[%dma_start3A_134, %dma_start3A_135] : memref<2x256xi32, #tpu.memory_space<vmem>> -> memref<1x128xi32, #tpu.memory_space<vmem>>
        %dma_start3A_137 = tpu.memref_squeeze %dma_start3A_136 : memref<1x128xi32, #tpu.memory_space<vmem>> -> memref<128xi32, #tpu.memory_space<vmem>>
        %dma_start3A_138 = arith.constant 0 : i32
        %dma_start3A_139 = arith.constant 0 : i32
        %dma_start3A_140 = tpu.memref_slice %arg21[%dma_start3A_138, %dma_start3A_139] : memref<10000x128xf32, #tpu.memory_space<vmem_shared>> -> memref<10000x128xf32, #tpu.memory_space<vmem_shared>>
        tpu.enqueue_indirect_dma source(%arg24 : memref<128x128xf32, #tpu.memory_space<vmem>>) target(%dma_start3A_140 : memref<10000x128xf32, #tpu.memory_space<vmem_shared>>) offsets(%dma_start3A_137 : memref<128xi32, #tpu.memory_space<vmem>>) semaphore(%arg29 : memref<!tpu.dma_semaphore, #tpu.memory_space<semaphore_mem>>) {add = true}
        %dma_wait3A_141 = arith.constant 0 : i32
        %dma_wait3A_142 = arith.constant 128 : i32
        %dma_wait3A_143 = arith.constant 0 : i32
        %dma_wait3A_144 = tpu.memref_slice %arg23[%dma_wait3A_142, %dma_wait3A_143] : memref<256x128xf32, #tpu.memory_space<vmem>> -> memref<128x128xf32, #tpu.memory_space<vmem>>
        %dma_wait3A_145 = arith.constant 128 : i32
        %dma_wait3A_146 = tpu.memref_slice %arg22[%dma_wait3A_141, %dma_wait3A_145] : memref<2x256xi32, #tpu.memory_space<vmem>> -> memref<1x128xi32, #tpu.memory_space<vmem>>
        %dma_wait3A_147 = tpu.memref_squeeze %dma_wait3A_146 : memref<1x128xi32, #tpu.memory_space<vmem>> -> memref<128xi32, #tpu.memory_space<vmem>>
        %dma_wait3A_148 = arith.constant 0 : i32
        %dma_wait3A_149 = arith.constant 0 : i32
        %dma_wait3A_150 = tpu.memref_slice %arg7[%dma_wait3A_148, %dma_wait3A_149] : memref<10000x128xf32, #tpu.memory_space<hbm>> -> memref<10000x128xf32, #tpu.memory_space<hbm>>
        tpu.wait_indirect_dma semaphore(%arg26 : memref<!tpu.dma_semaphore, #tpu.memory_space<semaphore_mem>>) src(%dma_wait3A_150 : memref<10000x128xf32, #tpu.memory_space<hbm>>) dst(%dma_wait3A_144 : memref<128x128xf32, #tpu.memory_space<vmem>>)
        %dma_start3A_151 = arith.constant 1 : i32
        %dma_start3A_152 = arith.constant 128 : i32
        %dma_start3A_153 = arith.constant 0 : i32
        %dma_start3A_154 = tpu.memref_slice %arg23[%dma_start3A_152, %dma_start3A_153] : memref<256x128xf32, #tpu.memory_space<vmem>> -> memref<128x128xf32, #tpu.memory_space<vmem>>
        %dma_start3A_155 = arith.constant 128 : i32
        %dma_start3A_156 = tpu.memref_slice %arg22[%dma_start3A_151, %dma_start3A_155] : memref<2x256xi32, #tpu.memory_space<vmem>> -> memref<1x128xi32, #tpu.memory_space<vmem>>
        %dma_start3A_157 = tpu.memref_squeeze %dma_start3A_156 : memref<1x128xi32, #tpu.memory_space<vmem>> -> memref<128xi32, #tpu.memory_space<vmem>>
        %dma_start3A_158 = arith.constant 0 : i32
        %dma_start3A_159 = arith.constant 0 : i32
        %dma_start3A_160 = tpu.memref_slice %arg21[%dma_start3A_158, %dma_start3A_159] : memref<10000x128xf32, #tpu.memory_space<vmem_shared>> -> memref<10000x128xf32, #tpu.memory_space<vmem_shared>>
        tpu.enqueue_indirect_dma source(%dma_start3A_154 : memref<128x128xf32, #tpu.memory_space<vmem>>) target(%dma_start3A_160 : memref<10000x128xf32, #tpu.memory_space<vmem_shared>>) offsets(%dma_start3A_157 : memref<128xi32, #tpu.memory_space<vmem>>) semaphore(%arg28 : memref<!tpu.dma_semaphore, #tpu.memory_space<semaphore_mem>>) {add = true}
        %dma_wait3A_161 = arith.constant 1 : i32
        %dma_wait3A_162 = arith.constant 0 : i32
        %dma_wait3A_163 = arith.constant 0 : i32
        %dma_wait3A_164 = tpu.memref_slice %arg23[%dma_wait3A_162, %dma_wait3A_163] : memref<256x128xf32, #tpu.memory_space<vmem>> -> memref<128x128xf32, #tpu.memory_space<vmem>>
        %dma_wait3A_165 = arith.constant 0 : i32
        %dma_wait3A_166 = tpu.memref_slice %arg22[%dma_wait3A_161, %dma_wait3A_165] : memref<2x256xi32, #tpu.memory_space<vmem>> -> memref<1x128xi32, #tpu.memory_space<vmem>>
        %dma_wait3A_167 = tpu.memref_squeeze %dma_wait3A_166 : memref<1x128xi32, #tpu.memory_space<vmem>> -> memref<128xi32, #tpu.memory_space<vmem>>
        %dma_wait3A_168 = arith.constant 0 : i32
        %dma_wait3A_169 = arith.constant 0 : i32
        %dma_wait3A_170 = tpu.memref_slice %arg21[%dma_wait3A_168, %dma_wait3A_169] : memref<10000x128xf32, #tpu.memory_space<vmem_shared>> -> memref<10000x128xf32, #tpu.memory_space<vmem_shared>>
        tpu.wait_indirect_dma semaphore(%arg28 : memref<!tpu.dma_semaphore, #tpu.memory_space<semaphore_mem>>) src(%dma_wait3A_164 : memref<128x128xf32, #tpu.memory_space<vmem>>) dst(%dma_wait3A_170 : memref<10000x128xf32, #tpu.memory_space<vmem_shared>>)
        %add3A_171 = arith.constant 128 : i32
        %add3A_172 = arith.addi %mul3A_79, %add3A_171 : i32
        %dma_start3A_173 = arith.constant 0 : i32
        %dma_start3A_174 = arith.constant 0 : i32
        %dma_start3A_175 = tpu.memref_slice %arg23[%dma_start3A_173, %dma_start3A_174] : memref<256x128xf32, #tpu.memory_space<vmem>> -> memref<128x128xf32, #tpu.memory_space<vmem>>
        %dma_start3A_176 = arith.constant 0 : i32
        %dma_start3A_177 = tpu.memref_slice %arg10[%add3A_172, %dma_start3A_176] : memref<320000x128xf32, #tpu.memory_space<hbm>> -> memref<128x128xf32, #tpu.memory_space<hbm>>
        %dma_start3A_178 = arith.constant 0 : i32
        %dma_start3A_179 = arith.constant 0 : i32
        %dma_start3A_180 = tpu.memref_slice %arg23[%dma_start3A_178, %dma_start3A_179] : memref<256x128xf32, #tpu.memory_space<vmem>> -> memref<128x128xf32, #tpu.memory_space<vmem>>
        %dma_start3A_181 = arith.constant 0 : i32
        %dma_start3A_182 = tpu.memref_slice %arg10[%add3A_172, %dma_start3A_181] : memref<320000x128xf32, #tpu.memory_space<hbm>> -> memref<128x128xf32, #tpu.memory_space<hbm>>
        tpu.enqueue_dma source(%dma_start3A_182 : memref<128x128xf32, #tpu.memory_space<hbm>>) target(%dma_start3A_180 : memref<128x128xf32, #tpu.memory_space<vmem>>) target_semaphore(%arg27 : memref<!tpu.dma_semaphore, #tpu.memory_space<semaphore_mem>>)
        %dma_wait3A_183 = arith.constant 0 : i32
        %dma_wait3A_184 = arith.constant 0 : i32
        %dma_wait3A_185 = tpu.memref_slice %arg23[%dma_wait3A_183, %dma_wait3A_184] : memref<256x128xf32, #tpu.memory_space<vmem>> -> memref<128x128xf32, #tpu.memory_space<vmem>>
        %dma_wait3A_186 = arith.constant 0 : i32
        %dma_wait3A_187 = tpu.memref_slice %arg10[%add3A_172, %dma_wait3A_186] : memref<320000x128xf32, #tpu.memory_space<hbm>> -> memref<128x128xf32, #tpu.memory_space<hbm>>
        %dma_wait3A_188 = arith.constant 0 : i32
        %dma_wait3A_189 = arith.constant 0 : i32
        %dma_wait3A_190 = tpu.memref_slice %arg23[%dma_wait3A_188, %dma_wait3A_189] : memref<256x128xf32, #tpu.memory_space<vmem>> -> memref<128x128xf32, #tpu.memory_space<vmem>>
        %dma_wait3A_191 = arith.constant 0 : i32
        %dma_wait3A_192 = tpu.memref_slice %arg10[%add3A_172, %dma_wait3A_191] : memref<320000x128xf32, #tpu.memory_space<hbm>> -> memref<128x128xf32, #tpu.memory_space<hbm>>
        tpu.wait_dma2 semaphore(%arg27 : memref<!tpu.dma_semaphore, #tpu.memory_space<semaphore_mem>>) src(%dma_wait3A_192 : memref<128x128xf32, #tpu.memory_space<hbm>>) dst(%dma_wait3A_190 : memref<128x128xf32, #tpu.memory_space<vmem>>)
        %dma_start3A_193 = arith.constant 1 : i32
        %dma_start3A_194 = arith.constant 0 : i32
        %dma_start3A_195 = arith.constant 0 : i32
        %dma_start3A_196 = tpu.memref_slice %arg23[%dma_start3A_194, %dma_start3A_195] : memref<256x128xf32, #tpu.memory_space<vmem>> -> memref<128x128xf32, #tpu.memory_space<vmem>>
        %dma_start3A_197 = arith.constant 128 : i32
        %dma_start3A_198 = tpu.memref_slice %arg22[%dma_start3A_193, %dma_start3A_197] : memref<2x256xi32, #tpu.memory_space<vmem>> -> memref<1x128xi32, #tpu.memory_space<vmem>>
        %dma_start3A_199 = tpu.memref_squeeze %dma_start3A_198 : memref<1x128xi32, #tpu.memory_space<vmem>> -> memref<128xi32, #tpu.memory_space<vmem>>
        %dma_start3A_200 = arith.constant 0 : i32
        %dma_start3A_201 = arith.constant 0 : i32
        %dma_start3A_202 = tpu.memref_slice %arg21[%dma_start3A_200, %dma_start3A_201] : memref<10000x128xf32, #tpu.memory_space<vmem_shared>> -> memref<10000x128xf32, #tpu.memory_space<vmem_shared>>
        tpu.enqueue_indirect_dma source(%dma_start3A_196 : memref<128x128xf32, #tpu.memory_space<vmem>>) target(%dma_start3A_202 : memref<10000x128xf32, #tpu.memory_space<vmem_shared>>) offsets(%dma_start3A_199 : memref<128xi32, #tpu.memory_space<vmem>>) semaphore(%arg29 : memref<!tpu.dma_semaphore, #tpu.memory_space<semaphore_mem>>) {add = true}
        %dma_wait3A_203 = arith.constant 1 : i32
        %dma_wait3A_204 = arith.constant 128 : i32
        %dma_wait3A_205 = arith.constant 0 : i32
        %dma_wait3A_206 = tpu.memref_slice %arg23[%dma_wait3A_204, %dma_wait3A_205] : memref<256x128xf32, #tpu.memory_space<vmem>> -> memref<128x128xf32, #tpu.memory_space<vmem>>
        %dma_wait3A_207 = arith.constant 128 : i32
        %dma_wait3A_208 = tpu.memref_slice %arg22[%dma_wait3A_203, %dma_wait3A_207] : memref<2x256xi32, #tpu.memory_space<vmem>> -> memref<1x128xi32, #tpu.memory_space<vmem>>
        %dma_wait3A_209 = tpu.memref_squeeze %dma_wait3A_208 : memref<1x128xi32, #tpu.memory_space<vmem>> -> memref<128xi32, #tpu.memory_space<vmem>>
        %dma_wait3A_210 = arith.constant 0 : i32
        %dma_wait3A_211 = arith.constant 0 : i32
        %dma_wait3A_212 = tpu.memref_slice %arg21[%dma_wait3A_210, %dma_wait3A_211] : memref<10000x128xf32, #tpu.memory_space<vmem_shared>> -> memref<10000x128xf32, #tpu.memory_space<vmem_shared>>
        tpu.wait_indirect_dma semaphore(%arg28 : memref<!tpu.dma_semaphore, #tpu.memory_space<semaphore_mem>>) src(%dma_wait3A_206 : memref<128x128xf32, #tpu.memory_space<vmem>>) dst(%dma_wait3A_212 : memref<10000x128xf32, #tpu.memory_space<vmem_shared>>)
        %dma_wait3A_213 = arith.constant 1 : i32
        %dma_wait3A_214 = arith.constant 0 : i32
        %dma_wait3A_215 = tpu.memref_slice %arg22[%dma_wait3A_213, %dma_wait3A_214] : memref<2x256xi32, #tpu.memory_space<vmem>> -> memref<1x128xi32, #tpu.memory_space<vmem>>
        %dma_wait3A_216 = tpu.memref_squeeze %dma_wait3A_215 : memref<1x128xi32, #tpu.memory_space<vmem>> -> memref<128xi32, #tpu.memory_space<vmem>>
        %dma_wait3A_217 = arith.constant 0 : i32
        %dma_wait3A_218 = arith.constant 0 : i32
        %dma_wait3A_219 = tpu.memref_slice %arg21[%dma_wait3A_217, %dma_wait3A_218] : memref<10000x128xf32, #tpu.memory_space<vmem_shared>> -> memref<10000x128xf32, #tpu.memory_space<vmem_shared>>
        tpu.wait_indirect_dma semaphore(%arg29 : memref<!tpu.dma_semaphore, #tpu.memory_space<semaphore_mem>>) src(%arg24 : memref<128x128xf32, #tpu.memory_space<vmem>>) dst(%dma_wait3A_219 : memref<10000x128xf32, #tpu.memory_space<vmem_shared>>)
        %dma_wait3A_220 = arith.constant 1 : i32
        %dma_wait3A_221 = arith.constant 0 : i32
        %dma_wait3A_222 = arith.constant 0 : i32
        %dma_wait3A_223 = tpu.memref_slice %arg23[%dma_wait3A_221, %dma_wait3A_222] : memref<256x128xf32, #tpu.memory_space<vmem>> -> memref<128x128xf32, #tpu.memory_space<vmem>>
        %dma_wait3A_224 = arith.constant 128 : i32
        %dma_wait3A_225 = tpu.memref_slice %arg22[%dma_wait3A_220, %dma_wait3A_224] : memref<2x256xi32, #tpu.memory_space<vmem>> -> memref<1x128xi32, #tpu.memory_space<vmem>>
        %dma_wait3A_226 = tpu.memref_squeeze %dma_wait3A_225 : memref<1x128xi32, #tpu.memory_space<vmem>> -> memref<128xi32, #tpu.memory_space<vmem>>
        %dma_wait3A_227 = arith.constant 0 : i32
        %dma_wait3A_228 = arith.constant 0 : i32
        %dma_wait3A_229 = tpu.memref_slice %arg21[%dma_wait3A_227, %dma_wait3A_228] : memref<10000x128xf32, #tpu.memory_space<vmem_shared>> -> memref<10000x128xf32, #tpu.memory_space<vmem_shared>>
        tpu.wait_indirect_dma semaphore(%arg29 : memref<!tpu.dma_semaphore, #tpu.memory_space<semaphore_mem>>) src(%dma_wait3A_223 : memref<128x128xf32, #tpu.memory_space<vmem>>) dst(%dma_wait3A_229 : memref<10000x128xf32, #tpu.memory_space<vmem_shared>>)
      }
      %scan3A_70 = arith.constant 78 : i32
      %lt3A = arith.constant 4 : i32
      %lt3A_71 = arith.cmpi slt, %arg1, %lt3A : i32
      %convert_element_type3A_72 = arith.extui %lt3A_71 : i1 to i32
      %cond3A_73 = arith.constant 0 : i32
      %cond3A_74 = arith.cmpi ne, %convert_element_type3A_72, %cond3A_73 : i32
      scf.if %cond3A_74 {
        %add3A = arith.constant 2496 : i32
        %add3A_75 = arith.addi %add3A, %arg1 : i32
        %mul3A_76 = arith.constant 128 : i32
        %mul3A_77 = arith.muli %add3A_75, %mul3A_76 : i32
        "tpu.region"() ({
          %run_scoped3A_97 = tpu.sem_alloc : memref<!tpu.dma_semaphore, #tpu.memory_space<semaphore_mem>>
          %dma_start3A_98 = arith.constant 0 : i32
          %dma_start3A_99 = arith.constant 0 : i32
          %dma_start3A_100 = tpu.memref_slice %arg22[%dma_start3A_98, %dma_start3A_99] : memref<2x256xi32, #tpu.memory_space<vmem>> -> memref<2x128xi32, #tpu.memory_space<vmem>>
          %dma_start3A_101 = arith.constant 0 : i32
          %dma_start3A_102 = tpu.memref_slice %arg8[%dma_start3A_101, %mul3A_77] : memref<2x320000xi32, #tpu.memory_space<hbm>> -> memref<2x128xi32, #tpu.memory_space<hbm>>
          %dma_start3A_103 = arith.constant 0 : i32
          %dma_start3A_104 = arith.constant 0 : i32
          %dma_start3A_105 = tpu.memref_slice %arg22[%dma_start3A_103, %dma_start3A_104] : memref<2x256xi32, #tpu.memory_space<vmem>> -> memref<2x128xi32, #tpu.memory_space<vmem>>
          %dma_start3A_106 = arith.constant 0 : i32
          %dma_start3A_107 = tpu.memref_slice %arg8[%dma_start3A_106, %mul3A_77] : memref<2x320000xi32, #tpu.memory_space<hbm>> -> memref<2x128xi32, #tpu.memory_space<hbm>>
          tpu.enqueue_dma source(%dma_start3A_107 : memref<2x128xi32, #tpu.memory_space<hbm>>) target(%dma_start3A_105 : memref<2x128xi32, #tpu.memory_space<vmem>>) target_semaphore(%run_scoped3A_97 : memref<!tpu.dma_semaphore, #tpu.memory_space<semaphore_mem>>)
          %dma_wait3A_108 = arith.constant 0 : i32
          %dma_wait3A_109 = arith.constant 0 : i32
          %dma_wait3A_110 = tpu.memref_slice %arg22[%dma_wait3A_108, %dma_wait3A_109] : memref<2x256xi32, #tpu.memory_space<vmem>> -> memref<2x128xi32, #tpu.memory_space<vmem>>
          %dma_wait3A_111 = arith.constant 0 : i32
          %dma_wait3A_112 = tpu.memref_slice %arg8[%dma_wait3A_111, %mul3A_77] : memref<2x320000xi32, #tpu.memory_space<hbm>> -> memref<2x128xi32, #tpu.memory_space<hbm>>
          %dma_wait3A_113 = arith.constant 0 : i32
          %dma_wait3A_114 = arith.constant 0 : i32
          %dma_wait3A_115 = tpu.memref_slice %arg22[%dma_wait3A_113, %dma_wait3A_114] : memref<2x256xi32, #tpu.memory_space<vmem>> -> memref<2x128xi32, #tpu.memory_space<vmem>>
          %dma_wait3A_116 = arith.constant 0 : i32
          %dma_wait3A_117 = tpu.memref_slice %arg8[%dma_wait3A_116, %mul3A_77] : memref<2x320000xi32, #tpu.memory_space<hbm>> -> memref<2x128xi32, #tpu.memory_space<hbm>>
          tpu.wait_dma2 semaphore(%run_scoped3A_97 : memref<!tpu.dma_semaphore, #tpu.memory_space<semaphore_mem>>) src(%dma_wait3A_117 : memref<2x128xi32, #tpu.memory_space<hbm>>) dst(%dma_wait3A_115 : memref<2x128xi32, #tpu.memory_space<vmem>>)
          tpu.yield
        }) : () -> ()
        %dma_start3A = arith.constant 0 : i32
        %dma_start3A_78 = arith.constant 0 : i32
        %dma_start3A_79 = arith.constant 0 : i32
        %dma_start3A_80 = tpu.memref_slice %arg23[%dma_start3A_78, %dma_start3A_79] : memref<256x128xf32, #tpu.memory_space<vmem>> -> memref<128x128xf32, #tpu.memory_space<vmem>>
        %dma_start3A_81 = arith.constant 0 : i32
        %dma_start3A_82 = tpu.memref_slice %arg22[%dma_start3A, %dma_start3A_81] : memref<2x256xi32, #tpu.memory_space<vmem>> -> memref<1x128xi32, #tpu.memory_space<vmem>>
        %dma_start3A_83 = tpu.memref_squeeze %dma_start3A_82 : memref<1x128xi32, #tpu.memory_space<vmem>> -> memref<128xi32, #tpu.memory_space<vmem>>
        %dma_start3A_84 = arith.constant 0 : i32
        %dma_start3A_85 = arith.constant 0 : i32
        %dma_start3A_86 = tpu.memref_slice %arg7[%dma_start3A_84, %dma_start3A_85] : memref<10000x128xf32, #tpu.memory_space<hbm>> -> memref<10000x128xf32, #tpu.memory_space<hbm>>
        tpu.enqueue_indirect_dma source(%dma_start3A_86 : memref<10000x128xf32, #tpu.memory_space<hbm>>) target(%dma_start3A_80 : memref<128x128xf32, #tpu.memory_space<vmem>>) offsets(%dma_start3A_83 : memref<128xi32, #tpu.memory_space<vmem>>) semaphore(%arg26 : memref<!tpu.dma_semaphore, #tpu.memory_space<semaphore_mem>>)
        %dma_wait3A = arith.constant 0 : i32
        %dma_wait3A_87 = arith.constant 0 : i32
        %dma_wait3A_88 = arith.constant 0 : i32
        %dma_wait3A_89 = tpu.memref_slice %arg23[%dma_wait3A_87, %dma_wait3A_88] : memref<256x128xf32, #tpu.memory_space<vmem>> -> memref<128x128xf32, #tpu.memory_space<vmem>>
        %dma_wait3A_90 = arith.constant 0 : i32
        %dma_wait3A_91 = tpu.memref_slice %arg22[%dma_wait3A, %dma_wait3A_90] : memref<2x256xi32, #tpu.memory_space<vmem>> -> memref<1x128xi32, #tpu.memory_space<vmem>>
        %dma_wait3A_92 = tpu.memref_squeeze %dma_wait3A_91 : memref<1x128xi32, #tpu.memory_space<vmem>> -> memref<128xi32, #tpu.memory_space<vmem>>
        %dma_wait3A_93 = arith.constant 0 : i32
        %dma_wait3A_94 = arith.constant 0 : i32
        %dma_wait3A_95 = tpu.memref_slice %arg7[%dma_wait3A_93, %dma_wait3A_94] : memref<10000x128xf32, #tpu.memory_space<hbm>> -> memref<10000x128xf32, #tpu.memory_space<hbm>>
        tpu.wait_indirect_dma semaphore(%arg26 : memref<!tpu.dma_semaphore, #tpu.memory_space<semaphore_mem>>) src(%dma_wait3A_95 : memref<10000x128xf32, #tpu.memory_space<hbm>>) dst(%dma_wait3A_89 : memref<128x128xf32, #tpu.memory_space<vmem>>)
        %run_scoped3A = arith.constant 1 : i32
        "tpu.region"() ({
          %run_scoped3A_97 = tpu.sem_alloc : memref<!tpu.dma_semaphore, #tpu.memory_space<semaphore_mem>>
          %dma_start3A_98 = arith.constant 0 : i32
          %dma_start3A_99 = arith.constant 0 : i32
          %dma_start3A_100 = tpu.memref_slice %arg23[%dma_start3A_98, %dma_start3A_99] : memref<256x128xf32, #tpu.memory_space<vmem>> -> memref<128x128xf32, #tpu.memory_space<vmem>>
          %dma_start3A_101 = arith.constant 0 : i32
          %dma_start3A_102 = tpu.memref_slice %arg22[%run_scoped3A, %dma_start3A_101] : memref<2x256xi32, #tpu.memory_space<vmem>> -> memref<1x128xi32, #tpu.memory_space<vmem>>
          %dma_start3A_103 = tpu.memref_squeeze %dma_start3A_102 : memref<1x128xi32, #tpu.memory_space<vmem>> -> memref<128xi32, #tpu.memory_space<vmem>>
          %dma_start3A_104 = arith.constant 0 : i32
          %dma_start3A_105 = arith.constant 0 : i32
          %dma_start3A_106 = tpu.memref_slice %arg21[%dma_start3A_104, %dma_start3A_105] : memref<10000x128xf32, #tpu.memory_space<vmem_shared>> -> memref<10000x128xf32, #tpu.memory_space<vmem_shared>>
          tpu.enqueue_indirect_dma source(%dma_start3A_100 : memref<128x128xf32, #tpu.memory_space<vmem>>) target(%dma_start3A_106 : memref<10000x128xf32, #tpu.memory_space<vmem_shared>>) offsets(%dma_start3A_103 : memref<128xi32, #tpu.memory_space<vmem>>) semaphore(%run_scoped3A_97 : memref<!tpu.dma_semaphore, #tpu.memory_space<semaphore_mem>>) {add = true}
          %dma_wait3A_107 = arith.constant 0 : i32
          %dma_wait3A_108 = arith.constant 0 : i32
          %dma_wait3A_109 = tpu.memref_slice %arg23[%dma_wait3A_107, %dma_wait3A_108] : memref<256x128xf32, #tpu.memory_space<vmem>> -> memref<128x128xf32, #tpu.memory_space<vmem>>
          %dma_wait3A_110 = arith.constant 0 : i32
          %dma_wait3A_111 = tpu.memref_slice %arg22[%run_scoped3A, %dma_wait3A_110] : memref<2x256xi32, #tpu.memory_space<vmem>> -> memref<1x128xi32, #tpu.memory_space<vmem>>
          %dma_wait3A_112 = tpu.memref_squeeze %dma_wait3A_111 : memref<1x128xi32, #tpu.memory_space<vmem>> -> memref<128xi32, #tpu.memory_space<vmem>>
          %dma_wait3A_113 = arith.constant 0 : i32
          %dma_wait3A_114 = arith.constant 0 : i32
          %dma_wait3A_115 = tpu.memref_slice %arg21[%dma_wait3A_113, %dma_wait3A_114] : memref<10000x128xf32, #tpu.memory_space<vmem_shared>> -> memref<10000x128xf32, #tpu.memory_space<vmem_shared>>
          tpu.wait_indirect_dma semaphore(%run_scoped3A_97 : memref<!tpu.dma_semaphore, #tpu.memory_space<semaphore_mem>>) src(%dma_wait3A_109 : memref<128x128xf32, #tpu.memory_space<vmem>>) dst(%dma_wait3A_115 : memref<10000x128xf32, #tpu.memory_space<vmem_shared>>)
          tpu.yield
        }) : () -> ()
        "tpu.region"() ({
          %run_scoped3A_97 = tpu.sem_alloc : memref<!tpu.dma_semaphore, #tpu.memory_space<semaphore_mem>>
          %dma_start3A_98 = arith.constant 0 : i32
          %dma_start3A_99 = tpu.memref_slice %arg10[%mul3A_77, %dma_start3A_98] : memref<320000x128xf32, #tpu.memory_space<hbm>> -> memref<128x128xf32, #tpu.memory_space<hbm>>
          %dma_start3A_100 = arith.constant 0 : i32
          %dma_start3A_101 = tpu.memref_slice %arg10[%mul3A_77, %dma_start3A_100] : memref<320000x128xf32, #tpu.memory_space<hbm>> -> memref<128x128xf32, #tpu.memory_space<hbm>>
          tpu.enqueue_dma source(%dma_start3A_101 : memref<128x128xf32, #tpu.memory_space<hbm>>) target(%arg24 : memref<128x128xf32, #tpu.memory_space<vmem>>) target_semaphore(%run_scoped3A_97 : memref<!tpu.dma_semaphore, #tpu.memory_space<semaphore_mem>>)
          %dma_wait3A_102 = arith.constant 0 : i32
          %dma_wait3A_103 = tpu.memref_slice %arg10[%mul3A_77, %dma_wait3A_102] : memref<320000x128xf32, #tpu.memory_space<hbm>> -> memref<128x128xf32, #tpu.memory_space<hbm>>
          %dma_wait3A_104 = arith.constant 0 : i32
          %dma_wait3A_105 = tpu.memref_slice %arg10[%mul3A_77, %dma_wait3A_104] : memref<320000x128xf32, #tpu.memory_space<hbm>> -> memref<128x128xf32, #tpu.memory_space<hbm>>
          tpu.wait_dma2 semaphore(%run_scoped3A_97 : memref<!tpu.dma_semaphore, #tpu.memory_space<semaphore_mem>>) src(%dma_wait3A_105 : memref<128x128xf32, #tpu.memory_space<hbm>>) dst(%arg24 : memref<128x128xf32, #tpu.memory_space<vmem>>)
          tpu.yield
        }) : () -> ()
        %run_scoped3A_96 = arith.constant 1 : i32
        "tpu.region"() ({
          %run_scoped3A_97 = tpu.sem_alloc : memref<!tpu.dma_semaphore, #tpu.memory_space<semaphore_mem>>
          %dma_start3A_98 = arith.constant 0 : i32
          %dma_start3A_99 = tpu.memref_slice %arg22[%run_scoped3A_96, %dma_start3A_98] : memref<2x256xi32, #tpu.memory_space<vmem>> -> memref<1x128xi32, #tpu.memory_space<vmem>>
          %dma_start3A_100 = tpu.memref_squeeze %dma_start3A_99 : memref<1x128xi32, #tpu.memory_space<vmem>> -> memref<128xi32, #tpu.memory_space<vmem>>
          %dma_start3A_101 = arith.constant 0 : i32
          %dma_start3A_102 = arith.constant 0 : i32
          %dma_start3A_103 = tpu.memref_slice %arg21[%dma_start3A_101, %dma_start3A_102] : memref<10000x128xf32, #tpu.memory_space<vmem_shared>> -> memref<10000x128xf32, #tpu.memory_space<vmem_shared>>
          tpu.enqueue_indirect_dma source(%arg24 : memref<128x128xf32, #tpu.memory_space<vmem>>) target(%dma_start3A_103 : memref<10000x128xf32, #tpu.memory_space<vmem_shared>>) offsets(%dma_start3A_100 : memref<128xi32, #tpu.memory_space<vmem>>) semaphore(%run_scoped3A_97 : memref<!tpu.dma_semaphore, #tpu.memory_space<semaphore_mem>>) {add = true}
          %dma_wait3A_104 = arith.constant 0 : i32
          %dma_wait3A_105 = tpu.memref_slice %arg22[%run_scoped3A_96, %dma_wait3A_104] : memref<2x256xi32, #tpu.memory_space<vmem>> -> memref<1x128xi32, #tpu.memory_space<vmem>>
          %dma_wait3A_106 = tpu.memref_squeeze %dma_wait3A_105 : memref<1x128xi32, #tpu.memory_space<vmem>> -> memref<128xi32, #tpu.memory_space<vmem>>
          %dma_wait3A_107 = arith.constant 0 : i32
          %dma_wait3A_108 = arith.constant 0 : i32
          %dma_wait3A_109 = tpu.memref_slice %arg21[%dma_wait3A_107, %dma_wait3A_108] : memref<10000x128xf32, #tpu.memory_space<vmem_shared>> -> memref<10000x128xf32, #tpu.memory_space<vmem_shared>>
          tpu.wait_indirect_dma semaphore(%run_scoped3A_97 : memref<!tpu.dma_semaphore, #tpu.memory_space<semaphore_mem>>) src(%arg24 : memref<128x128xf32, #tpu.memory_space<vmem>>) dst(%dma_wait3A_109 : memref<10000x128xf32, #tpu.memory_space<vmem_shared>>)
          tpu.yield
        }) : () -> ()
      } else {
      }
    } else {
    }
    %eq3A_31 = arith.constant 1 : i32
    %eq3A_32 = arith.cmpi eq, %arg0, %eq3A_31 : i32
    %convert_element_type3A_33 = arith.extui %eq3A_32 : i1 to i32
    %cond3A_34 = arith.constant 0 : i32
    %cond3A_35 = arith.cmpi ne, %convert_element_type3A_33, %cond3A_34 : i32
    scf.if %cond3A_35 {
      %scan3A = arith.constant 0 : i32
      %scan3A_66 = arith.constant 0 : i32
      %scan3A_67 = arith.constant 78 : i32
      %scan3A_68 = arith.addi %scan3A_66, %scan3A_67 : i32
      %scan3A_69 = arith.constant 1 : i32
      scf.for %scan3A_75 = %scan3A_66 to %scan3A_68 step %scan3A_69  : i32 {
        %mul3A_76 = arith.constant 16 : i32
        %mul3A_77 = arith.muli %mul3A_76, %scan3A_75 : i32
        %add3A = arith.addi %arg1, %mul3A_77 : i32
        %mul3A_78 = arith.constant 256 : i32
        %mul3A_79 = arith.muli %add3A, %mul3A_78 : i32
        %dma_start3A = arith.constant 0 : i32
        %dma_start3A_80 = tpu.memref_slice %arg11[%mul3A_79, %dma_start3A] : memref<320000x128xf32, #tpu.memory_space<hbm>> -> memref<128x128xf32, #tpu.memory_space<hbm>>
        %dma_start3A_81 = arith.constant 0 : i32
        %dma_start3A_82 = tpu.memref_slice %arg11[%mul3A_79, %dma_start3A_81] : memref<320000x128xf32, #tpu.memory_space<hbm>> -> memref<128x128xf32, #tpu.memory_space<hbm>>
        tpu.enqueue_dma source(%dma_start3A_82 : memref<128x128xf32, #tpu.memory_space<hbm>>) target(%arg24 : memref<128x128xf32, #tpu.memory_space<vmem>>) target_semaphore(%arg27 : memref<!tpu.dma_semaphore, #tpu.memory_space<semaphore_mem>>)
        %dma_start3A_83 = arith.constant 0 : i32
        %dma_start3A_84 = tpu.memref_slice %arg9[%dma_start3A_83, %mul3A_79] : memref<2x320000xi32, #tpu.memory_space<hbm>> -> memref<2x256xi32, #tpu.memory_space<hbm>>
        %dma_start3A_85 = arith.constant 0 : i32
        %dma_start3A_86 = tpu.memref_slice %arg9[%dma_start3A_85, %mul3A_79] : memref<2x320000xi32, #tpu.memory_space<hbm>> -> memref<2x256xi32, #tpu.memory_space<hbm>>
        tpu.enqueue_dma source(%dma_start3A_86 : memref<2x256xi32, #tpu.memory_space<hbm>>) target(%arg22 : memref<2x256xi32, #tpu.memory_space<vmem>>) target_semaphore(%arg25 : memref<!tpu.dma_semaphore, #tpu.memory_space<semaphore_mem>>)
        %dma_wait3A = arith.constant 0 : i32
        %dma_wait3A_87 = tpu.memref_slice %arg9[%dma_wait3A, %mul3A_79] : memref<2x320000xi32, #tpu.memory_space<hbm>> -> memref<2x256xi32, #tpu.memory_space<hbm>>
        %dma_wait3A_88 = arith.constant 0 : i32
        %dma_wait3A_89 = tpu.memref_slice %arg9[%dma_wait3A_88, %mul3A_79] : memref<2x320000xi32, #tpu.memory_space<hbm>> -> memref<2x256xi32, #tpu.memory_space<hbm>>
        tpu.wait_dma2 semaphore(%arg25 : memref<!tpu.dma_semaphore, #tpu.memory_space<semaphore_mem>>) src(%dma_wait3A_89 : memref<2x256xi32, #tpu.memory_space<hbm>>) dst(%arg22 : memref<2x256xi32, #tpu.memory_space<vmem>>)
        %dma_start3A_90 = arith.constant 0 : i32
        %dma_start3A_91 = arith.constant 0 : i32
        %dma_start3A_92 = arith.constant 0 : i32
        %dma_start3A_93 = tpu.memref_slice %arg23[%dma_start3A_91, %dma_start3A_92] : memref<256x128xf32, #tpu.memory_space<vmem>> -> memref<128x128xf32, #tpu.memory_space<vmem>>
        %dma_start3A_94 = arith.constant 0 : i32
        %dma_start3A_95 = tpu.memref_slice %arg22[%dma_start3A_90, %dma_start3A_94] : memref<2x256xi32, #tpu.memory_space<vmem>> -> memref<1x128xi32, #tpu.memory_space<vmem>>
        %dma_start3A_96 = tpu.memref_squeeze %dma_start3A_95 : memref<1x128xi32, #tpu.memory_space<vmem>> -> memref<128xi32, #tpu.memory_space<vmem>>
        %dma_start3A_97 = arith.constant 0 : i32
        %dma_start3A_98 = arith.constant 0 : i32
        %dma_start3A_99 = tpu.memref_slice %arg7[%dma_start3A_97, %dma_start3A_98] : memref<10000x128xf32, #tpu.memory_space<hbm>> -> memref<10000x128xf32, #tpu.memory_space<hbm>>
        tpu.enqueue_indirect_dma source(%dma_start3A_99 : memref<10000x128xf32, #tpu.memory_space<hbm>>) target(%dma_start3A_93 : memref<128x128xf32, #tpu.memory_space<vmem>>) offsets(%dma_start3A_96 : memref<128xi32, #tpu.memory_space<vmem>>) semaphore(%arg26 : memref<!tpu.dma_semaphore, #tpu.memory_space<semaphore_mem>>)
        %dma_start3A_100 = arith.constant 0 : i32
        %dma_start3A_101 = arith.constant 128 : i32
        %dma_start3A_102 = arith.constant 0 : i32
        %dma_start3A_103 = tpu.memref_slice %arg23[%dma_start3A_101, %dma_start3A_102] : memref<256x128xf32, #tpu.memory_space<vmem>> -> memref<128x128xf32, #tpu.memory_space<vmem>>
        %dma_start3A_104 = arith.constant 128 : i32
        %dma_start3A_105 = tpu.memref_slice %arg22[%dma_start3A_100, %dma_start3A_104] : memref<2x256xi32, #tpu.memory_space<vmem>> -> memref<1x128xi32, #tpu.memory_space<vmem>>
        %dma_start3A_106 = tpu.memref_squeeze %dma_start3A_105 : memref<1x128xi32, #tpu.memory_space<vmem>> -> memref<128xi32, #tpu.memory_space<vmem>>
        %dma_start3A_107 = arith.constant 0 : i32
        %dma_start3A_108 = arith.constant 0 : i32
        %dma_start3A_109 = tpu.memref_slice %arg7[%dma_start3A_107, %dma_start3A_108] : memref<10000x128xf32, #tpu.memory_space<hbm>> -> memref<10000x128xf32, #tpu.memory_space<hbm>>
        tpu.enqueue_indirect_dma source(%dma_start3A_109 : memref<10000x128xf32, #tpu.memory_space<hbm>>) target(%dma_start3A_103 : memref<128x128xf32, #tpu.memory_space<vmem>>) offsets(%dma_start3A_106 : memref<128xi32, #tpu.memory_space<vmem>>) semaphore(%arg26 : memref<!tpu.dma_semaphore, #tpu.memory_space<semaphore_mem>>)
        %dma_wait3A_110 = arith.constant 0 : i32
        %dma_wait3A_111 = arith.constant 0 : i32
        %dma_wait3A_112 = arith.constant 0 : i32
        %dma_wait3A_113 = tpu.memref_slice %arg23[%dma_wait3A_111, %dma_wait3A_112] : memref<256x128xf32, #tpu.memory_space<vmem>> -> memref<128x128xf32, #tpu.memory_space<vmem>>
        %dma_wait3A_114 = arith.constant 0 : i32
        %dma_wait3A_115 = tpu.memref_slice %arg22[%dma_wait3A_110, %dma_wait3A_114] : memref<2x256xi32, #tpu.memory_space<vmem>> -> memref<1x128xi32, #tpu.memory_space<vmem>>
        %dma_wait3A_116 = tpu.memref_squeeze %dma_wait3A_115 : memref<1x128xi32, #tpu.memory_space<vmem>> -> memref<128xi32, #tpu.memory_space<vmem>>
        %dma_wait3A_117 = arith.constant 0 : i32
        %dma_wait3A_118 = arith.constant 0 : i32
        %dma_wait3A_119 = tpu.memref_slice %arg7[%dma_wait3A_117, %dma_wait3A_118] : memref<10000x128xf32, #tpu.memory_space<hbm>> -> memref<10000x128xf32, #tpu.memory_space<hbm>>
        tpu.wait_indirect_dma semaphore(%arg26 : memref<!tpu.dma_semaphore, #tpu.memory_space<semaphore_mem>>) src(%dma_wait3A_119 : memref<10000x128xf32, #tpu.memory_space<hbm>>) dst(%dma_wait3A_113 : memref<128x128xf32, #tpu.memory_space<vmem>>)
        %dma_start3A_120 = arith.constant 1 : i32
        %dma_start3A_121 = arith.constant 0 : i32
        %dma_start3A_122 = arith.constant 0 : i32
        %dma_start3A_123 = tpu.memref_slice %arg23[%dma_start3A_121, %dma_start3A_122] : memref<256x128xf32, #tpu.memory_space<vmem>> -> memref<128x128xf32, #tpu.memory_space<vmem>>
        %dma_start3A_124 = arith.constant 0 : i32
        %dma_start3A_125 = tpu.memref_slice %arg22[%dma_start3A_120, %dma_start3A_124] : memref<2x256xi32, #tpu.memory_space<vmem>> -> memref<1x128xi32, #tpu.memory_space<vmem>>
        %dma_start3A_126 = tpu.memref_squeeze %dma_start3A_125 : memref<1x128xi32, #tpu.memory_space<vmem>> -> memref<128xi32, #tpu.memory_space<vmem>>
        %dma_start3A_127 = arith.constant 0 : i32
        %dma_start3A_128 = arith.constant 0 : i32
        %dma_start3A_129 = tpu.memref_slice %arg21[%dma_start3A_127, %dma_start3A_128] : memref<10000x128xf32, #tpu.memory_space<vmem_shared>> -> memref<10000x128xf32, #tpu.memory_space<vmem_shared>>
        tpu.enqueue_indirect_dma source(%dma_start3A_123 : memref<128x128xf32, #tpu.memory_space<vmem>>) target(%dma_start3A_129 : memref<10000x128xf32, #tpu.memory_space<vmem_shared>>) offsets(%dma_start3A_126 : memref<128xi32, #tpu.memory_space<vmem>>) semaphore(%arg28 : memref<!tpu.dma_semaphore, #tpu.memory_space<semaphore_mem>>) {add = true}
        %dma_wait3A_130 = arith.constant 0 : i32
        %dma_wait3A_131 = tpu.memref_slice %arg11[%mul3A_79, %dma_wait3A_130] : memref<320000x128xf32, #tpu.memory_space<hbm>> -> memref<128x128xf32, #tpu.memory_space<hbm>>
        %dma_wait3A_132 = arith.constant 0 : i32
        %dma_wait3A_133 = tpu.memref_slice %arg11[%mul3A_79, %dma_wait3A_132] : memref<320000x128xf32, #tpu.memory_space<hbm>> -> memref<128x128xf32, #tpu.memory_space<hbm>>
        tpu.wait_dma2 semaphore(%arg27 : memref<!tpu.dma_semaphore, #tpu.memory_space<semaphore_mem>>) src(%dma_wait3A_133 : memref<128x128xf32, #tpu.memory_space<hbm>>) dst(%arg24 : memref<128x128xf32, #tpu.memory_space<vmem>>)
        %dma_start3A_134 = arith.constant 1 : i32
        %dma_start3A_135 = arith.constant 0 : i32
        %dma_start3A_136 = tpu.memref_slice %arg22[%dma_start3A_134, %dma_start3A_135] : memref<2x256xi32, #tpu.memory_space<vmem>> -> memref<1x128xi32, #tpu.memory_space<vmem>>
        %dma_start3A_137 = tpu.memref_squeeze %dma_start3A_136 : memref<1x128xi32, #tpu.memory_space<vmem>> -> memref<128xi32, #tpu.memory_space<vmem>>
        %dma_start3A_138 = arith.constant 0 : i32
        %dma_start3A_139 = arith.constant 0 : i32
        %dma_start3A_140 = tpu.memref_slice %arg21[%dma_start3A_138, %dma_start3A_139] : memref<10000x128xf32, #tpu.memory_space<vmem_shared>> -> memref<10000x128xf32, #tpu.memory_space<vmem_shared>>
        tpu.enqueue_indirect_dma source(%arg24 : memref<128x128xf32, #tpu.memory_space<vmem>>) target(%dma_start3A_140 : memref<10000x128xf32, #tpu.memory_space<vmem_shared>>) offsets(%dma_start3A_137 : memref<128xi32, #tpu.memory_space<vmem>>) semaphore(%arg29 : memref<!tpu.dma_semaphore, #tpu.memory_space<semaphore_mem>>) {add = true}
        %dma_wait3A_141 = arith.constant 0 : i32
        %dma_wait3A_142 = arith.constant 128 : i32
        %dma_wait3A_143 = arith.constant 0 : i32
        %dma_wait3A_144 = tpu.memref_slice %arg23[%dma_wait3A_142, %dma_wait3A_143] : memref<256x128xf32, #tpu.memory_space<vmem>> -> memref<128x128xf32, #tpu.memory_space<vmem>>
        %dma_wait3A_145 = arith.constant 128 : i32
        %dma_wait3A_146 = tpu.memref_slice %arg22[%dma_wait3A_141, %dma_wait3A_145] : memref<2x256xi32, #tpu.memory_space<vmem>> -> memref<1x128xi32, #tpu.memory_space<vmem>>
        %dma_wait3A_147 = tpu.memref_squeeze %dma_wait3A_146 : memref<1x128xi32, #tpu.memory_space<vmem>> -> memref<128xi32, #tpu.memory_space<vmem>>
        %dma_wait3A_148 = arith.constant 0 : i32
        %dma_wait3A_149 = arith.constant 0 : i32
        %dma_wait3A_150 = tpu.memref_slice %arg7[%dma_wait3A_148, %dma_wait3A_149] : memref<10000x128xf32, #tpu.memory_space<hbm>> -> memref<10000x128xf32, #tpu.memory_space<hbm>>
        tpu.wait_indirect_dma semaphore(%arg26 : memref<!tpu.dma_semaphore, #tpu.memory_space<semaphore_mem>>) src(%dma_wait3A_150 : memref<10000x128xf32, #tpu.memory_space<hbm>>) dst(%dma_wait3A_144 : memref<128x128xf32, #tpu.memory_space<vmem>>)
        %dma_start3A_151 = arith.constant 1 : i32
        %dma_start3A_152 = arith.constant 128 : i32
        %dma_start3A_153 = arith.constant 0 : i32
        %dma_start3A_154 = tpu.memref_slice %arg23[%dma_start3A_152, %dma_start3A_153] : memref<256x128xf32, #tpu.memory_space<vmem>> -> memref<128x128xf32, #tpu.memory_space<vmem>>
        %dma_start3A_155 = arith.constant 128 : i32
        %dma_start3A_156 = tpu.memref_slice %arg22[%dma_start3A_151, %dma_start3A_155] : memref<2x256xi32, #tpu.memory_space<vmem>> -> memref<1x128xi32, #tpu.memory_space<vmem>>
        %dma_start3A_157 = tpu.memref_squeeze %dma_start3A_156 : memref<1x128xi32, #tpu.memory_space<vmem>> -> memref<128xi32, #tpu.memory_space<vmem>>
        %dma_start3A_158 = arith.constant 0 : i32
        %dma_start3A_159 = arith.constant 0 : i32
        %dma_start3A_160 = tpu.memref_slice %arg21[%dma_start3A_158, %dma_start3A_159] : memref<10000x128xf32, #tpu.memory_space<vmem_shared>> -> memref<10000x128xf32, #tpu.memory_space<vmem_shared>>
        tpu.enqueue_indirect_dma source(%dma_start3A_154 : memref<128x128xf32, #tpu.memory_space<vmem>>) target(%dma_start3A_160 : memref<10000x128xf32, #tpu.memory_space<vmem_shared>>) offsets(%dma_start3A_157 : memref<128xi32, #tpu.memory_space<vmem>>) semaphore(%arg28 : memref<!tpu.dma_semaphore, #tpu.memory_space<semaphore_mem>>) {add = true}
        %dma_wait3A_161 = arith.constant 1 : i32
        %dma_wait3A_162 = arith.constant 0 : i32
        %dma_wait3A_163 = arith.constant 0 : i32
        %dma_wait3A_164 = tpu.memref_slice %arg23[%dma_wait3A_162, %dma_wait3A_163] : memref<256x128xf32, #tpu.memory_space<vmem>> -> memref<128x128xf32, #tpu.memory_space<vmem>>
        %dma_wait3A_165 = arith.constant 0 : i32
        %dma_wait3A_166 = tpu.memref_slice %arg22[%dma_wait3A_161, %dma_wait3A_165] : memref<2x256xi32, #tpu.memory_space<vmem>> -> memref<1x128xi32, #tpu.memory_space<vmem>>
        %dma_wait3A_167 = tpu.memref_squeeze %dma_wait3A_166 : memref<1x128xi32, #tpu.memory_space<vmem>> -> memref<128xi32, #tpu.memory_space<vmem>>
        %dma_wait3A_168 = arith.constant 0 : i32
        %dma_wait3A_169 = arith.constant 0 : i32
        %dma_wait3A_170 = tpu.memref_slice %arg21[%dma_wait3A_168, %dma_wait3A_169] : memref<10000x128xf32, #tpu.memory_space<vmem_shared>> -> memref<10000x128xf32, #tpu.memory_space<vmem_shared>>
        tpu.wait_indirect_dma semaphore(%arg28 : memref<!tpu.dma_semaphore, #tpu.memory_space<semaphore_mem>>) src(%dma_wait3A_164 : memref<128x128xf32, #tpu.memory_space<vmem>>) dst(%dma_wait3A_170 : memref<10000x128xf32, #tpu.memory_space<vmem_shared>>)
        %add3A_171 = arith.constant 128 : i32
        %add3A_172 = arith.addi %mul3A_79, %add3A_171 : i32
        %dma_start3A_173 = arith.constant 0 : i32
        %dma_start3A_174 = arith.constant 0 : i32
        %dma_start3A_175 = tpu.memref_slice %arg23[%dma_start3A_173, %dma_start3A_174] : memref<256x128xf32, #tpu.memory_space<vmem>> -> memref<128x128xf32, #tpu.memory_space<vmem>>
        %dma_start3A_176 = arith.constant 0 : i32
        %dma_start3A_177 = tpu.memref_slice %arg11[%add3A_172, %dma_start3A_176] : memref<320000x128xf32, #tpu.memory_space<hbm>> -> memref<128x128xf32, #tpu.memory_space<hbm>>
        %dma_start3A_178 = arith.constant 0 : i32
        %dma_start3A_179 = arith.constant 0 : i32
        %dma_start3A_180 = tpu.memref_slice %arg23[%dma_start3A_178, %dma_start3A_179] : memref<256x128xf32, #tpu.memory_space<vmem>> -> memref<128x128xf32, #tpu.memory_space<vmem>>
        %dma_start3A_181 = arith.constant 0 : i32
        %dma_start3A_182 = tpu.memref_slice %arg11[%add3A_172, %dma_start3A_181] : memref<320000x128xf32, #tpu.memory_space<hbm>> -> memref<128x128xf32, #tpu.memory_space<hbm>>
        tpu.enqueue_dma source(%dma_start3A_182 : memref<128x128xf32, #tpu.memory_space<hbm>>) target(%dma_start3A_180 : memref<128x128xf32, #tpu.memory_space<vmem>>) target_semaphore(%arg27 : memref<!tpu.dma_semaphore, #tpu.memory_space<semaphore_mem>>)
        %dma_wait3A_183 = arith.constant 0 : i32
        %dma_wait3A_184 = arith.constant 0 : i32
        %dma_wait3A_185 = tpu.memref_slice %arg23[%dma_wait3A_183, %dma_wait3A_184] : memref<256x128xf32, #tpu.memory_space<vmem>> -> memref<128x128xf32, #tpu.memory_space<vmem>>
        %dma_wait3A_186 = arith.constant 0 : i32
        %dma_wait3A_187 = tpu.memref_slice %arg11[%add3A_172, %dma_wait3A_186] : memref<320000x128xf32, #tpu.memory_space<hbm>> -> memref<128x128xf32, #tpu.memory_space<hbm>>
        %dma_wait3A_188 = arith.constant 0 : i32
        %dma_wait3A_189 = arith.constant 0 : i32
        %dma_wait3A_190 = tpu.memref_slice %arg23[%dma_wait3A_188, %dma_wait3A_189] : memref<256x128xf32, #tpu.memory_space<vmem>> -> memref<128x128xf32, #tpu.memory_space<vmem>>
        %dma_wait3A_191 = arith.constant 0 : i32
        %dma_wait3A_192 = tpu.memref_slice %arg11[%add3A_172, %dma_wait3A_191] : memref<320000x128xf32, #tpu.memory_space<hbm>> -> memref<128x128xf32, #tpu.memory_space<hbm>>
        tpu.wait_dma2 semaphore(%arg27 : memref<!tpu.dma_semaphore, #tpu.memory_space<semaphore_mem>>) src(%dma_wait3A_192 : memref<128x128xf32, #tpu.memory_space<hbm>>) dst(%dma_wait3A_190 : memref<128x128xf32, #tpu.memory_space<vmem>>)
        %dma_start3A_193 = arith.constant 1 : i32
        %dma_start3A_194 = arith.constant 0 : i32
        %dma_start3A_195 = arith.constant 0 : i32
        %dma_start3A_196 = tpu.memref_slice %arg23[%dma_start3A_194, %dma_start3A_195] : memref<256x128xf32, #tpu.memory_space<vmem>> -> memref<128x128xf32, #tpu.memory_space<vmem>>
        %dma_start3A_197 = arith.constant 128 : i32
        %dma_start3A_198 = tpu.memref_slice %arg22[%dma_start3A_193, %dma_start3A_197] : memref<2x256xi32, #tpu.memory_space<vmem>> -> memref<1x128xi32, #tpu.memory_space<vmem>>
        %dma_start3A_199 = tpu.memref_squeeze %dma_start3A_198 : memref<1x128xi32, #tpu.memory_space<vmem>> -> memref<128xi32, #tpu.memory_space<vmem>>
        %dma_start3A_200 = arith.constant 0 : i32
        %dma_start3A_201 = arith.constant 0 : i32
        %dma_start3A_202 = tpu.memref_slice %arg21[%dma_start3A_200, %dma_start3A_201] : memref<10000x128xf32, #tpu.memory_space<vmem_shared>> -> memref<10000x128xf32, #tpu.memory_space<vmem_shared>>
        tpu.enqueue_indirect_dma source(%dma_start3A_196 : memref<128x128xf32, #tpu.memory_space<vmem>>) target(%dma_start3A_202 : memref<10000x128xf32, #tpu.memory_space<vmem_shared>>) offsets(%dma_start3A_199 : memref<128xi32, #tpu.memory_space<vmem>>) semaphore(%arg29 : memref<!tpu.dma_semaphore, #tpu.memory_space<semaphore_mem>>) {add = true}
        %dma_wait3A_203 = arith.constant 1 : i32
        %dma_wait3A_204 = arith.constant 128 : i32
        %dma_wait3A_205 = arith.constant 0 : i32
        %dma_wait3A_206 = tpu.memref_slice %arg23[%dma_wait3A_204, %dma_wait3A_205] : memref<256x128xf32, #tpu.memory_space<vmem>> -> memref<128x128xf32, #tpu.memory_space<vmem>>
        %dma_wait3A_207 = arith.constant 128 : i32
        %dma_wait3A_208 = tpu.memref_slice %arg22[%dma_wait3A_203, %dma_wait3A_207] : memref<2x256xi32, #tpu.memory_space<vmem>> -> memref<1x128xi32, #tpu.memory_space<vmem>>
        %dma_wait3A_209 = tpu.memref_squeeze %dma_wait3A_208 : memref<1x128xi32, #tpu.memory_space<vmem>> -> memref<128xi32, #tpu.memory_space<vmem>>
        %dma_wait3A_210 = arith.constant 0 : i32
        %dma_wait3A_211 = arith.constant 0 : i32
        %dma_wait3A_212 = tpu.memref_slice %arg21[%dma_wait3A_210, %dma_wait3A_211] : memref<10000x128xf32, #tpu.memory_space<vmem_shared>> -> memref<10000x128xf32, #tpu.memory_space<vmem_shared>>
        tpu.wait_indirect_dma semaphore(%arg28 : memref<!tpu.dma_semaphore, #tpu.memory_space<semaphore_mem>>) src(%dma_wait3A_206 : memref<128x128xf32, #tpu.memory_space<vmem>>) dst(%dma_wait3A_212 : memref<10000x128xf32, #tpu.memory_space<vmem_shared>>)
        %dma_wait3A_213 = arith.constant 1 : i32
        %dma_wait3A_214 = arith.constant 0 : i32
        %dma_wait3A_215 = tpu.memref_slice %arg22[%dma_wait3A_213, %dma_wait3A_214] : memref<2x256xi32, #tpu.memory_space<vmem>> -> memref<1x128xi32, #tpu.memory_space<vmem>>
        %dma_wait3A_216 = tpu.memref_squeeze %dma_wait3A_215 : memref<1x128xi32, #tpu.memory_space<vmem>> -> memref<128xi32, #tpu.memory_space<vmem>>
        %dma_wait3A_217 = arith.constant 0 : i32
        %dma_wait3A_218 = arith.constant 0 : i32
        %dma_wait3A_219 = tpu.memref_slice %arg21[%dma_wait3A_217, %dma_wait3A_218] : memref<10000x128xf32, #tpu.memory_space<vmem_shared>> -> memref<10000x128xf32, #tpu.memory_space<vmem_shared>>
        tpu.wait_indirect_dma semaphore(%arg29 : memref<!tpu.dma_semaphore, #tpu.memory_space<semaphore_mem>>) src(%arg24 : memref<128x128xf32, #tpu.memory_space<vmem>>) dst(%dma_wait3A_219 : memref<10000x128xf32, #tpu.memory_space<vmem_shared>>)
        %dma_wait3A_220 = arith.constant 1 : i32
        %dma_wait3A_221 = arith.constant 0 : i32
        %dma_wait3A_222 = arith.constant 0 : i32
        %dma_wait3A_223 = tpu.memref_slice %arg23[%dma_wait3A_221, %dma_wait3A_222] : memref<256x128xf32, #tpu.memory_space<vmem>> -> memref<128x128xf32, #tpu.memory_space<vmem>>
        %dma_wait3A_224 = arith.constant 128 : i32
        %dma_wait3A_225 = tpu.memref_slice %arg22[%dma_wait3A_220, %dma_wait3A_224] : memref<2x256xi32, #tpu.memory_space<vmem>> -> memref<1x128xi32, #tpu.memory_space<vmem>>
        %dma_wait3A_226 = tpu.memref_squeeze %dma_wait3A_225 : memref<1x128xi32, #tpu.memory_space<vmem>> -> memref<128xi32, #tpu.memory_space<vmem>>
        %dma_wait3A_227 = arith.constant 0 : i32
        %dma_wait3A_228 = arith.constant 0 : i32
        %dma_wait3A_229 = tpu.memref_slice %arg21[%dma_wait3A_227, %dma_wait3A_228] : memref<10000x128xf32, #tpu.memory_space<vmem_shared>> -> memref<10000x128xf32, #tpu.memory_space<vmem_shared>>
        tpu.wait_indirect_dma semaphore(%arg29 : memref<!tpu.dma_semaphore, #tpu.memory_space<semaphore_mem>>) src(%dma_wait3A_223 : memref<128x128xf32, #tpu.memory_space<vmem>>) dst(%dma_wait3A_229 : memref<10000x128xf32, #tpu.memory_space<vmem_shared>>)
      }
      %scan3A_70 = arith.constant 78 : i32
      %lt3A = arith.constant 4 : i32
      %lt3A_71 = arith.cmpi slt, %arg1, %lt3A : i32
      %convert_element_type3A_72 = arith.extui %lt3A_71 : i1 to i32
      %cond3A_73 = arith.constant 0 : i32
      %cond3A_74 = arith.cmpi ne, %convert_element_type3A_72, %cond3A_73 : i32
      scf.if %cond3A_74 {
        %add3A = arith.constant 2496 : i32
        %add3A_75 = arith.addi %add3A, %arg1 : i32
        %mul3A_76 = arith.constant 128 : i32
        %mul3A_77 = arith.muli %add3A_75, %mul3A_76 : i32
        "tpu.region"() ({
          %run_scoped3A_97 = tpu.sem_alloc : memref<!tpu.dma_semaphore, #tpu.memory_space<semaphore_mem>>
          %dma_start3A_98 = arith.constant 0 : i32
          %dma_start3A_99 = arith.constant 0 : i32
          %dma_start3A_100 = tpu.memref_slice %arg22[%dma_start3A_98, %dma_start3A_99] : memref<2x256xi32, #tpu.memory_space<vmem>> -> memref<2x128xi32, #tpu.memory_space<vmem>>
          %dma_start3A_101 = arith.constant 0 : i32
          %dma_start3A_102 = tpu.memref_slice %arg9[%dma_start3A_101, %mul3A_77] : memref<2x320000xi32, #tpu.memory_space<hbm>> -> memref<2x128xi32, #tpu.memory_space<hbm>>
          %dma_start3A_103 = arith.constant 0 : i32
          %dma_start3A_104 = arith.constant 0 : i32
          %dma_start3A_105 = tpu.memref_slice %arg22[%dma_start3A_103, %dma_start3A_104] : memref<2x256xi32, #tpu.memory_space<vmem>> -> memref<2x128xi32, #tpu.memory_space<vmem>>
          %dma_start3A_106 = arith.constant 0 : i32
          %dma_start3A_107 = tpu.memref_slice %arg9[%dma_start3A_106, %mul3A_77] : memref<2x320000xi32, #tpu.memory_space<hbm>> -> memref<2x128xi32, #tpu.memory_space<hbm>>
          tpu.enqueue_dma source(%dma_start3A_107 : memref<2x128xi32, #tpu.memory_space<hbm>>) target(%dma_start3A_105 : memref<2x128xi32, #tpu.memory_space<vmem>>) target_semaphore(%run_scoped3A_97 : memref<!tpu.dma_semaphore, #tpu.memory_space<semaphore_mem>>)
          %dma_wait3A_108 = arith.constant 0 : i32
          %dma_wait3A_109 = arith.constant 0 : i32
          %dma_wait3A_110 = tpu.memref_slice %arg22[%dma_wait3A_108, %dma_wait3A_109] : memref<2x256xi32, #tpu.memory_space<vmem>> -> memref<2x128xi32, #tpu.memory_space<vmem>>
          %dma_wait3A_111 = arith.constant 0 : i32
          %dma_wait3A_112 = tpu.memref_slice %arg9[%dma_wait3A_111, %mul3A_77] : memref<2x320000xi32, #tpu.memory_space<hbm>> -> memref<2x128xi32, #tpu.memory_space<hbm>>
          %dma_wait3A_113 = arith.constant 0 : i32
          %dma_wait3A_114 = arith.constant 0 : i32
          %dma_wait3A_115 = tpu.memref_slice %arg22[%dma_wait3A_113, %dma_wait3A_114] : memref<2x256xi32, #tpu.memory_space<vmem>> -> memref<2x128xi32, #tpu.memory_space<vmem>>
          %dma_wait3A_116 = arith.constant 0 : i32
          %dma_wait3A_117 = tpu.memref_slice %arg9[%dma_wait3A_116, %mul3A_77] : memref<2x320000xi32, #tpu.memory_space<hbm>> -> memref<2x128xi32, #tpu.memory_space<hbm>>
          tpu.wait_dma2 semaphore(%run_scoped3A_97 : memref<!tpu.dma_semaphore, #tpu.memory_space<semaphore_mem>>) src(%dma_wait3A_117 : memref<2x128xi32, #tpu.memory_space<hbm>>) dst(%dma_wait3A_115 : memref<2x128xi32, #tpu.memory_space<vmem>>)
          tpu.yield
        }) : () -> ()
        %dma_start3A = arith.constant 0 : i32
        %dma_start3A_78 = arith.constant 0 : i32
        %dma_start3A_79 = arith.constant 0 : i32
        %dma_start3A_80 = tpu.memref_slice %arg23[%dma_start3A_78, %dma_start3A_79] : memref<256x128xf32, #tpu.memory_space<vmem>> -> memref<128x128xf32, #tpu.memory_space<vmem>>
        %dma_start3A_81 = arith.constant 0 : i32
        %dma_start3A_82 = tpu.memref_slice %arg22[%dma_start3A, %dma_start3A_81] : memref<2x256xi32, #tpu.memory_space<vmem>> -> memref<1x128xi32, #tpu.memory_space<vmem>>
        %dma_start3A_83 = tpu.memref_squeeze %dma_start3A_82 : memref<1x128xi32, #tpu.memory_space<vmem>> -> memref<128xi32, #tpu.memory_space<vmem>>
        %dma_start3A_84 = arith.constant 0 : i32
        %dma_start3A_85 = arith.constant 0 : i32
        %dma_start3A_86 = tpu.memref_slice %arg7[%dma_start3A_84, %dma_start3A_85] : memref<10000x128xf32, #tpu.memory_space<hbm>> -> memref<10000x128xf32, #tpu.memory_space<hbm>>
        tpu.enqueue_indirect_dma source(%dma_start3A_86 : memref<10000x128xf32, #tpu.memory_space<hbm>>) target(%dma_start3A_80 : memref<128x128xf32, #tpu.memory_space<vmem>>) offsets(%dma_start3A_83 : memref<128xi32, #tpu.memory_space<vmem>>) semaphore(%arg26 : memref<!tpu.dma_semaphore, #tpu.memory_space<semaphore_mem>>)
        %dma_wait3A = arith.constant 0 : i32
        %dma_wait3A_87 = arith.constant 0 : i32
        %dma_wait3A_88 = arith.constant 0 : i32
        %dma_wait3A_89 = tpu.memref_slice %arg23[%dma_wait3A_87, %dma_wait3A_88] : memref<256x128xf32, #tpu.memory_space<vmem>> -> memref<128x128xf32, #tpu.memory_space<vmem>>
        %dma_wait3A_90 = arith.constant 0 : i32
        %dma_wait3A_91 = tpu.memref_slice %arg22[%dma_wait3A, %dma_wait3A_90] : memref<2x256xi32, #tpu.memory_space<vmem>> -> memref<1x128xi32, #tpu.memory_space<vmem>>
        %dma_wait3A_92 = tpu.memref_squeeze %dma_wait3A_91 : memref<1x128xi32, #tpu.memory_space<vmem>> -> memref<128xi32, #tpu.memory_space<vmem>>
        %dma_wait3A_93 = arith.constant 0 : i32
        %dma_wait3A_94 = arith.constant 0 : i32
        %dma_wait3A_95 = tpu.memref_slice %arg7[%dma_wait3A_93, %dma_wait3A_94] : memref<10000x128xf32, #tpu.memory_space<hbm>> -> memref<10000x128xf32, #tpu.memory_space<hbm>>
        tpu.wait_indirect_dma semaphore(%arg26 : memref<!tpu.dma_semaphore, #tpu.memory_space<semaphore_mem>>) src(%dma_wait3A_95 : memref<10000x128xf32, #tpu.memory_space<hbm>>) dst(%dma_wait3A_89 : memref<128x128xf32, #tpu.memory_space<vmem>>)
        %run_scoped3A = arith.constant 1 : i32
        "tpu.region"() ({
          %run_scoped3A_97 = tpu.sem_alloc : memref<!tpu.dma_semaphore, #tpu.memory_space<semaphore_mem>>
          %dma_start3A_98 = arith.constant 0 : i32
          %dma_start3A_99 = arith.constant 0 : i32
          %dma_start3A_100 = tpu.memref_slice %arg23[%dma_start3A_98, %dma_start3A_99] : memref<256x128xf32, #tpu.memory_space<vmem>> -> memref<128x128xf32, #tpu.memory_space<vmem>>
          %dma_start3A_101 = arith.constant 0 : i32
          %dma_start3A_102 = tpu.memref_slice %arg22[%run_scoped3A, %dma_start3A_101] : memref<2x256xi32, #tpu.memory_space<vmem>> -> memref<1x128xi32, #tpu.memory_space<vmem>>
          %dma_start3A_103 = tpu.memref_squeeze %dma_start3A_102 : memref<1x128xi32, #tpu.memory_space<vmem>> -> memref<128xi32, #tpu.memory_space<vmem>>
          %dma_start3A_104 = arith.constant 0 : i32
          %dma_start3A_105 = arith.constant 0 : i32
          %dma_start3A_106 = tpu.memref_slice %arg21[%dma_start3A_104, %dma_start3A_105] : memref<10000x128xf32, #tpu.memory_space<vmem_shared>> -> memref<10000x128xf32, #tpu.memory_space<vmem_shared>>
          tpu.enqueue_indirect_dma source(%dma_start3A_100 : memref<128x128xf32, #tpu.memory_space<vmem>>) target(%dma_start3A_106 : memref<10000x128xf32, #tpu.memory_space<vmem_shared>>) offsets(%dma_start3A_103 : memref<128xi32, #tpu.memory_space<vmem>>) semaphore(%run_scoped3A_97 : memref<!tpu.dma_semaphore, #tpu.memory_space<semaphore_mem>>) {add = true}
          %dma_wait3A_107 = arith.constant 0 : i32
          %dma_wait3A_108 = arith.constant 0 : i32
          %dma_wait3A_109 = tpu.memref_slice %arg23[%dma_wait3A_107, %dma_wait3A_108] : memref<256x128xf32, #tpu.memory_space<vmem>> -> memref<128x128xf32, #tpu.memory_space<vmem>>
          %dma_wait3A_110 = arith.constant 0 : i32
          %dma_wait3A_111 = tpu.memref_slice %arg22[%run_scoped3A, %dma_wait3A_110] : memref<2x256xi32, #tpu.memory_space<vmem>> -> memref<1x128xi32, #tpu.memory_space<vmem>>
          %dma_wait3A_112 = tpu.memref_squeeze %dma_wait3A_111 : memref<1x128xi32, #tpu.memory_space<vmem>> -> memref<128xi32, #tpu.memory_space<vmem>>
          %dma_wait3A_113 = arith.constant 0 : i32
          %dma_wait3A_114 = arith.constant 0 : i32
          %dma_wait3A_115 = tpu.memref_slice %arg21[%dma_wait3A_113, %dma_wait3A_114] : memref<10000x128xf32, #tpu.memory_space<vmem_shared>> -> memref<10000x128xf32, #tpu.memory_space<vmem_shared>>
          tpu.wait_indirect_dma semaphore(%run_scoped3A_97 : memref<!tpu.dma_semaphore, #tpu.memory_space<semaphore_mem>>) src(%dma_wait3A_109 : memref<128x128xf32, #tpu.memory_space<vmem>>) dst(%dma_wait3A_115 : memref<10000x128xf32, #tpu.memory_space<vmem_shared>>)
          tpu.yield
        }) : () -> ()
        "tpu.region"() ({
          %run_scoped3A_97 = tpu.sem_alloc : memref<!tpu.dma_semaphore, #tpu.memory_space<semaphore_mem>>
          %dma_start3A_98 = arith.constant 0 : i32
          %dma_start3A_99 = tpu.memref_slice %arg11[%mul3A_77, %dma_start3A_98] : memref<320000x128xf32, #tpu.memory_space<hbm>> -> memref<128x128xf32, #tpu.memory_space<hbm>>
          %dma_start3A_100 = arith.constant 0 : i32
          %dma_start3A_101 = tpu.memref_slice %arg11[%mul3A_77, %dma_start3A_100] : memref<320000x128xf32, #tpu.memory_space<hbm>> -> memref<128x128xf32, #tpu.memory_space<hbm>>
          tpu.enqueue_dma source(%dma_start3A_101 : memref<128x128xf32, #tpu.memory_space<hbm>>) target(%arg24 : memref<128x128xf32, #tpu.memory_space<vmem>>) target_semaphore(%run_scoped3A_97 : memref<!tpu.dma_semaphore, #tpu.memory_space<semaphore_mem>>)
          %dma_wait3A_102 = arith.constant 0 : i32
          %dma_wait3A_103 = tpu.memref_slice %arg11[%mul3A_77, %dma_wait3A_102] : memref<320000x128xf32, #tpu.memory_space<hbm>> -> memref<128x128xf32, #tpu.memory_space<hbm>>
          %dma_wait3A_104 = arith.constant 0 : i32
          %dma_wait3A_105 = tpu.memref_slice %arg11[%mul3A_77, %dma_wait3A_104] : memref<320000x128xf32, #tpu.memory_space<hbm>> -> memref<128x128xf32, #tpu.memory_space<hbm>>
          tpu.wait_dma2 semaphore(%run_scoped3A_97 : memref<!tpu.dma_semaphore, #tpu.memory_space<semaphore_mem>>) src(%dma_wait3A_105 : memref<128x128xf32, #tpu.memory_space<hbm>>) dst(%arg24 : memref<128x128xf32, #tpu.memory_space<vmem>>)
          tpu.yield
        }) : () -> ()
        %run_scoped3A_96 = arith.constant 1 : i32
        "tpu.region"() ({
          %run_scoped3A_97 = tpu.sem_alloc : memref<!tpu.dma_semaphore, #tpu.memory_space<semaphore_mem>>
          %dma_start3A_98 = arith.constant 0 : i32
          %dma_start3A_99 = tpu.memref_slice %arg22[%run_scoped3A_96, %dma_start3A_98] : memref<2x256xi32, #tpu.memory_space<vmem>> -> memref<1x128xi32, #tpu.memory_space<vmem>>
          %dma_start3A_100 = tpu.memref_squeeze %dma_start3A_99 : memref<1x128xi32, #tpu.memory_space<vmem>> -> memref<128xi32, #tpu.memory_space<vmem>>
          %dma_start3A_101 = arith.constant 0 : i32
          %dma_start3A_102 = arith.constant 0 : i32
          %dma_start3A_103 = tpu.memref_slice %arg21[%dma_start3A_101, %dma_start3A_102] : memref<10000x128xf32, #tpu.memory_space<vmem_shared>> -> memref<10000x128xf32, #tpu.memory_space<vmem_shared>>
          tpu.enqueue_indirect_dma source(%arg24 : memref<128x128xf32, #tpu.memory_space<vmem>>) target(%dma_start3A_103 : memref<10000x128xf32, #tpu.memory_space<vmem_shared>>) offsets(%dma_start3A_100 : memref<128xi32, #tpu.memory_space<vmem>>) semaphore(%run_scoped3A_97 : memref<!tpu.dma_semaphore, #tpu.memory_space<semaphore_mem>>) {add = true}
          %dma_wait3A_104 = arith.constant 0 : i32
          %dma_wait3A_105 = tpu.memref_slice %arg22[%run_scoped3A_96, %dma_wait3A_104] : memref<2x256xi32, #tpu.memory_space<vmem>> -> memref<1x128xi32, #tpu.memory_space<vmem>>
          %dma_wait3A_106 = tpu.memref_squeeze %dma_wait3A_105 : memref<1x128xi32, #tpu.memory_space<vmem>> -> memref<128xi32, #tpu.memory_space<vmem>>
          %dma_wait3A_107 = arith.constant 0 : i32
          %dma_wait3A_108 = arith.constant 0 : i32
          %dma_wait3A_109 = tpu.memref_slice %arg21[%dma_wait3A_107, %dma_wait3A_108] : memref<10000x128xf32, #tpu.memory_space<vmem_shared>> -> memref<10000x128xf32, #tpu.memory_space<vmem_shared>>
          tpu.wait_indirect_dma semaphore(%run_scoped3A_97 : memref<!tpu.dma_semaphore, #tpu.memory_space<semaphore_mem>>) src(%arg24 : memref<128x128xf32, #tpu.memory_space<vmem>>) dst(%dma_wait3A_109 : memref<10000x128xf32, #tpu.memory_space<vmem_shared>>)
          tpu.yield
        }) : () -> ()
      } else {
      }
    } else {
    }
    %barrier3A_36 = arith.constant 0 : index
    tpu.barrier barrier_id(%barrier3A_36)
    "tpu.region"() ({
      %run_scoped3A = tpu.sem_alloc : memref<!tpu.dma_semaphore, #tpu.memory_space<semaphore_mem>>
      %dma_start3A = arith.constant 0 : i32
      %dma_start3A_66 = tpu.memref_slice %arg19[%arg0, %mul3A_0, %dma_start3A] : memref<2x10000x128xf32, #tpu.memory_space<hbm>> -> memref<1x624x128xf32, #tpu.memory_space<hbm>>
      %dma_start3A_67 = tpu.memref_squeeze %dma_start3A_66 : memref<1x624x128xf32, #tpu.memory_space<hbm>> -> memref<624x128xf32, #tpu.memory_space<hbm>>
      %dma_start3A_68 = arith.constant 0 : i32
      %dma_start3A_69 = tpu.memref_slice %arg21[%mul3A_0, %dma_start3A_68] : memref<10000x128xf32, #tpu.memory_space<vmem_shared>> -> memref<624x128xf32, #tpu.memory_space<vmem_shared>>
      tpu.enqueue_dma source(%dma_start3A_69 : memref<624x128xf32, #tpu.memory_space<vmem_shared>>) target(%dma_start3A_67 : memref<624x128xf32, #tpu.memory_space<hbm>>) target_semaphore(%run_scoped3A : memref<!tpu.dma_semaphore, #tpu.memory_space<semaphore_mem>>)
      %dma_wait3A = arith.constant 0 : i32
      %dma_wait3A_70 = tpu.memref_slice %arg19[%arg0, %mul3A_0, %dma_wait3A] : memref<2x10000x128xf32, #tpu.memory_space<hbm>> -> memref<1x624x128xf32, #tpu.memory_space<hbm>>
      %dma_wait3A_71 = tpu.memref_squeeze %dma_wait3A_70 : memref<1x624x128xf32, #tpu.memory_space<hbm>> -> memref<624x128xf32, #tpu.memory_space<hbm>>
      %dma_wait3A_72 = arith.constant 0 : i32
      %dma_wait3A_73 = tpu.memref_slice %arg21[%mul3A_0, %dma_wait3A_72] : memref<10000x128xf32, #tpu.memory_space<vmem_shared>> -> memref<624x128xf32, #tpu.memory_space<vmem_shared>>
      tpu.wait_dma2 semaphore(%run_scoped3A : memref<!tpu.dma_semaphore, #tpu.memory_space<semaphore_mem>>) src(%dma_wait3A_73 : memref<624x128xf32, #tpu.memory_space<vmem_shared>>) dst(%dma_wait3A_71 : memref<624x128xf32, #tpu.memory_space<hbm>>)
      tpu.yield
    }) : () -> ()
    %eq3A_37 = arith.constant 15 : i32
    %eq3A_38 = arith.cmpi eq, %arg1, %eq3A_37 : i32
    %convert_element_type3A_39 = arith.extui %eq3A_38 : i1 to i32
    %cond3A_40 = arith.constant 0 : i32
    %cond3A_41 = arith.cmpi ne, %convert_element_type3A_39, %cond3A_40 : i32
    scf.if %cond3A_41 {
      "tpu.region"() ({
        %run_scoped3A = tpu.sem_alloc : memref<!tpu.dma_semaphore, #tpu.memory_space<semaphore_mem>>
        %dma_start3A = arith.constant 9984 : i32
        %dma_start3A_66 = arith.constant 0 : i32
        %dma_start3A_67 = tpu.memref_slice %arg19[%arg0, %dma_start3A, %dma_start3A_66] : memref<2x10000x128xf32, #tpu.memory_space<hbm>> -> memref<1x16x128xf32, #tpu.memory_space<hbm>>
        %dma_start3A_68 = tpu.memref_squeeze %dma_start3A_67 : memref<1x16x128xf32, #tpu.memory_space<hbm>> -> memref<16x128xf32, #tpu.memory_space<hbm>>
        %dma_start3A_69 = arith.constant 9984 : i32
        %dma_start3A_70 = arith.constant 0 : i32
        %dma_start3A_71 = tpu.memref_slice %arg21[%dma_start3A_69, %dma_start3A_70] : memref<10000x128xf32, #tpu.memory_space<vmem_shared>> -> memref<16x128xf32, #tpu.memory_space<vmem_shared>>
        tpu.enqueue_dma source(%dma_start3A_71 : memref<16x128xf32, #tpu.memory_space<vmem_shared>>) target(%dma_start3A_68 : memref<16x128xf32, #tpu.memory_space<hbm>>) target_semaphore(%run_scoped3A : memref<!tpu.dma_semaphore, #tpu.memory_space<semaphore_mem>>)
        %dma_wait3A = arith.constant 9984 : i32
        %dma_wait3A_72 = arith.constant 0 : i32
        %dma_wait3A_73 = tpu.memref_slice %arg19[%arg0, %dma_wait3A, %dma_wait3A_72] : memref<2x10000x128xf32, #tpu.memory_space<hbm>> -> memref<1x16x128xf32, #tpu.memory_space<hbm>>
        %dma_wait3A_74 = tpu.memref_squeeze %dma_wait3A_73 : memref<1x16x128xf32, #tpu.memory_space<hbm>> -> memref<16x128xf32, #tpu.memory_space<hbm>>
        %dma_wait3A_75 = arith.constant 9984 : i32
        %dma_wait3A_76 = arith.constant 0 : i32
        %dma_wait3A_77 = tpu.memref_slice %arg21[%dma_wait3A_75, %dma_wait3A_76] : memref<10000x128xf32, #tpu.memory_space<vmem_shared>> -> memref<16x128xf32, #tpu.memory_space<vmem_shared>>
        tpu.wait_dma2 semaphore(%run_scoped3A : memref<!tpu.dma_semaphore, #tpu.memory_space<semaphore_mem>>) src(%dma_wait3A_77 : memref<16x128xf32, #tpu.memory_space<vmem_shared>>) dst(%dma_wait3A_74 : memref<16x128xf32, #tpu.memory_space<hbm>>)
        tpu.yield
      }) : () -> ()
    } else {
    }
    %barrier3A_42 = arith.constant 0 : index
    tpu.barrier barrier_id(%barrier3A_42)
    "tpu.region"() ({
      %run_scoped3A = tpu.sem_alloc : memref<!tpu.dma_semaphore, #tpu.memory_space<semaphore_mem>>
      %dma_start3A = arith.constant 0 : i32
      %dma_start3A_66 = tpu.memref_slice %arg21[%mul3A_0, %dma_start3A] : memref<10000x128xf32, #tpu.memory_space<vmem_shared>> -> memref<624x128xf32, #tpu.memory_space<vmem_shared>>
      %dma_start3A_67 = arith.constant 0 : i32
      %dma_start3A_68 = tpu.memref_slice %arg17[%mul3A_0, %dma_start3A_67] : memref<10000x128xf32, #tpu.memory_space<hbm>> -> memref<624x128xf32, #tpu.memory_space<hbm>>
      tpu.enqueue_dma source(%dma_start3A_68 : memref<624x128xf32, #tpu.memory_space<hbm>>) target(%dma_start3A_66 : memref<624x128xf32, #tpu.memory_space<vmem_shared>>) target_semaphore(%run_scoped3A : memref<!tpu.dma_semaphore, #tpu.memory_space<semaphore_mem>>)
      %dma_wait3A = arith.constant 0 : i32
      %dma_wait3A_69 = tpu.memref_slice %arg21[%mul3A_0, %dma_wait3A] : memref<10000x128xf32, #tpu.memory_space<vmem_shared>> -> memref<624x128xf32, #tpu.memory_space<vmem_shared>>
      %dma_wait3A_70 = arith.constant 0 : i32
      %dma_wait3A_71 = tpu.memref_slice %arg17[%mul3A_0, %dma_wait3A_70] : memref<10000x128xf32, #tpu.memory_space<hbm>> -> memref<624x128xf32, #tpu.memory_space<hbm>>
      tpu.wait_dma2 semaphore(%run_scoped3A : memref<!tpu.dma_semaphore, #tpu.memory_space<semaphore_mem>>) src(%dma_wait3A_71 : memref<624x128xf32, #tpu.memory_space<hbm>>) dst(%dma_wait3A_69 : memref<624x128xf32, #tpu.memory_space<vmem_shared>>)
      tpu.yield
    }) : () -> ()
    %eq3A_43 = arith.constant 15 : i32
    %eq3A_44 = arith.cmpi eq, %arg1, %eq3A_43 : i32
    %convert_element_type3A_45 = arith.extui %eq3A_44 : i1 to i32
    %cond3A_46 = arith.constant 0 : i32
    %cond3A_47 = arith.cmpi ne, %convert_element_type3A_45, %cond3A_46 : i32
    scf.if %cond3A_47 {
      "tpu.region"() ({
        %run_scoped3A = tpu.sem_alloc : memref<!tpu.dma_semaphore, #tpu.memory_space<semaphore_mem>>
        %dma_start3A = arith.constant 9984 : i32
        %dma_start3A_66 = arith.constant 0 : i32
        %dma_start3A_67 = tpu.memref_slice %arg21[%dma_start3A, %dma_start3A_66] : memref<10000x128xf32, #tpu.memory_space<vmem_shared>> -> memref<16x128xf32, #tpu.memory_space<vmem_shared>>
        %dma_start3A_68 = arith.constant 9984 : i32
        %dma_start3A_69 = arith.constant 0 : i32
        %dma_start3A_70 = tpu.memref_slice %arg17[%dma_start3A_68, %dma_start3A_69] : memref<10000x128xf32, #tpu.memory_space<hbm>> -> memref<16x128xf32, #tpu.memory_space<hbm>>
        tpu.enqueue_dma source(%dma_start3A_70 : memref<16x128xf32, #tpu.memory_space<hbm>>) target(%dma_start3A_67 : memref<16x128xf32, #tpu.memory_space<vmem_shared>>) target_semaphore(%run_scoped3A : memref<!tpu.dma_semaphore, #tpu.memory_space<semaphore_mem>>)
        %dma_wait3A = arith.constant 9984 : i32
        %dma_wait3A_71 = arith.constant 0 : i32
        %dma_wait3A_72 = tpu.memref_slice %arg21[%dma_wait3A, %dma_wait3A_71] : memref<10000x128xf32, #tpu.memory_space<vmem_shared>> -> memref<16x128xf32, #tpu.memory_space<vmem_shared>>
        %dma_wait3A_73 = arith.constant 9984 : i32
        %dma_wait3A_74 = arith.constant 0 : i32
        %dma_wait3A_75 = tpu.memref_slice %arg17[%dma_wait3A_73, %dma_wait3A_74] : memref<10000x128xf32, #tpu.memory_space<hbm>> -> memref<16x128xf32, #tpu.memory_space<hbm>>
        tpu.wait_dma2 semaphore(%run_scoped3A : memref<!tpu.dma_semaphore, #tpu.memory_space<semaphore_mem>>) src(%dma_wait3A_75 : memref<16x128xf32, #tpu.memory_space<hbm>>) dst(%dma_wait3A_72 : memref<16x128xf32, #tpu.memory_space<vmem_shared>>)
        tpu.yield
      }) : () -> ()
    } else {
    }
    %barrier3A_48 = arith.constant 0 : index
    tpu.barrier barrier_id(%barrier3A_48)
    %eq3A_49 = arith.constant 0 : i32
    %eq3A_50 = arith.cmpi eq, %arg0, %eq3A_49 : i32
    %convert_element_type3A_51 = arith.extui %eq3A_50 : i1 to i32
    %cond3A_52 = arith.constant 0 : i32
    %cond3A_53 = arith.cmpi ne, %convert_element_type3A_51, %cond3A_52 : i32
    scf.if %cond3A_53 {
      %scan3A = arith.constant 0 : i32
      %scan3A_66 = arith.constant 0 : i32
      %scan3A_67 = arith.constant 78 : i32
      %scan3A_68 = arith.addi %scan3A_66, %scan3A_67 : i32
      %scan3A_69 = arith.constant 1 : i32
      scf.for %scan3A_75 = %scan3A_66 to %scan3A_68 step %scan3A_69  : i32 {
        %mul3A_76 = arith.constant 16 : i32
        %mul3A_77 = arith.muli %mul3A_76, %scan3A_75 : i32
        %add3A = arith.addi %arg1, %mul3A_77 : i32
        %mul3A_78 = arith.constant 256 : i32
        %mul3A_79 = arith.muli %add3A, %mul3A_78 : i32
        %dma_start3A = arith.constant 0 : i32
        %dma_start3A_80 = tpu.memref_slice %arg15[%mul3A_79, %dma_start3A] : memref<320000x128xf32, #tpu.memory_space<hbm>> -> memref<128x128xf32, #tpu.memory_space<hbm>>
        %dma_start3A_81 = arith.constant 0 : i32
        %dma_start3A_82 = tpu.memref_slice %arg15[%mul3A_79, %dma_start3A_81] : memref<320000x128xf32, #tpu.memory_space<hbm>> -> memref<128x128xf32, #tpu.memory_space<hbm>>
        tpu.enqueue_dma source(%dma_start3A_82 : memref<128x128xf32, #tpu.memory_space<hbm>>) target(%arg24 : memref<128x128xf32, #tpu.memory_space<vmem>>) target_semaphore(%arg27 : memref<!tpu.dma_semaphore, #tpu.memory_space<semaphore_mem>>)
        %dma_start3A_83 = arith.constant 0 : i32
        %dma_start3A_84 = tpu.memref_slice %arg13[%dma_start3A_83, %mul3A_79] : memref<2x320000xi32, #tpu.memory_space<hbm>> -> memref<2x256xi32, #tpu.memory_space<hbm>>
        %dma_start3A_85 = arith.constant 0 : i32
        %dma_start3A_86 = tpu.memref_slice %arg13[%dma_start3A_85, %mul3A_79] : memref<2x320000xi32, #tpu.memory_space<hbm>> -> memref<2x256xi32, #tpu.memory_space<hbm>>
        tpu.enqueue_dma source(%dma_start3A_86 : memref<2x256xi32, #tpu.memory_space<hbm>>) target(%arg22 : memref<2x256xi32, #tpu.memory_space<vmem>>) target_semaphore(%arg25 : memref<!tpu.dma_semaphore, #tpu.memory_space<semaphore_mem>>)
        %dma_wait3A = arith.constant 0 : i32
        %dma_wait3A_87 = tpu.memref_slice %arg13[%dma_wait3A, %mul3A_79] : memref<2x320000xi32, #tpu.memory_space<hbm>> -> memref<2x256xi32, #tpu.memory_space<hbm>>
        %dma_wait3A_88 = arith.constant 0 : i32
        %dma_wait3A_89 = tpu.memref_slice %arg13[%dma_wait3A_88, %mul3A_79] : memref<2x320000xi32, #tpu.memory_space<hbm>> -> memref<2x256xi32, #tpu.memory_space<hbm>>
        tpu.wait_dma2 semaphore(%arg25 : memref<!tpu.dma_semaphore, #tpu.memory_space<semaphore_mem>>) src(%dma_wait3A_89 : memref<2x256xi32, #tpu.memory_space<hbm>>) dst(%arg22 : memref<2x256xi32, #tpu.memory_space<vmem>>)
        %dma_start3A_90 = arith.constant 0 : i32
        %dma_start3A_91 = arith.constant 0 : i32
        %dma_start3A_92 = arith.constant 0 : i32
        %dma_start3A_93 = tpu.memref_slice %arg23[%dma_start3A_91, %dma_start3A_92] : memref<256x128xf32, #tpu.memory_space<vmem>> -> memref<128x128xf32, #tpu.memory_space<vmem>>
        %dma_start3A_94 = arith.constant 0 : i32
        %dma_start3A_95 = tpu.memref_slice %arg22[%dma_start3A_90, %dma_start3A_94] : memref<2x256xi32, #tpu.memory_space<vmem>> -> memref<1x128xi32, #tpu.memory_space<vmem>>
        %dma_start3A_96 = tpu.memref_squeeze %dma_start3A_95 : memref<1x128xi32, #tpu.memory_space<vmem>> -> memref<128xi32, #tpu.memory_space<vmem>>
        %dma_start3A_97 = arith.constant 0 : i32
        %dma_start3A_98 = arith.constant 0 : i32
        %dma_start3A_99 = tpu.memref_slice %arg12[%dma_start3A_97, %dma_start3A_98] : memref<10000x128xf32, #tpu.memory_space<hbm>> -> memref<10000x128xf32, #tpu.memory_space<hbm>>
        tpu.enqueue_indirect_dma source(%dma_start3A_99 : memref<10000x128xf32, #tpu.memory_space<hbm>>) target(%dma_start3A_93 : memref<128x128xf32, #tpu.memory_space<vmem>>) offsets(%dma_start3A_96 : memref<128xi32, #tpu.memory_space<vmem>>) semaphore(%arg26 : memref<!tpu.dma_semaphore, #tpu.memory_space<semaphore_mem>>)
        %dma_start3A_100 = arith.constant 0 : i32
        %dma_start3A_101 = arith.constant 128 : i32
        %dma_start3A_102 = arith.constant 0 : i32
        %dma_start3A_103 = tpu.memref_slice %arg23[%dma_start3A_101, %dma_start3A_102] : memref<256x128xf32, #tpu.memory_space<vmem>> -> memref<128x128xf32, #tpu.memory_space<vmem>>
        %dma_start3A_104 = arith.constant 128 : i32
        %dma_start3A_105 = tpu.memref_slice %arg22[%dma_start3A_100, %dma_start3A_104] : memref<2x256xi32, #tpu.memory_space<vmem>> -> memref<1x128xi32, #tpu.memory_space<vmem>>
        %dma_start3A_106 = tpu.memref_squeeze %dma_start3A_105 : memref<1x128xi32, #tpu.memory_space<vmem>> -> memref<128xi32, #tpu.memory_space<vmem>>
        %dma_start3A_107 = arith.constant 0 : i32
        %dma_start3A_108 = arith.constant 0 : i32
        %dma_start3A_109 = tpu.memref_slice %arg12[%dma_start3A_107, %dma_start3A_108] : memref<10000x128xf32, #tpu.memory_space<hbm>> -> memref<10000x128xf32, #tpu.memory_space<hbm>>
        tpu.enqueue_indirect_dma source(%dma_start3A_109 : memref<10000x128xf32, #tpu.memory_space<hbm>>) target(%dma_start3A_103 : memref<128x128xf32, #tpu.memory_space<vmem>>) offsets(%dma_start3A_106 : memref<128xi32, #tpu.memory_space<vmem>>) semaphore(%arg26 : memref<!tpu.dma_semaphore, #tpu.memory_space<semaphore_mem>>)
        %dma_wait3A_110 = arith.constant 0 : i32
        %dma_wait3A_111 = arith.constant 0 : i32
        %dma_wait3A_112 = arith.constant 0 : i32
        %dma_wait3A_113 = tpu.memref_slice %arg23[%dma_wait3A_111, %dma_wait3A_112] : memref<256x128xf32, #tpu.memory_space<vmem>> -> memref<128x128xf32, #tpu.memory_space<vmem>>
        %dma_wait3A_114 = arith.constant 0 : i32
        %dma_wait3A_115 = tpu.memref_slice %arg22[%dma_wait3A_110, %dma_wait3A_114] : memref<2x256xi32, #tpu.memory_space<vmem>> -> memref<1x128xi32, #tpu.memory_space<vmem>>
        %dma_wait3A_116 = tpu.memref_squeeze %dma_wait3A_115 : memref<1x128xi32, #tpu.memory_space<vmem>> -> memref<128xi32, #tpu.memory_space<vmem>>
        %dma_wait3A_117 = arith.constant 0 : i32
        %dma_wait3A_118 = arith.constant 0 : i32
        %dma_wait3A_119 = tpu.memref_slice %arg12[%dma_wait3A_117, %dma_wait3A_118] : memref<10000x128xf32, #tpu.memory_space<hbm>> -> memref<10000x128xf32, #tpu.memory_space<hbm>>
        tpu.wait_indirect_dma semaphore(%arg26 : memref<!tpu.dma_semaphore, #tpu.memory_space<semaphore_mem>>) src(%dma_wait3A_119 : memref<10000x128xf32, #tpu.memory_space<hbm>>) dst(%dma_wait3A_113 : memref<128x128xf32, #tpu.memory_space<vmem>>)
        %dma_start3A_120 = arith.constant 1 : i32
        %dma_start3A_121 = arith.constant 0 : i32
        %dma_start3A_122 = arith.constant 0 : i32
        %dma_start3A_123 = tpu.memref_slice %arg23[%dma_start3A_121, %dma_start3A_122] : memref<256x128xf32, #tpu.memory_space<vmem>> -> memref<128x128xf32, #tpu.memory_space<vmem>>
        %dma_start3A_124 = arith.constant 0 : i32
        %dma_start3A_125 = tpu.memref_slice %arg22[%dma_start3A_120, %dma_start3A_124] : memref<2x256xi32, #tpu.memory_space<vmem>> -> memref<1x128xi32, #tpu.memory_space<vmem>>
        %dma_start3A_126 = tpu.memref_squeeze %dma_start3A_125 : memref<1x128xi32, #tpu.memory_space<vmem>> -> memref<128xi32, #tpu.memory_space<vmem>>
        %dma_start3A_127 = arith.constant 0 : i32
        %dma_start3A_128 = arith.constant 0 : i32
        %dma_start3A_129 = tpu.memref_slice %arg21[%dma_start3A_127, %dma_start3A_128] : memref<10000x128xf32, #tpu.memory_space<vmem_shared>> -> memref<10000x128xf32, #tpu.memory_space<vmem_shared>>
        tpu.enqueue_indirect_dma source(%dma_start3A_123 : memref<128x128xf32, #tpu.memory_space<vmem>>) target(%dma_start3A_129 : memref<10000x128xf32, #tpu.memory_space<vmem_shared>>) offsets(%dma_start3A_126 : memref<128xi32, #tpu.memory_space<vmem>>) semaphore(%arg28 : memref<!tpu.dma_semaphore, #tpu.memory_space<semaphore_mem>>) {add = true}
        %dma_wait3A_130 = arith.constant 0 : i32
        %dma_wait3A_131 = tpu.memref_slice %arg15[%mul3A_79, %dma_wait3A_130] : memref<320000x128xf32, #tpu.memory_space<hbm>> -> memref<128x128xf32, #tpu.memory_space<hbm>>
        %dma_wait3A_132 = arith.constant 0 : i32
        %dma_wait3A_133 = tpu.memref_slice %arg15[%mul3A_79, %dma_wait3A_132] : memref<320000x128xf32, #tpu.memory_space<hbm>> -> memref<128x128xf32, #tpu.memory_space<hbm>>
        tpu.wait_dma2 semaphore(%arg27 : memref<!tpu.dma_semaphore, #tpu.memory_space<semaphore_mem>>) src(%dma_wait3A_133 : memref<128x128xf32, #tpu.memory_space<hbm>>) dst(%arg24 : memref<128x128xf32, #tpu.memory_space<vmem>>)
        %dma_start3A_134 = arith.constant 1 : i32
        %dma_start3A_135 = arith.constant 0 : i32
        %dma_start3A_136 = tpu.memref_slice %arg22[%dma_start3A_134, %dma_start3A_135] : memref<2x256xi32, #tpu.memory_space<vmem>> -> memref<1x128xi32, #tpu.memory_space<vmem>>
        %dma_start3A_137 = tpu.memref_squeeze %dma_start3A_136 : memref<1x128xi32, #tpu.memory_space<vmem>> -> memref<128xi32, #tpu.memory_space<vmem>>
        %dma_start3A_138 = arith.constant 0 : i32
        %dma_start3A_139 = arith.constant 0 : i32
        %dma_start3A_140 = tpu.memref_slice %arg21[%dma_start3A_138, %dma_start3A_139] : memref<10000x128xf32, #tpu.memory_space<vmem_shared>> -> memref<10000x128xf32, #tpu.memory_space<vmem_shared>>
        tpu.enqueue_indirect_dma source(%arg24 : memref<128x128xf32, #tpu.memory_space<vmem>>) target(%dma_start3A_140 : memref<10000x128xf32, #tpu.memory_space<vmem_shared>>) offsets(%dma_start3A_137 : memref<128xi32, #tpu.memory_space<vmem>>) semaphore(%arg29 : memref<!tpu.dma_semaphore, #tpu.memory_space<semaphore_mem>>) {add = true}
        %dma_wait3A_141 = arith.constant 0 : i32
        %dma_wait3A_142 = arith.constant 128 : i32
        %dma_wait3A_143 = arith.constant 0 : i32
        %dma_wait3A_144 = tpu.memref_slice %arg23[%dma_wait3A_142, %dma_wait3A_143] : memref<256x128xf32, #tpu.memory_space<vmem>> -> memref<128x128xf32, #tpu.memory_space<vmem>>
        %dma_wait3A_145 = arith.constant 128 : i32
        %dma_wait3A_146 = tpu.memref_slice %arg22[%dma_wait3A_141, %dma_wait3A_145] : memref<2x256xi32, #tpu.memory_space<vmem>> -> memref<1x128xi32, #tpu.memory_space<vmem>>
        %dma_wait3A_147 = tpu.memref_squeeze %dma_wait3A_146 : memref<1x128xi32, #tpu.memory_space<vmem>> -> memref<128xi32, #tpu.memory_space<vmem>>
        %dma_wait3A_148 = arith.constant 0 : i32
        %dma_wait3A_149 = arith.constant 0 : i32
        %dma_wait3A_150 = tpu.memref_slice %arg12[%dma_wait3A_148, %dma_wait3A_149] : memref<10000x128xf32, #tpu.memory_space<hbm>> -> memref<10000x128xf32, #tpu.memory_space<hbm>>
        tpu.wait_indirect_dma semaphore(%arg26 : memref<!tpu.dma_semaphore, #tpu.memory_space<semaphore_mem>>) src(%dma_wait3A_150 : memref<10000x128xf32, #tpu.memory_space<hbm>>) dst(%dma_wait3A_144 : memref<128x128xf32, #tpu.memory_space<vmem>>)
        %dma_start3A_151 = arith.constant 1 : i32
        %dma_start3A_152 = arith.constant 128 : i32
        %dma_start3A_153 = arith.constant 0 : i32
        %dma_start3A_154 = tpu.memref_slice %arg23[%dma_start3A_152, %dma_start3A_153] : memref<256x128xf32, #tpu.memory_space<vmem>> -> memref<128x128xf32, #tpu.memory_space<vmem>>
        %dma_start3A_155 = arith.constant 128 : i32
        %dma_start3A_156 = tpu.memref_slice %arg22[%dma_start3A_151, %dma_start3A_155] : memref<2x256xi32, #tpu.memory_space<vmem>> -> memref<1x128xi32, #tpu.memory_space<vmem>>
        %dma_start3A_157 = tpu.memref_squeeze %dma_start3A_156 : memref<1x128xi32, #tpu.memory_space<vmem>> -> memref<128xi32, #tpu.memory_space<vmem>>
        %dma_start3A_158 = arith.constant 0 : i32
        %dma_start3A_159 = arith.constant 0 : i32
        %dma_start3A_160 = tpu.memref_slice %arg21[%dma_start3A_158, %dma_start3A_159] : memref<10000x128xf32, #tpu.memory_space<vmem_shared>> -> memref<10000x128xf32, #tpu.memory_space<vmem_shared>>
        tpu.enqueue_indirect_dma source(%dma_start3A_154 : memref<128x128xf32, #tpu.memory_space<vmem>>) target(%dma_start3A_160 : memref<10000x128xf32, #tpu.memory_space<vmem_shared>>) offsets(%dma_start3A_157 : memref<128xi32, #tpu.memory_space<vmem>>) semaphore(%arg28 : memref<!tpu.dma_semaphore, #tpu.memory_space<semaphore_mem>>) {add = true}
        %dma_wait3A_161 = arith.constant 1 : i32
        %dma_wait3A_162 = arith.constant 0 : i32
        %dma_wait3A_163 = arith.constant 0 : i32
        %dma_wait3A_164 = tpu.memref_slice %arg23[%dma_wait3A_162, %dma_wait3A_163] : memref<256x128xf32, #tpu.memory_space<vmem>> -> memref<128x128xf32, #tpu.memory_space<vmem>>
        %dma_wait3A_165 = arith.constant 0 : i32
        %dma_wait3A_166 = tpu.memref_slice %arg22[%dma_wait3A_161, %dma_wait3A_165] : memref<2x256xi32, #tpu.memory_space<vmem>> -> memref<1x128xi32, #tpu.memory_space<vmem>>
        %dma_wait3A_167 = tpu.memref_squeeze %dma_wait3A_166 : memref<1x128xi32, #tpu.memory_space<vmem>> -> memref<128xi32, #tpu.memory_space<vmem>>
        %dma_wait3A_168 = arith.constant 0 : i32
        %dma_wait3A_169 = arith.constant 0 : i32
        %dma_wait3A_170 = tpu.memref_slice %arg21[%dma_wait3A_168, %dma_wait3A_169] : memref<10000x128xf32, #tpu.memory_space<vmem_shared>> -> memref<10000x128xf32, #tpu.memory_space<vmem_shared>>
        tpu.wait_indirect_dma semaphore(%arg28 : memref<!tpu.dma_semaphore, #tpu.memory_space<semaphore_mem>>) src(%dma_wait3A_164 : memref<128x128xf32, #tpu.memory_space<vmem>>) dst(%dma_wait3A_170 : memref<10000x128xf32, #tpu.memory_space<vmem_shared>>)
        %add3A_171 = arith.constant 128 : i32
        %add3A_172 = arith.addi %mul3A_79, %add3A_171 : i32
        %dma_start3A_173 = arith.constant 0 : i32
        %dma_start3A_174 = arith.constant 0 : i32
        %dma_start3A_175 = tpu.memref_slice %arg23[%dma_start3A_173, %dma_start3A_174] : memref<256x128xf32, #tpu.memory_space<vmem>> -> memref<128x128xf32, #tpu.memory_space<vmem>>
        %dma_start3A_176 = arith.constant 0 : i32
        %dma_start3A_177 = tpu.memref_slice %arg15[%add3A_172, %dma_start3A_176] : memref<320000x128xf32, #tpu.memory_space<hbm>> -> memref<128x128xf32, #tpu.memory_space<hbm>>
        %dma_start3A_178 = arith.constant 0 : i32
        %dma_start3A_179 = arith.constant 0 : i32
        %dma_start3A_180 = tpu.memref_slice %arg23[%dma_start3A_178, %dma_start3A_179] : memref<256x128xf32, #tpu.memory_space<vmem>> -> memref<128x128xf32, #tpu.memory_space<vmem>>
        %dma_start3A_181 = arith.constant 0 : i32
        %dma_start3A_182 = tpu.memref_slice %arg15[%add3A_172, %dma_start3A_181] : memref<320000x128xf32, #tpu.memory_space<hbm>> -> memref<128x128xf32, #tpu.memory_space<hbm>>
        tpu.enqueue_dma source(%dma_start3A_182 : memref<128x128xf32, #tpu.memory_space<hbm>>) target(%dma_start3A_180 : memref<128x128xf32, #tpu.memory_space<vmem>>) target_semaphore(%arg27 : memref<!tpu.dma_semaphore, #tpu.memory_space<semaphore_mem>>)
        %dma_wait3A_183 = arith.constant 0 : i32
        %dma_wait3A_184 = arith.constant 0 : i32
        %dma_wait3A_185 = tpu.memref_slice %arg23[%dma_wait3A_183, %dma_wait3A_184] : memref<256x128xf32, #tpu.memory_space<vmem>> -> memref<128x128xf32, #tpu.memory_space<vmem>>
        %dma_wait3A_186 = arith.constant 0 : i32
        %dma_wait3A_187 = tpu.memref_slice %arg15[%add3A_172, %dma_wait3A_186] : memref<320000x128xf32, #tpu.memory_space<hbm>> -> memref<128x128xf32, #tpu.memory_space<hbm>>
        %dma_wait3A_188 = arith.constant 0 : i32
        %dma_wait3A_189 = arith.constant 0 : i32
        %dma_wait3A_190 = tpu.memref_slice %arg23[%dma_wait3A_188, %dma_wait3A_189] : memref<256x128xf32, #tpu.memory_space<vmem>> -> memref<128x128xf32, #tpu.memory_space<vmem>>
        %dma_wait3A_191 = arith.constant 0 : i32
        %dma_wait3A_192 = tpu.memref_slice %arg15[%add3A_172, %dma_wait3A_191] : memref<320000x128xf32, #tpu.memory_space<hbm>> -> memref<128x128xf32, #tpu.memory_space<hbm>>
        tpu.wait_dma2 semaphore(%arg27 : memref<!tpu.dma_semaphore, #tpu.memory_space<semaphore_mem>>) src(%dma_wait3A_192 : memref<128x128xf32, #tpu.memory_space<hbm>>) dst(%dma_wait3A_190 : memref<128x128xf32, #tpu.memory_space<vmem>>)
        %dma_start3A_193 = arith.constant 1 : i32
        %dma_start3A_194 = arith.constant 0 : i32
        %dma_start3A_195 = arith.constant 0 : i32
        %dma_start3A_196 = tpu.memref_slice %arg23[%dma_start3A_194, %dma_start3A_195] : memref<256x128xf32, #tpu.memory_space<vmem>> -> memref<128x128xf32, #tpu.memory_space<vmem>>
        %dma_start3A_197 = arith.constant 128 : i32
        %dma_start3A_198 = tpu.memref_slice %arg22[%dma_start3A_193, %dma_start3A_197] : memref<2x256xi32, #tpu.memory_space<vmem>> -> memref<1x128xi32, #tpu.memory_space<vmem>>
        %dma_start3A_199 = tpu.memref_squeeze %dma_start3A_198 : memref<1x128xi32, #tpu.memory_space<vmem>> -> memref<128xi32, #tpu.memory_space<vmem>>
        %dma_start3A_200 = arith.constant 0 : i32
        %dma_start3A_201 = arith.constant 0 : i32
        %dma_start3A_202 = tpu.memref_slice %arg21[%dma_start3A_200, %dma_start3A_201] : memref<10000x128xf32, #tpu.memory_space<vmem_shared>> -> memref<10000x128xf32, #tpu.memory_space<vmem_shared>>
        tpu.enqueue_indirect_dma source(%dma_start3A_196 : memref<128x128xf32, #tpu.memory_space<vmem>>) target(%dma_start3A_202 : memref<10000x128xf32, #tpu.memory_space<vmem_shared>>) offsets(%dma_start3A_199 : memref<128xi32, #tpu.memory_space<vmem>>) semaphore(%arg29 : memref<!tpu.dma_semaphore, #tpu.memory_space<semaphore_mem>>) {add = true}
        %dma_wait3A_203 = arith.constant 1 : i32
        %dma_wait3A_204 = arith.constant 128 : i32
        %dma_wait3A_205 = arith.constant 0 : i32
        %dma_wait3A_206 = tpu.memref_slice %arg23[%dma_wait3A_204, %dma_wait3A_205] : memref<256x128xf32, #tpu.memory_space<vmem>> -> memref<128x128xf32, #tpu.memory_space<vmem>>
        %dma_wait3A_207 = arith.constant 128 : i32
        %dma_wait3A_208 = tpu.memref_slice %arg22[%dma_wait3A_203, %dma_wait3A_207] : memref<2x256xi32, #tpu.memory_space<vmem>> -> memref<1x128xi32, #tpu.memory_space<vmem>>
        %dma_wait3A_209 = tpu.memref_squeeze %dma_wait3A_208 : memref<1x128xi32, #tpu.memory_space<vmem>> -> memref<128xi32, #tpu.memory_space<vmem>>
        %dma_wait3A_210 = arith.constant 0 : i32
        %dma_wait3A_211 = arith.constant 0 : i32
        %dma_wait3A_212 = tpu.memref_slice %arg21[%dma_wait3A_210, %dma_wait3A_211] : memref<10000x128xf32, #tpu.memory_space<vmem_shared>> -> memref<10000x128xf32, #tpu.memory_space<vmem_shared>>
        tpu.wait_indirect_dma semaphore(%arg28 : memref<!tpu.dma_semaphore, #tpu.memory_space<semaphore_mem>>) src(%dma_wait3A_206 : memref<128x128xf32, #tpu.memory_space<vmem>>) dst(%dma_wait3A_212 : memref<10000x128xf32, #tpu.memory_space<vmem_shared>>)
        %dma_wait3A_213 = arith.constant 1 : i32
        %dma_wait3A_214 = arith.constant 0 : i32
        %dma_wait3A_215 = tpu.memref_slice %arg22[%dma_wait3A_213, %dma_wait3A_214] : memref<2x256xi32, #tpu.memory_space<vmem>> -> memref<1x128xi32, #tpu.memory_space<vmem>>
        %dma_wait3A_216 = tpu.memref_squeeze %dma_wait3A_215 : memref<1x128xi32, #tpu.memory_space<vmem>> -> memref<128xi32, #tpu.memory_space<vmem>>
        %dma_wait3A_217 = arith.constant 0 : i32
        %dma_wait3A_218 = arith.constant 0 : i32
        %dma_wait3A_219 = tpu.memref_slice %arg21[%dma_wait3A_217, %dma_wait3A_218] : memref<10000x128xf32, #tpu.memory_space<vmem_shared>> -> memref<10000x128xf32, #tpu.memory_space<vmem_shared>>
        tpu.wait_indirect_dma semaphore(%arg29 : memref<!tpu.dma_semaphore, #tpu.memory_space<semaphore_mem>>) src(%arg24 : memref<128x128xf32, #tpu.memory_space<vmem>>) dst(%dma_wait3A_219 : memref<10000x128xf32, #tpu.memory_space<vmem_shared>>)
        %dma_wait3A_220 = arith.constant 1 : i32
        %dma_wait3A_221 = arith.constant 0 : i32
        %dma_wait3A_222 = arith.constant 0 : i32
        %dma_wait3A_223 = tpu.memref_slice %arg23[%dma_wait3A_221, %dma_wait3A_222] : memref<256x128xf32, #tpu.memory_space<vmem>> -> memref<128x128xf32, #tpu.memory_space<vmem>>
        %dma_wait3A_224 = arith.constant 128 : i32
        %dma_wait3A_225 = tpu.memref_slice %arg22[%dma_wait3A_220, %dma_wait3A_224] : memref<2x256xi32, #tpu.memory_space<vmem>> -> memref<1x128xi32, #tpu.memory_space<vmem>>
        %dma_wait3A_226 = tpu.memref_squeeze %dma_wait3A_225 : memref<1x128xi32, #tpu.memory_space<vmem>> -> memref<128xi32, #tpu.memory_space<vmem>>
        %dma_wait3A_227 = arith.constant 0 : i32
        %dma_wait3A_228 = arith.constant 0 : i32
        %dma_wait3A_229 = tpu.memref_slice %arg21[%dma_wait3A_227, %dma_wait3A_228] : memref<10000x128xf32, #tpu.memory_space<vmem_shared>> -> memref<10000x128xf32, #tpu.memory_space<vmem_shared>>
        tpu.wait_indirect_dma semaphore(%arg29 : memref<!tpu.dma_semaphore, #tpu.memory_space<semaphore_mem>>) src(%dma_wait3A_223 : memref<128x128xf32, #tpu.memory_space<vmem>>) dst(%dma_wait3A_229 : memref<10000x128xf32, #tpu.memory_space<vmem_shared>>)
      }
      %scan3A_70 = arith.constant 78 : i32
      %lt3A = arith.constant 4 : i32
      %lt3A_71 = arith.cmpi slt, %arg1, %lt3A : i32
      %convert_element_type3A_72 = arith.extui %lt3A_71 : i1 to i32
      %cond3A_73 = arith.constant 0 : i32
      %cond3A_74 = arith.cmpi ne, %convert_element_type3A_72, %cond3A_73 : i32
      scf.if %cond3A_74 {
        %add3A = arith.constant 2496 : i32
        %add3A_75 = arith.addi %add3A, %arg1 : i32
        %mul3A_76 = arith.constant 128 : i32
        %mul3A_77 = arith.muli %add3A_75, %mul3A_76 : i32
        "tpu.region"() ({
          %run_scoped3A_97 = tpu.sem_alloc : memref<!tpu.dma_semaphore, #tpu.memory_space<semaphore_mem>>
          %dma_start3A_98 = arith.constant 0 : i32
          %dma_start3A_99 = arith.constant 0 : i32
          %dma_start3A_100 = tpu.memref_slice %arg22[%dma_start3A_98, %dma_start3A_99] : memref<2x256xi32, #tpu.memory_space<vmem>> -> memref<2x128xi32, #tpu.memory_space<vmem>>
          %dma_start3A_101 = arith.constant 0 : i32
          %dma_start3A_102 = tpu.memref_slice %arg13[%dma_start3A_101, %mul3A_77] : memref<2x320000xi32, #tpu.memory_space<hbm>> -> memref<2x128xi32, #tpu.memory_space<hbm>>
          %dma_start3A_103 = arith.constant 0 : i32
          %dma_start3A_104 = arith.constant 0 : i32
          %dma_start3A_105 = tpu.memref_slice %arg22[%dma_start3A_103, %dma_start3A_104] : memref<2x256xi32, #tpu.memory_space<vmem>> -> memref<2x128xi32, #tpu.memory_space<vmem>>
          %dma_start3A_106 = arith.constant 0 : i32
          %dma_start3A_107 = tpu.memref_slice %arg13[%dma_start3A_106, %mul3A_77] : memref<2x320000xi32, #tpu.memory_space<hbm>> -> memref<2x128xi32, #tpu.memory_space<hbm>>
          tpu.enqueue_dma source(%dma_start3A_107 : memref<2x128xi32, #tpu.memory_space<hbm>>) target(%dma_start3A_105 : memref<2x128xi32, #tpu.memory_space<vmem>>) target_semaphore(%run_scoped3A_97 : memref<!tpu.dma_semaphore, #tpu.memory_space<semaphore_mem>>)
          %dma_wait3A_108 = arith.constant 0 : i32
          %dma_wait3A_109 = arith.constant 0 : i32
          %dma_wait3A_110 = tpu.memref_slice %arg22[%dma_wait3A_108, %dma_wait3A_109] : memref<2x256xi32, #tpu.memory_space<vmem>> -> memref<2x128xi32, #tpu.memory_space<vmem>>
          %dma_wait3A_111 = arith.constant 0 : i32
          %dma_wait3A_112 = tpu.memref_slice %arg13[%dma_wait3A_111, %mul3A_77] : memref<2x320000xi32, #tpu.memory_space<hbm>> -> memref<2x128xi32, #tpu.memory_space<hbm>>
          %dma_wait3A_113 = arith.constant 0 : i32
          %dma_wait3A_114 = arith.constant 0 : i32
          %dma_wait3A_115 = tpu.memref_slice %arg22[%dma_wait3A_113, %dma_wait3A_114] : memref<2x256xi32, #tpu.memory_space<vmem>> -> memref<2x128xi32, #tpu.memory_space<vmem>>
          %dma_wait3A_116 = arith.constant 0 : i32
          %dma_wait3A_117 = tpu.memref_slice %arg13[%dma_wait3A_116, %mul3A_77] : memref<2x320000xi32, #tpu.memory_space<hbm>> -> memref<2x128xi32, #tpu.memory_space<hbm>>
          tpu.wait_dma2 semaphore(%run_scoped3A_97 : memref<!tpu.dma_semaphore, #tpu.memory_space<semaphore_mem>>) src(%dma_wait3A_117 : memref<2x128xi32, #tpu.memory_space<hbm>>) dst(%dma_wait3A_115 : memref<2x128xi32, #tpu.memory_space<vmem>>)
          tpu.yield
        }) : () -> ()
        %dma_start3A = arith.constant 0 : i32
        %dma_start3A_78 = arith.constant 0 : i32
        %dma_start3A_79 = arith.constant 0 : i32
        %dma_start3A_80 = tpu.memref_slice %arg23[%dma_start3A_78, %dma_start3A_79] : memref<256x128xf32, #tpu.memory_space<vmem>> -> memref<128x128xf32, #tpu.memory_space<vmem>>
        %dma_start3A_81 = arith.constant 0 : i32
        %dma_start3A_82 = tpu.memref_slice %arg22[%dma_start3A, %dma_start3A_81] : memref<2x256xi32, #tpu.memory_space<vmem>> -> memref<1x128xi32, #tpu.memory_space<vmem>>
        %dma_start3A_83 = tpu.memref_squeeze %dma_start3A_82 : memref<1x128xi32, #tpu.memory_space<vmem>> -> memref<128xi32, #tpu.memory_space<vmem>>
        %dma_start3A_84 = arith.constant 0 : i32
        %dma_start3A_85 = arith.constant 0 : i32
        %dma_start3A_86 = tpu.memref_slice %arg12[%dma_start3A_84, %dma_start3A_85] : memref<10000x128xf32, #tpu.memory_space<hbm>> -> memref<10000x128xf32, #tpu.memory_space<hbm>>
        tpu.enqueue_indirect_dma source(%dma_start3A_86 : memref<10000x128xf32, #tpu.memory_space<hbm>>) target(%dma_start3A_80 : memref<128x128xf32, #tpu.memory_space<vmem>>) offsets(%dma_start3A_83 : memref<128xi32, #tpu.memory_space<vmem>>) semaphore(%arg26 : memref<!tpu.dma_semaphore, #tpu.memory_space<semaphore_mem>>)
        %dma_wait3A = arith.constant 0 : i32
        %dma_wait3A_87 = arith.constant 0 : i32
        %dma_wait3A_88 = arith.constant 0 : i32
        %dma_wait3A_89 = tpu.memref_slice %arg23[%dma_wait3A_87, %dma_wait3A_88] : memref<256x128xf32, #tpu.memory_space<vmem>> -> memref<128x128xf32, #tpu.memory_space<vmem>>
        %dma_wait3A_90 = arith.constant 0 : i32
        %dma_wait3A_91 = tpu.memref_slice %arg22[%dma_wait3A, %dma_wait3A_90] : memref<2x256xi32, #tpu.memory_space<vmem>> -> memref<1x128xi32, #tpu.memory_space<vmem>>
        %dma_wait3A_92 = tpu.memref_squeeze %dma_wait3A_91 : memref<1x128xi32, #tpu.memory_space<vmem>> -> memref<128xi32, #tpu.memory_space<vmem>>
        %dma_wait3A_93 = arith.constant 0 : i32
        %dma_wait3A_94 = arith.constant 0 : i32
        %dma_wait3A_95 = tpu.memref_slice %arg12[%dma_wait3A_93, %dma_wait3A_94] : memref<10000x128xf32, #tpu.memory_space<hbm>> -> memref<10000x128xf32, #tpu.memory_space<hbm>>
        tpu.wait_indirect_dma semaphore(%arg26 : memref<!tpu.dma_semaphore, #tpu.memory_space<semaphore_mem>>) src(%dma_wait3A_95 : memref<10000x128xf32, #tpu.memory_space<hbm>>) dst(%dma_wait3A_89 : memref<128x128xf32, #tpu.memory_space<vmem>>)
        %run_scoped3A = arith.constant 1 : i32
        "tpu.region"() ({
          %run_scoped3A_97 = tpu.sem_alloc : memref<!tpu.dma_semaphore, #tpu.memory_space<semaphore_mem>>
          %dma_start3A_98 = arith.constant 0 : i32
          %dma_start3A_99 = arith.constant 0 : i32
          %dma_start3A_100 = tpu.memref_slice %arg23[%dma_start3A_98, %dma_start3A_99] : memref<256x128xf32, #tpu.memory_space<vmem>> -> memref<128x128xf32, #tpu.memory_space<vmem>>
          %dma_start3A_101 = arith.constant 0 : i32
          %dma_start3A_102 = tpu.memref_slice %arg22[%run_scoped3A, %dma_start3A_101] : memref<2x256xi32, #tpu.memory_space<vmem>> -> memref<1x128xi32, #tpu.memory_space<vmem>>
          %dma_start3A_103 = tpu.memref_squeeze %dma_start3A_102 : memref<1x128xi32, #tpu.memory_space<vmem>> -> memref<128xi32, #tpu.memory_space<vmem>>
          %dma_start3A_104 = arith.constant 0 : i32
          %dma_start3A_105 = arith.constant 0 : i32
          %dma_start3A_106 = tpu.memref_slice %arg21[%dma_start3A_104, %dma_start3A_105] : memref<10000x128xf32, #tpu.memory_space<vmem_shared>> -> memref<10000x128xf32, #tpu.memory_space<vmem_shared>>
          tpu.enqueue_indirect_dma source(%dma_start3A_100 : memref<128x128xf32, #tpu.memory_space<vmem>>) target(%dma_start3A_106 : memref<10000x128xf32, #tpu.memory_space<vmem_shared>>) offsets(%dma_start3A_103 : memref<128xi32, #tpu.memory_space<vmem>>) semaphore(%run_scoped3A_97 : memref<!tpu.dma_semaphore, #tpu.memory_space<semaphore_mem>>) {add = true}
          %dma_wait3A_107 = arith.constant 0 : i32
          %dma_wait3A_108 = arith.constant 0 : i32
          %dma_wait3A_109 = tpu.memref_slice %arg23[%dma_wait3A_107, %dma_wait3A_108] : memref<256x128xf32, #tpu.memory_space<vmem>> -> memref<128x128xf32, #tpu.memory_space<vmem>>
          %dma_wait3A_110 = arith.constant 0 : i32
          %dma_wait3A_111 = tpu.memref_slice %arg22[%run_scoped3A, %dma_wait3A_110] : memref<2x256xi32, #tpu.memory_space<vmem>> -> memref<1x128xi32, #tpu.memory_space<vmem>>
          %dma_wait3A_112 = tpu.memref_squeeze %dma_wait3A_111 : memref<1x128xi32, #tpu.memory_space<vmem>> -> memref<128xi32, #tpu.memory_space<vmem>>
          %dma_wait3A_113 = arith.constant 0 : i32
          %dma_wait3A_114 = arith.constant 0 : i32
          %dma_wait3A_115 = tpu.memref_slice %arg21[%dma_wait3A_113, %dma_wait3A_114] : memref<10000x128xf32, #tpu.memory_space<vmem_shared>> -> memref<10000x128xf32, #tpu.memory_space<vmem_shared>>
          tpu.wait_indirect_dma semaphore(%run_scoped3A_97 : memref<!tpu.dma_semaphore, #tpu.memory_space<semaphore_mem>>) src(%dma_wait3A_109 : memref<128x128xf32, #tpu.memory_space<vmem>>) dst(%dma_wait3A_115 : memref<10000x128xf32, #tpu.memory_space<vmem_shared>>)
          tpu.yield
        }) : () -> ()
        "tpu.region"() ({
          %run_scoped3A_97 = tpu.sem_alloc : memref<!tpu.dma_semaphore, #tpu.memory_space<semaphore_mem>>
          %dma_start3A_98 = arith.constant 0 : i32
          %dma_start3A_99 = tpu.memref_slice %arg15[%mul3A_77, %dma_start3A_98] : memref<320000x128xf32, #tpu.memory_space<hbm>> -> memref<128x128xf32, #tpu.memory_space<hbm>>
          %dma_start3A_100 = arith.constant 0 : i32
          %dma_start3A_101 = tpu.memref_slice %arg15[%mul3A_77, %dma_start3A_100] : memref<320000x128xf32, #tpu.memory_space<hbm>> -> memref<128x128xf32, #tpu.memory_space<hbm>>
          tpu.enqueue_dma source(%dma_start3A_101 : memref<128x128xf32, #tpu.memory_space<hbm>>) target(%arg24 : memref<128x128xf32, #tpu.memory_space<vmem>>) target_semaphore(%run_scoped3A_97 : memref<!tpu.dma_semaphore, #tpu.memory_space<semaphore_mem>>)
          %dma_wait3A_102 = arith.constant 0 : i32
          %dma_wait3A_103 = tpu.memref_slice %arg15[%mul3A_77, %dma_wait3A_102] : memref<320000x128xf32, #tpu.memory_space<hbm>> -> memref<128x128xf32, #tpu.memory_space<hbm>>
          %dma_wait3A_104 = arith.constant 0 : i32
          %dma_wait3A_105 = tpu.memref_slice %arg15[%mul3A_77, %dma_wait3A_104] : memref<320000x128xf32, #tpu.memory_space<hbm>> -> memref<128x128xf32, #tpu.memory_space<hbm>>
          tpu.wait_dma2 semaphore(%run_scoped3A_97 : memref<!tpu.dma_semaphore, #tpu.memory_space<semaphore_mem>>) src(%dma_wait3A_105 : memref<128x128xf32, #tpu.memory_space<hbm>>) dst(%arg24 : memref<128x128xf32, #tpu.memory_space<vmem>>)
          tpu.yield
        }) : () -> ()
        %run_scoped3A_96 = arith.constant 1 : i32
        "tpu.region"() ({
          %run_scoped3A_97 = tpu.sem_alloc : memref<!tpu.dma_semaphore, #tpu.memory_space<semaphore_mem>>
          %dma_start3A_98 = arith.constant 0 : i32
          %dma_start3A_99 = tpu.memref_slice %arg22[%run_scoped3A_96, %dma_start3A_98] : memref<2x256xi32, #tpu.memory_space<vmem>> -> memref<1x128xi32, #tpu.memory_space<vmem>>
          %dma_start3A_100 = tpu.memref_squeeze %dma_start3A_99 : memref<1x128xi32, #tpu.memory_space<vmem>> -> memref<128xi32, #tpu.memory_space<vmem>>
          %dma_start3A_101 = arith.constant 0 : i32
          %dma_start3A_102 = arith.constant 0 : i32
          %dma_start3A_103 = tpu.memref_slice %arg21[%dma_start3A_101, %dma_start3A_102] : memref<10000x128xf32, #tpu.memory_space<vmem_shared>> -> memref<10000x128xf32, #tpu.memory_space<vmem_shared>>
          tpu.enqueue_indirect_dma source(%arg24 : memref<128x128xf32, #tpu.memory_space<vmem>>) target(%dma_start3A_103 : memref<10000x128xf32, #tpu.memory_space<vmem_shared>>) offsets(%dma_start3A_100 : memref<128xi32, #tpu.memory_space<vmem>>) semaphore(%run_scoped3A_97 : memref<!tpu.dma_semaphore, #tpu.memory_space<semaphore_mem>>) {add = true}
          %dma_wait3A_104 = arith.constant 0 : i32
          %dma_wait3A_105 = tpu.memref_slice %arg22[%run_scoped3A_96, %dma_wait3A_104] : memref<2x256xi32, #tpu.memory_space<vmem>> -> memref<1x128xi32, #tpu.memory_space<vmem>>
          %dma_wait3A_106 = tpu.memref_squeeze %dma_wait3A_105 : memref<1x128xi32, #tpu.memory_space<vmem>> -> memref<128xi32, #tpu.memory_space<vmem>>
          %dma_wait3A_107 = arith.constant 0 : i32
          %dma_wait3A_108 = arith.constant 0 : i32
          %dma_wait3A_109 = tpu.memref_slice %arg21[%dma_wait3A_107, %dma_wait3A_108] : memref<10000x128xf32, #tpu.memory_space<vmem_shared>> -> memref<10000x128xf32, #tpu.memory_space<vmem_shared>>
          tpu.wait_indirect_dma semaphore(%run_scoped3A_97 : memref<!tpu.dma_semaphore, #tpu.memory_space<semaphore_mem>>) src(%arg24 : memref<128x128xf32, #tpu.memory_space<vmem>>) dst(%dma_wait3A_109 : memref<10000x128xf32, #tpu.memory_space<vmem_shared>>)
          tpu.yield
        }) : () -> ()
      } else {
      }
    } else {
    }
    %eq3A_54 = arith.constant 1 : i32
    %eq3A_55 = arith.cmpi eq, %arg0, %eq3A_54 : i32
    %convert_element_type3A_56 = arith.extui %eq3A_55 : i1 to i32
    %cond3A_57 = arith.constant 0 : i32
    %cond3A_58 = arith.cmpi ne, %convert_element_type3A_56, %cond3A_57 : i32
    scf.if %cond3A_58 {
      %scan3A = arith.constant 0 : i32
      %scan3A_66 = arith.constant 0 : i32
      %scan3A_67 = arith.constant 78 : i32
      %scan3A_68 = arith.addi %scan3A_66, %scan3A_67 : i32
      %scan3A_69 = arith.constant 1 : i32
      scf.for %scan3A_75 = %scan3A_66 to %scan3A_68 step %scan3A_69  : i32 {
        %mul3A_76 = arith.constant 16 : i32
        %mul3A_77 = arith.muli %mul3A_76, %scan3A_75 : i32
        %add3A = arith.addi %arg1, %mul3A_77 : i32
        %mul3A_78 = arith.constant 256 : i32
        %mul3A_79 = arith.muli %add3A, %mul3A_78 : i32
        %dma_start3A = arith.constant 0 : i32
        %dma_start3A_80 = tpu.memref_slice %arg16[%mul3A_79, %dma_start3A] : memref<320000x128xf32, #tpu.memory_space<hbm>> -> memref<128x128xf32, #tpu.memory_space<hbm>>
        %dma_start3A_81 = arith.constant 0 : i32
        %dma_start3A_82 = tpu.memref_slice %arg16[%mul3A_79, %dma_start3A_81] : memref<320000x128xf32, #tpu.memory_space<hbm>> -> memref<128x128xf32, #tpu.memory_space<hbm>>
        tpu.enqueue_dma source(%dma_start3A_82 : memref<128x128xf32, #tpu.memory_space<hbm>>) target(%arg24 : memref<128x128xf32, #tpu.memory_space<vmem>>) target_semaphore(%arg27 : memref<!tpu.dma_semaphore, #tpu.memory_space<semaphore_mem>>)
        %dma_start3A_83 = arith.constant 0 : i32
        %dma_start3A_84 = tpu.memref_slice %arg14[%dma_start3A_83, %mul3A_79] : memref<2x320000xi32, #tpu.memory_space<hbm>> -> memref<2x256xi32, #tpu.memory_space<hbm>>
        %dma_start3A_85 = arith.constant 0 : i32
        %dma_start3A_86 = tpu.memref_slice %arg14[%dma_start3A_85, %mul3A_79] : memref<2x320000xi32, #tpu.memory_space<hbm>> -> memref<2x256xi32, #tpu.memory_space<hbm>>
        tpu.enqueue_dma source(%dma_start3A_86 : memref<2x256xi32, #tpu.memory_space<hbm>>) target(%arg22 : memref<2x256xi32, #tpu.memory_space<vmem>>) target_semaphore(%arg25 : memref<!tpu.dma_semaphore, #tpu.memory_space<semaphore_mem>>)
        %dma_wait3A = arith.constant 0 : i32
        %dma_wait3A_87 = tpu.memref_slice %arg14[%dma_wait3A, %mul3A_79] : memref<2x320000xi32, #tpu.memory_space<hbm>> -> memref<2x256xi32, #tpu.memory_space<hbm>>
        %dma_wait3A_88 = arith.constant 0 : i32
        %dma_wait3A_89 = tpu.memref_slice %arg14[%dma_wait3A_88, %mul3A_79] : memref<2x320000xi32, #tpu.memory_space<hbm>> -> memref<2x256xi32, #tpu.memory_space<hbm>>
        tpu.wait_dma2 semaphore(%arg25 : memref<!tpu.dma_semaphore, #tpu.memory_space<semaphore_mem>>) src(%dma_wait3A_89 : memref<2x256xi32, #tpu.memory_space<hbm>>) dst(%arg22 : memref<2x256xi32, #tpu.memory_space<vmem>>)
        %dma_start3A_90 = arith.constant 0 : i32
        %dma_start3A_91 = arith.constant 0 : i32
        %dma_start3A_92 = arith.constant 0 : i32
        %dma_start3A_93 = tpu.memref_slice %arg23[%dma_start3A_91, %dma_start3A_92] : memref<256x128xf32, #tpu.memory_space<vmem>> -> memref<128x128xf32, #tpu.memory_space<vmem>>
        %dma_start3A_94 = arith.constant 0 : i32
        %dma_start3A_95 = tpu.memref_slice %arg22[%dma_start3A_90, %dma_start3A_94] : memref<2x256xi32, #tpu.memory_space<vmem>> -> memref<1x128xi32, #tpu.memory_space<vmem>>
        %dma_start3A_96 = tpu.memref_squeeze %dma_start3A_95 : memref<1x128xi32, #tpu.memory_space<vmem>> -> memref<128xi32, #tpu.memory_space<vmem>>
        %dma_start3A_97 = arith.constant 0 : i32
        %dma_start3A_98 = arith.constant 0 : i32
        %dma_start3A_99 = tpu.memref_slice %arg12[%dma_start3A_97, %dma_start3A_98] : memref<10000x128xf32, #tpu.memory_space<hbm>> -> memref<10000x128xf32, #tpu.memory_space<hbm>>
        tpu.enqueue_indirect_dma source(%dma_start3A_99 : memref<10000x128xf32, #tpu.memory_space<hbm>>) target(%dma_start3A_93 : memref<128x128xf32, #tpu.memory_space<vmem>>) offsets(%dma_start3A_96 : memref<128xi32, #tpu.memory_space<vmem>>) semaphore(%arg26 : memref<!tpu.dma_semaphore, #tpu.memory_space<semaphore_mem>>)
        %dma_start3A_100 = arith.constant 0 : i32
        %dma_start3A_101 = arith.constant 128 : i32
        %dma_start3A_102 = arith.constant 0 : i32
        %dma_start3A_103 = tpu.memref_slice %arg23[%dma_start3A_101, %dma_start3A_102] : memref<256x128xf32, #tpu.memory_space<vmem>> -> memref<128x128xf32, #tpu.memory_space<vmem>>
        %dma_start3A_104 = arith.constant 128 : i32
        %dma_start3A_105 = tpu.memref_slice %arg22[%dma_start3A_100, %dma_start3A_104] : memref<2x256xi32, #tpu.memory_space<vmem>> -> memref<1x128xi32, #tpu.memory_space<vmem>>
        %dma_start3A_106 = tpu.memref_squeeze %dma_start3A_105 : memref<1x128xi32, #tpu.memory_space<vmem>> -> memref<128xi32, #tpu.memory_space<vmem>>
        %dma_start3A_107 = arith.constant 0 : i32
        %dma_start3A_108 = arith.constant 0 : i32
        %dma_start3A_109 = tpu.memref_slice %arg12[%dma_start3A_107, %dma_start3A_108] : memref<10000x128xf32, #tpu.memory_space<hbm>> -> memref<10000x128xf32, #tpu.memory_space<hbm>>
        tpu.enqueue_indirect_dma source(%dma_start3A_109 : memref<10000x128xf32, #tpu.memory_space<hbm>>) target(%dma_start3A_103 : memref<128x128xf32, #tpu.memory_space<vmem>>) offsets(%dma_start3A_106 : memref<128xi32, #tpu.memory_space<vmem>>) semaphore(%arg26 : memref<!tpu.dma_semaphore, #tpu.memory_space<semaphore_mem>>)
        %dma_wait3A_110 = arith.constant 0 : i32
        %dma_wait3A_111 = arith.constant 0 : i32
        %dma_wait3A_112 = arith.constant 0 : i32
        %dma_wait3A_113 = tpu.memref_slice %arg23[%dma_wait3A_111, %dma_wait3A_112] : memref<256x128xf32, #tpu.memory_space<vmem>> -> memref<128x128xf32, #tpu.memory_space<vmem>>
        %dma_wait3A_114 = arith.constant 0 : i32
        %dma_wait3A_115 = tpu.memref_slice %arg22[%dma_wait3A_110, %dma_wait3A_114] : memref<2x256xi32, #tpu.memory_space<vmem>> -> memref<1x128xi32, #tpu.memory_space<vmem>>
        %dma_wait3A_116 = tpu.memref_squeeze %dma_wait3A_115 : memref<1x128xi32, #tpu.memory_space<vmem>> -> memref<128xi32, #tpu.memory_space<vmem>>
        %dma_wait3A_117 = arith.constant 0 : i32
        %dma_wait3A_118 = arith.constant 0 : i32
        %dma_wait3A_119 = tpu.memref_slice %arg12[%dma_wait3A_117, %dma_wait3A_118] : memref<10000x128xf32, #tpu.memory_space<hbm>> -> memref<10000x128xf32, #tpu.memory_space<hbm>>
        tpu.wait_indirect_dma semaphore(%arg26 : memref<!tpu.dma_semaphore, #tpu.memory_space<semaphore_mem>>) src(%dma_wait3A_119 : memref<10000x128xf32, #tpu.memory_space<hbm>>) dst(%dma_wait3A_113 : memref<128x128xf32, #tpu.memory_space<vmem>>)
        %dma_start3A_120 = arith.constant 1 : i32
        %dma_start3A_121 = arith.constant 0 : i32
        %dma_start3A_122 = arith.constant 0 : i32
        %dma_start3A_123 = tpu.memref_slice %arg23[%dma_start3A_121, %dma_start3A_122] : memref<256x128xf32, #tpu.memory_space<vmem>> -> memref<128x128xf32, #tpu.memory_space<vmem>>
        %dma_start3A_124 = arith.constant 0 : i32
        %dma_start3A_125 = tpu.memref_slice %arg22[%dma_start3A_120, %dma_start3A_124] : memref<2x256xi32, #tpu.memory_space<vmem>> -> memref<1x128xi32, #tpu.memory_space<vmem>>
        %dma_start3A_126 = tpu.memref_squeeze %dma_start3A_125 : memref<1x128xi32, #tpu.memory_space<vmem>> -> memref<128xi32, #tpu.memory_space<vmem>>
        %dma_start3A_127 = arith.constant 0 : i32
        %dma_start3A_128 = arith.constant 0 : i32
        %dma_start3A_129 = tpu.memref_slice %arg21[%dma_start3A_127, %dma_start3A_128] : memref<10000x128xf32, #tpu.memory_space<vmem_shared>> -> memref<10000x128xf32, #tpu.memory_space<vmem_shared>>
        tpu.enqueue_indirect_dma source(%dma_start3A_123 : memref<128x128xf32, #tpu.memory_space<vmem>>) target(%dma_start3A_129 : memref<10000x128xf32, #tpu.memory_space<vmem_shared>>) offsets(%dma_start3A_126 : memref<128xi32, #tpu.memory_space<vmem>>) semaphore(%arg28 : memref<!tpu.dma_semaphore, #tpu.memory_space<semaphore_mem>>) {add = true}
        %dma_wait3A_130 = arith.constant 0 : i32
        %dma_wait3A_131 = tpu.memref_slice %arg16[%mul3A_79, %dma_wait3A_130] : memref<320000x128xf32, #tpu.memory_space<hbm>> -> memref<128x128xf32, #tpu.memory_space<hbm>>
        %dma_wait3A_132 = arith.constant 0 : i32
        %dma_wait3A_133 = tpu.memref_slice %arg16[%mul3A_79, %dma_wait3A_132] : memref<320000x128xf32, #tpu.memory_space<hbm>> -> memref<128x128xf32, #tpu.memory_space<hbm>>
        tpu.wait_dma2 semaphore(%arg27 : memref<!tpu.dma_semaphore, #tpu.memory_space<semaphore_mem>>) src(%dma_wait3A_133 : memref<128x128xf32, #tpu.memory_space<hbm>>) dst(%arg24 : memref<128x128xf32, #tpu.memory_space<vmem>>)
        %dma_start3A_134 = arith.constant 1 : i32
        %dma_start3A_135 = arith.constant 0 : i32
        %dma_start3A_136 = tpu.memref_slice %arg22[%dma_start3A_134, %dma_start3A_135] : memref<2x256xi32, #tpu.memory_space<vmem>> -> memref<1x128xi32, #tpu.memory_space<vmem>>
        %dma_start3A_137 = tpu.memref_squeeze %dma_start3A_136 : memref<1x128xi32, #tpu.memory_space<vmem>> -> memref<128xi32, #tpu.memory_space<vmem>>
        %dma_start3A_138 = arith.constant 0 : i32
        %dma_start3A_139 = arith.constant 0 : i32
        %dma_start3A_140 = tpu.memref_slice %arg21[%dma_start3A_138, %dma_start3A_139] : memref<10000x128xf32, #tpu.memory_space<vmem_shared>> -> memref<10000x128xf32, #tpu.memory_space<vmem_shared>>
        tpu.enqueue_indirect_dma source(%arg24 : memref<128x128xf32, #tpu.memory_space<vmem>>) target(%dma_start3A_140 : memref<10000x128xf32, #tpu.memory_space<vmem_shared>>) offsets(%dma_start3A_137 : memref<128xi32, #tpu.memory_space<vmem>>) semaphore(%arg29 : memref<!tpu.dma_semaphore, #tpu.memory_space<semaphore_mem>>) {add = true}
        %dma_wait3A_141 = arith.constant 0 : i32
        %dma_wait3A_142 = arith.constant 128 : i32
        %dma_wait3A_143 = arith.constant 0 : i32
        %dma_wait3A_144 = tpu.memref_slice %arg23[%dma_wait3A_142, %dma_wait3A_143] : memref<256x128xf32, #tpu.memory_space<vmem>> -> memref<128x128xf32, #tpu.memory_space<vmem>>
        %dma_wait3A_145 = arith.constant 128 : i32
        %dma_wait3A_146 = tpu.memref_slice %arg22[%dma_wait3A_141, %dma_wait3A_145] : memref<2x256xi32, #tpu.memory_space<vmem>> -> memref<1x128xi32, #tpu.memory_space<vmem>>
        %dma_wait3A_147 = tpu.memref_squeeze %dma_wait3A_146 : memref<1x128xi32, #tpu.memory_space<vmem>> -> memref<128xi32, #tpu.memory_space<vmem>>
        %dma_wait3A_148 = arith.constant 0 : i32
        %dma_wait3A_149 = arith.constant 0 : i32
        %dma_wait3A_150 = tpu.memref_slice %arg12[%dma_wait3A_148, %dma_wait3A_149] : memref<10000x128xf32, #tpu.memory_space<hbm>> -> memref<10000x128xf32, #tpu.memory_space<hbm>>
        tpu.wait_indirect_dma semaphore(%arg26 : memref<!tpu.dma_semaphore, #tpu.memory_space<semaphore_mem>>) src(%dma_wait3A_150 : memref<10000x128xf32, #tpu.memory_space<hbm>>) dst(%dma_wait3A_144 : memref<128x128xf32, #tpu.memory_space<vmem>>)
        %dma_start3A_151 = arith.constant 1 : i32
        %dma_start3A_152 = arith.constant 128 : i32
        %dma_start3A_153 = arith.constant 0 : i32
        %dma_start3A_154 = tpu.memref_slice %arg23[%dma_start3A_152, %dma_start3A_153] : memref<256x128xf32, #tpu.memory_space<vmem>> -> memref<128x128xf32, #tpu.memory_space<vmem>>
        %dma_start3A_155 = arith.constant 128 : i32
        %dma_start3A_156 = tpu.memref_slice %arg22[%dma_start3A_151, %dma_start3A_155] : memref<2x256xi32, #tpu.memory_space<vmem>> -> memref<1x128xi32, #tpu.memory_space<vmem>>
        %dma_start3A_157 = tpu.memref_squeeze %dma_start3A_156 : memref<1x128xi32, #tpu.memory_space<vmem>> -> memref<128xi32, #tpu.memory_space<vmem>>
        %dma_start3A_158 = arith.constant 0 : i32
        %dma_start3A_159 = arith.constant 0 : i32
        %dma_start3A_160 = tpu.memref_slice %arg21[%dma_start3A_158, %dma_start3A_159] : memref<10000x128xf32, #tpu.memory_space<vmem_shared>> -> memref<10000x128xf32, #tpu.memory_space<vmem_shared>>
        tpu.enqueue_indirect_dma source(%dma_start3A_154 : memref<128x128xf32, #tpu.memory_space<vmem>>) target(%dma_start3A_160 : memref<10000x128xf32, #tpu.memory_space<vmem_shared>>) offsets(%dma_start3A_157 : memref<128xi32, #tpu.memory_space<vmem>>) semaphore(%arg28 : memref<!tpu.dma_semaphore, #tpu.memory_space<semaphore_mem>>) {add = true}
        %dma_wait3A_161 = arith.constant 1 : i32
        %dma_wait3A_162 = arith.constant 0 : i32
        %dma_wait3A_163 = arith.constant 0 : i32
        %dma_wait3A_164 = tpu.memref_slice %arg23[%dma_wait3A_162, %dma_wait3A_163] : memref<256x128xf32, #tpu.memory_space<vmem>> -> memref<128x128xf32, #tpu.memory_space<vmem>>
        %dma_wait3A_165 = arith.constant 0 : i32
        %dma_wait3A_166 = tpu.memref_slice %arg22[%dma_wait3A_161, %dma_wait3A_165] : memref<2x256xi32, #tpu.memory_space<vmem>> -> memref<1x128xi32, #tpu.memory_space<vmem>>
        %dma_wait3A_167 = tpu.memref_squeeze %dma_wait3A_166 : memref<1x128xi32, #tpu.memory_space<vmem>> -> memref<128xi32, #tpu.memory_space<vmem>>
        %dma_wait3A_168 = arith.constant 0 : i32
        %dma_wait3A_169 = arith.constant 0 : i32
        %dma_wait3A_170 = tpu.memref_slice %arg21[%dma_wait3A_168, %dma_wait3A_169] : memref<10000x128xf32, #tpu.memory_space<vmem_shared>> -> memref<10000x128xf32, #tpu.memory_space<vmem_shared>>
        tpu.wait_indirect_dma semaphore(%arg28 : memref<!tpu.dma_semaphore, #tpu.memory_space<semaphore_mem>>) src(%dma_wait3A_164 : memref<128x128xf32, #tpu.memory_space<vmem>>) dst(%dma_wait3A_170 : memref<10000x128xf32, #tpu.memory_space<vmem_shared>>)
        %add3A_171 = arith.constant 128 : i32
        %add3A_172 = arith.addi %mul3A_79, %add3A_171 : i32
        %dma_start3A_173 = arith.constant 0 : i32
        %dma_start3A_174 = arith.constant 0 : i32
        %dma_start3A_175 = tpu.memref_slice %arg23[%dma_start3A_173, %dma_start3A_174] : memref<256x128xf32, #tpu.memory_space<vmem>> -> memref<128x128xf32, #tpu.memory_space<vmem>>
        %dma_start3A_176 = arith.constant 0 : i32
        %dma_start3A_177 = tpu.memref_slice %arg16[%add3A_172, %dma_start3A_176] : memref<320000x128xf32, #tpu.memory_space<hbm>> -> memref<128x128xf32, #tpu.memory_space<hbm>>
        %dma_start3A_178 = arith.constant 0 : i32
        %dma_start3A_179 = arith.constant 0 : i32
        %dma_start3A_180 = tpu.memref_slice %arg23[%dma_start3A_178, %dma_start3A_179] : memref<256x128xf32, #tpu.memory_space<vmem>> -> memref<128x128xf32, #tpu.memory_space<vmem>>
        %dma_start3A_181 = arith.constant 0 : i32
        %dma_start3A_182 = tpu.memref_slice %arg16[%add3A_172, %dma_start3A_181] : memref<320000x128xf32, #tpu.memory_space<hbm>> -> memref<128x128xf32, #tpu.memory_space<hbm>>
        tpu.enqueue_dma source(%dma_start3A_182 : memref<128x128xf32, #tpu.memory_space<hbm>>) target(%dma_start3A_180 : memref<128x128xf32, #tpu.memory_space<vmem>>) target_semaphore(%arg27 : memref<!tpu.dma_semaphore, #tpu.memory_space<semaphore_mem>>)
        %dma_wait3A_183 = arith.constant 0 : i32
        %dma_wait3A_184 = arith.constant 0 : i32
        %dma_wait3A_185 = tpu.memref_slice %arg23[%dma_wait3A_183, %dma_wait3A_184] : memref<256x128xf32, #tpu.memory_space<vmem>> -> memref<128x128xf32, #tpu.memory_space<vmem>>
        %dma_wait3A_186 = arith.constant 0 : i32
        %dma_wait3A_187 = tpu.memref_slice %arg16[%add3A_172, %dma_wait3A_186] : memref<320000x128xf32, #tpu.memory_space<hbm>> -> memref<128x128xf32, #tpu.memory_space<hbm>>
        %dma_wait3A_188 = arith.constant 0 : i32
        %dma_wait3A_189 = arith.constant 0 : i32
        %dma_wait3A_190 = tpu.memref_slice %arg23[%dma_wait3A_188, %dma_wait3A_189] : memref<256x128xf32, #tpu.memory_space<vmem>> -> memref<128x128xf32, #tpu.memory_space<vmem>>
        %dma_wait3A_191 = arith.constant 0 : i32
        %dma_wait3A_192 = tpu.memref_slice %arg16[%add3A_172, %dma_wait3A_191] : memref<320000x128xf32, #tpu.memory_space<hbm>> -> memref<128x128xf32, #tpu.memory_space<hbm>>
        tpu.wait_dma2 semaphore(%arg27 : memref<!tpu.dma_semaphore, #tpu.memory_space<semaphore_mem>>) src(%dma_wait3A_192 : memref<128x128xf32, #tpu.memory_space<hbm>>) dst(%dma_wait3A_190 : memref<128x128xf32, #tpu.memory_space<vmem>>)
        %dma_start3A_193 = arith.constant 1 : i32
        %dma_start3A_194 = arith.constant 0 : i32
        %dma_start3A_195 = arith.constant 0 : i32
        %dma_start3A_196 = tpu.memref_slice %arg23[%dma_start3A_194, %dma_start3A_195] : memref<256x128xf32, #tpu.memory_space<vmem>> -> memref<128x128xf32, #tpu.memory_space<vmem>>
        %dma_start3A_197 = arith.constant 128 : i32
        %dma_start3A_198 = tpu.memref_slice %arg22[%dma_start3A_193, %dma_start3A_197] : memref<2x256xi32, #tpu.memory_space<vmem>> -> memref<1x128xi32, #tpu.memory_space<vmem>>
        %dma_start3A_199 = tpu.memref_squeeze %dma_start3A_198 : memref<1x128xi32, #tpu.memory_space<vmem>> -> memref<128xi32, #tpu.memory_space<vmem>>
        %dma_start3A_200 = arith.constant 0 : i32
        %dma_start3A_201 = arith.constant 0 : i32
        %dma_start3A_202 = tpu.memref_slice %arg21[%dma_start3A_200, %dma_start3A_201] : memref<10000x128xf32, #tpu.memory_space<vmem_shared>> -> memref<10000x128xf32, #tpu.memory_space<vmem_shared>>
        tpu.enqueue_indirect_dma source(%dma_start3A_196 : memref<128x128xf32, #tpu.memory_space<vmem>>) target(%dma_start3A_202 : memref<10000x128xf32, #tpu.memory_space<vmem_shared>>) offsets(%dma_start3A_199 : memref<128xi32, #tpu.memory_space<vmem>>) semaphore(%arg29 : memref<!tpu.dma_semaphore, #tpu.memory_space<semaphore_mem>>) {add = true}
        %dma_wait3A_203 = arith.constant 1 : i32
        %dma_wait3A_204 = arith.constant 128 : i32
        %dma_wait3A_205 = arith.constant 0 : i32
        %dma_wait3A_206 = tpu.memref_slice %arg23[%dma_wait3A_204, %dma_wait3A_205] : memref<256x128xf32, #tpu.memory_space<vmem>> -> memref<128x128xf32, #tpu.memory_space<vmem>>
        %dma_wait3A_207 = arith.constant 128 : i32
        %dma_wait3A_208 = tpu.memref_slice %arg22[%dma_wait3A_203, %dma_wait3A_207] : memref<2x256xi32, #tpu.memory_space<vmem>> -> memref<1x128xi32, #tpu.memory_space<vmem>>
        %dma_wait3A_209 = tpu.memref_squeeze %dma_wait3A_208 : memref<1x128xi32, #tpu.memory_space<vmem>> -> memref<128xi32, #tpu.memory_space<vmem>>
        %dma_wait3A_210 = arith.constant 0 : i32
        %dma_wait3A_211 = arith.constant 0 : i32
        %dma_wait3A_212 = tpu.memref_slice %arg21[%dma_wait3A_210, %dma_wait3A_211] : memref<10000x128xf32, #tpu.memory_space<vmem_shared>> -> memref<10000x128xf32, #tpu.memory_space<vmem_shared>>
        tpu.wait_indirect_dma semaphore(%arg28 : memref<!tpu.dma_semaphore, #tpu.memory_space<semaphore_mem>>) src(%dma_wait3A_206 : memref<128x128xf32, #tpu.memory_space<vmem>>) dst(%dma_wait3A_212 : memref<10000x128xf32, #tpu.memory_space<vmem_shared>>)
        %dma_wait3A_213 = arith.constant 1 : i32
        %dma_wait3A_214 = arith.constant 0 : i32
        %dma_wait3A_215 = tpu.memref_slice %arg22[%dma_wait3A_213, %dma_wait3A_214] : memref<2x256xi32, #tpu.memory_space<vmem>> -> memref<1x128xi32, #tpu.memory_space<vmem>>
        %dma_wait3A_216 = tpu.memref_squeeze %dma_wait3A_215 : memref<1x128xi32, #tpu.memory_space<vmem>> -> memref<128xi32, #tpu.memory_space<vmem>>
        %dma_wait3A_217 = arith.constant 0 : i32
        %dma_wait3A_218 = arith.constant 0 : i32
        %dma_wait3A_219 = tpu.memref_slice %arg21[%dma_wait3A_217, %dma_wait3A_218] : memref<10000x128xf32, #tpu.memory_space<vmem_shared>> -> memref<10000x128xf32, #tpu.memory_space<vmem_shared>>
        tpu.wait_indirect_dma semaphore(%arg29 : memref<!tpu.dma_semaphore, #tpu.memory_space<semaphore_mem>>) src(%arg24 : memref<128x128xf32, #tpu.memory_space<vmem>>) dst(%dma_wait3A_219 : memref<10000x128xf32, #tpu.memory_space<vmem_shared>>)
        %dma_wait3A_220 = arith.constant 1 : i32
        %dma_wait3A_221 = arith.constant 0 : i32
        %dma_wait3A_222 = arith.constant 0 : i32
        %dma_wait3A_223 = tpu.memref_slice %arg23[%dma_wait3A_221, %dma_wait3A_222] : memref<256x128xf32, #tpu.memory_space<vmem>> -> memref<128x128xf32, #tpu.memory_space<vmem>>
        %dma_wait3A_224 = arith.constant 128 : i32
        %dma_wait3A_225 = tpu.memref_slice %arg22[%dma_wait3A_220, %dma_wait3A_224] : memref<2x256xi32, #tpu.memory_space<vmem>> -> memref<1x128xi32, #tpu.memory_space<vmem>>
        %dma_wait3A_226 = tpu.memref_squeeze %dma_wait3A_225 : memref<1x128xi32, #tpu.memory_space<vmem>> -> memref<128xi32, #tpu.memory_space<vmem>>
        %dma_wait3A_227 = arith.constant 0 : i32
        %dma_wait3A_228 = arith.constant 0 : i32
        %dma_wait3A_229 = tpu.memref_slice %arg21[%dma_wait3A_227, %dma_wait3A_228] : memref<10000x128xf32, #tpu.memory_space<vmem_shared>> -> memref<10000x128xf32, #tpu.memory_space<vmem_shared>>
        tpu.wait_indirect_dma semaphore(%arg29 : memref<!tpu.dma_semaphore, #tpu.memory_space<semaphore_mem>>) src(%dma_wait3A_223 : memref<128x128xf32, #tpu.memory_space<vmem>>) dst(%dma_wait3A_229 : memref<10000x128xf32, #tpu.memory_space<vmem_shared>>)
      }
      %scan3A_70 = arith.constant 78 : i32
      %lt3A = arith.constant 4 : i32
      %lt3A_71 = arith.cmpi slt, %arg1, %lt3A : i32
      %convert_element_type3A_72 = arith.extui %lt3A_71 : i1 to i32
      %cond3A_73 = arith.constant 0 : i32
      %cond3A_74 = arith.cmpi ne, %convert_element_type3A_72, %cond3A_73 : i32
      scf.if %cond3A_74 {
        %add3A = arith.constant 2496 : i32
        %add3A_75 = arith.addi %add3A, %arg1 : i32
        %mul3A_76 = arith.constant 128 : i32
        %mul3A_77 = arith.muli %add3A_75, %mul3A_76 : i32
        "tpu.region"() ({
          %run_scoped3A_97 = tpu.sem_alloc : memref<!tpu.dma_semaphore, #tpu.memory_space<semaphore_mem>>
          %dma_start3A_98 = arith.constant 0 : i32
          %dma_start3A_99 = arith.constant 0 : i32
          %dma_start3A_100 = tpu.memref_slice %arg22[%dma_start3A_98, %dma_start3A_99] : memref<2x256xi32, #tpu.memory_space<vmem>> -> memref<2x128xi32, #tpu.memory_space<vmem>>
          %dma_start3A_101 = arith.constant 0 : i32
          %dma_start3A_102 = tpu.memref_slice %arg14[%dma_start3A_101, %mul3A_77] : memref<2x320000xi32, #tpu.memory_space<hbm>> -> memref<2x128xi32, #tpu.memory_space<hbm>>
          %dma_start3A_103 = arith.constant 0 : i32
          %dma_start3A_104 = arith.constant 0 : i32
          %dma_start3A_105 = tpu.memref_slice %arg22[%dma_start3A_103, %dma_start3A_104] : memref<2x256xi32, #tpu.memory_space<vmem>> -> memref<2x128xi32, #tpu.memory_space<vmem>>
          %dma_start3A_106 = arith.constant 0 : i32
          %dma_start3A_107 = tpu.memref_slice %arg14[%dma_start3A_106, %mul3A_77] : memref<2x320000xi32, #tpu.memory_space<hbm>> -> memref<2x128xi32, #tpu.memory_space<hbm>>
          tpu.enqueue_dma source(%dma_start3A_107 : memref<2x128xi32, #tpu.memory_space<hbm>>) target(%dma_start3A_105 : memref<2x128xi32, #tpu.memory_space<vmem>>) target_semaphore(%run_scoped3A_97 : memref<!tpu.dma_semaphore, #tpu.memory_space<semaphore_mem>>)
          %dma_wait3A_108 = arith.constant 0 : i32
          %dma_wait3A_109 = arith.constant 0 : i32
          %dma_wait3A_110 = tpu.memref_slice %arg22[%dma_wait3A_108, %dma_wait3A_109] : memref<2x256xi32, #tpu.memory_space<vmem>> -> memref<2x128xi32, #tpu.memory_space<vmem>>
          %dma_wait3A_111 = arith.constant 0 : i32
          %dma_wait3A_112 = tpu.memref_slice %arg14[%dma_wait3A_111, %mul3A_77] : memref<2x320000xi32, #tpu.memory_space<hbm>> -> memref<2x128xi32, #tpu.memory_space<hbm>>
          %dma_wait3A_113 = arith.constant 0 : i32
          %dma_wait3A_114 = arith.constant 0 : i32
          %dma_wait3A_115 = tpu.memref_slice %arg22[%dma_wait3A_113, %dma_wait3A_114] : memref<2x256xi32, #tpu.memory_space<vmem>> -> memref<2x128xi32, #tpu.memory_space<vmem>>
          %dma_wait3A_116 = arith.constant 0 : i32
          %dma_wait3A_117 = tpu.memref_slice %arg14[%dma_wait3A_116, %mul3A_77] : memref<2x320000xi32, #tpu.memory_space<hbm>> -> memref<2x128xi32, #tpu.memory_space<hbm>>
          tpu.wait_dma2 semaphore(%run_scoped3A_97 : memref<!tpu.dma_semaphore, #tpu.memory_space<semaphore_mem>>) src(%dma_wait3A_117 : memref<2x128xi32, #tpu.memory_space<hbm>>) dst(%dma_wait3A_115 : memref<2x128xi32, #tpu.memory_space<vmem>>)
          tpu.yield
        }) : () -> ()
        %dma_start3A = arith.constant 0 : i32
        %dma_start3A_78 = arith.constant 0 : i32
        %dma_start3A_79 = arith.constant 0 : i32
        %dma_start3A_80 = tpu.memref_slice %arg23[%dma_start3A_78, %dma_start3A_79] : memref<256x128xf32, #tpu.memory_space<vmem>> -> memref<128x128xf32, #tpu.memory_space<vmem>>
        %dma_start3A_81 = arith.constant 0 : i32
        %dma_start3A_82 = tpu.memref_slice %arg22[%dma_start3A, %dma_start3A_81] : memref<2x256xi32, #tpu.memory_space<vmem>> -> memref<1x128xi32, #tpu.memory_space<vmem>>
        %dma_start3A_83 = tpu.memref_squeeze %dma_start3A_82 : memref<1x128xi32, #tpu.memory_space<vmem>> -> memref<128xi32, #tpu.memory_space<vmem>>
        %dma_start3A_84 = arith.constant 0 : i32
        %dma_start3A_85 = arith.constant 0 : i32
        %dma_start3A_86 = tpu.memref_slice %arg12[%dma_start3A_84, %dma_start3A_85] : memref<10000x128xf32, #tpu.memory_space<hbm>> -> memref<10000x128xf32, #tpu.memory_space<hbm>>
        tpu.enqueue_indirect_dma source(%dma_start3A_86 : memref<10000x128xf32, #tpu.memory_space<hbm>>) target(%dma_start3A_80 : memref<128x128xf32, #tpu.memory_space<vmem>>) offsets(%dma_start3A_83 : memref<128xi32, #tpu.memory_space<vmem>>) semaphore(%arg26 : memref<!tpu.dma_semaphore, #tpu.memory_space<semaphore_mem>>)
        %dma_wait3A = arith.constant 0 : i32
        %dma_wait3A_87 = arith.constant 0 : i32
        %dma_wait3A_88 = arith.constant 0 : i32
        %dma_wait3A_89 = tpu.memref_slice %arg23[%dma_wait3A_87, %dma_wait3A_88] : memref<256x128xf32, #tpu.memory_space<vmem>> -> memref<128x128xf32, #tpu.memory_space<vmem>>
        %dma_wait3A_90 = arith.constant 0 : i32
        %dma_wait3A_91 = tpu.memref_slice %arg22[%dma_wait3A, %dma_wait3A_90] : memref<2x256xi32, #tpu.memory_space<vmem>> -> memref<1x128xi32, #tpu.memory_space<vmem>>
        %dma_wait3A_92 = tpu.memref_squeeze %dma_wait3A_91 : memref<1x128xi32, #tpu.memory_space<vmem>> -> memref<128xi32, #tpu.memory_space<vmem>>
        %dma_wait3A_93 = arith.constant 0 : i32
        %dma_wait3A_94 = arith.constant 0 : i32
        %dma_wait3A_95 = tpu.memref_slice %arg12[%dma_wait3A_93, %dma_wait3A_94] : memref<10000x128xf32, #tpu.memory_space<hbm>> -> memref<10000x128xf32, #tpu.memory_space<hbm>>
        tpu.wait_indirect_dma semaphore(%arg26 : memref<!tpu.dma_semaphore, #tpu.memory_space<semaphore_mem>>) src(%dma_wait3A_95 : memref<10000x128xf32, #tpu.memory_space<hbm>>) dst(%dma_wait3A_89 : memref<128x128xf32, #tpu.memory_space<vmem>>)
        %run_scoped3A = arith.constant 1 : i32
        "tpu.region"() ({
          %run_scoped3A_97 = tpu.sem_alloc : memref<!tpu.dma_semaphore, #tpu.memory_space<semaphore_mem>>
          %dma_start3A_98 = arith.constant 0 : i32
          %dma_start3A_99 = arith.constant 0 : i32
          %dma_start3A_100 = tpu.memref_slice %arg23[%dma_start3A_98, %dma_start3A_99] : memref<256x128xf32, #tpu.memory_space<vmem>> -> memref<128x128xf32, #tpu.memory_space<vmem>>
          %dma_start3A_101 = arith.constant 0 : i32
          %dma_start3A_102 = tpu.memref_slice %arg22[%run_scoped3A, %dma_start3A_101] : memref<2x256xi32, #tpu.memory_space<vmem>> -> memref<1x128xi32, #tpu.memory_space<vmem>>
          %dma_start3A_103 = tpu.memref_squeeze %dma_start3A_102 : memref<1x128xi32, #tpu.memory_space<vmem>> -> memref<128xi32, #tpu.memory_space<vmem>>
          %dma_start3A_104 = arith.constant 0 : i32
          %dma_start3A_105 = arith.constant 0 : i32
          %dma_start3A_106 = tpu.memref_slice %arg21[%dma_start3A_104, %dma_start3A_105] : memref<10000x128xf32, #tpu.memory_space<vmem_shared>> -> memref<10000x128xf32, #tpu.memory_space<vmem_shared>>
          tpu.enqueue_indirect_dma source(%dma_start3A_100 : memref<128x128xf32, #tpu.memory_space<vmem>>) target(%dma_start3A_106 : memref<10000x128xf32, #tpu.memory_space<vmem_shared>>) offsets(%dma_start3A_103 : memref<128xi32, #tpu.memory_space<vmem>>) semaphore(%run_scoped3A_97 : memref<!tpu.dma_semaphore, #tpu.memory_space<semaphore_mem>>) {add = true}
          %dma_wait3A_107 = arith.constant 0 : i32
          %dma_wait3A_108 = arith.constant 0 : i32
          %dma_wait3A_109 = tpu.memref_slice %arg23[%dma_wait3A_107, %dma_wait3A_108] : memref<256x128xf32, #tpu.memory_space<vmem>> -> memref<128x128xf32, #tpu.memory_space<vmem>>
          %dma_wait3A_110 = arith.constant 0 : i32
          %dma_wait3A_111 = tpu.memref_slice %arg22[%run_scoped3A, %dma_wait3A_110] : memref<2x256xi32, #tpu.memory_space<vmem>> -> memref<1x128xi32, #tpu.memory_space<vmem>>
          %dma_wait3A_112 = tpu.memref_squeeze %dma_wait3A_111 : memref<1x128xi32, #tpu.memory_space<vmem>> -> memref<128xi32, #tpu.memory_space<vmem>>
          %dma_wait3A_113 = arith.constant 0 : i32
          %dma_wait3A_114 = arith.constant 0 : i32
          %dma_wait3A_115 = tpu.memref_slice %arg21[%dma_wait3A_113, %dma_wait3A_114] : memref<10000x128xf32, #tpu.memory_space<vmem_shared>> -> memref<10000x128xf32, #tpu.memory_space<vmem_shared>>
          tpu.wait_indirect_dma semaphore(%run_scoped3A_97 : memref<!tpu.dma_semaphore, #tpu.memory_space<semaphore_mem>>) src(%dma_wait3A_109 : memref<128x128xf32, #tpu.memory_space<vmem>>) dst(%dma_wait3A_115 : memref<10000x128xf32, #tpu.memory_space<vmem_shared>>)
          tpu.yield
        }) : () -> ()
        "tpu.region"() ({
          %run_scoped3A_97 = tpu.sem_alloc : memref<!tpu.dma_semaphore, #tpu.memory_space<semaphore_mem>>
          %dma_start3A_98 = arith.constant 0 : i32
          %dma_start3A_99 = tpu.memref_slice %arg16[%mul3A_77, %dma_start3A_98] : memref<320000x128xf32, #tpu.memory_space<hbm>> -> memref<128x128xf32, #tpu.memory_space<hbm>>
          %dma_start3A_100 = arith.constant 0 : i32
          %dma_start3A_101 = tpu.memref_slice %arg16[%mul3A_77, %dma_start3A_100] : memref<320000x128xf32, #tpu.memory_space<hbm>> -> memref<128x128xf32, #tpu.memory_space<hbm>>
          tpu.enqueue_dma source(%dma_start3A_101 : memref<128x128xf32, #tpu.memory_space<hbm>>) target(%arg24 : memref<128x128xf32, #tpu.memory_space<vmem>>) target_semaphore(%run_scoped3A_97 : memref<!tpu.dma_semaphore, #tpu.memory_space<semaphore_mem>>)
          %dma_wait3A_102 = arith.constant 0 : i32
          %dma_wait3A_103 = tpu.memref_slice %arg16[%mul3A_77, %dma_wait3A_102] : memref<320000x128xf32, #tpu.memory_space<hbm>> -> memref<128x128xf32, #tpu.memory_space<hbm>>
          %dma_wait3A_104 = arith.constant 0 : i32
          %dma_wait3A_105 = tpu.memref_slice %arg16[%mul3A_77, %dma_wait3A_104] : memref<320000x128xf32, #tpu.memory_space<hbm>> -> memref<128x128xf32, #tpu.memory_space<hbm>>
          tpu.wait_dma2 semaphore(%run_scoped3A_97 : memref<!tpu.dma_semaphore, #tpu.memory_space<semaphore_mem>>) src(%dma_wait3A_105 : memref<128x128xf32, #tpu.memory_space<hbm>>) dst(%arg24 : memref<128x128xf32, #tpu.memory_space<vmem>>)
          tpu.yield
        }) : () -> ()
        %run_scoped3A_96 = arith.constant 1 : i32
        "tpu.region"() ({
          %run_scoped3A_97 = tpu.sem_alloc : memref<!tpu.dma_semaphore, #tpu.memory_space<semaphore_mem>>
          %dma_start3A_98 = arith.constant 0 : i32
          %dma_start3A_99 = tpu.memref_slice %arg22[%run_scoped3A_96, %dma_start3A_98] : memref<2x256xi32, #tpu.memory_space<vmem>> -> memref<1x128xi32, #tpu.memory_space<vmem>>
          %dma_start3A_100 = tpu.memref_squeeze %dma_start3A_99 : memref<1x128xi32, #tpu.memory_space<vmem>> -> memref<128xi32, #tpu.memory_space<vmem>>
          %dma_start3A_101 = arith.constant 0 : i32
          %dma_start3A_102 = arith.constant 0 : i32
          %dma_start3A_103 = tpu.memref_slice %arg21[%dma_start3A_101, %dma_start3A_102] : memref<10000x128xf32, #tpu.memory_space<vmem_shared>> -> memref<10000x128xf32, #tpu.memory_space<vmem_shared>>
          tpu.enqueue_indirect_dma source(%arg24 : memref<128x128xf32, #tpu.memory_space<vmem>>) target(%dma_start3A_103 : memref<10000x128xf32, #tpu.memory_space<vmem_shared>>) offsets(%dma_start3A_100 : memref<128xi32, #tpu.memory_space<vmem>>) semaphore(%run_scoped3A_97 : memref<!tpu.dma_semaphore, #tpu.memory_space<semaphore_mem>>) {add = true}
          %dma_wait3A_104 = arith.constant 0 : i32
          %dma_wait3A_105 = tpu.memref_slice %arg22[%run_scoped3A_96, %dma_wait3A_104] : memref<2x256xi32, #tpu.memory_space<vmem>> -> memref<1x128xi32, #tpu.memory_space<vmem>>
          %dma_wait3A_106 = tpu.memref_squeeze %dma_wait3A_105 : memref<1x128xi32, #tpu.memory_space<vmem>> -> memref<128xi32, #tpu.memory_space<vmem>>
          %dma_wait3A_107 = arith.constant 0 : i32
          %dma_wait3A_108 = arith.constant 0 : i32
          %dma_wait3A_109 = tpu.memref_slice %arg21[%dma_wait3A_107, %dma_wait3A_108] : memref<10000x128xf32, #tpu.memory_space<vmem_shared>> -> memref<10000x128xf32, #tpu.memory_space<vmem_shared>>
          tpu.wait_indirect_dma semaphore(%run_scoped3A_97 : memref<!tpu.dma_semaphore, #tpu.memory_space<semaphore_mem>>) src(%arg24 : memref<128x128xf32, #tpu.memory_space<vmem>>) dst(%dma_wait3A_109 : memref<10000x128xf32, #tpu.memory_space<vmem_shared>>)
          tpu.yield
        }) : () -> ()
      } else {
      }
    } else {
    }
    %barrier3A_59 = arith.constant 0 : index
    tpu.barrier barrier_id(%barrier3A_59)
    "tpu.region"() ({
      %run_scoped3A = tpu.sem_alloc : memref<!tpu.dma_semaphore, #tpu.memory_space<semaphore_mem>>
      %dma_start3A = arith.constant 0 : i32
      %dma_start3A_66 = tpu.memref_slice %arg20[%arg0, %mul3A_0, %dma_start3A] : memref<2x10000x128xf32, #tpu.memory_space<hbm>> -> memref<1x624x128xf32, #tpu.memory_space<hbm>>
      %dma_start3A_67 = tpu.memref_squeeze %dma_start3A_66 : memref<1x624x128xf32, #tpu.memory_space<hbm>> -> memref<624x128xf32, #tpu.memory_space<hbm>>
      %dma_start3A_68 = arith.constant 0 : i32
      %dma_start3A_69 = tpu.memref_slice %arg21[%mul3A_0, %dma_start3A_68] : memref<10000x128xf32, #tpu.memory_space<vmem_shared>> -> memref<624x128xf32, #tpu.memory_space<vmem_shared>>
      tpu.enqueue_dma source(%dma_start3A_69 : memref<624x128xf32, #tpu.memory_space<vmem_shared>>) target(%dma_start3A_67 : memref<624x128xf32, #tpu.memory_space<hbm>>) target_semaphore(%run_scoped3A : memref<!tpu.dma_semaphore, #tpu.memory_space<semaphore_mem>>)
      %dma_wait3A = arith.constant 0 : i32
      %dma_wait3A_70 = tpu.memref_slice %arg20[%arg0, %mul3A_0, %dma_wait3A] : memref<2x10000x128xf32, #tpu.memory_space<hbm>> -> memref<1x624x128xf32, #tpu.memory_space<hbm>>
      %dma_wait3A_71 = tpu.memref_squeeze %dma_wait3A_70 : memref<1x624x128xf32, #tpu.memory_space<hbm>> -> memref<624x128xf32, #tpu.memory_space<hbm>>
      %dma_wait3A_72 = arith.constant 0 : i32
      %dma_wait3A_73 = tpu.memref_slice %arg21[%mul3A_0, %dma_wait3A_72] : memref<10000x128xf32, #tpu.memory_space<vmem_shared>> -> memref<624x128xf32, #tpu.memory_space<vmem_shared>>
      tpu.wait_dma2 semaphore(%run_scoped3A : memref<!tpu.dma_semaphore, #tpu.memory_space<semaphore_mem>>) src(%dma_wait3A_73 : memref<624x128xf32, #tpu.memory_space<vmem_shared>>) dst(%dma_wait3A_71 : memref<624x128xf32, #tpu.memory_space<hbm>>)
      tpu.yield
    }) : () -> ()
    %eq3A_60 = arith.constant 15 : i32
    %eq3A_61 = arith.cmpi eq, %arg1, %eq3A_60 : i32
    %convert_element_type3A_62 = arith.extui %eq3A_61 : i1 to i32
    %cond3A_63 = arith.constant 0 : i32
    %cond3A_64 = arith.cmpi ne, %convert_element_type3A_62, %cond3A_63 : i32
    scf.if %cond3A_64 {
      "tpu.region"() ({
        %run_scoped3A = tpu.sem_alloc : memref<!tpu.dma_semaphore, #tpu.memory_space<semaphore_mem>>
        %dma_start3A = arith.constant 9984 : i32
        %dma_start3A_66 = arith.constant 0 : i32
        %dma_start3A_67 = tpu.memref_slice %arg20[%arg0, %dma_start3A, %dma_start3A_66] : memref<2x10000x128xf32, #tpu.memory_space<hbm>> -> memref<1x16x128xf32, #tpu.memory_space<hbm>>
        %dma_start3A_68 = tpu.memref_squeeze %dma_start3A_67 : memref<1x16x128xf32, #tpu.memory_space<hbm>> -> memref<16x128xf32, #tpu.memory_space<hbm>>
        %dma_start3A_69 = arith.constant 9984 : i32
        %dma_start3A_70 = arith.constant 0 : i32
        %dma_start3A_71 = tpu.memref_slice %arg21[%dma_start3A_69, %dma_start3A_70] : memref<10000x128xf32, #tpu.memory_space<vmem_shared>> -> memref<16x128xf32, #tpu.memory_space<vmem_shared>>
        tpu.enqueue_dma source(%dma_start3A_71 : memref<16x128xf32, #tpu.memory_space<vmem_shared>>) target(%dma_start3A_68 : memref<16x128xf32, #tpu.memory_space<hbm>>) target_semaphore(%run_scoped3A : memref<!tpu.dma_semaphore, #tpu.memory_space<semaphore_mem>>)
        %dma_wait3A = arith.constant 9984 : i32
        %dma_wait3A_72 = arith.constant 0 : i32
        %dma_wait3A_73 = tpu.memref_slice %arg20[%arg0, %dma_wait3A, %dma_wait3A_72] : memref<2x10000x128xf32, #tpu.memory_space<hbm>> -> memref<1x16x128xf32, #tpu.memory_space<hbm>>
        %dma_wait3A_74 = tpu.memref_squeeze %dma_wait3A_73 : memref<1x16x128xf32, #tpu.memory_space<hbm>> -> memref<16x128xf32, #tpu.memory_space<hbm>>
        %dma_wait3A_75 = arith.constant 9984 : i32
        %dma_wait3A_76 = arith.constant 0 : i32
        %dma_wait3A_77 = tpu.memref_slice %arg21[%dma_wait3A_75, %dma_wait3A_76] : memref<10000x128xf32, #tpu.memory_space<vmem_shared>> -> memref<16x128xf32, #tpu.memory_space<vmem_shared>>
        tpu.wait_dma2 semaphore(%run_scoped3A : memref<!tpu.dma_semaphore, #tpu.memory_space<semaphore_mem>>) src(%dma_wait3A_77 : memref<16x128xf32, #tpu.memory_space<vmem_shared>>) dst(%dma_wait3A_74 : memref<16x128xf32, #tpu.memory_space<hbm>>)
        tpu.yield
      }) : () -> ()
    } else {
    }
    %barrier3A_65 = arith.constant 0 : index
    tpu.barrier barrier_id(%barrier3A_65)
    return
  }
}

module attributes {stable_mosaic.version = 14 : i64} {
  func.func @_combine_body(%arg0: i32, %arg1: memref<2x1000x128xf32, #tpu.memory_space<vmem>>, %arg2: memref<2x1000x128xf32, #tpu.memory_space<vmem>>, %arg3: memref<2x1000x128xf32, #tpu.memory_space<vmem>>, %arg4: memref<1000x128xf32, #tpu.memory_space<vmem>>, %arg5: memref<1000x128xf32, #tpu.memory_space<vmem>>, %arg6: memref<1000x128xf32, #tpu.memory_space<vmem>>) attributes {dimension_semantics = [#tpu.dimension_semantics<arbitrary>], iteration_bounds = array<i64: 10>, scalar_prefetch = 0 : i64, scratch_operands = 0 : i64, tpu.core_type = #tpu.core_type<tc>, window_params = [{transform_indices = @transform_0, window_bounds = array<i64: 2, 1000, 128>}, {transform_indices = @transform_1, window_bounds = array<i64: 2, 1000, 128>}, {transform_indices = @transform_2, window_bounds = array<i64: 2, 1000, 128>}, {transform_indices = @transform_3, window_bounds = array<i64: 1000, 128>}, {transform_indices = @transform_4, window_bounds = array<i64: 1000, 128>}, {transform_indices = @transform_5, window_bounds = array<i64: 1000, 128>}]} {
    %get3A = arith.constant 0 : index
    %get3A_0 = arith.constant 0 : index
    %get3A_1 = arith.constant 0 : index
    %get3A_2 = vector.load %arg1[%get3A, %get3A_0, %get3A_1] : memref<2x1000x128xf32, #tpu.memory_space<vmem>>, vector<1x1000x128xf32>
    %get3A_3 = vector.shape_cast %get3A_2 : vector<1x1000x128xf32> to vector<1000x128xf32>
    %get3A_4 = arith.constant 1 : index
    %get3A_5 = arith.constant 0 : index
    %get3A_6 = arith.constant 0 : index
    %get3A_7 = vector.load %arg1[%get3A_4, %get3A_5, %get3A_6] : memref<2x1000x128xf32, #tpu.memory_space<vmem>>, vector<1x1000x128xf32>
    %get3A_8 = vector.shape_cast %get3A_7 : vector<1x1000x128xf32> to vector<1000x128xf32>
    %add3A = arith.addf %get3A_3, %get3A_8 : vector<1000x128xf32>
    %swap3A = arith.constant 0 : index
    %swap3A_9 = arith.constant 0 : index
    %swap3A_10 = vector.load %arg4[%swap3A, %swap3A_9] : memref<1000x128xf32, #tpu.memory_space<vmem>>, vector<1000x128xf32>
    tpu.vector_store %arg4[%swap3A, %swap3A_9], %add3A {strides = array<i32>} : memref<1000x128xf32, #tpu.memory_space<vmem>>, vector<1000x128xf32>,
    %get3A_11 = arith.constant 0 : index
    %get3A_12 = arith.constant 0 : index
    %get3A_13 = arith.constant 0 : index
    %get3A_14 = vector.load %arg2[%get3A_11, %get3A_12, %get3A_13] : memref<2x1000x128xf32, #tpu.memory_space<vmem>>, vector<1x1000x128xf32>
    %get3A_15 = vector.shape_cast %get3A_14 : vector<1x1000x128xf32> to vector<1000x128xf32>
    %get3A_16 = arith.constant 1 : index
    %get3A_17 = arith.constant 0 : index
    %get3A_18 = arith.constant 0 : index
    %get3A_19 = vector.load %arg2[%get3A_16, %get3A_17, %get3A_18] : memref<2x1000x128xf32, #tpu.memory_space<vmem>>, vector<1x1000x128xf32>
    %get3A_20 = vector.shape_cast %get3A_19 : vector<1x1000x128xf32> to vector<1000x128xf32>
    %add3A_21 = arith.addf %get3A_15, %get3A_20 : vector<1000x128xf32>
    %swap3A_22 = arith.constant 0 : index
    %swap3A_23 = arith.constant 0 : index
    %swap3A_24 = vector.load %arg5[%swap3A_22, %swap3A_23] : memref<1000x128xf32, #tpu.memory_space<vmem>>, vector<1000x128xf32>
    tpu.vector_store %arg5[%swap3A_22, %swap3A_23], %add3A_21 {strides = array<i32>} : memref<1000x128xf32, #tpu.memory_space<vmem>>, vector<1000x128xf32>,
    %get3A_25 = arith.constant 0 : index
    %get3A_26 = arith.constant 0 : index
    %get3A_27 = arith.constant 0 : index
    %get3A_28 = vector.load %arg3[%get3A_25, %get3A_26, %get3A_27] : memref<2x1000x128xf32, #tpu.memory_space<vmem>>, vector<1x1000x128xf32>
    %get3A_29 = vector.shape_cast %get3A_28 : vector<1x1000x128xf32> to vector<1000x128xf32>
    %get3A_30 = arith.constant 1 : index
    %get3A_31 = arith.constant 0 : index
    %get3A_32 = arith.constant 0 : index
    %get3A_33 = vector.load %arg3[%get3A_30, %get3A_31, %get3A_32] : memref<2x1000x128xf32, #tpu.memory_space<vmem>>, vector<1x1000x128xf32>
    %get3A_34 = vector.shape_cast %get3A_33 : vector<1x1000x128xf32> to vector<1000x128xf32>
    %add3A_35 = arith.addf %get3A_29, %get3A_34 : vector<1000x128xf32>
    %swap3A_36 = arith.constant 0 : index
    %swap3A_37 = arith.constant 0 : index
    %swap3A_38 = vector.load %arg6[%swap3A_36, %swap3A_37] : memref<1000x128xf32, #tpu.memory_space<vmem>>, vector<1000x128xf32>
    tpu.vector_store %arg6[%swap3A_36, %swap3A_37], %add3A_35 {strides = array<i32>} : memref<1000x128xf32, #tpu.memory_space<vmem>>, vector<1000x128xf32>,
    return
  }
  func.func @transform_0(%arg0: i32) -> (i32, i32, i32) {
    %c0_i32 = arith.constant 0 : i32
    %c0_i32_0 = arith.constant 0 : i32
    %c0_i32_1 = arith.constant 0 : i32
    return %c0_i32, %arg0, %c0_i32_0 : i32, i32, i32
  }
  func.func @transform_1(%arg0: i32) -> (i32, i32, i32) {
    %c0_i32 = arith.constant 0 : i32
    %c0_i32_0 = arith.constant 0 : i32
    %c0_i32_1 = arith.constant 0 : i32
    return %c0_i32, %arg0, %c0_i32_0 : i32, i32, i32
  }
  func.func @transform_2(%arg0: i32) -> (i32, i32, i32) {
    %c0_i32 = arith.constant 0 : i32
    %c0_i32_0 = arith.constant 0 : i32
    %c0_i32_1 = arith.constant 0 : i32
    return %c0_i32, %arg0, %c0_i32_0 : i32, i32, i32
  }
  func.func @transform_3(%arg0: i32) -> (i32, i32) {
    %c0_i32 = arith.constant 0 : i32
    %c0_i32_0 = arith.constant 0 : i32
    return %arg0, %c0_i32 : i32, i32
  }
  func.func @transform_4(%arg0: i32) -> (i32, i32) {
    %c0_i32 = arith.constant 0 : i32
    %c0_i32_0 = arith.constant 0 : i32
    return %arg0, %c0_i32 : i32, i32
  }
  func.func @transform_5(%arg0: i32) -> (i32, i32) {
    %c0_i32 = arith.constant 0 : i32
    %c0_i32_0 = arith.constant 0 : i32
    return %arg0, %c0_i32 : i32, i32
  }
}

</mosaic_0001>

<sc_bundles>
// kernel: kernel.4.cloned.1.call-start
scs
__scs_entry_jumppad:
0x0: {  	(pc) =	sbr.rel $0x88, $3  }
0x1: {  	(tag) =	ssettag $0x0;
	lr =	simm.s32 $0x1  }
0x2: {  	[smem:$0x3F92] =	sst lr;
	_ =	strace $0xD0000000  }
0x3: {  	_ = 	snop  }
0x4: {  	_ = 	snop  }
0x5: {  	_ = 	snop  }
0x6: {  	_ = 	snop  }
0x7: {  	_ = 	snop  }
__scs_overlays_trampoline_lowered:
0x8: {  	[smem:$0x3FA1] =	sst s0  }
0x9: {  	[smem:$0x3FA2] =	sst s1  }
0xa: {  	[smem:$0x3FA3] =	sst s2  }
0xb: {  	[smem:$0x3FA4] =	sst s3  }
0xc: {  	[smem:$0x3FA5] =	sst s4  }
0xd: {  	[smem:$0x3FA6] =	sst s5  }
0xe: {  	[smem:$0x3FA7] =	sst s6  }
0xf: {  	[smem:$0x3FA8] =	sst s7  }
0x10: {  	[smem:$0x3FA9] =	sst s8  }
0x11: {  	[smem:$0x3FAA] =	sst s9;
	s0 =	simm.s32 @!p0 $0x0  }
0x12: {  	s1 =	sld [smem:$0x3F90];
	s0 =	simm.s32 @p0 $0x1  }
0x13: {  	[smem:$0x3FAB] =	sst s0;
	s0 =	simm.s32 @!p1 $0x0  }
0x14: {  	s2 =	sld [smem:$0x3F8F];
	s0 =	simm.s32 @p1 $0x1  }
0x15: {  	[smem:$0x3FAC] =	sst s0;
	s0 =	simm.s32 @!p2 $0x0  }
0x16: {  	s3 =	sld [smem:$0x3FDB];
	s0 =	simm.s32 @p2 $0x1  }
0x17: {  	s4 =	simm.s32 $0x1BF5;
	[smem:$0x3FAE] =	sst s0  }
0x18: {  	s0 =	sld [smem:$0x3F91];
	_ =	swait.ge [sflag:s4], $0x0  }
0x19: {  	s7 =	sld [smem:$0x3F92]  }
0x1a: {  	s8 =	sadd.s32 $0xFFFFE003, lr  }
0x1b: {  	s9 =	sadd.s32 $0xFFFFFEF7, lr;
	s5 =	simm.s32 $0xFFFFFFFF;
	p2 =	slt.u32 s8, $0xFFFFF086  }
0x1c: {  	p1 =	slt.u32 s9, $0xF7A;
	s5 =	simm.s32 @!p2 $0x0  }
0x1d: {  	s5 =	simm.s32 @p1 $0x1;
	p0 =	seq.s32 s7, s2  }
0x1e: {  	s7 =	smul.u32 @!p0 $0xF7A, s2;
	p2 =	seq.s32 @!p0 s5, $0x0  }
0x1f: {  	s9 =	smul.u32 $0xF7A, s1;
	s8 =	simm.s32 @!p0 $0x1BF5;
	p2 =	por !p2, p0  }
0x20: {  	[sflag:s8] =	ssyncset.s32 @!p0 $0xFFFFF086;
	s6 =	sadd.s32 @!p0 s3, s7;
	s7 =	simm.s32 @!p0 $0x108  }
0x21: {  	s3 =	sadd.s32 s3, s9;
	s6 =	sadd.s32 @!p0 $0x88, s6;
	s7 =	simm.s32 @p2 $0x1082  }
0x22: {  	[simem:s7], [sflag:s8] =	dma.local @!p0 [hbm:s6], $0xF7A  }
0x23: {  	s9 =	sor.u32 $0xD0000000, s2;
	s6 =	simm.s32 $0x108;
	_ =	swait.ge @!p0 [sflag:s8], $0x0  }
0x24: {  	s3 =	sadd.s32 $0x88, s3;
	s6 =	simm.s32 @!p1 $0x1082;
	[sflag:s4] =	ssyncset.s32 $0xFFFFF086  }
0x25: {  	[simem:s6], [sflag:s4] =	dma.local [hbm:s3], $0xF7A  }
0x26: {  	[smem:$0x3F92] =	sst s1;
	(tag) =	ssettag s2;
	_ =	strace s9  }
0x27: {  	s1 =	sld [smem:$0x3FA2]  }
0x28: {  	s2 =	sld [smem:$0x3FA3]  }
0x29: {  	s4 =	sld [smem:$0x3FA5]  }
0x2a: {  	p0 =	seq.s32 s5, $0x0;
	s5 =	sld [smem:$0x3FA6]  }
0x2b: {  	s6 =	sld [smem:$0x3FA7]  }
0x2c: {  	s7 =	sld [smem:$0x3FA8]  }
0x2d: {  	s3 =	simm.s32 $0x108;
	s8 =	sld [smem:$0x3FA9]  }
0x2e: {  	s3 =	simm.s32 @!p0 $0x1082;
	s9 =	sld [smem:$0x3FAA]  }
0x2f: {  	lr =	sadd.s32 s0, s3;
	s0 =	sld [smem:$0x3FA1]  }
0x30: {  	s3 =	sld [smem:$0x3FA4]  }
0x31: {  	[smem:$0x3FAD] =	sst s10  }
0x32: {  	s10 =	sld [smem:$0x3FAB];
	_ =	sdelay $0x3  }
0x33: {  	p0 =	seq.s32 s10, $0x1;
	s10 =	sld [smem:$0x3FAD];
	_ =	sdelay $0x3  }
0x34: {  	[smem:$0x3FAD] =	sst s10  }
0x35: {  	s10 =	sld [smem:$0x3FAC];
	_ =	sdelay $0x3  }
0x36: {  	p1 =	seq.s32 s10, $0x1;
	s10 =	sld [smem:$0x3FAD];
	_ =	sdelay $0x3  }
0x37: {  	[smem:$0x3FAD] =	sst s10  }
0x38: {  	s10 =	sld [smem:$0x3FAE]  }
0x39: {  	_ = 	snop;
	(pc) =	sbr.ind lr, $3  }
0x3a: {  	_ = 	snop  }
0x3b: {  	_ = 	snop  }
0x3c: {  	p2 =	seq.s32 s10, $0x1;
	s10 =	sld [smem:$0x3FAD]  }
0x3d: {  	_ =	shalt  }
0x3e: {  	_ =	shalt  }
0x3f: {  	_ =	shalt  }
0x40: {  	_ =	shalt  }
0x41: {  	_ =	shalt  }
0x42: {  	_ =	shalt  }
0x43: {  	_ =	shalt  }
0x44: {  	_ =	shalt  }
0x45: {  	_ =	shalt  }
0x46: {  	_ =	shalt  }
0x47: {  	_ =	shalt  }
0x48: {  	_ =	shalt  }
0x49: {  	_ =	shalt  }
0x4a: {  	_ =	shalt  }
0x4b: {  	_ =	shalt  }
0x4c: {  	_ =	shalt  }
0x4d: {  	_ =	shalt  }
0x4e: {  	_ =	shalt  }
0x4f: {  	_ =	shalt  }
0x50: {  	_ =	shalt  }
0x51: {  	_ =	shalt  }
0x52: {  	_ =	shalt  }
0x53: {  	_ =	shalt  }
0x54: {  	_ =	shalt  }
0x55: {  	_ =	shalt  }
0x56: {  	_ =	shalt  }
0x57: {  	_ =	shalt  }
0x58: {  	_ =	shalt  }
0x59: {  	_ =	shalt  }
0x5a: {  	_ =	shalt  }
0x5b: {  	_ =	shalt  }
0x5c: {  	_ =	shalt  }
0x5d: {  	_ =	shalt  }
0x5e: {  	_ =	shalt  }
0x5f: {  	_ =	shalt  }
0x60: {  	_ =	shalt  }
0x61: {  	_ =	shalt  }
0x62: {  	_ =	shalt  }
0x63: {  	_ =	shalt  }
0x64: {  	_ =	shalt  }
0x65: {  	_ =	shalt  }
0x66: {  	_ =	shalt  }
0x67: {  	_ =	shalt  }
0x68: {  	_ =	shalt  }
0x69: {  	_ =	shalt  }
0x6a: {  	_ =	shalt  }
0x6b: {  	_ =	shalt  }
0x6c: {  	_ =	shalt  }
0x6d: {  	_ =	shalt  }
0x6e: {  	_ =	shalt  }
0x6f: {  	_ =	shalt  }
0x70: {  	_ =	shalt  }
0x71: {  	_ =	shalt  }
0x72: {  	_ =	shalt  }
0x73: {  	_ =	shalt  }
0x74: {  	_ =	shalt  }
0x75: {  	_ =	shalt  }
0x76: {  	_ =	shalt  }
0x77: {  	_ =	shalt  }
0x78: {  	_ =	shalt  }
0x79: {  	_ =	shalt  }
0x7a: {  	_ =	shalt  }
0x7b: {  	_ =	shalt  }
0x7c: {  	_ =	shalt  }
0x7d: {  	_ =	shalt  }
0x7e: {  	_ =	shalt  }
0x7f: {  	_ =	shalt  }
0x80: {  	_ =	shalt  }
0x81: {  	_ =	shalt  }
0x82: {  	_ =	shalt  }
0x83: {  	_ =	shalt  }
0x84: {  	_ =	shalt  }
0x85: {  	_ =	shalt  }
0x86: {  	_ =	shalt  }
0x87: {  	_ =	shalt  }
.Lfunc_end0:
.L_simem_size_0:
called_computation_lowered:
.L_overlay_start_0:
0x88: {  	s2 =	sld [smem:$0x3FD9]  }
0x89: {  	s3 =	sld [smem:$0x3FFE];
	_ =	sdelay $0x1  }
0x8a: {  	s1 =	srdreg.scid  }
0x8b: {  	s0 =	sand.u32 $0x1, s1  }
0x8c: {  	s21 =	sshll.u32 s0, $0xA;
	s2 =	sadd.s32 s3, s2  }
0x8d: {  	s2 =	sadd.s32 s2, s21  }
0x8e: {  	[smem:$0x3FB9] =	sst s2  }
0x8f: {  	_ = 	snop  }
0x90: {  	s2 =	sld [smem:$0x3FC9]  }
0x91: {  	s3 =	sld [smem:$0x3FC8]  }
0x92: {  	s4 =	sld [smem:$0x3FC7]  }
0x93: {  	s5 =	sld [smem:$0x3FC6]  }
0x94: {  	s6 =	sld [smem:$0x3FC5]  }
0x95: {  	s7 =	sld [smem:$0x3FC4]  }
0x96: {  	s8 =	sld [smem:$0x3FC3]  }
0x97: {  	s9 =	sld [smem:$0x3FC2]  }
0x98: {  	s10 =	sld [smem:$0x3FC1]  }
0x99: {  	s11 =	sld [smem:$0x3FC0]  }
0x9a: {  	s12 =	sld [smem:$0x3FBF]  }
0x9b: {  	s13 =	sld [smem:$0x3FBE]  }
0x9c: {  	s16 =	sld [smem:$0x3FD0]  }
0x9d: {  	s14 =	sld [smem:$0x3FBD]  }
0x9e: {  	s15 =	sld [smem:$0x3FBC]  }
0x9f: {  	s18 =	simm.s32 $0xA;
	s19 =	simm.s32 $0x10;
	s17 =	sld [smem:$0x3FBB]  }
0xa0: {  	[smem:s19], [sflag:s18] =	dma.local [hbm:s16], $0x1  }
0xa1: {  	_ =	swait.eq [sflag:s18], $0x1  }
0xa2: {  	[sflag:s18] =	ssyncset.done $0x0  }
0xa3: {  	[sflag:s18] =	ssyncadd.s32 $0xFFFFFFFF  }
0xa4: {  	s18 =	sld [smem:$0x12];
	(tm) =	ssettm $0x1  }
0xa5: {  	s22 =	sld [smem:$0x3FFB];
	_ =	sdelay $0x3  }
0xa6: {  	_ =	strace s22  }
0xa7: {  	s16 =	sld [smem:$0x3FFC];
	_ =	sdelay $0x3  }
0xa8: {  	_ =	strace s16  }
0xa9: {  	s16 =	sld [smem:$0x3FFD];
	_ =	sdelay $0x3  }
0xaa: {  	_ =	strace s16  }
0xab: {  	_ =	strace $0x8FFFFFFF  }
0xac: {  	s23 =	sld [smem:$0x3FDB];
	_ =	sdelay $0x1  }
0xad: {  	s24 =	simm.s32 $_scs_section_size  }
0xae: {  	s20 =	simm.s32 $_size__tile_task_arg_handler_lowered;
	s21 =	simm.s32 $_tile_task_arg_handler_lowered  }
0xaf: {  	s28 =	simm.s32 $0x1BFF;
	s26 =	sshll.u32 s21, $0x1;
	s19 =	sadd.s32 s24, s23  }
0xb0: {  	s25 =	sshll.u32 s20, $0x1;
	s22 =	simm.s32 $0x60;
	s20 =	sadd.s32 s26, s19  }
0xb1: {  	[timem:s22], [sflag:s28] =	dma.local [hbm:s20], s25  }
0xb2: {  	_ =	swait.ge [sflag:s28], s25  }
0xb3: {  	s29 =	simm.s32 $_tile_overlayer_lowered;
	s16 =	ssub.s32 $0x0, s25;
	[sflag:s28] =	ssyncset.done $0x0  }
0xb4: {  	s30 =	simm.s32 $_size__tile_overlayer_lowered;
	s20 =	sshll.u32 s29, $0x1;
	[sflag:s28] =	ssyncadd.s32 s16  }
0xb5: {  	s31 =	sshll.u32 s30, $0x1;
	s20 =	sadd.s32 s20, s19;
	s16 =	simm.s32 $0x0  }
0xb6: {  	[timem:s16], [sflag:s28] =	dma.local [hbm:s20], s31  }
0xb7: {  	_ =	swait.ge [sflag:s28], s31  }
0xb8: {  	s22 =	ssub.s32 $0x0, s31;
	[sflag:s28] =	ssyncset.done $0x0  }
0xb9: {  	[sflag:s28] =	ssyncadd.s32 s22;
	_ =	sdelay $0x1  }
0xba: {  	s23 =	simm.s32 $0x1B8B  }
0xbb: {  	_ =	swait.ge [sflag:s23], $0x1  }
0xbc: {  	[sflag:s23] =	ssyncset.done $0x0  }
0xbd: {  	s25 =	simm.s32 $0x1B8E;
	s24 =	sld [smem:$0x3FFE];
	[sflag:s23] =	ssyncadd.s32 $0xFFFFFFFF  }
0xbe: {  	s26 =	simm.s32 $execute0_lowered;
	[smem:$0x3FD2] =	sst s25  }
0xbf: {  	s21 =	sshll.u32 s26, $0x1;
	_ =	strace $0x80000046;
	[dreg:$0x1] =	wrdreg $0xFFFFFFFF  }
0xc0: {  	s19 =	sadd.s32 s19, s21;
	s28 =	simm.s32 $_size_execute0_lowered;
	[dreg:$0x0] =	wrdreg $0x0  }
0xc1: {  	s21 =	sshll.u32 s28, $0x1;
	[dreg:$0x2] =	wrdreg s19  }
0xc2: {  	[dreg:$0x3] =	wrdreg s21  }
0xc3: {  	[dreg:$0x4] =	wrdreg $0xC0  }
0xc4: {  	_ =	task [dreg:s16], $0x5FFFF  }
0xc5: {  	[dreg:$0x1] =	wrdreg $0xFFFFFFFF  }
0xc6: {  	[dreg:$0x0] =	wrdreg $0x30  }
0xc7: {  	[dreg:$0x2] =	wrdreg $0x0  }
0xc8: {  	[dreg:$0x3] =	wrdreg s17  }
0xc9: {  	[dreg:$0x4] =	wrdreg s18  }
0xca: {  	[dreg:$0x5] =	wrdreg s24  }
0xcb: {  	[dreg:$0x6] =	wrdreg $0x0  }
0xcc: {  	[dreg:$0x7] =	wrdreg $0x9  }
0xcd: {  	_ =	task [dreg:s16], $0x8FFFF  }
0xce: {  	[dreg:$0x1] =	wrdreg $0xFFFFFFFF  }
0xcf: {  	[dreg:$0x0] =	wrdreg $0x60  }
0xd0: {  	[dreg:$0x2] =	wrdreg s2  }
0xd1: {  	[dreg:$0x3] =	wrdreg s3  }
0xd2: {  	[dreg:$0x4] =	wrdreg s4  }
0xd3: {  	[dreg:$0x5] =	wrdreg s5  }
0xd4: {  	[dreg:$0x6] =	wrdreg s6  }
0xd5: {  	[dreg:$0x7] =	wrdreg s7  }
0xd6: {  	[dreg:$0x8] =	wrdreg s8  }
0xd7: {  	[dreg:$0x9] =	wrdreg s9  }
0xd8: {  	[dreg:$0xa] =	wrdreg s10  }
0xd9: {  	[dreg:$0xb] =	wrdreg s11  }
0xda: {  	[dreg:$0xc] =	wrdreg s12  }
0xdb: {  	[dreg:$0xd] =	wrdreg s13  }
0xdc: {  	[dreg:$0xe] =	wrdreg s14  }
0xdd: {  	[dreg:$0xf] =	wrdreg s15  }
0xde: {  	_ =	task.clear_ibuf [dreg:s16], $0x10FFFF;
	_ =	strace $0x90000046  }
0xdf: {  	s29 =	simm.s32 $0x9;
	_ =	strace $0x80000048  }
0xe0: {  	_ =	swait.ge [sflag:s29], $0x1  }
0xe1: {  	[sflag:s29] =	ssyncadd.s32 $0xFFFFFFFF  }
0xe2: {  	_ =	strace $0x90000048  }
0xe3: {  	_ =	sfence  }
0xe4: {  	s30 =	sld [smem:$0x0];
	_ =	sdelay $0x2  }
0xe5: {  	s31 =	sshll.u32 s1, $0xD;
	s1 =	sshrl.u32 s1, $0x2  }
0xe6: {  	s3 =	sand.u32 $0x4000, s31;
	s1 =	sadd.s32 s1, s30  }
0xe7: {  	s0 =	sor.u32 s3, s0;
	s1 =	sshll.u32 s1, $0x11  }
0xe8: {  	s0 =	sor.u32 s1, s0  }
0xe9: {  	s0 =	sadd.s32 $0x8F2B, s0  }
0xea: {  	[sflag:s0] =	ssyncadd.remote.s32 $0x1  }
0xeb: {  	_ =	sfence.sel $0xFFFF  }
0xec: {  	[dreg:$0x0] =	wrdreg $0xFFFFFFFF;
	(pc) =	sbr.abs _section_cstart, $3  }
0xed: {  	[dreg:$0x1] =	wrdreg $0xFFFFFFFF  }
0xee: {  	_ =	task.clear_ibuf [dreg:s16], $0x2FFFF;
	_ =	strace $0x9FFFFFFF  }
0xef: {  	(tm) =	ssettm $0x7FFFFFFF  }
tec
_tile_task_arg_handler_lowered:
.L_overlay_start_1:
0x0: {  	(tag) =	ssettag $0x1  }
0x1: {  	s0 =	rddreg [dreg:$0x0]  }
0x2: {  	s1 =	rddreg [dreg:$0x1]  }
0x3: {  	s2 =	rddreg [dreg:$0x2]  }
0x4: {  	s3 =	rddreg [dreg:$0x3]  }
0x5: {  	s4 =	rddreg [dreg:$0x4]  }
0x6: {  	s5 =	rddreg [dreg:$0x5]  }
0x7: {  	s6 =	rddreg [dreg:$0x6]  }
0x8: {  	s7 =	rddreg [dreg:$0x7]  }
0x9: {  	s8 =	rddreg [dreg:$0x8]  }
0xa: {  	s9 =	rddreg [dreg:$0x9]  }
0xb: {  	s10 =	rddreg [dreg:$0xa]  }
0xc: {  	s11 =	rddreg [dreg:$0xb]  }
0xd: {  	s12 =	rddreg [dreg:$0xc]  }
0xe: {  	s13 =	rddreg [dreg:$0xd]  }
0xf: {  	[smem:s0] =	sst s1  }
0x10: {  	[smem:s0+$0x1] =	sst s2  }
0x11: {  	[smem:s0+$0x2] =	sst s3  }
0x12: {  	[smem:s0+$0x3] =	sst s4  }
0x13: {  	[smem:s0+$0x4] =	sst s5  }
0x14: {  	[smem:s0+$0x5] =	sst s6  }
0x15: {  	[smem:s0+$0x6] =	sst s7  }
0x16: {  	[smem:s0+$0x7] =	sst s8  }
0x17: {  	[smem:s0+$0x8] =	sst s9  }
0x18: {  	[smem:s0+$0x9] =	sst s10  }
0x19: {  	[smem:s0+$0xA] =	sst s11  }
0x1a: {  	[smem:s0+$0xB] =	sst s12  }
0x1b: {  	[smem:s0+$0xC] =	sst s13;
	_ =	shalt  }
.Lfunc_end2:
execute0_lowered:
.L_overlay_start_2:
0x1c: {  	(tag) =	ssettag $0x2  }
0x1d: {  	s0 =	rddreg [dreg:$0x0]  }
0x1e: {  	s12 =	rddreg [dreg:$0x1]  }
0x1f: {  	s13 =	rddreg [dreg:$0x2]  }
0x20: {  	s15 =	rddreg [dreg:$0x3]  }
0x21: {  	s16 =	rddreg [dreg:$0x4]  }
0x22: {  	s5 =	rddreg [dreg:$0x5]  }
0x23: {  	s17 =	rddreg [dreg:$0x6]  }
0x24: {  	s18 =	rddreg [dreg:$0x7]  }
0x25: {  	s19 =	rddreg [dreg:$0x8]  }
0x26: {  	s20 =	rddreg [dreg:$0x9]  }
0x27: {  	s10 =	rddreg [dreg:$0xa]  }
0x28: {  	s21 =	rddreg [dreg:$0xb]  }
0x29: {  	s22 =	rddreg [dreg:$0xc];
	s14 =	simm.s32 $0x0;
	s2 =	srdreg.scid  }
0x2a: {  	s24 =	stileid.u32;
	s25 =	rddreg [dreg:$0xd];
	s31 =	simm.s32 $0x13980  }
0x2b: {  	[smem:$0x7FF] =	sst s14;
	s2 =	sand.u32 $0x1, s2;
	s3 =	smul.u32 $0x13800, s24  }
0x2c: {  	s29 =	simm.s32 $0x2;
	s1 =	sld [smem:$0x2];
	s4 =	smul.u32 $0x138800, s2  }
0x2d: {  	s8 =	ssub.s32 $0x2, s2;
	p0 =	sne.s32 s2, $0x0;
	s2 =	sld [smem:$0x4]  }
0x2e: {  	s30 =	simm.s32 $0x13900;
	s26 =	sld [smem:$0x0];
	s9 =	sadd.s32 s3, s4  }
0x2f: {  	s4 =	sshrl.u32 s4, $0x3;
	s6 =	sadd.s32 $0xC00, s1;
	s9 =	sshrl.u32 s9, $0x3  }
0x30: {  	s4 =	sadd.s32 $0x27000, s4;
	[dreg:$0x13] =	wrdreg s2;
	s23 =	sadd.s32 s6, s9  }
0x31: {  	p1 =	sne.s32 s24, $0xF;
	s6 =	sadd.s32 s6, s4;
	[dreg:$0xf] =	wrdreg s23  }
0x32: {  	p2 =	slt.u32 s24, $0x4;
	s7 =	sadd.s32 $0x4EE00, s1;
	[dreg:$0x10] =	wrdreg s6  }
0x33: {  	p3 =	sgt.u32 s24, $0x3;
	s23 =	sadd.s32 s7, s9;
	s6 =	sld [smem:$0x1]  }
0x34: {  	s1 =	sadd.s32 $0x9D000, s1;
	s7 =	sadd.s32 s7, s4;
	[dreg:$0x11] =	wrdreg s23  }
0x35: {  	s11 =	sshrl.u32 s8, $0x1;
	s9 =	sadd.s32 s1, s9;
	[dreg:$0x12] =	wrdreg s7  }
0x36: {  	s8 =	ssub.s32 s8, s11;
	s11 =	smul.u32 $0x4E000, s24;
	[dreg:$0x14] =	wrdreg s9  }
0x37: {  	s8 =	smax.u32 s8, $0x1;
	s1 =	sadd.s32 s1, s4;
	s23 =	sld [smem:$0x3]  }
0x38: {  	s2 =	simm.s32 $0x5;
	s4 =	sshrl.u32 s11, $0x2;
	[dreg:$0x15] =	wrdreg s1  }
0x39: {  	s7 =	sshrl.u32 s3, $0x3;
	_ =	strace $0x80000047;
	[dreg:$0x1b] =	wrdreg s8  }
0x3a: {  	s11 =	sshll.u32 s24, $0x7;
	[dreg:$0xe] =	wrdreg s26;
	s9 =	sadd.s32 s6, s7  }
0x3b: {  	s1 =	sor.u32 $0x4E000, s11;
	s3 =	sadd.s32 $0x27000, s6;
	[dreg:$0x17] =	wrdreg s9  }
0x3c: {  	s6 =	sshrl.u32 s1, $0x2;
	s1 =	sshll.u32 s1, $0x4;
	[dreg:$0x18] =	wrdreg s3  }
0x3d: {  	s28 =	sadd.s32 s4, s23;
	s4 =	sshll.u32 s24, $0xC;
	[dreg:$0x19] =	wrdreg s6  }
0x3e: {  	[dreg:$0x1a] =	wrdreg s1;
	s7 =	sadd.s32 s4, s16;
	s9 =	sadd.s32 s4, s15  }
0x3f: {  	s11 =	sadd.s32 s4, s20;
	s15 =	sadd.s32 s4, s19;
	s19 =	sadd.s32 s4, s26  }
0x40: {  	s20 =	sadd.s32 s4, s25;
	s25 =	sshll.u32 s24, $0x6;
	s26 =	sadd.s32 $0x138000, s23  }
0x41: {  	s24 =	simm.s32 $0x13A80;
	[dreg:$0x16] =	wrdreg s28;
	s1 =	sadd.s32 $0x800, s7  }
0x42: {  	s16 =	sadd.s32 $0x800, s15;
	s6 =	sor.u32 $0x1C06, s25;
	s7 =	sadd.s32 s25, s13  }
0x43: {  	s8 =	sadd.s32 s25, s12;
	s12 =	sadd.s32 s25, s22;
	s15 =	sadd.s32 s25, s21  }
0x44: {  	[smem:$0x7FD] =	sst s26;
	s22 =	simm.s32 $0x80;
	s21 =	simm.s32 $0x3  }
0x45: {  	s13 =	simm.s32 $0x13A00;
	s26 =	simm.s32 $0x0;
	[dreg:$0x1c] =	wrdreg s1  }
0x46: {  	s1 =	sadd.s32 $0x800, s9;
	[dreg:$0x1f] =	wrdreg s16;
	s9 =	sadd.s32 s25, s18  }
.Ltmp0:
0x47: {  	s18 =	simm.s32 $0x1BA80;
	s16 =	simm.s32 $0x17A80;
	(pc) =	sbr.rel .LBB3_1-.Ltmp0, $4  }
0x48: {  	[dreg:$0x1d] =	wrdreg s1;
	s1 =	sadd.s32 $0x800, s11;
	s11 =	sadd.s32 s25, s17  }
0x49: {  	s17 =	simm.s32 $0x6;
	[dreg:$0x1e] =	wrdreg s1;
	s1 =	sadd.s32 $0x800, s19  }
0x4a: {  	s19 =	simm.s32 $0x13880;
	[smem:$0x7FB] =	sst s1;
	s1 =	sadd.s32 $0x800, s20  }
0x4b: {  	s20 =	simm.s32 $0x1;
	[smem:$0x7FC] =	sst s1;
	s1 =	simm.s32 $0x4  }
.LBB3_24:
0x4c: {  	s25 =	rddreg [dreg:$0x19]  }
0x4d: {  	s4 =	sadd.s32 s4, s25  }
0x4e: {  	[tilespmem:s19], [sflag:$0x6] =	stream.linear.gather [hbm4b:s4+s14], $0x100, $0x38;
	[tilespmem:$0x1FA80] =	vst v63  }
0x4f: {  	_ =	swait.ge [sflag:s17], $0x100  }
0x50: {  	[sflag:s17] =	ssyncset.done $0x0  }
0x51: {  	[sflag:s17] =	ssyncadd.s32 $0xFFFFFF00  }
0x52: {  	[tilespmem:s24], [sflag:$0x2] =	stream.indirect.gather [hbm4b:s10+s22], $0x80, s19, s22, $0xb8;
	[tilespmem:$0x1FA80] =	vst v63  }
0x53: {  	_ =	swait.ge [sflag:s29], $0x4000  }
0x54: {  	[sflag:s29] =	ssyncset.done $0x0  }
0x55: {  	[sflag:s29] =	ssyncadd.s32 $0xFFFFC000  }
0x56: {  	[spmem:s23] =	stream.indirect.scatter.add.f32 [tilespmem:s24], [sflag:$0x6], $0x80, s30, s22, $0xb8;
	[tilespmem:$0x1FA80] =	vst v63  }
0x57: {  	_ =	swait.ge [sflag:s17], $0x4000  }
0x58: {  	[sflag:s17] =	ssyncset.done $0x0;
	s25 =	rddreg [dreg:$0x1a]  }
0x59: {  	s3 =	sadd.s32 s3, s25;
	[sflag:s17] =	ssyncadd.s32 $0xFFFFC000  }
0x5a: {  	[tilespmem:s18], [sflag:$0x6] =	stream.linear.gather [hbm4b:s3+s14], $0x4000, $0x38;
	[tilespmem:$0x1FA80] =	vst v63  }
0x5b: {  	_ =	swait.ge [sflag:s17], $0x4000  }
0x5c: {  	[sflag:s17] =	ssyncset.done $0x0  }
0x5d: {  	[sflag:s17] =	ssyncadd.s32 $0xFFFFC000  }
0x5e: {  	[spmem:s23] =	stream.indirect.scatter.add.f32 [tilespmem:s18], [sflag:$0x6], $0x80, s30, s22, $0xb8;
	[tilespmem:$0x1FA80] =	vst v63  }
0x5f: {  	_ =	swait.ge [sflag:s17], $0x4000  }
0x60: {  	[sflag:s17] =	ssyncset.done $0x0  }
0x61: {  	[sflag:s17] =	ssyncadd.s32 $0xFFFFC000  }
.LBB3_25:
0x62: {  	[bflag:$0x0] =	sbarrier.arrive $0xFFFF  }
0x63: {  	s4 =	sld [smem:$0x7F9];
	_ =	sdelay $0x1  }
0x64: {  	s3 =	rddreg [dreg:$0x14]  }
0x65: {  	[hbm:s3], [sflag:s6] =	dma.local [spmem:s4], $0x2700  }
0x66: {  	_ =	swait.ge [sflag:s17], $0x2700  }
0x67: {  	s4 =	sld [smem:$0x7FA]  }
0x68: {  	[sflag:s17] =	ssyncset.done $0x0  }
0x69: {  	s3 =	rddreg [dreg:$0x15];
	[sflag:s17] =	ssyncadd.s32 $0xFFFFD900  }
0x6a: {  	[hbm:s3], [sflag:s6] =	dma.local @!p1 [spmem:s4], $0x100  }
0x6b: {  	s3 =	simm.s32 @!p1 $0x6  }
0x6c: {  	_ =	swait.ge @!p1 [sflag:s3], $0x100  }
0x6d: {  	s26 =	sadd.s32 $0x1, s26;
	s25 =	rddreg [dreg:$0x1b]  }
0x6e: {  	p4 =	sne.s32 s26, s25  }
.Ltmp1:
0x6f: {  	_ = 	snop;
	(pc) =	sbr.rel @!p4 .LBB3_26-.Ltmp1, $3  }
0x70: {  	[sflag:s3] =	ssyncset.done @!p1 $0x0  }
0x71: {  	[sflag:s3] =	ssyncadd.s32 @!p1 $0xFFFFFF00  }
0x72: {  	[bflag:$0x0] =	sbarrier.arrive $0xFFFF;
	_ =	sdelay $0x1  }
.LBB3_1:
0x73: {  	[smem:$0x7F8] =	sst s26  }
0x74: {  	s4 =	sshrl.u32 s28, $0x3;
	s3 =	rddreg [dreg:$0x17]  }
0x75: {  	[smem:$0x7F9] =	sst s4  }
0x76: {  	[spmem:s4], [sflag:s6] =	dma.local [hbm:s3], $0x2700  }
0x77: {  	_ =	swait.ge [sflag:s17], $0x2700  }
0x78: {  	s3 =	sld [smem:$0x7FD];
	_ =	sdelay $0x2  }
0x79: {  	[sflag:s17] =	ssyncset.done $0x0;
	s4 =	sshrl.u32 @!p1 s3, $0x3;
	s3 =	rddreg [dreg:$0x18]  }
0x7a: {  	[sflag:s17] =	ssyncadd.s32 $0xFFFFD900;
	[smem:$0x7FA] =	sst s4  }
0x7b: {  	[spmem:s4], [sflag:s6] =	dma.local @!p1 [hbm:s3], $0x100  }
0x7c: {  	s3 =	simm.s32 @!p1 $0x6  }
.Ltmp2:
0x7d: {  	_ =	swait.ge @!p1 [sflag:s3], $0x100;
	(pc) =	sbr.rel @p0 .LBB3_5-.Ltmp2, $3  }
0x7e: {  	[sflag:s3] =	ssyncset.done @!p1 $0x0  }
0x7f: {  	[sflag:s3] =	ssyncadd.s32 @!p1 $0xFFFFFF00  }
0x80: {  	[bflag:$0x0] =	sbarrier.arrive $0xFFFF;
	_ =	sdelay $0x1  }
0x81: {  	s25 =	rddreg [dreg:$0x1d]  }
0x82: {  	s3 =	sadd.s32 $0xFFFFF800, s25  }
0x83: {  	[tilespmem:s18], [sflag:$0x3] =	stream.linear.gather [hbm4b:s3+s14], $0x4000, $0x38;
	[tilespmem:$0x1FA80] =	vst v63  }
0x84: {  	s26 =	sadd.s32 $0x0, s8  }
0x85: {  	[tilespmem:s19], [sflag:$0x1] =	stream.linear.gather [hbm4b:s26+s14], $0x200, $0x38;
	[tilespmem:$0x1FA80] =	vst v63  }
0x86: {  	_ =	swait.ge [sflag:s20], $0x200  }
0x87: {  	[sflag:s20] =	ssyncset.done $0x0  }
0x88: {  	[sflag:s20] =	ssyncadd.s32 $0xFFFFFE00  }
0x89: {  	[tilespmem:s24], [sflag:$0x2] =	stream.indirect.gather [hbm4b:s0+s22], $0x80, s19, s22, $0xb8;
	[tilespmem:$0x1FA80] =	vst v63  }
0x8a: {  	_ = 	snop  }
0x8b: {  	[tilespmem:s16], [sflag:$0x2] =	stream.indirect.gather [hbm4b:s0+s22], $0x80, s31, s22, $0xb8;
	[tilespmem:$0x1FA80] =	vst v63  }
0x8c: {  	_ =	swait.ge [sflag:s29], $0x4000  }
0x8d: {  	[sflag:s29] =	ssyncset.done $0x0  }
0x8e: {  	[sflag:s29] =	ssyncadd.s32 $0xFFFFC000  }
0x8f: {  	[spmem:s23] =	stream.indirect.scatter.add.f32 [tilespmem:s24], [sflag:$0x4], $0x80, s30, s22, $0xb8;
	[tilespmem:$0x1FA80] =	vst v63  }
0x90: {  	_ =	swait.ge [sflag:s21], $0x4000  }
0x91: {  	[sflag:s21] =	ssyncset.done $0x0  }
0x92: {  	[sflag:s21] =	ssyncadd.s32 $0xFFFFC000  }
0x93: {  	[spmem:s23] =	stream.indirect.scatter.add.f32 [tilespmem:s18], [sflag:$0x5], $0x80, s30, s22, $0xb8;
	[tilespmem:$0x1FA80] =	vst v63  }
0x94: {  	_ =	swait.ge [sflag:s29], $0x4000  }
0x95: {  	[sflag:s29] =	ssyncset.done $0x0  }
0x96: {  	[sflag:s29] =	ssyncadd.s32 $0xFFFFC000  }
0x97: {  	[spmem:s23] =	stream.indirect.scatter.add.f32 [tilespmem:s16], [sflag:$0x4], $0x80, s13, s22, $0xb8;
	[tilespmem:$0x1FA80] =	vst v63  }
0x98: {  	_ =	swait.ge [sflag:s1], $0x4000  }
0x99: {  	[sflag:s1] =	ssyncset.done $0x0  }
0x9a: {  	[sflag:s1] =	ssyncadd.s32 $0xFFFFC000  }
0x9b: {  	[tilespmem:s24], [sflag:$0x3] =	stream.linear.gather [hbm4b:s25+s14], $0x4000, $0x38;
	[tilespmem:$0x1FA80] =	vst v63  }
0x9c: {  	_ =	swait.ge [sflag:s21], $0x4000  }
0x9d: {  	[sflag:s21] =	ssyncset.done $0x0  }
0x9e: {  	[sflag:s21] =	ssyncadd.s32 $0xFFFFC000  }
0x9f: {  	[spmem:s23] =	stream.indirect.scatter.add.f32 [tilespmem:s24], [sflag:$0x5], $0x80, s13, s22, $0xb8;
	[tilespmem:$0x1FA80] =	vst v63  }
0xa0: {  	_ =	swait.ge [sflag:s1], $0x4000  }
0xa1: {  	[sflag:s1] =	ssyncset.done $0x0  }
0xa2: {  	[sflag:s1] =	ssyncadd.s32 $0xFFFFC000  }
0xa3: {  	_ =	swait.ge [sflag:s2], $0x4000  }
0xa4: {  	[sflag:s2] =	ssyncset.done $0x0  }
0xa5: {  	[sflag:s2] =	ssyncadd.s32 $0xFFFFC000  }
0xa6: {  	s4 =	simm.s32 $0x400;
	_ =	swait.ge [sflag:s2], $0x4000  }
0xa7: {  	s3 =	simm.s32 $0x800;
	s26 =	sadd.s32 $0x10000, s25;
	[sflag:s2] =	ssyncset.done $0x0  }
.LBB3_3:
0xa8: {  	p4 =	sne.s32 s3, $0x13400;
	s25 =	sadd.s32 $0xFFFFF800, s26;
	[sflag:s2] =	ssyncadd.s32 $0xFFFFC000  }
0xa9: {  	[tilespmem:s18], [sflag:$0x3] =	stream.linear.gather [hbm4b:s25+s14], $0x4000, $0x38;
	[tilespmem:$0x1FA80] =	vst v63  }
0xaa: {  	s25 =	sadd.s32 s4, s8;
	s4 =	smov.u32 s3;
	s3 =	sadd.s32 $0x400, s3  }
0xab: {  	[tilespmem:s19], [sflag:$0x1] =	stream.linear.gather [hbm4b:s25+s14], $0x200, $0x38;
	[tilespmem:$0x1FA80] =	vst v63  }
0xac: {  	_ =	swait.ge [sflag:s20], $0x200  }
0xad: {  	[sflag:s20] =	ssyncset.done $0x0  }
0xae: {  	[sflag:s20] =	ssyncadd.s32 $0xFFFFFE00  }
0xaf: {  	[tilespmem:s24], [sflag:$0x2] =	stream.indirect.gather [hbm4b:s0+s22], $0x80, s19, s22, $0xb8;
	[tilespmem:$0x1FA80] =	vst v63  }
0xb0: {  	_ = 	snop  }
0xb1: {  	[tilespmem:s16], [sflag:$0x2] =	stream.indirect.gather [hbm4b:s0+s22], $0x80, s31, s22, $0xb8;
	[tilespmem:$0x1FA80] =	vst v63  }
0xb2: {  	_ =	swait.ge [sflag:s29], $0x4000  }
0xb3: {  	[sflag:s29] =	ssyncset.done $0x0  }
0xb4: {  	[sflag:s29] =	ssyncadd.s32 $0xFFFFC000  }
0xb5: {  	[spmem:s23] =	stream.indirect.scatter.add.f32 [tilespmem:s24], [sflag:$0x4], $0x80, s30, s22, $0xb8;
	[tilespmem:$0x1FA80] =	vst v63  }
0xb6: {  	_ =	swait.ge [sflag:s21], $0x4000  }
0xb7: {  	[sflag:s21] =	ssyncset.done $0x0  }
0xb8: {  	[sflag:s21] =	ssyncadd.s32 $0xFFFFC000  }
0xb9: {  	[spmem:s23] =	stream.indirect.scatter.add.f32 [tilespmem:s18], [sflag:$0x5], $0x80, s30, s22, $0xb8;
	[tilespmem:$0x1FA80] =	vst v63  }
0xba: {  	_ =	swait.ge [sflag:s29], $0x4000  }
0xbb: {  	[sflag:s29] =	ssyncset.done $0x0  }
0xbc: {  	[sflag:s29] =	ssyncadd.s32 $0xFFFFC000  }
0xbd: {  	[spmem:s23] =	stream.indirect.scatter.add.f32 [tilespmem:s16], [sflag:$0x4], $0x80, s13, s22, $0xb8;
	[tilespmem:$0x1FA80] =	vst v63  }
0xbe: {  	_ =	swait.ge [sflag:s1], $0x4000  }
0xbf: {  	[sflag:s1] =	ssyncset.done $0x0  }
0xc0: {  	[sflag:s1] =	ssyncadd.s32 $0xFFFFC000  }
0xc1: {  	[tilespmem:s24], [sflag:$0x3] =	stream.linear.gather [hbm4b:s26+s14], $0x4000, $0x38;
	[tilespmem:$0x1FA80] =	vst v63  }
0xc2: {  	_ =	swait.ge [sflag:s21], $0x4000  }
0xc3: {  	[sflag:s21] =	ssyncset.done $0x0  }
0xc4: {  	[sflag:s21] =	ssyncadd.s32 $0xFFFFC000  }
0xc5: {  	[spmem:s23] =	stream.indirect.scatter.add.f32 [tilespmem:s24], [sflag:$0x5], $0x80, s13, s22, $0xb8;
	[tilespmem:$0x1FA80] =	vst v63  }
0xc6: {  	_ =	swait.ge [sflag:s1], $0x4000  }
0xc7: {  	[sflag:s1] =	ssyncset.done $0x0  }
0xc8: {  	[sflag:s1] =	ssyncadd.s32 $0xFFFFC000  }
.Ltmp3:
0xc9: {  	_ =	swait.ge [sflag:s2], $0x4000;
	(pc) =	sbr.rel @p4 .LBB3_3-.Ltmp3, $4  }
0xca: {  	[sflag:s2] =	ssyncset.done $0x0  }
0xcb: {  	[sflag:s2] =	ssyncadd.s32 $0xFFFFC000  }
0xcc: {  	_ =	swait.ge [sflag:s2], $0x4000  }
0xcd: {  	s26 =	sadd.s32 $0x10000, s26;
	[sflag:s2] =	ssyncset.done $0x0  }
0xce: {  	s3 =	sadd.s32 $0xFFFFF800, s26;
	[sflag:s2] =	ssyncadd.s32 $0xFFFFC000  }
0xcf: {  	[tilespmem:s18], [sflag:$0x3] =	stream.linear.gather [hbm4b:s3+s14], $0x4000, $0x38;
	[tilespmem:$0x1FA80] =	vst v63  }
0xd0: {  	s25 =	sadd.s32 s4, s8  }
0xd1: {  	[tilespmem:s19], [sflag:$0x1] =	stream.linear.gather [hbm4b:s25+s14], $0x200, $0x38;
	[tilespmem:$0x1FA80] =	vst v63  }
0xd2: {  	_ =	swait.ge [sflag:s20], $0x200  }
0xd3: {  	[sflag:s20] =	ssyncset.done $0x0  }
0xd4: {  	[sflag:s20] =	ssyncadd.s32 $0xFFFFFE00  }
0xd5: {  	[tilespmem:s24], [sflag:$0x2] =	stream.indirect.gather [hbm4b:s0+s22], $0x80, s19, s22, $0xb8;
	[tilespmem:$0x1FA80] =	vst v63  }
0xd6: {  	_ = 	snop  }
0xd7: {  	[tilespmem:s16], [sflag:$0x2] =	stream.indirect.gather [hbm4b:s0+s22], $0x80, s31, s22, $0xb8;
	[tilespmem:$0x1FA80] =	vst v63  }
0xd8: {  	_ =	swait.ge [sflag:s29], $0x4000  }
0xd9: {  	[sflag:s29] =	ssyncset.done $0x0  }
0xda: {  	[sflag:s29] =	ssyncadd.s32 $0xFFFFC000  }
0xdb: {  	[spmem:s23] =	stream.indirect.scatter.add.f32 [tilespmem:s24], [sflag:$0x4], $0x80, s30, s22, $0xb8;
	[tilespmem:$0x1FA80] =	vst v63  }
0xdc: {  	_ =	swait.ge [sflag:s21], $0x4000  }
0xdd: {  	[sflag:s21] =	ssyncset.done $0x0  }
0xde: {  	[sflag:s21] =	ssyncadd.s32 $0xFFFFC000  }
0xdf: {  	[spmem:s23] =	stream.indirect.scatter.add.f32 [tilespmem:s18], [sflag:$0x5], $0x80, s30, s22, $0xb8;
	[tilespmem:$0x1FA80] =	vst v63  }
0xe0: {  	_ =	swait.ge [sflag:s29], $0x4000  }
0xe1: {  	[sflag:s29] =	ssyncset.done $0x0  }
0xe2: {  	[sflag:s29] =	ssyncadd.s32 $0xFFFFC000  }
0xe3: {  	[spmem:s23] =	stream.indirect.scatter.add.f32 [tilespmem:s16], [sflag:$0x4], $0x80, s13, s22, $0xb8;
	[tilespmem:$0x1FA80] =	vst v63  }
0xe4: {  	_ =	swait.ge [sflag:s1], $0x4000  }
0xe5: {  	[sflag:s1] =	ssyncset.done $0x0  }
0xe6: {  	[sflag:s1] =	ssyncadd.s32 $0xFFFFC000  }
0xe7: {  	[tilespmem:s24], [sflag:$0x3] =	stream.linear.gather [hbm4b:s26+s14], $0x4000, $0x38;
	[tilespmem:$0x1FA80] =	vst v63  }
0xe8: {  	_ =	swait.ge [sflag:s21], $0x4000  }
0xe9: {  	[sflag:s21] =	ssyncset.done $0x0  }
0xea: {  	[sflag:s21] =	ssyncadd.s32 $0xFFFFC000  }
0xeb: {  	[spmem:s23] =	stream.indirect.scatter.add.f32 [tilespmem:s24], [sflag:$0x5], $0x80, s13, s22, $0xb8;
	[tilespmem:$0x1FA80] =	vst v63  }
0xec: {  	_ =	swait.ge [sflag:s1], $0x4000  }
0xed: {  	[sflag:s1] =	ssyncset.done $0x0  }
0xee: {  	[sflag:s1] =	ssyncadd.s32 $0xFFFFC000  }
0xef: {  	_ =	swait.ge [sflag:s2], $0x4000  }
0xf0: {  	[sflag:s2] =	ssyncset.done $0x0  }
0xf1: {  	[sflag:s2] =	ssyncadd.s32 $0xFFFFC000  }
.Ltmp4:
0xf2: {  	_ =	swait.ge [sflag:s2], $0x4000;
	(pc) =	sbr.rel @!p2 .LBB3_9-.Ltmp4, $4  }
0xf3: {  	[sflag:s2] =	ssyncset.done $0x0  }
0xf4: {  	[sflag:s2] =	ssyncadd.s32 $0xFFFFC000  }
0xf5: {  	s4 =	rddreg [dreg:$0x1]  }
0xf6: {  	s3 =	rddreg [dreg:$0x3]  }
.LBB3_8:
0xf7: {  	s25 =	rddreg [dreg:$0x19]  }
0xf8: {  	s4 =	sadd.s32 s4, s25  }
0xf9: {  	[tilespmem:s19], [sflag:$0x6] =	stream.linear.gather [hbm4b:s4+s14], $0x100, $0x38;
	[tilespmem:$0x1FA80] =	vst v63  }
0xfa: {  	_ =	swait.ge [sflag:s17], $0x100  }
0xfb: {  	[sflag:s17] =	ssyncset.done $0x0  }
0xfc: {  	[sflag:s17] =	ssyncadd.s32 $0xFFFFFF00  }
0xfd: {  	[tilespmem:s24], [sflag:$0x2] =	stream.indirect.gather [hbm4b:s0+s22], $0x80, s19, s22, $0xb8;
	[tilespmem:$0x1FA80] =	vst v63  }
0xfe: {  	_ =	swait.ge [sflag:s29], $0x4000  }
0xff: {  	[sflag:s29] =	ssyncset.done $0x0  }
0x100: {  	[sflag:s29] =	ssyncadd.s32 $0xFFFFC000  }
0x101: {  	[spmem:s23] =	stream.indirect.scatter.add.f32 [tilespmem:s24], [sflag:$0x6], $0x80, s30, s22, $0xb8;
	[tilespmem:$0x1FA80] =	vst v63  }
0x102: {  	_ =	swait.ge [sflag:s17], $0x4000  }
0x103: {  	[sflag:s17] =	ssyncset.done $0x0;
	s26 =	rddreg [dreg:$0x1a]  }
0x104: {  	s3 =	sadd.s32 s3, s26;
	[sflag:s17] =	ssyncadd.s32 $0xFFFFC000  }
0x105: {  	[tilespmem:s18], [sflag:$0x6] =	stream.linear.gather [hbm4b:s3+s14], $0x4000, $0x38;
	[tilespmem:$0x1FA80] =	vst v63  }
0x106: {  	_ =	swait.ge [sflag:s17], $0x4000  }
0x107: {  	[sflag:s17] =	ssyncset.done $0x0  }
0x108: {  	[sflag:s17] =	ssyncadd.s32 $0xFFFFC000  }
0x109: {  	[spmem:s23] =	stream.indirect.scatter.add.f32 [tilespmem:s18], [sflag:$0x6], $0x80, s30, s22, $0xb8;
	[tilespmem:$0x1FA80] =	vst v63  }
0x10a: {  	_ =	swait.ge [sflag:s17], $0x4000  }
0x10b: {  	[sflag:s17] =	ssyncset.done $0x0  }
0x10c: {  	[sflag:s17] =	ssyncadd.s32 $0xFFFFC000  }
.LBB3_9:
0x10d: {  	[bflag:$0x0] =	sbarrier.arrive $0xFFFF  }
0x10e: {  	s4 =	sld [smem:$0x7F9];
	_ =	sdelay $0x1  }
0x10f: {  	s3 =	rddreg [dreg:$0xf]  }
0x110: {  	[hbm:s3], [sflag:s6] =	dma.local [spmem:s4], $0x2700  }
0x111: {  	_ =	swait.ge [sflag:s17], $0x2700  }
0x112: {  	[sflag:s17] =	ssyncset.done $0x0  }
0x113: {  	[sflag:s17] =	ssyncadd.s32 $0xFFFFD900  }
0x114: {  	[bflag:$0x0] =	sbarrier.arrive @p1 $0xFFFF  }
0x115: {  	s3 =	sshrl.u32 @p1 s28, $0x3;
	s4 =	rddreg [dreg:$0x17]  }
0x116: {  	[smem:$0x7F7] =	sst s3  }
0x117: {  	[spmem:s3], [sflag:s6] =	dma.local @p1 [hbm:s4], $0x2700  }
0x118: {  	s3 =	simm.s32 @p1 $0x6  }
0x119: {  	_ =	swait.ge @p1 [sflag:s3], $0x2700  }
0x11a: {  	s25 =	sld [smem:$0x7FA]  }
0x11b: {  	[sflag:s3] =	ssyncset.done @p1 $0x0  }
0x11c: {  	[sflag:s3] =	ssyncadd.s32 @p1 $0xFFFFD900;
	s3 =	rddreg [dreg:$0x10]  }
0x11d: {  	[hbm:s3], [sflag:s6] =	dma.local @!p1 [spmem:s25], $0x100  }
0x11e: {  	s3 =	simm.s32 @!p1 $0x6  }
0x11f: {  	_ =	swait.ge @!p1 [sflag:s3], $0x100  }
0x120: {  	[sflag:s3] =	ssyncset.done @!p1 $0x0  }
0x121: {  	[sflag:s3] =	ssyncadd.s32 @!p1 $0xFFFFFF00  }
0x122: {  	s26 =	sshrl.u32 @!p1 s28, $0x3;
	[bflag:$0x0] =	sbarrier.arrive @!p1 $0xFFFF  }
0x123: {  	[spmem:s26], [sflag:s6] =	dma.local @!p1 [hbm:s4], $0x2700  }
0x124: {  	_ =	swait.ge @!p1 [sflag:s3], $0x2700  }
0x125: {  	[sflag:s3] =	ssyncset.done @!p1 $0x0  }
0x126: {  	s4 =	rddreg [dreg:$0x18];
	[sflag:s3] =	ssyncadd.s32 @!p1 $0xFFFFD900  }
0x127: {  	[spmem:s25], [sflag:s6] =	dma.local @!p1 [hbm:s4], $0x100  }
.Ltmp5:
0x128: {  	_ =	swait.ge @!p1 [sflag:s3], $0x100;
	(pc) =	sbr.rel @p0 .LBB3_13-.Ltmp5, $3  }
0x129: {  	[sflag:s3] =	ssyncset.done @!p1 $0x0  }
0x12a: {  	[sflag:s3] =	ssyncadd.s32 @!p1 $0xFFFFFF00  }
0x12b: {  	[bflag:$0x0] =	sbarrier.arrive $0xFFFF;
	_ =	sdelay $0x1  }
0x12c: {  	s4 =	rddreg [dreg:$0x1f]  }
0x12d: {  	s3 =	sadd.s32 $0xFFFFF800, s4  }
0x12e: {  	[tilespmem:s18], [sflag:$0x3] =	stream.linear.gather [hbm4b:s3+s14], $0x4000, $0x38;
	[tilespmem:$0x1FA80] =	vst v63  }
0x12f: {  	s28 =	sadd.s32 $0x0, s11  }
0x130: {  	[tilespmem:s19], [sflag:$0x1] =	stream.linear.gather [hbm4b:s28+s14], $0x200, $0x38;
	[tilespmem:$0x1FA80] =	vst v63  }
0x131: {  	_ =	swait.ge [sflag:s20], $0x200  }
0x132: {  	[sflag:s20] =	ssyncset.done $0x0  }
0x133: {  	[sflag:s20] =	ssyncadd.s32 $0xFFFFFE00  }
0x134: {  	[tilespmem:s24], [sflag:$0x2] =	stream.indirect.gather [hbm4b:s5+s22], $0x80, s19, s22, $0xb8;
	[tilespmem:$0x1FA80] =	vst v63  }
0x135: {  	_ = 	snop  }
0x136: {  	[tilespmem:s16], [sflag:$0x2] =	stream.indirect.gather [hbm4b:s5+s22], $0x80, s31, s22, $0xb8;
	[tilespmem:$0x1FA80] =	vst v63  }
0x137: {  	_ =	swait.ge [sflag:s29], $0x4000  }
0x138: {  	[sflag:s29] =	ssyncset.done $0x0  }
0x139: {  	[sflag:s29] =	ssyncadd.s32 $0xFFFFC000  }
0x13a: {  	[spmem:s23] =	stream.indirect.scatter.add.f32 [tilespmem:s24], [sflag:$0x4], $0x80, s30, s22, $0xb8;
	[tilespmem:$0x1FA80] =	vst v63  }
0x13b: {  	_ =	swait.ge [sflag:s21], $0x4000  }
0x13c: {  	[sflag:s21] =	ssyncset.done $0x0  }
0x13d: {  	[sflag:s21] =	ssyncadd.s32 $0xFFFFC000  }
0x13e: {  	[spmem:s23] =	stream.indirect.scatter.add.f32 [tilespmem:s18], [sflag:$0x5], $0x80, s30, s22, $0xb8;
	[tilespmem:$0x1FA80] =	vst v63  }
0x13f: {  	_ =	swait.ge [sflag:s29], $0x4000  }
0x140: {  	[sflag:s29] =	ssyncset.done $0x0  }
0x141: {  	[sflag:s29] =	ssyncadd.s32 $0xFFFFC000  }
0x142: {  	[spmem:s23] =	stream.indirect.scatter.add.f32 [tilespmem:s16], [sflag:$0x4], $0x80, s13, s22, $0xb8;
	[tilespmem:$0x1FA80] =	vst v63  }
0x143: {  	_ =	swait.ge [sflag:s1], $0x4000  }
0x144: {  	[sflag:s1] =	ssyncset.done $0x0  }
0x145: {  	[sflag:s1] =	ssyncadd.s32 $0xFFFFC000  }
0x146: {  	[tilespmem:s24], [sflag:$0x3] =	stream.linear.gather [hbm4b:s4+s14], $0x4000, $0x38;
	[tilespmem:$0x1FA80] =	vst v63  }
0x147: {  	_ =	swait.ge [sflag:s21], $0x4000  }
0x148: {  	[sflag:s21] =	ssyncset.done $0x0  }
0x149: {  	[sflag:s21] =	ssyncadd.s32 $0xFFFFC000  }
0x14a: {  	[spmem:s23] =	stream.indirect.scatter.add.f32 [tilespmem:s24], [sflag:$0x5], $0x80, s13, s22, $0xb8;
	[tilespmem:$0x1FA80] =	vst v63  }
0x14b: {  	_ =	swait.ge [sflag:s1], $0x4000  }
0x14c: {  	[sflag:s1] =	ssyncset.done $0x0  }
0x14d: {  	[sflag:s1] =	ssyncadd.s32 $0xFFFFC000  }
0x14e: {  	_ =	swait.ge [sflag:s2], $0x4000  }
0x14f: {  	[sflag:s2] =	ssyncset.done $0x0  }
0x150: {  	[sflag:s2] =	ssyncadd.s32 $0xFFFFC000  }
0x151: {  	s25 =	simm.s32 $0x800;
	_ =	swait.ge [sflag:s2], $0x4000  }
0x152: {  	s3 =	simm.s32 $0x400;
	s4 =	sadd.s32 $0x10000, s4;
	[sflag:s2] =	ssyncset.done $0x0  }
.LBB3_11:
0x153: {  	p4 =	sne.s32 s25, $0x13400;
	s28 =	sadd.s32 $0xFFFFF800, s4;
	[sflag:s2] =	ssyncadd.s32 $0xFFFFC000  }
0x154: {  	[tilespmem:s18], [sflag:$0x3] =	stream.linear.gather [hbm4b:s28+s14], $0x4000, $0x38;
	[tilespmem:$0x1FA80] =	vst v63  }
0x155: {  	s28 =	sadd.s32 s3, s11;
	s3 =	smov.u32 s25;
	s25 =	sadd.s32 $0x400, s25  }
0x156: {  	[tilespmem:s19], [sflag:$0x1] =	stream.linear.gather [hbm4b:s28+s14], $0x200, $0x38;
	[tilespmem:$0x1FA80] =	vst v63  }
0x157: {  	_ =	swait.ge [sflag:s20], $0x200  }
0x158: {  	[sflag:s20] =	ssyncset.done $0x0  }
0x159: {  	[sflag:s20] =	ssyncadd.s32 $0xFFFFFE00  }
0x15a: {  	[tilespmem:s24], [sflag:$0x2] =	stream.indirect.gather [hbm4b:s5+s22], $0x80, s19, s22, $0xb8;
	[tilespmem:$0x1FA80] =	vst v63  }
0x15b: {  	_ = 	snop  }
0x15c: {  	[tilespmem:s16], [sflag:$0x2] =	stream.indirect.gather [hbm4b:s5+s22], $0x80, s31, s22, $0xb8;
	[tilespmem:$0x1FA80] =	vst v63  }
0x15d: {  	_ =	swait.ge [sflag:s29], $0x4000  }
0x15e: {  	[sflag:s29] =	ssyncset.done $0x0  }
0x15f: {  	[sflag:s29] =	ssyncadd.s32 $0xFFFFC000  }
0x160: {  	[spmem:s23] =	stream.indirect.scatter.add.f32 [tilespmem:s24], [sflag:$0x4], $0x80, s30, s22, $0xb8;
	[tilespmem:$0x1FA80] =	vst v63  }
0x161: {  	_ =	swait.ge [sflag:s21], $0x4000  }
0x162: {  	[sflag:s21] =	ssyncset.done $0x0  }
0x163: {  	[sflag:s21] =	ssyncadd.s32 $0xFFFFC000  }
0x164: {  	[spmem:s23] =	stream.indirect.scatter.add.f32 [tilespmem:s18], [sflag:$0x5], $0x80, s30, s22, $0xb8;
	[tilespmem:$0x1FA80] =	vst v63  }
0x165: {  	_ =	swait.ge [sflag:s29], $0x4000  }
0x166: {  	[sflag:s29] =	ssyncset.done $0x0  }
0x167: {  	[sflag:s29] =	ssyncadd.s32 $0xFFFFC000  }
0x168: {  	[spmem:s23] =	stream.indirect.scatter.add.f32 [tilespmem:s16], [sflag:$0x4], $0x80, s13, s22, $0xb8;
	[tilespmem:$0x1FA80] =	vst v63  }
0x169: {  	_ =	swait.ge [sflag:s1], $0x4000  }
0x16a: {  	[sflag:s1] =	ssyncset.done $0x0  }
0x16b: {  	[sflag:s1] =	ssyncadd.s32 $0xFFFFC000  }
0x16c: {  	[tilespmem:s24], [sflag:$0x3] =	stream.linear.gather [hbm4b:s4+s14], $0x4000, $0x38;
	[tilespmem:$0x1FA80] =	vst v63  }
0x16d: {  	_ =	swait.ge [sflag:s21], $0x4000  }
0x16e: {  	[sflag:s21] =	ssyncset.done $0x0  }
0x16f: {  	[sflag:s21] =	ssyncadd.s32 $0xFFFFC000  }
0x170: {  	[spmem:s23] =	stream.indirect.scatter.add.f32 [tilespmem:s24], [sflag:$0x5], $0x80, s13, s22, $0xb8;
	[tilespmem:$0x1FA80] =	vst v63  }
0x171: {  	_ =	swait.ge [sflag:s1], $0x4000  }
0x172: {  	[sflag:s1] =	ssyncset.done $0x0  }
0x173: {  	[sflag:s1] =	ssyncadd.s32 $0xFFFFC000  }
.Ltmp6:
0x174: {  	_ =	swait.ge [sflag:s2], $0x4000;
	(pc) =	sbr.rel @p4 .LBB3_11-.Ltmp6, $4  }
0x175: {  	[sflag:s2] =	ssyncset.done $0x0  }
0x176: {  	[sflag:s2] =	ssyncadd.s32 $0xFFFFC000  }
0x177: {  	_ =	swait.ge [sflag:s2], $0x4000  }
0x178: {  	s4 =	sadd.s32 $0x10000, s4;
	[sflag:s2] =	ssyncset.done $0x0  }
0x179: {  	s25 =	sadd.s32 $0xFFFFF800, s4;
	[sflag:s2] =	ssyncadd.s32 $0xFFFFC000  }
0x17a: {  	[tilespmem:s18], [sflag:$0x3] =	stream.linear.gather [hbm4b:s25+s14], $0x4000, $0x38;
	[tilespmem:$0x1FA80] =	vst v63  }
0x17b: {  	s3 =	sadd.s32 s3, s11  }
0x17c: {  	[tilespmem:s19], [sflag:$0x1] =	stream.linear.gather [hbm4b:s3+s14], $0x200, $0x38;
	[tilespmem:$0x1FA80] =	vst v63  }
0x17d: {  	_ =	swait.ge [sflag:s20], $0x200  }
0x17e: {  	[sflag:s20] =	ssyncset.done $0x0  }
0x17f: {  	[sflag:s20] =	ssyncadd.s32 $0xFFFFFE00  }
0x180: {  	[tilespmem:s24], [sflag:$0x2] =	stream.indirect.gather [hbm4b:s5+s22], $0x80, s19, s22, $0xb8;
	[tilespmem:$0x1FA80] =	vst v63  }
0x181: {  	_ = 	snop  }
0x182: {  	[tilespmem:s16], [sflag:$0x2] =	stream.indirect.gather [hbm4b:s5+s22], $0x80, s31, s22, $0xb8;
	[tilespmem:$0x1FA80] =	vst v63  }
0x183: {  	_ =	swait.ge [sflag:s29], $0x4000  }
0x184: {  	[sflag:s29] =	ssyncset.done $0x0  }
0x185: {  	[sflag:s29] =	ssyncadd.s32 $0xFFFFC000  }
0x186: {  	[spmem:s23] =	stream.indirect.scatter.add.f32 [tilespmem:s24], [sflag:$0x4], $0x80, s30, s22, $0xb8;
	[tilespmem:$0x1FA80] =	vst v63  }
0x187: {  	_ =	swait.ge [sflag:s21], $0x4000  }
0x188: {  	[sflag:s21] =	ssyncset.done $0x0  }
0x189: {  	[sflag:s21] =	ssyncadd.s32 $0xFFFFC000  }
0x18a: {  	[spmem:s23] =	stream.indirect.scatter.add.f32 [tilespmem:s18], [sflag:$0x5], $0x80, s30, s22, $0xb8;
	[tilespmem:$0x1FA80] =	vst v63  }
0x18b: {  	_ =	swait.ge [sflag:s29], $0x4000  }
0x18c: {  	[sflag:s29] =	ssyncset.done $0x0  }
0x18d: {  	[sflag:s29] =	ssyncadd.s32 $0xFFFFC000  }
0x18e: {  	[spmem:s23] =	stream.indirect.scatter.add.f32 [tilespmem:s16], [sflag:$0x4], $0x80, s13, s22, $0xb8;
	[tilespmem:$0x1FA80] =	vst v63  }
0x18f: {  	_ =	swait.ge [sflag:s1], $0x4000  }
0x190: {  	[sflag:s1] =	ssyncset.done $0x0  }
0x191: {  	[sflag:s1] =	ssyncadd.s32 $0xFFFFC000  }
0x192: {  	[tilespmem:s24], [sflag:$0x3] =	stream.linear.gather [hbm4b:s4+s14], $0x4000, $0x38;
	[tilespmem:$0x1FA80] =	vst v63  }
0x193: {  	_ =	swait.ge [sflag:s21], $0x4000  }
0x194: {  	[sflag:s21] =	ssyncset.done $0x0  }
0x195: {  	[sflag:s21] =	ssyncadd.s32 $0xFFFFC000  }
0x196: {  	[spmem:s23] =	stream.indirect.scatter.add.f32 [tilespmem:s24], [sflag:$0x5], $0x80, s13, s22, $0xb8;
	[tilespmem:$0x1FA80] =	vst v63  }
0x197: {  	_ =	swait.ge [sflag:s1], $0x4000  }
0x198: {  	[sflag:s1] =	ssyncset.done $0x0  }
0x199: {  	[sflag:s1] =	ssyncadd.s32 $0xFFFFC000  }
0x19a: {  	_ =	swait.ge [sflag:s2], $0x4000  }
0x19b: {  	[sflag:s2] =	ssyncset.done $0x0  }
0x19c: {  	[sflag:s2] =	ssyncadd.s32 $0xFFFFC000  }
.Ltmp7:
0x19d: {  	_ =	swait.ge [sflag:s2], $0x4000;
	(pc) =	sbr.rel @!p2 .LBB3_17-.Ltmp7, $4  }
0x19e: {  	[sflag:s2] =	ssyncset.done $0x0  }
0x19f: {  	[sflag:s2] =	ssyncadd.s32 $0xFFFFC000  }
0x1a0: {  	s4 =	rddreg [dreg:$0x6]  }
0x1a1: {  	s3 =	rddreg [dreg:$0x8]  }
.LBB3_16:
0x1a2: {  	s25 =	rddreg [dreg:$0x19]  }
0x1a3: {  	s4 =	sadd.s32 s4, s25  }
0x1a4: {  	[tilespmem:s19], [sflag:$0x6] =	stream.linear.gather [hbm4b:s4+s14], $0x100, $0x38;
	[tilespmem:$0x1FA80] =	vst v63  }
0x1a5: {  	_ =	swait.ge [sflag:s17], $0x100  }
0x1a6: {  	[sflag:s17] =	ssyncset.done $0x0  }
0x1a7: {  	[sflag:s17] =	ssyncadd.s32 $0xFFFFFF00  }
0x1a8: {  	[tilespmem:s24], [sflag:$0x2] =	stream.indirect.gather [hbm4b:s5+s22], $0x80, s19, s22, $0xb8;
	[tilespmem:$0x1FA80] =	vst v63  }
0x1a9: {  	_ =	swait.ge [sflag:s29], $0x4000  }
0x1aa: {  	[sflag:s29] =	ssyncset.done $0x0  }
0x1ab: {  	[sflag:s29] =	ssyncadd.s32 $0xFFFFC000  }
0x1ac: {  	[spmem:s23] =	stream.indirect.scatter.add.f32 [tilespmem:s24], [sflag:$0x6], $0x80, s30, s22, $0xb8;
	[tilespmem:$0x1FA80] =	vst v63  }
0x1ad: {  	_ =	swait.ge [sflag:s17], $0x4000  }
0x1ae: {  	[sflag:s17] =	ssyncset.done $0x0;
	s28 =	rddreg [dreg:$0x1a]  }
0x1af: {  	s3 =	sadd.s32 s3, s28;
	[sflag:s17] =	ssyncadd.s32 $0xFFFFC000  }
0x1b0: {  	[tilespmem:s18], [sflag:$0x6] =	stream.linear.gather [hbm4b:s3+s14], $0x4000, $0x38;
	[tilespmem:$0x1FA80] =	vst v63  }
0x1b1: {  	_ =	swait.ge [sflag:s17], $0x4000  }
0x1b2: {  	[sflag:s17] =	ssyncset.done $0x0  }
0x1b3: {  	[sflag:s17] =	ssyncadd.s32 $0xFFFFC000  }
0x1b4: {  	[spmem:s23] =	stream.indirect.scatter.add.f32 [tilespmem:s18], [sflag:$0x6], $0x80, s30, s22, $0xb8;
	[tilespmem:$0x1FA80] =	vst v63  }
0x1b5: {  	_ =	swait.ge [sflag:s17], $0x4000  }
0x1b6: {  	[sflag:s17] =	ssyncset.done $0x0  }
0x1b7: {  	[sflag:s17] =	ssyncadd.s32 $0xFFFFC000  }
.LBB3_17:
0x1b8: {  	[bflag:$0x0] =	sbarrier.arrive $0xFFFF  }
0x1b9: {  	s4 =	sld [smem:$0x7F9];
	_ =	sdelay $0x1  }
0x1ba: {  	s3 =	rddreg [dreg:$0x11]  }
0x1bb: {  	[hbm:s3], [sflag:s6] =	dma.local [spmem:s4], $0x2700  }
0x1bc: {  	_ =	swait.ge [sflag:s17], $0x2700  }
0x1bd: {  	[sflag:s17] =	ssyncset.done $0x0  }
0x1be: {  	[sflag:s17] =	ssyncadd.s32 $0xFFFFD900  }
0x1bf: {  	[bflag:$0x0] =	sbarrier.arrive @p1 $0xFFFF  }
0x1c0: {  	s3 =	sld [smem:$0x7F7];
	_ =	sdelay $0x1  }
0x1c1: {  	s4 =	rddreg [dreg:$0x17]  }
0x1c2: {  	[spmem:s3], [sflag:s6] =	dma.local @p1 [hbm:s4], $0x2700  }
0x1c3: {  	s3 =	simm.s32 @p1 $0x6  }
0x1c4: {  	_ =	swait.ge @p1 [sflag:s3], $0x2700  }
0x1c5: {  	s25 =	sld [smem:$0x7FA]  }
0x1c6: {  	[sflag:s3] =	ssyncset.done @p1 $0x0  }
0x1c7: {  	[sflag:s3] =	ssyncadd.s32 @p1 $0xFFFFD900;
	s3 =	rddreg [dreg:$0x12]  }
0x1c8: {  	[hbm:s3], [sflag:s6] =	dma.local @!p1 [spmem:s25], $0x100  }
0x1c9: {  	s3 =	simm.s32 @!p1 $0x6  }
0x1ca: {  	_ =	swait.ge @!p1 [sflag:s3], $0x100  }
0x1cb: {  	[sflag:s3] =	ssyncset.done @!p1 $0x0  }
0x1cc: {  	[sflag:s3] =	ssyncadd.s32 @!p1 $0xFFFFFF00  }
0x1cd: {  	[bflag:$0x0] =	sbarrier.arrive @!p1 $0xFFFF  }
0x1ce: {  	[spmem:s26], [sflag:s6] =	dma.local @!p1 [hbm:s4], $0x2700  }
0x1cf: {  	_ =	swait.ge @!p1 [sflag:s3], $0x2700  }
0x1d0: {  	[sflag:s3] =	ssyncset.done @!p1 $0x0  }
0x1d1: {  	s4 =	rddreg [dreg:$0x18];
	[sflag:s3] =	ssyncadd.s32 @!p1 $0xFFFFD900  }
0x1d2: {  	[spmem:s25], [sflag:s6] =	dma.local @!p1 [hbm:s4], $0x100  }
.Ltmp8:
0x1d3: {  	_ =	swait.ge @!p1 [sflag:s3], $0x100;
	(pc) =	sbr.rel @p0 .LBB3_21-.Ltmp8, $3  }
0x1d4: {  	[sflag:s3] =	ssyncset.done @!p1 $0x0  }
0x1d5: {  	[sflag:s3] =	ssyncadd.s32 @!p1 $0xFFFFFF00  }
0x1d6: {  	[bflag:$0x0] =	sbarrier.arrive $0xFFFF;
	_ =	sdelay $0x1  }
0x1d7: {  	s4 =	sld [smem:$0x7FC];
	_ =	sdelay $0x2  }
0x1d8: {  	s3 =	sadd.s32 $0xFFFFF800, s4  }
0x1d9: {  	[tilespmem:s18], [sflag:$0x3] =	stream.linear.gather [hbm4b:s3+s14], $0x4000, $0x38;
	[tilespmem:$0x1FA80] =	vst v63  }
0x1da: {  	s26 =	sadd.s32 $0x0, s15  }
0x1db: {  	[tilespmem:s19], [sflag:$0x1] =	stream.linear.gather [hbm4b:s26+s14], $0x200, $0x38;
	[tilespmem:$0x1FA80] =	vst v63  }
0x1dc: {  	_ =	swait.ge [sflag:s20], $0x200  }
0x1dd: {  	[sflag:s20] =	ssyncset.done $0x0  }
0x1de: {  	[sflag:s20] =	ssyncadd.s32 $0xFFFFFE00  }
0x1df: {  	[tilespmem:s24], [sflag:$0x2] =	stream.indirect.gather [hbm4b:s10+s22], $0x80, s19, s22, $0xb8;
	[tilespmem:$0x1FA80] =	vst v63  }
0x1e0: {  	_ = 	snop  }
0x1e1: {  	[tilespmem:s16], [sflag:$0x2] =	stream.indirect.gather [hbm4b:s10+s22], $0x80, s31, s22, $0xb8;
	[tilespmem:$0x1FA80] =	vst v63  }
0x1e2: {  	_ =	swait.ge [sflag:s29], $0x4000  }
0x1e3: {  	[sflag:s29] =	ssyncset.done $0x0  }
0x1e4: {  	[sflag:s29] =	ssyncadd.s32 $0xFFFFC000  }
0x1e5: {  	[spmem:s23] =	stream.indirect.scatter.add.f32 [tilespmem:s24], [sflag:$0x4], $0x80, s30, s22, $0xb8;
	[tilespmem:$0x1FA80] =	vst v63  }
0x1e6: {  	_ =	swait.ge [sflag:s21], $0x4000  }
0x1e7: {  	[sflag:s21] =	ssyncset.done $0x0  }
0x1e8: {  	[sflag:s21] =	ssyncadd.s32 $0xFFFFC000  }
0x1e9: {  	[spmem:s23] =	stream.indirect.scatter.add.f32 [tilespmem:s18], [sflag:$0x5], $0x80, s30, s22, $0xb8;
	[tilespmem:$0x1FA80] =	vst v63  }
0x1ea: {  	_ =	swait.ge [sflag:s29], $0x4000  }
0x1eb: {  	[sflag:s29] =	ssyncset.done $0x0  }
0x1ec: {  	[sflag:s29] =	ssyncadd.s32 $0xFFFFC000  }
0x1ed: {  	[spmem:s23] =	stream.indirect.scatter.add.f32 [tilespmem:s16], [sflag:$0x4], $0x80, s13, s22, $0xb8;
	[tilespmem:$0x1FA80] =	vst v63  }
0x1ee: {  	_ =	swait.ge [sflag:s1], $0x4000  }
0x1ef: {  	[sflag:s1] =	ssyncset.done $0x0  }
0x1f0: {  	[sflag:s1] =	ssyncadd.s32 $0xFFFFC000  }
0x1f1: {  	[tilespmem:s24], [sflag:$0x3] =	stream.linear.gather [hbm4b:s4+s14], $0x4000, $0x38;
	[tilespmem:$0x1FA80] =	vst v63  }
0x1f2: {  	_ =	swait.ge [sflag:s21], $0x4000  }
0x1f3: {  	[sflag:s21] =	ssyncset.done $0x0  }
0x1f4: {  	[sflag:s21] =	ssyncadd.s32 $0xFFFFC000  }
0x1f5: {  	[spmem:s23] =	stream.indirect.scatter.add.f32 [tilespmem:s24], [sflag:$0x5], $0x80, s13, s22, $0xb8;
	[tilespmem:$0x1FA80] =	vst v63  }
0x1f6: {  	_ =	swait.ge [sflag:s1], $0x4000  }
0x1f7: {  	[sflag:s1] =	ssyncset.done $0x0  }
0x1f8: {  	[sflag:s1] =	ssyncadd.s32 $0xFFFFC000  }
0x1f9: {  	_ =	swait.ge [sflag:s2], $0x4000  }
0x1fa: {  	[sflag:s2] =	ssyncset.done $0x0  }
0x1fb: {  	[sflag:s2] =	ssyncadd.s32 $0xFFFFC000  }
0x1fc: {  	s25 =	simm.s32 $0x800;
	s3 =	simm.s32 $0x400;
	_ =	swait.ge [sflag:s2], $0x4000  }
0x1fd: {  	s4 =	sadd.s32 $0x10000, s4;
	[sflag:s2] =	ssyncset.done $0x0;
	s28 =	rddreg [dreg:$0x16]  }
.LBB3_19:
0x1fe: {  	p4 =	sne.s32 s25, $0x13400;
	s26 =	sadd.s32 $0xFFFFF800, s4;
	[sflag:s2] =	ssyncadd.s32 $0xFFFFC000  }
0x1ff: {  	[tilespmem:s18], [sflag:$0x3] =	stream.linear.gather [hbm4b:s26+s14], $0x4000, $0x38;
	[tilespmem:$0x1FA80] =	vst v63  }
0x200: {  	s26 =	sadd.s32 s3, s15;
	s3 =	smov.u32 s25;
	s25 =	sadd.s32 $0x400, s25  }
0x201: {  	[tilespmem:s19], [sflag:$0x1] =	stream.linear.gather [hbm4b:s26+s14], $0x200, $0x38;
	[tilespmem:$0x1FA80] =	vst v63  }
0x202: {  	_ =	swait.ge [sflag:s20], $0x200  }
0x203: {  	[sflag:s20] =	ssyncset.done $0x0  }
0x204: {  	[sflag:s20] =	ssyncadd.s32 $0xFFFFFE00  }
0x205: {  	[tilespmem:s24], [sflag:$0x2] =	stream.indirect.gather [hbm4b:s10+s22], $0x80, s19, s22, $0xb8;
	[tilespmem:$0x1FA80] =	vst v63  }
0x206: {  	_ = 	snop  }
0x207: {  	[tilespmem:s16], [sflag:$0x2] =	stream.indirect.gather [hbm4b:s10+s22], $0x80, s31, s22, $0xb8;
	[tilespmem:$0x1FA80] =	vst v63  }
0x208: {  	_ =	swait.ge [sflag:s29], $0x4000  }
0x209: {  	[sflag:s29] =	ssyncset.done $0x0  }
0x20a: {  	[sflag:s29] =	ssyncadd.s32 $0xFFFFC000  }
0x20b: {  	[spmem:s23] =	stream.indirect.scatter.add.f32 [tilespmem:s24], [sflag:$0x4], $0x80, s30, s22, $0xb8;
	[tilespmem:$0x1FA80] =	vst v63  }
0x20c: {  	_ =	swait.ge [sflag:s21], $0x4000  }
0x20d: {  	[sflag:s21] =	ssyncset.done $0x0  }
0x20e: {  	[sflag:s21] =	ssyncadd.s32 $0xFFFFC000  }
0x20f: {  	[spmem:s23] =	stream.indirect.scatter.add.f32 [tilespmem:s18], [sflag:$0x5], $0x80, s30, s22, $0xb8;
	[tilespmem:$0x1FA80] =	vst v63  }
0x210: {  	_ =	swait.ge [sflag:s29], $0x4000  }
0x211: {  	[sflag:s29] =	ssyncset.done $0x0  }
0x212: {  	[sflag:s29] =	ssyncadd.s32 $0xFFFFC000  }
0x213: {  	[spmem:s23] =	stream.indirect.scatter.add.f32 [tilespmem:s16], [sflag:$0x4], $0x80, s13, s22, $0xb8;
	[tilespmem:$0x1FA80] =	vst v63  }
0x214: {  	_ =	swait.ge [sflag:s1], $0x4000  }
0x215: {  	[sflag:s1] =	ssyncset.done $0x0  }
0x216: {  	[sflag:s1] =	ssyncadd.s32 $0xFFFFC000  }
0x217: {  	[tilespmem:s24], [sflag:$0x3] =	stream.linear.gather [hbm4b:s4+s14], $0x4000, $0x38;
	[tilespmem:$0x1FA80] =	vst v63  }
0x218: {  	_ =	swait.ge [sflag:s21], $0x4000  }
0x219: {  	[sflag:s21] =	ssyncset.done $0x0  }
0x21a: {  	[sflag:s21] =	ssyncadd.s32 $0xFFFFC000  }
0x21b: {  	[spmem:s23] =	stream.indirect.scatter.add.f32 [tilespmem:s24], [sflag:$0x5], $0x80, s13, s22, $0xb8;
	[tilespmem:$0x1FA80] =	vst v63  }
0x21c: {  	_ =	swait.ge [sflag:s1], $0x4000  }
0x21d: {  	[sflag:s1] =	ssyncset.done $0x0  }
0x21e: {  	[sflag:s1] =	ssyncadd.s32 $0xFFFFC000  }
.Ltmp9:
0x21f: {  	_ =	swait.ge [sflag:s2], $0x4000;
	(pc) =	sbr.rel @p4 .LBB3_19-.Ltmp9, $4  }
0x220: {  	[sflag:s2] =	ssyncset.done $0x0  }
0x221: {  	[sflag:s2] =	ssyncadd.s32 $0xFFFFC000  }
0x222: {  	_ =	swait.ge [sflag:s2], $0x4000  }
0x223: {  	s4 =	sadd.s32 $0x10000, s4;
	[sflag:s2] =	ssyncset.done $0x0  }
0x224: {  	s25 =	sadd.s32 $0xFFFFF800, s4;
	[sflag:s2] =	ssyncadd.s32 $0xFFFFC000  }
0x225: {  	[tilespmem:s18], [sflag:$0x3] =	stream.linear.gather [hbm4b:s25+s14], $0x4000, $0x38;
	[tilespmem:$0x1FA80] =	vst v63  }
0x226: {  	s3 =	sadd.s32 s3, s15  }
0x227: {  	[tilespmem:s19], [sflag:$0x1] =	stream.linear.gather [hbm4b:s3+s14], $0x200, $0x38;
	[tilespmem:$0x1FA80] =	vst v63  }
0x228: {  	_ =	swait.ge [sflag:s20], $0x200  }
0x229: {  	[sflag:s20] =	ssyncset.done $0x0  }
0x22a: {  	[sflag:s20] =	ssyncadd.s32 $0xFFFFFE00  }
0x22b: {  	[tilespmem:s24], [sflag:$0x2] =	stream.indirect.gather [hbm4b:s10+s22], $0x80, s19, s22, $0xb8;
	[tilespmem:$0x1FA80] =	vst v63  }
0x22c: {  	_ = 	snop  }
0x22d: {  	[tilespmem:s16], [sflag:$0x2] =	stream.indirect.gather [hbm4b:s10+s22], $0x80, s31, s22, $0xb8;
	[tilespmem:$0x1FA80] =	vst v63  }
0x22e: {  	_ =	swait.ge [sflag:s29], $0x4000  }
0x22f: {  	[sflag:s29] =	ssyncset.done $0x0  }
0x230: {  	[sflag:s29] =	ssyncadd.s32 $0xFFFFC000  }
0x231: {  	[spmem:s23] =	stream.indirect.scatter.add.f32 [tilespmem:s24], [sflag:$0x4], $0x80, s30, s22, $0xb8;
	[tilespmem:$0x1FA80] =	vst v63  }
0x232: {  	_ =	swait.ge [sflag:s21], $0x4000  }
0x233: {  	[sflag:s21] =	ssyncset.done $0x0  }
0x234: {  	[sflag:s21] =	ssyncadd.s32 $0xFFFFC000  }
0x235: {  	[spmem:s23] =	stream.indirect.scatter.add.f32 [tilespmem:s18], [sflag:$0x5], $0x80, s30, s22, $0xb8;
	[tilespmem:$0x1FA80] =	vst v63  }
0x236: {  	_ =	swait.ge [sflag:s29], $0x4000  }
0x237: {  	[sflag:s29] =	ssyncset.done $0x0  }
0x238: {  	[sflag:s29] =	ssyncadd.s32 $0xFFFFC000  }
0x239: {  	[spmem:s23] =	stream.indirect.scatter.add.f32 [tilespmem:s16], [sflag:$0x4], $0x80, s13, s22, $0xb8;
	[tilespmem:$0x1FA80] =	vst v63  }
0x23a: {  	_ =	swait.ge [sflag:s1], $0x4000  }
0x23b: {  	[sflag:s1] =	ssyncset.done $0x0  }
0x23c: {  	[sflag:s1] =	ssyncadd.s32 $0xFFFFC000  }
0x23d: {  	[tilespmem:s24], [sflag:$0x3] =	stream.linear.gather [hbm4b:s4+s14], $0x4000, $0x38;
	[tilespmem:$0x1FA80] =	vst v63  }
0x23e: {  	_ =	swait.ge [sflag:s21], $0x4000  }
0x23f: {  	[sflag:s21] =	ssyncset.done $0x0  }
0x240: {  	[sflag:s21] =	ssyncadd.s32 $0xFFFFC000  }
0x241: {  	[spmem:s23] =	stream.indirect.scatter.add.f32 [tilespmem:s24], [sflag:$0x5], $0x80, s13, s22, $0xb8;
	[tilespmem:$0x1FA80] =	vst v63  }
0x242: {  	_ =	swait.ge [sflag:s1], $0x4000  }
0x243: {  	[sflag:s1] =	ssyncset.done $0x0  }
0x244: {  	[sflag:s1] =	ssyncadd.s32 $0xFFFFC000  }
0x245: {  	_ =	swait.ge [sflag:s2], $0x4000  }
0x246: {  	[sflag:s2] =	ssyncset.done $0x0  }
0x247: {  	[sflag:s2] =	ssyncadd.s32 $0xFFFFC000  }
.Ltmp10:
0x248: {  	_ =	swait.ge [sflag:s2], $0x4000;
	(pc) =	sbr.rel @p2 .LBB3_24-.Ltmp10, $4  }
.Ltmp11:
0x249: {  	[sflag:s2] =	ssyncset.done $0x0;
	(pc) =	sbr.rel @!p2 .LBB3_25-.Ltmp11, $4  }
0x24a: {  	s26 =	sld [smem:$0x7F8];
	[sflag:s2] =	ssyncadd.s32 $0xFFFFC000  }
0x24b: {  	s4 =	rddreg [dreg:$0xb]  }
0x24c: {  	s3 =	rddreg [dreg:$0xd]  }
0x24d: {  	_ = 	snop  }
.LBB3_5:
0x24e: {  	s25 =	rddreg [dreg:$0x1c]  }
0x24f: {  	s3 =	sadd.s32 $0xFFFFF800, s25  }
0x250: {  	[tilespmem:s18], [sflag:$0x3] =	stream.linear.gather [hbm4b:s3+s14], $0x4000, $0x38;
	[tilespmem:$0x1FA80] =	vst v63  }
0x251: {  	s26 =	sadd.s32 $0x0, s7  }
0x252: {  	[tilespmem:s19], [sflag:$0x1] =	stream.linear.gather [hbm4b:s26+s14], $0x200, $0x38;
	[tilespmem:$0x1FA80] =	vst v63  }
0x253: {  	_ =	swait.ge [sflag:s20], $0x200  }
0x254: {  	[sflag:s20] =	ssyncset.done $0x0  }
0x255: {  	[sflag:s20] =	ssyncadd.s32 $0xFFFFFE00  }
0x256: {  	[tilespmem:s24], [sflag:$0x2] =	stream.indirect.gather [hbm4b:s0+s22], $0x80, s19, s22, $0xb8;
	[tilespmem:$0x1FA80] =	vst v63  }
0x257: {  	_ = 	snop  }
0x258: {  	[tilespmem:s16], [sflag:$0x2] =	stream.indirect.gather [hbm4b:s0+s22], $0x80, s31, s22, $0xb8;
	[tilespmem:$0x1FA80] =	vst v63  }
0x259: {  	_ =	swait.ge [sflag:s29], $0x4000  }
0x25a: {  	[sflag:s29] =	ssyncset.done $0x0  }
0x25b: {  	[sflag:s29] =	ssyncadd.s32 $0xFFFFC000  }
0x25c: {  	[spmem:s23] =	stream.indirect.scatter.add.f32 [tilespmem:s24], [sflag:$0x4], $0x80, s30, s22, $0xb8;
	[tilespmem:$0x1FA80] =	vst v63  }
0x25d: {  	_ =	swait.ge [sflag:s21], $0x4000  }
0x25e: {  	[sflag:s21] =	ssyncset.done $0x0  }
0x25f: {  	[sflag:s21] =	ssyncadd.s32 $0xFFFFC000  }
0x260: {  	[spmem:s23] =	stream.indirect.scatter.add.f32 [tilespmem:s18], [sflag:$0x5], $0x80, s30, s22, $0xb8;
	[tilespmem:$0x1FA80] =	vst v63  }
0x261: {  	_ =	swait.ge [sflag:s29], $0x4000  }
0x262: {  	[sflag:s29] =	ssyncset.done $0x0  }
0x263: {  	[sflag:s29] =	ssyncadd.s32 $0xFFFFC000  }
0x264: {  	[spmem:s23] =	stream.indirect.scatter.add.f32 [tilespmem:s16], [sflag:$0x4], $0x80, s13, s22, $0xb8;
	[tilespmem:$0x1FA80] =	vst v63  }
0x265: {  	_ =	swait.ge [sflag:s1], $0x4000  }
0x266: {  	[sflag:s1] =	ssyncset.done $0x0  }
0x267: {  	[sflag:s1] =	ssyncadd.s32 $0xFFFFC000  }
0x268: {  	[tilespmem:s24], [sflag:$0x3] =	stream.linear.gather [hbm4b:s25+s14], $0x4000, $0x38;
	[tilespmem:$0x1FA80] =	vst v63  }
0x269: {  	_ =	swait.ge [sflag:s21], $0x4000  }
0x26a: {  	[sflag:s21] =	ssyncset.done $0x0  }
0x26b: {  	[sflag:s21] =	ssyncadd.s32 $0xFFFFC000  }
0x26c: {  	[spmem:s23] =	stream.indirect.scatter.add.f32 [tilespmem:s24], [sflag:$0x5], $0x80, s13, s22, $0xb8;
	[tilespmem:$0x1FA80] =	vst v63  }
0x26d: {  	_ =	swait.ge [sflag:s1], $0x4000  }
0x26e: {  	[sflag:s1] =	ssyncset.done $0x0  }
0x26f: {  	[sflag:s1] =	ssyncadd.s32 $0xFFFFC000  }
0x270: {  	_ =	swait.ge [sflag:s2], $0x4000  }
0x271: {  	[sflag:s2] =	ssyncset.done $0x0  }
0x272: {  	[sflag:s2] =	ssyncadd.s32 $0xFFFFC000  }
0x273: {  	s4 =	simm.s32 $0x400;
	_ =	swait.ge [sflag:s2], $0x4000  }
0x274: {  	s3 =	simm.s32 $0x800;
	s26 =	sadd.s32 $0x10000, s25;
	[sflag:s2] =	ssyncset.done $0x0  }
.LBB3_6:
0x275: {  	p4 =	sne.s32 s3, $0x13400;
	s25 =	sadd.s32 $0xFFFFF800, s26;
	[sflag:s2] =	ssyncadd.s32 $0xFFFFC000  }
0x276: {  	[tilespmem:s18], [sflag:$0x3] =	stream.linear.gather [hbm4b:s25+s14], $0x4000, $0x38;
	[tilespmem:$0x1FA80] =	vst v63  }
0x277: {  	s25 =	sadd.s32 s4, s7;
	s4 =	smov.u32 s3;
	s3 =	sadd.s32 $0x400, s3  }
0x278: {  	[tilespmem:s19], [sflag:$0x1] =	stream.linear.gather [hbm4b:s25+s14], $0x200, $0x38;
	[tilespmem:$0x1FA80] =	vst v63  }
0x279: {  	_ =	swait.ge [sflag:s20], $0x200  }
0x27a: {  	[sflag:s20] =	ssyncset.done $0x0  }
0x27b: {  	[sflag:s20] =	ssyncadd.s32 $0xFFFFFE00  }
0x27c: {  	[tilespmem:s24], [sflag:$0x2] =	stream.indirect.gather [hbm4b:s0+s22], $0x80, s19, s22, $0xb8;
	[tilespmem:$0x1FA80] =	vst v63  }
0x27d: {  	_ = 	snop  }
0x27e: {  	[tilespmem:s16], [sflag:$0x2] =	stream.indirect.gather [hbm4b:s0+s22], $0x80, s31, s22, $0xb8;
	[tilespmem:$0x1FA80] =	vst v63  }
0x27f: {  	_ =	swait.ge [sflag:s29], $0x4000  }
0x280: {  	[sflag:s29] =	ssyncset.done $0x0  }
0x281: {  	[sflag:s29] =	ssyncadd.s32 $0xFFFFC000  }
0x282: {  	[spmem:s23] =	stream.indirect.scatter.add.f32 [tilespmem:s24], [sflag:$0x4], $0x80, s30, s22, $0xb8;
	[tilespmem:$0x1FA80] =	vst v63  }
0x283: {  	_ =	swait.ge [sflag:s21], $0x4000  }
0x284: {  	[sflag:s21] =	ssyncset.done $0x0  }
0x285: {  	[sflag:s21] =	ssyncadd.s32 $0xFFFFC000  }
0x286: {  	[spmem:s23] =	stream.indirect.scatter.add.f32 [tilespmem:s18], [sflag:$0x5], $0x80, s30, s22, $0xb8;
	[tilespmem:$0x1FA80] =	vst v63  }
0x287: {  	_ =	swait.ge [sflag:s29], $0x4000  }
0x288: {  	[sflag:s29] =	ssyncset.done $0x0  }
0x289: {  	[sflag:s29] =	ssyncadd.s32 $0xFFFFC000  }
0x28a: {  	[spmem:s23] =	stream.indirect.scatter.add.f32 [tilespmem:s16], [sflag:$0x4], $0x80, s13, s22, $0xb8;
	[tilespmem:$0x1FA80] =	vst v63  }
0x28b: {  	_ =	swait.ge [sflag:s1], $0x4000  }
0x28c: {  	[sflag:s1] =	ssyncset.done $0x0  }
0x28d: {  	[sflag:s1] =	ssyncadd.s32 $0xFFFFC000  }
0x28e: {  	[tilespmem:s24], [sflag:$0x3] =	stream.linear.gather [hbm4b:s26+s14], $0x4000, $0x38;
	[tilespmem:$0x1FA80] =	vst v63  }
0x28f: {  	_ =	swait.ge [sflag:s21], $0x4000  }
0x290: {  	[sflag:s21] =	ssyncset.done $0x0  }
0x291: {  	[sflag:s21] =	ssyncadd.s32 $0xFFFFC000  }
0x292: {  	[spmem:s23] =	stream.indirect.scatter.add.f32 [tilespmem:s24], [sflag:$0x5], $0x80, s13, s22, $0xb8;
	[tilespmem:$0x1FA80] =	vst v63  }
0x293: {  	_ =	swait.ge [sflag:s1], $0x4000  }
0x294: {  	[sflag:s1] =	ssyncset.done $0x0  }
0x295: {  	[sflag:s1] =	ssyncadd.s32 $0xFFFFC000  }
.Ltmp12:
0x296: {  	_ =	swait.ge [sflag:s2], $0x4000;
	(pc) =	sbr.rel @p4 .LBB3_6-.Ltmp12, $4  }
0x297: {  	[sflag:s2] =	ssyncset.done $0x0  }
0x298: {  	[sflag:s2] =	ssyncadd.s32 $0xFFFFC000  }
0x299: {  	_ =	swait.ge [sflag:s2], $0x4000  }
0x29a: {  	s26 =	sadd.s32 $0x10000, s26;
	[sflag:s2] =	ssyncset.done $0x0  }
0x29b: {  	s3 =	sadd.s32 $0xFFFFF800, s26;
	[sflag:s2] =	ssyncadd.s32 $0xFFFFC000  }
0x29c: {  	[tilespmem:s18], [sflag:$0x3] =	stream.linear.gather [hbm4b:s3+s14], $0x4000, $0x38;
	[tilespmem:$0x1FA80] =	vst v63  }
0x29d: {  	s25 =	sadd.s32 s4, s7  }
0x29e: {  	[tilespmem:s19], [sflag:$0x1] =	stream.linear.gather [hbm4b:s25+s14], $0x200, $0x38;
	[tilespmem:$0x1FA80] =	vst v63  }
0x29f: {  	_ =	swait.ge [sflag:s20], $0x200  }
0x2a0: {  	[sflag:s20] =	ssyncset.done $0x0  }
0x2a1: {  	[sflag:s20] =	ssyncadd.s32 $0xFFFFFE00  }
0x2a2: {  	[tilespmem:s24], [sflag:$0x2] =	stream.indirect.gather [hbm4b:s0+s22], $0x80, s19, s22, $0xb8;
	[tilespmem:$0x1FA80] =	vst v63  }
0x2a3: {  	_ = 	snop  }
0x2a4: {  	[tilespmem:s16], [sflag:$0x2] =	stream.indirect.gather [hbm4b:s0+s22], $0x80, s31, s22, $0xb8;
	[tilespmem:$0x1FA80] =	vst v63  }
0x2a5: {  	_ =	swait.ge [sflag:s29], $0x4000  }
0x2a6: {  	[sflag:s29] =	ssyncset.done $0x0  }
0x2a7: {  	[sflag:s29] =	ssyncadd.s32 $0xFFFFC000  }
0x2a8: {  	[spmem:s23] =	stream.indirect.scatter.add.f32 [tilespmem:s24], [sflag:$0x4], $0x80, s30, s22, $0xb8;
	[tilespmem:$0x1FA80] =	vst v63  }
0x2a9: {  	_ =	swait.ge [sflag:s21], $0x4000  }
0x2aa: {  	[sflag:s21] =	ssyncset.done $0x0  }
0x2ab: {  	[sflag:s21] =	ssyncadd.s32 $0xFFFFC000  }
0x2ac: {  	[spmem:s23] =	stream.indirect.scatter.add.f32 [tilespmem:s18], [sflag:$0x5], $0x80, s30, s22, $0xb8;
	[tilespmem:$0x1FA80] =	vst v63  }
0x2ad: {  	_ =	swait.ge [sflag:s29], $0x4000  }
0x2ae: {  	[sflag:s29] =	ssyncset.done $0x0  }
0x2af: {  	[sflag:s29] =	ssyncadd.s32 $0xFFFFC000  }
0x2b0: {  	[spmem:s23] =	stream.indirect.scatter.add.f32 [tilespmem:s16], [sflag:$0x4], $0x80, s13, s22, $0xb8;
	[tilespmem:$0x1FA80] =	vst v63  }
0x2b1: {  	_ =	swait.ge [sflag:s1], $0x4000  }
0x2b2: {  	[sflag:s1] =	ssyncset.done $0x0  }
0x2b3: {  	[sflag:s1] =	ssyncadd.s32 $0xFFFFC000  }
0x2b4: {  	[tilespmem:s24], [sflag:$0x3] =	stream.linear.gather [hbm4b:s26+s14], $0x4000, $0x38;
	[tilespmem:$0x1FA80] =	vst v63  }
0x2b5: {  	_ =	swait.ge [sflag:s21], $0x4000  }
0x2b6: {  	[sflag:s21] =	ssyncset.done $0x0  }
0x2b7: {  	[sflag:s21] =	ssyncadd.s32 $0xFFFFC000  }
0x2b8: {  	[spmem:s23] =	stream.indirect.scatter.add.f32 [tilespmem:s24], [sflag:$0x5], $0x80, s13, s22, $0xb8;
	[tilespmem:$0x1FA80] =	vst v63  }
0x2b9: {  	_ =	swait.ge [sflag:s1], $0x4000  }
0x2ba: {  	[sflag:s1] =	ssyncset.done $0x0  }
0x2bb: {  	[sflag:s1] =	ssyncadd.s32 $0xFFFFC000  }
0x2bc: {  	_ =	swait.ge [sflag:s2], $0x4000  }
0x2bd: {  	[sflag:s2] =	ssyncset.done $0x0  }
0x2be: {  	[sflag:s2] =	ssyncadd.s32 $0xFFFFC000  }
.Ltmp13:
0x2bf: {  	_ =	swait.ge [sflag:s2], $0x4000;
	(pc) =	sbr.rel @p3 .LBB3_9-.Ltmp13, $4  }
.Ltmp14:
0x2c0: {  	[sflag:s2] =	ssyncset.done $0x0;
	(pc) =	sbr.rel @!p3 .LBB3_8-.Ltmp14, $4  }
0x2c1: {  	[sflag:s2] =	ssyncadd.s32 $0xFFFFC000  }
0x2c2: {  	s4 =	rddreg [dreg:$0x2]  }
0x2c3: {  	s3 =	rddreg [dreg:$0x4]  }
0x2c4: {  	_ = 	snop  }
.LBB3_13:
0x2c5: {  	s4 =	rddreg [dreg:$0x1e]  }
0x2c6: {  	s3 =	sadd.s32 $0xFFFFF800, s4  }
0x2c7: {  	[tilespmem:s18], [sflag:$0x3] =	stream.linear.gather [hbm4b:s3+s14], $0x4000, $0x38;
	[tilespmem:$0x1FA80] =	vst v63  }
0x2c8: {  	s28 =	sadd.s32 $0x0, s9  }
0x2c9: {  	[tilespmem:s19], [sflag:$0x1] =	stream.linear.gather [hbm4b:s28+s14], $0x200, $0x38;
	[tilespmem:$0x1FA80] =	vst v63  }
0x2ca: {  	_ =	swait.ge [sflag:s20], $0x200  }
0x2cb: {  	[sflag:s20] =	ssyncset.done $0x0  }
0x2cc: {  	[sflag:s20] =	ssyncadd.s32 $0xFFFFFE00  }
0x2cd: {  	[tilespmem:s24], [sflag:$0x2] =	stream.indirect.gather [hbm4b:s5+s22], $0x80, s19, s22, $0xb8;
	[tilespmem:$0x1FA80] =	vst v63  }
0x2ce: {  	_ = 	snop  }
0x2cf: {  	[tilespmem:s16], [sflag:$0x2] =	stream.indirect.gather [hbm4b:s5+s22], $0x80, s31, s22, $0xb8;
	[tilespmem:$0x1FA80] =	vst v63  }
0x2d0: {  	_ =	swait.ge [sflag:s29], $0x4000  }
0x2d1: {  	[sflag:s29] =	ssyncset.done $0x0  }
0x2d2: {  	[sflag:s29] =	ssyncadd.s32 $0xFFFFC000  }
0x2d3: {  	[spmem:s23] =	stream.indirect.scatter.add.f32 [tilespmem:s24], [sflag:$0x4], $0x80, s30, s22, $0xb8;
	[tilespmem:$0x1FA80] =	vst v63  }
0x2d4: {  	_ =	swait.ge [sflag:s21], $0x4000  }
0x2d5: {  	[sflag:s21] =	ssyncset.done $0x0  }
0x2d6: {  	[sflag:s21] =	ssyncadd.s32 $0xFFFFC000  }
0x2d7: {  	[spmem:s23] =	stream.indirect.scatter.add.f32 [tilespmem:s18], [sflag:$0x5], $0x80, s30, s22, $0xb8;
	[tilespmem:$0x1FA80] =	vst v63  }
0x2d8: {  	_ =	swait.ge [sflag:s29], $0x4000  }
0x2d9: {  	[sflag:s29] =	ssyncset.done $0x0  }
0x2da: {  	[sflag:s29] =	ssyncadd.s32 $0xFFFFC000  }
0x2db: {  	[spmem:s23] =	stream.indirect.scatter.add.f32 [tilespmem:s16], [sflag:$0x4], $0x80, s13, s22, $0xb8;
	[tilespmem:$0x1FA80] =	vst v63  }
0x2dc: {  	_ =	swait.ge [sflag:s1], $0x4000  }
0x2dd: {  	[sflag:s1] =	ssyncset.done $0x0  }
0x2de: {  	[sflag:s1] =	ssyncadd.s32 $0xFFFFC000  }
0x2df: {  	[tilespmem:s24], [sflag:$0x3] =	stream.linear.gather [hbm4b:s4+s14], $0x4000, $0x38;
	[tilespmem:$0x1FA80] =	vst v63  }
0x2e0: {  	_ =	swait.ge [sflag:s21], $0x4000  }
0x2e1: {  	[sflag:s21] =	ssyncset.done $0x0  }
0x2e2: {  	[sflag:s21] =	ssyncadd.s32 $0xFFFFC000  }
0x2e3: {  	[spmem:s23] =	stream.indirect.scatter.add.f32 [tilespmem:s24], [sflag:$0x5], $0x80, s13, s22, $0xb8;
	[tilespmem:$0x1FA80] =	vst v63  }
0x2e4: {  	_ =	swait.ge [sflag:s1], $0x4000  }
0x2e5: {  	[sflag:s1] =	ssyncset.done $0x0  }
0x2e6: {  	[sflag:s1] =	ssyncadd.s32 $0xFFFFC000  }
0x2e7: {  	_ =	swait.ge [sflag:s2], $0x4000  }
0x2e8: {  	[sflag:s2] =	ssyncset.done $0x0  }
0x2e9: {  	[sflag:s2] =	ssyncadd.s32 $0xFFFFC000  }
0x2ea: {  	s25 =	simm.s32 $0x800;
	_ =	swait.ge [sflag:s2], $0x4000  }
0x2eb: {  	s3 =	simm.s32 $0x400;
	s4 =	sadd.s32 $0x10000, s4;
	[sflag:s2] =	ssyncset.done $0x0  }
.LBB3_14:
0x2ec: {  	p4 =	sne.s32 s25, $0x13400;
	s28 =	sadd.s32 $0xFFFFF800, s4;
	[sflag:s2] =	ssyncadd.s32 $0xFFFFC000  }
0x2ed: {  	[tilespmem:s18], [sflag:$0x3] =	stream.linear.gather [hbm4b:s28+s14], $0x4000, $0x38;
	[tilespmem:$0x1FA80] =	vst v63  }
0x2ee: {  	s28 =	sadd.s32 s3, s9;
	s3 =	smov.u32 s25;
	s25 =	sadd.s32 $0x400, s25  }
0x2ef: {  	[tilespmem:s19], [sflag:$0x1] =	stream.linear.gather [hbm4b:s28+s14], $0x200, $0x38;
	[tilespmem:$0x1FA80] =	vst v63  }
0x2f0: {  	_ =	swait.ge [sflag:s20], $0x200  }
0x2f1: {  	[sflag:s20] =	ssyncset.done $0x0  }
0x2f2: {  	[sflag:s20] =	ssyncadd.s32 $0xFFFFFE00  }
0x2f3: {  	[tilespmem:s24], [sflag:$0x2] =	stream.indirect.gather [hbm4b:s5+s22], $0x80, s19, s22, $0xb8;
	[tilespmem:$0x1FA80] =	vst v63  }
0x2f4: {  	_ = 	snop  }
0x2f5: {  	[tilespmem:s16], [sflag:$0x2] =	stream.indirect.gather [hbm4b:s5+s22], $0x80, s31, s22, $0xb8;
	[tilespmem:$0x1FA80] =	vst v63  }
0x2f6: {  	_ =	swait.ge [sflag:s29], $0x4000  }
0x2f7: {  	[sflag:s29] =	ssyncset.done $0x0  }
0x2f8: {  	[sflag:s29] =	ssyncadd.s32 $0xFFFFC000  }
0x2f9: {  	[spmem:s23] =	stream.indirect.scatter.add.f32 [tilespmem:s24], [sflag:$0x4], $0x80, s30, s22, $0xb8;
	[tilespmem:$0x1FA80] =	vst v63  }
0x2fa: {  	_ =	swait.ge [sflag:s21], $0x4000  }
0x2fb: {  	[sflag:s21] =	ssyncset.done $0x0  }
0x2fc: {  	[sflag:s21] =	ssyncadd.s32 $0xFFFFC000  }
0x2fd: {  	[spmem:s23] =	stream.indirect.scatter.add.f32 [tilespmem:s18], [sflag:$0x5], $0x80, s30, s22, $0xb8;
	[tilespmem:$0x1FA80] =	vst v63  }
0x2fe: {  	_ =	swait.ge [sflag:s29], $0x4000  }
0x2ff: {  	[sflag:s29] =	ssyncset.done $0x0  }
0x300: {  	[sflag:s29] =	ssyncadd.s32 $0xFFFFC000  }
0x301: {  	[spmem:s23] =	stream.indirect.scatter.add.f32 [tilespmem:s16], [sflag:$0x4], $0x80, s13, s22, $0xb8;
	[tilespmem:$0x1FA80] =	vst v63  }
0x302: {  	_ =	swait.ge [sflag:s1], $0x4000  }
0x303: {  	[sflag:s1] =	ssyncset.done $0x0  }
0x304: {  	[sflag:s1] =	ssyncadd.s32 $0xFFFFC000  }
0x305: {  	[tilespmem:s24], [sflag:$0x3] =	stream.linear.gather [hbm4b:s4+s14], $0x4000, $0x38;
	[tilespmem:$0x1FA80] =	vst v63  }
0x306: {  	_ =	swait.ge [sflag:s21], $0x4000  }
0x307: {  	[sflag:s21] =	ssyncset.done $0x0  }
0x308: {  	[sflag:s21] =	ssyncadd.s32 $0xFFFFC000  }
0x309: {  	[spmem:s23] =	stream.indirect.scatter.add.f32 [tilespmem:s24], [sflag:$0x5], $0x80, s13, s22, $0xb8;
	[tilespmem:$0x1FA80] =	vst v63  }
0x30a: {  	_ =	swait.ge [sflag:s1], $0x4000  }
0x30b: {  	[sflag:s1] =	ssyncset.done $0x0  }
0x30c: {  	[sflag:s1] =	ssyncadd.s32 $0xFFFFC000  }
.Ltmp15:
0x30d: {  	_ =	swait.ge [sflag:s2], $0x4000;
	(pc) =	sbr.rel @p4 .LBB3_14-.Ltmp15, $4  }
0x30e: {  	[sflag:s2] =	ssyncset.done $0x0  }
0x30f: {  	[sflag:s2] =	ssyncadd.s32 $0xFFFFC000  }
0x310: {  	_ =	swait.ge [sflag:s2], $0x4000  }
0x311: {  	s4 =	sadd.s32 $0x10000, s4;
	[sflag:s2] =	ssyncset.done $0x0  }
0x312: {  	s25 =	sadd.s32 $0xFFFFF800, s4;
	[sflag:s2] =	ssyncadd.s32 $0xFFFFC000  }
0x313: {  	[tilespmem:s18], [sflag:$0x3] =	stream.linear.gather [hbm4b:s25+s14], $0x4000, $0x38;
	[tilespmem:$0x1FA80] =	vst v63  }
0x314: {  	s3 =	sadd.s32 s3, s9  }
0x315: {  	[tilespmem:s19], [sflag:$0x1] =	stream.linear.gather [hbm4b:s3+s14], $0x200, $0x38;
	[tilespmem:$0x1FA80] =	vst v63  }
0x316: {  	_ =	swait.ge [sflag:s20], $0x200  }
0x317: {  	[sflag:s20] =	ssyncset.done $0x0  }
0x318: {  	[sflag:s20] =	ssyncadd.s32 $0xFFFFFE00  }
0x319: {  	[tilespmem:s24], [sflag:$0x2] =	stream.indirect.gather [hbm4b:s5+s22], $0x80, s19, s22, $0xb8;
	[tilespmem:$0x1FA80] =	vst v63  }
0x31a: {  	_ = 	snop  }
0x31b: {  	[tilespmem:s16], [sflag:$0x2] =	stream.indirect.gather [hbm4b:s5+s22], $0x80, s31, s22, $0xb8;
	[tilespmem:$0x1FA80] =	vst v63  }
0x31c: {  	_ =	swait.ge [sflag:s29], $0x4000  }
0x31d: {  	[sflag:s29] =	ssyncset.done $0x0  }
0x31e: {  	[sflag:s29] =	ssyncadd.s32 $0xFFFFC000  }
0x31f: {  	[spmem:s23] =	stream.indirect.scatter.add.f32 [tilespmem:s24], [sflag:$0x4], $0x80, s30, s22, $0xb8;
	[tilespmem:$0x1FA80] =	vst v63  }
0x320: {  	_ =	swait.ge [sflag:s21], $0x4000  }
0x321: {  	[sflag:s21] =	ssyncset.done $0x0  }
0x322: {  	[sflag:s21] =	ssyncadd.s32 $0xFFFFC000  }
0x323: {  	[spmem:s23] =	stream.indirect.scatter.add.f32 [tilespmem:s18], [sflag:$0x5], $0x80, s30, s22, $0xb8;
	[tilespmem:$0x1FA80] =	vst v63  }
0x324: {  	_ =	swait.ge [sflag:s29], $0x4000  }
0x325: {  	[sflag:s29] =	ssyncset.done $0x0  }
0x326: {  	[sflag:s29] =	ssyncadd.s32 $0xFFFFC000  }
0x327: {  	[spmem:s23] =	stream.indirect.scatter.add.f32 [tilespmem:s16], [sflag:$0x4], $0x80, s13, s22, $0xb8;
	[tilespmem:$0x1FA80] =	vst v63  }
0x328: {  	_ =	swait.ge [sflag:s1], $0x4000  }
0x329: {  	[sflag:s1] =	ssyncset.done $0x0  }
0x32a: {  	[sflag:s1] =	ssyncadd.s32 $0xFFFFC000  }
0x32b: {  	[tilespmem:s24], [sflag:$0x3] =	stream.linear.gather [hbm4b:s4+s14], $0x4000, $0x38;
	[tilespmem:$0x1FA80] =	vst v63  }
0x32c: {  	_ =	swait.ge [sflag:s21], $0x4000  }
0x32d: {  	[sflag:s21] =	ssyncset.done $0x0  }
0x32e: {  	[sflag:s21] =	ssyncadd.s32 $0xFFFFC000  }
0x32f: {  	[spmem:s23] =	stream.indirect.scatter.add.f32 [tilespmem:s24], [sflag:$0x5], $0x80, s13, s22, $0xb8;
	[tilespmem:$0x1FA80] =	vst v63  }
0x330: {  	_ =	swait.ge [sflag:s1], $0x4000  }
0x331: {  	[sflag:s1] =	ssyncset.done $0x0  }
0x332: {  	[sflag:s1] =	ssyncadd.s32 $0xFFFFC000  }
0x333: {  	_ =	swait.ge [sflag:s2], $0x4000  }
0x334: {  	[sflag:s2] =	ssyncset.done $0x0  }
0x335: {  	[sflag:s2] =	ssyncadd.s32 $0xFFFFC000  }
.Ltmp16:
0x336: {  	_ =	swait.ge [sflag:s2], $0x4000;
	(pc) =	sbr.rel @p3 .LBB3_17-.Ltmp16, $4  }
.Ltmp17:
0x337: {  	[sflag:s2] =	ssyncset.done $0x0;
	(pc) =	sbr.rel @!p3 .LBB3_16-.Ltmp17, $4  }
0x338: {  	[sflag:s2] =	ssyncadd.s32 $0xFFFFC000  }
0x339: {  	s4 =	rddreg [dreg:$0x7]  }
0x33a: {  	s3 =	rddreg [dreg:$0x9]  }
0x33b: {  	_ = 	snop  }
.LBB3_21:
0x33c: {  	s4 =	sld [smem:$0x7FB];
	_ =	sdelay $0x2  }
0x33d: {  	s3 =	sadd.s32 $0xFFFFF800, s4  }
0x33e: {  	[tilespmem:s18], [sflag:$0x3] =	stream.linear.gather [hbm4b:s3+s14], $0x4000, $0x38;
	[tilespmem:$0x1FA80] =	vst v63  }
0x33f: {  	s26 =	sadd.s32 $0x0, s12  }
0x340: {  	[tilespmem:s19], [sflag:$0x1] =	stream.linear.gather [hbm4b:s26+s14], $0x200, $0x38;
	[tilespmem:$0x1FA80] =	vst v63  }
0x341: {  	_ =	swait.ge [sflag:s20], $0x200  }
0x342: {  	[sflag:s20] =	ssyncset.done $0x0  }
0x343: {  	[sflag:s20] =	ssyncadd.s32 $0xFFFFFE00  }
0x344: {  	[tilespmem:s24], [sflag:$0x2] =	stream.indirect.gather [hbm4b:s10+s22], $0x80, s19, s22, $0xb8;
	[tilespmem:$0x1FA80] =	vst v63  }
0x345: {  	_ = 	snop  }
0x346: {  	[tilespmem:s16], [sflag:$0x2] =	stream.indirect.gather [hbm4b:s10+s22], $0x80, s31, s22, $0xb8;
	[tilespmem:$0x1FA80] =	vst v63  }
0x347: {  	_ =	swait.ge [sflag:s29], $0x4000  }
0x348: {  	[sflag:s29] =	ssyncset.done $0x0  }
0x349: {  	[sflag:s29] =	ssyncadd.s32 $0xFFFFC000  }
0x34a: {  	[spmem:s23] =	stream.indirect.scatter.add.f32 [tilespmem:s24], [sflag:$0x4], $0x80, s30, s22, $0xb8;
	[tilespmem:$0x1FA80] =	vst v63  }
0x34b: {  	_ =	swait.ge [sflag:s21], $0x4000  }
0x34c: {  	[sflag:s21] =	ssyncset.done $0x0  }
0x34d: {  	[sflag:s21] =	ssyncadd.s32 $0xFFFFC000  }
0x34e: {  	[spmem:s23] =	stream.indirect.scatter.add.f32 [tilespmem:s18], [sflag:$0x5], $0x80, s30, s22, $0xb8;
	[tilespmem:$0x1FA80] =	vst v63  }
0x34f: {  	_ =	swait.ge [sflag:s29], $0x4000  }
0x350: {  	[sflag:s29] =	ssyncset.done $0x0  }
0x351: {  	[sflag:s29] =	ssyncadd.s32 $0xFFFFC000  }
0x352: {  	[spmem:s23] =	stream.indirect.scatter.add.f32 [tilespmem:s16], [sflag:$0x4], $0x80, s13, s22, $0xb8;
	[tilespmem:$0x1FA80] =	vst v63  }
0x353: {  	_ =	swait.ge [sflag:s1], $0x4000  }
0x354: {  	[sflag:s1] =	ssyncset.done $0x0  }
0x355: {  	[sflag:s1] =	ssyncadd.s32 $0xFFFFC000  }
0x356: {  	[tilespmem:s24], [sflag:$0x3] =	stream.linear.gather [hbm4b:s4+s14], $0x4000, $0x38;
	[tilespmem:$0x1FA80] =	vst v63  }
0x357: {  	_ =	swait.ge [sflag:s21], $0x4000  }
0x358: {  	[sflag:s21] =	ssyncset.done $0x0  }
0x359: {  	[sflag:s21] =	ssyncadd.s32 $0xFFFFC000  }
0x35a: {  	[spmem:s23] =	stream.indirect.scatter.add.f32 [tilespmem:s24], [sflag:$0x5], $0x80, s13, s22, $0xb8;
	[tilespmem:$0x1FA80] =	vst v63  }
0x35b: {  	_ =	swait.ge [sflag:s1], $0x4000  }
0x35c: {  	[sflag:s1] =	ssyncset.done $0x0  }
0x35d: {  	[sflag:s1] =	ssyncadd.s32 $0xFFFFC000  }
0x35e: {  	_ =	swait.ge [sflag:s2], $0x4000  }
0x35f: {  	[sflag:s2] =	ssyncset.done $0x0  }
0x360: {  	[sflag:s2] =	ssyncadd.s32 $0xFFFFC000  }
0x361: {  	s25 =	simm.s32 $0x800;
	s3 =	simm.s32 $0x400;
	_ =	swait.ge [sflag:s2], $0x4000  }
0x362: {  	s4 =	sadd.s32 $0x10000, s4;
	[sflag:s2] =	ssyncset.done $0x0;
	s28 =	rddreg [dreg:$0x16]  }
.LBB3_22:
0x363: {  	p4 =	sne.s32 s25, $0x13400;
	s26 =	sadd.s32 $0xFFFFF800, s4;
	[sflag:s2] =	ssyncadd.s32 $0xFFFFC000  }
0x364: {  	[tilespmem:s18], [sflag:$0x3] =	stream.linear.gather [hbm4b:s26+s14], $0x4000, $0x38;
	[tilespmem:$0x1FA80] =	vst v63  }
0x365: {  	s26 =	sadd.s32 s3, s12;
	s3 =	smov.u32 s25;
	s25 =	sadd.s32 $0x400, s25  }
0x366: {  	[tilespmem:s19], [sflag:$0x1] =	stream.linear.gather [hbm4b:s26+s14], $0x200, $0x38;
	[tilespmem:$0x1FA80] =	vst v63  }
0x367: {  	_ =	swait.ge [sflag:s20], $0x200  }
0x368: {  	[sflag:s20] =	ssyncset.done $0x0  }
0x369: {  	[sflag:s20] =	ssyncadd.s32 $0xFFFFFE00  }
0x36a: {  	[tilespmem:s24], [sflag:$0x2] =	stream.indirect.gather [hbm4b:s10+s22], $0x80, s19, s22, $0xb8;
	[tilespmem:$0x1FA80] =	vst v63  }
0x36b: {  	_ = 	snop  }
0x36c: {  	[tilespmem:s16], [sflag:$0x2] =	stream.indirect.gather [hbm4b:s10+s22], $0x80, s31, s22, $0xb8;
	[tilespmem:$0x1FA80] =	vst v63  }
0x36d: {  	_ =	swait.ge [sflag:s29], $0x4000  }
0x36e: {  	[sflag:s29] =	ssyncset.done $0x0  }
0x36f: {  	[sflag:s29] =	ssyncadd.s32 $0xFFFFC000  }
0x370: {  	[spmem:s23] =	stream.indirect.scatter.add.f32 [tilespmem:s24], [sflag:$0x4], $0x80, s30, s22, $0xb8;
	[tilespmem:$0x1FA80] =	vst v63  }
0x371: {  	_ =	swait.ge [sflag:s21], $0x4000  }
0x372: {  	[sflag:s21] =	ssyncset.done $0x0  }
0x373: {  	[sflag:s21] =	ssyncadd.s32 $0xFFFFC000  }
0x374: {  	[spmem:s23] =	stream.indirect.scatter.add.f32 [tilespmem:s18], [sflag:$0x5], $0x80, s30, s22, $0xb8;
	[tilespmem:$0x1FA80] =	vst v63  }
0x375: {  	_ =	swait.ge [sflag:s29], $0x4000  }
0x376: {  	[sflag:s29] =	ssyncset.done $0x0  }
0x377: {  	[sflag:s29] =	ssyncadd.s32 $0xFFFFC000  }
0x378: {  	[spmem:s23] =	stream.indirect.scatter.add.f32 [tilespmem:s16], [sflag:$0x4], $0x80, s13, s22, $0xb8;
	[tilespmem:$0x1FA80] =	vst v63  }
0x379: {  	_ =	swait.ge [sflag:s1], $0x4000  }
0x37a: {  	[sflag:s1] =	ssyncset.done $0x0  }
0x37b: {  	[sflag:s1] =	ssyncadd.s32 $0xFFFFC000  }
0x37c: {  	[tilespmem:s24], [sflag:$0x3] =	stream.linear.gather [hbm4b:s4+s14], $0x4000, $0x38;
	[tilespmem:$0x1FA80] =	vst v63  }
0x37d: {  	_ =	swait.ge [sflag:s21], $0x4000  }
0x37e: {  	[sflag:s21] =	ssyncset.done $0x0  }
0x37f: {  	[sflag:s21] =	ssyncadd.s32 $0xFFFFC000  }
0x380: {  	[spmem:s23] =	stream.indirect.scatter.add.f32 [tilespmem:s24], [sflag:$0x5], $0x80, s13, s22, $0xb8;
	[tilespmem:$0x1FA80] =	vst v63  }
0x381: {  	_ =	swait.ge [sflag:s1], $0x4000  }
0x382: {  	[sflag:s1] =	ssyncset.done $0x0  }
0x383: {  	[sflag:s1] =	ssyncadd.s32 $0xFFFFC000  }
.Ltmp18:
0x384: {  	_ =	swait.ge [sflag:s2], $0x4000;
	(pc) =	sbr.rel @p4 .LBB3_22-.Ltmp18, $4  }
0x385: {  	[sflag:s2] =	ssyncset.done $0x0  }
0x386: {  	[sflag:s2] =	ssyncadd.s32 $0xFFFFC000  }
0x387: {  	_ =	swait.ge [sflag:s2], $0x4000  }
0x388: {  	s4 =	sadd.s32 $0x10000, s4;
	[sflag:s2] =	ssyncset.done $0x0  }
0x389: {  	s25 =	sadd.s32 $0xFFFFF800, s4;
	[sflag:s2] =	ssyncadd.s32 $0xFFFFC000  }
0x38a: {  	[tilespmem:s18], [sflag:$0x3] =	stream.linear.gather [hbm4b:s25+s14], $0x4000, $0x38;
	[tilespmem:$0x1FA80] =	vst v63  }
0x38b: {  	s3 =	sadd.s32 s3, s12  }
0x38c: {  	[tilespmem:s19], [sflag:$0x1] =	stream.linear.gather [hbm4b:s3+s14], $0x200, $0x38;
	[tilespmem:$0x1FA80] =	vst v63  }
0x38d: {  	_ =	swait.ge [sflag:s20], $0x200  }
0x38e: {  	[sflag:s20] =	ssyncset.done $0x0  }
0x38f: {  	[sflag:s20] =	ssyncadd.s32 $0xFFFFFE00  }
0x390: {  	[tilespmem:s24], [sflag:$0x2] =	stream.indirect.gather [hbm4b:s10+s22], $0x80, s19, s22, $0xb8;
	[tilespmem:$0x1FA80] =	vst v63  }
0x391: {  	_ = 	snop  }
0x392: {  	[tilespmem:s16], [sflag:$0x2] =	stream.indirect.gather [hbm4b:s10+s22], $0x80, s31, s22, $0xb8;
	[tilespmem:$0x1FA80] =	vst v63  }
0x393: {  	_ =	swait.ge [sflag:s29], $0x4000  }
0x394: {  	[sflag:s29] =	ssyncset.done $0x0  }
0x395: {  	[sflag:s29] =	ssyncadd.s32 $0xFFFFC000  }
0x396: {  	[spmem:s23] =	stream.indirect.scatter.add.f32 [tilespmem:s24], [sflag:$0x4], $0x80, s30, s22, $0xb8;
	[tilespmem:$0x1FA80] =	vst v63  }
0x397: {  	_ =	swait.ge [sflag:s21], $0x4000  }
0x398: {  	[sflag:s21] =	ssyncset.done $0x0  }
0x399: {  	[sflag:s21] =	ssyncadd.s32 $0xFFFFC000  }
0x39a: {  	[spmem:s23] =	stream.indirect.scatter.add.f32 [tilespmem:s18], [sflag:$0x5], $0x80, s30, s22, $0xb8;
	[tilespmem:$0x1FA80] =	vst v63  }
0x39b: {  	_ =	swait.ge [sflag:s29], $0x4000  }
0x39c: {  	[sflag:s29] =	ssyncset.done $0x0  }
0x39d: {  	[sflag:s29] =	ssyncadd.s32 $0xFFFFC000  }
0x39e: {  	[spmem:s23] =	stream.indirect.scatter.add.f32 [tilespmem:s16], [sflag:$0x4], $0x80, s13, s22, $0xb8;
	[tilespmem:$0x1FA80] =	vst v63  }
0x39f: {  	_ =	swait.ge [sflag:s1], $0x4000  }
0x3a0: {  	[sflag:s1] =	ssyncset.done $0x0  }
0x3a1: {  	[sflag:s1] =	ssyncadd.s32 $0xFFFFC000  }
0x3a2: {  	[tilespmem:s24], [sflag:$0x3] =	stream.linear.gather [hbm4b:s4+s14], $0x4000, $0x38;
	[tilespmem:$0x1FA80] =	vst v63  }
0x3a3: {  	_ =	swait.ge [sflag:s21], $0x4000  }
0x3a4: {  	[sflag:s21] =	ssyncset.done $0x0  }
0x3a5: {  	[sflag:s21] =	ssyncadd.s32 $0xFFFFC000  }
0x3a6: {  	[spmem:s23] =	stream.indirect.scatter.add.f32 [tilespmem:s24], [sflag:$0x5], $0x80, s13, s22, $0xb8;
	[tilespmem:$0x1FA80] =	vst v63  }
0x3a7: {  	_ =	swait.ge [sflag:s1], $0x4000  }
0x3a8: {  	[sflag:s1] =	ssyncset.done $0x0  }
0x3a9: {  	[sflag:s1] =	ssyncadd.s32 $0xFFFFC000  }
0x3aa: {  	_ =	swait.ge [sflag:s2], $0x4000  }
0x3ab: {  	[sflag:s2] =	ssyncset.done $0x0  }
.Ltmp19:
0x3ac: {  	[sflag:s2] =	ssyncadd.s32 $0xFFFFC000;
	(pc) =	sbr.rel @p3 .LBB3_25-.Ltmp19, $4  }
.Ltmp20:
0x3ad: {  	_ =	swait.ge [sflag:s2], $0x4000;
	(pc) =	sbr.rel @!p3 .LBB3_24-.Ltmp20, $4  }
0x3ae: {  	[sflag:s2] =	ssyncset.done $0x0;
	s3 =	rddreg [dreg:$0xe]  }
0x3af: {  	s26 =	sld [smem:$0x7F8];
	[sflag:s2] =	ssyncadd.s32 $0xFFFFC000  }
0x3b0: {  	s4 =	rddreg [dreg:$0xc]  }
0x3b1: {  	_ = 	snop  }
.LBB3_26:
0x3b2: {  	_ =	sfence.sel $0x180000  }
0x3b3: {  	[bflag:$0x0] =	sbarrier.arrive $0xFFFF  }
0x3b4: {  	_ =	strace $0x90000047  }
0x3b5: {  	s0 =	stileid.u32;
	[bflag:$0x2] =	sbarrier.arrive $0xFFFF  }
0x3b6: {  	p0 =	sne.s32 s0, $0x0;
	s0 =	rddreg [dreg:$0x13]  }
0x3b7: {  	s0 =	sadd.s32 @!p0 $0x100000, s0  }
0x3b8: {  	[sflag:s0] =	ssyncadd.tile.s32 @!p0 $0x1;
	_ =	shalt  }
.Lfunc_end3:
_tile_overlayer_lowered:
.L_overlay_start_3:
0x3b9: {  	(tag) =	ssettag $0x3  }
0x3ba: {  	s0 =	rddreg [dreg:$0x0];
	s2 =	stileid.u32  }
0x3bb: {  	s1 =	rddreg [dreg:$0x1];
	p0 =	sne.s32 s2, $0x0  }
0x3bc: {  	s3 =	rddreg [dreg:$0x2];
	[bflag:$0x3] =	sbarrier.arrive $0xFFFF;
	s2 =	simm.s32 @!p0 $0x1C06  }
0x3bd: {  	[timem:s3], [sflag:s2] =	dma.local @!p0 [hbm:s0], s1  }
0x3be: {  	s0 =	simm.s32 @!p0 $0x6  }
0x3bf: {  	_ =	swait.ge @!p0 [sflag:s0], s1  }
0x3c0: {  	s1 =	ssub.s32 @!p0 $0x0, s1;
	[sflag:s0] =	ssyncset.done @!p0 $0x0  }
0x3c1: {  	[sflag:s0] =	ssyncadd.s32 @!p0 s1  }
0x3c2: {  	[bflag:$0x3] =	sbarrier.arrive $0xFFFF  }
0x3c3: {  	_ =	shalt  }

</sc_bundles>
